<compile_context>
chip_gen: v7x
topology: tpu7x:2x2x1
jax: 0.10.2.dev20260603
libtpu: 0.0.44.dev20260713+nightly
codegen_flags: <defaults>
</compile_context>

<pallas_src>
import functools

import jax
import jax.numpy as jnp
from jax import lax
from jax.experimental import pallas as pl
from jax.experimental.pallas import tpu as pltpu
from jax.experimental.pallas import tpu_sc as plsc

B_SZ = 1024
OUT = 256
T = 17
PADC = 24
CEN = 120
NC, NS = 2, 16
NW = NC * NS
EPW = B_SZ // NW


def _floor_i32(v):
    ti = v.astype(jnp.int32)
    tf = ti.astype(jnp.float32)
    return jnp.where(v < tf, ti - 1, ti)


def _weights(f):
    f2 = f * f
    f3 = f2 * f
    g = 1.0 - f
    w0 = f3 * (1.0 / 6.0)
    w1 = -f3 * 0.5 + f2 * 0.5 + f * 0.5 + (1.0 / 6.0)
    w2 = f3 * 0.5 - f2 + (2.0 / 3.0)
    w3 = (g * g * g) * (1.0 / 6.0)
    return w0, w1, w2, w3


def _body(x_hbm, y_hbm, coeffs_hbm, out_hbm, x_v, y_v, coeffs_v, tmp_v,
          canvas_v, dma_sem, sem2):
    wid = lax.axis_index("s") * NC + lax.axis_index("c")
    base = wid * EPW

    pltpu.sync_copy(x_hbm.at[pl.ds(base, EPW)], x_v)
    pltpu.sync_copy(y_hbm.at[pl.ds(base, EPW)], y_v)
    pltpu.sync_copy(coeffs_hbm, coeffs_v)

    zvec = jnp.zeros((16,), jnp.float32)
    lane = lax.iota(jnp.int32, 16)

    def zero_canvas_row(r, c):
        for i in range(OUT // 16):
            canvas_v[r, pl.ds(i * 16, 16)] = zvec
        return c

    lax.fori_loop(0, OUT, zero_canvas_row, 0)

    def offsets(e):
        idx = jnp.full((16,), e, jnp.int32)
        xv = plsc.load_gather(x_v, [idx])
        yv = plsc.load_gather(y_v, [idx])
        sx_i = _floor_i32(xv)
        sy_i = _floor_i32(yv)
        return xv, yv, sx_i, sy_i

    def rowblend(e):
        xv, yv, sx_i, sy_i = offsets(e)
        bx = _weights(xv - sx_i.astype(jnp.float32))
        by = _weights(yv - sy_i.astype(jnp.float32))
        for r in range(T):
            for off in (0, 8):
                acc = bx[0] * coeffs_v[r + 2, pl.ds(off, 16)]
                for a in (1, 2, 3):
                    acc = acc + bx[a] * coeffs_v[r + 2 + a, pl.ds(off, 16)]
                tmp_v[r, pl.ds(off, 16)] = acc
        return by, sx_i + CEN, sy_i + CEN

    def col_indices(c0):
        cidx = [None, None]
        cmask = [None, None]
        for off in (0, 1):
            cc = c0 + off + lane
            inb = (cc >= 0) & (cc < OUT)
            if off == 1:
                inb = inb & (lane < T - 1)
            cidx[off] = jnp.clip(cc, 0, OUT - 1)
            cmask[off] = inb
        return cidx, cmask

    def colblend_scatter(by, r0, c0):
        cidx, cmask = col_indices(c0)
        for r in range(T):
            rr = r0 + r
            rin = (rr >= 0) & (rr < OUT)
            ridx = jnp.clip(rr, 0, OUT - 1)
            for off in (0, 1):
                acc = by[0] * tmp_v[r, pl.ds(2 + off, 16)]
                for b in (1, 2, 3):
                    acc = acc + by[b] * tmp_v[r, pl.ds(2 + b + off, 16)]
                plsc.store_scatter(canvas_v, [ridx, cidx[off]], acc,
                                   mask=cmask[off] & rin)

    def rezero(e):
        _, _, sx_i, sy_i = offsets(e)
        r0 = sx_i + CEN
        cidx, _ = col_indices(sy_i + CEN)
        for r in range(T):
            ridx = jnp.clip(r0 + r, 0, OUT - 1)
            for off in (0, 1):
                plsc.store_scatter(canvas_v, [ridx, cidx[off]], zvec)

    H = OUT // 2

    def element(e, carry):
        by = carry[:4]
        r0, c0 = carry[4], carry[5]
        colblend_scatter(by, r0, c0)
        cp1 = pltpu.async_copy(canvas_v.at[pl.ds(0, H)],
                               out_hbm.at[base + e, 0, pl.ds(0, H)], dma_sem)
        cp2 = pltpu.async_copy(canvas_v.at[pl.ds(H, H)],
                               out_hbm.at[base + e, 0, pl.ds(H, H)], sem2)
        byn, r0n, c0n = rowblend(jnp.minimum(e + 1, EPW - 1))
        cp1.wait()
        cp2.wait()
        rezero(e)
        return (byn[0], byn[1], byn[2], byn[3], r0n, c0n)

    by0, r00, c00 = rowblend(0)
    lax.fori_loop(0, EPW, element,
                  (by0[0], by0[1], by0[2], by0[3], r00, c00))


@jax.jit
def _spline2d(x1, y1, coeffs):
    mesh = plsc.VectorSubcoreMesh(core_axis_name="c", subcore_axis_name="s")
    run = functools.partial(
        pl.kernel,
        out_type=jax.ShapeDtypeStruct((B_SZ, 1, OUT, OUT), jnp.float32),
        mesh=mesh,
        compiler_params=pltpu.CompilerParams(use_tc_tiling_on_sc=True,
                                             needs_layout_passes=False),
        scratch_types=[
            pltpu.VMEM((EPW,), jnp.float32),
            pltpu.VMEM((EPW,), jnp.float32),
            pltpu.VMEM((PADC, PADC), jnp.float32),
            pltpu.VMEM((T, PADC), jnp.float32),
            pltpu.VMEM((OUT, OUT), jnp.float32),
            pltpu.SemaphoreType.DMA,
            pltpu.SemaphoreType.DMA,
        ],
    )(_body)
    return run(x1, y1, coeffs)


def kernel(x, y, coeffs):
    return _spline2d(x.reshape(B_SZ), y.reshape(B_SZ), coeffs)

# --- scband reference (transcript-rebuilt; emitter-appended) ---
"""Pipeline reference for scband-spline2-d-80118319940078 (READ-ONLY COPY).

The authoritative reference and input builder live on the scoring server;
editing this copy changes nothing except your own understanding.
"""

import jax, jax.numpy as jnp
import numpy as np

B_SZ = 1024
T0, T1 = 16, 16
OUT0, OUT1 = 256, 256
K = 3
PAD = 4
OFFSET = PAD - (K + 1) // 2  # = 2
CENTER = ((OUT0 - T0) // 2, (OUT1 - T1) // 2)  # (120, 120)


def bspline_basis_k3(p):
    # fast path from calculate_bspline_basis for k == 3
    return [p ** 3 / 6,
            -p ** 3 / 2 + p ** 2 / 2 + p / 2 + 1 / 6,
            p ** 3 / 2 - p ** 2 + 2 / 3,
            (1 - p) ** 3 / 6]


def setup_inputs(seed: int = 0) -> dict:
    key = jax.random.key(seed)
    k1, k2, k3 = jax.random.split(key, 3)
    x = (jax.random.normal(k1, (B_SZ, 1, 1, 1), dtype=jnp.float32) - 0.5) * 10.0
    y = (jax.random.normal(k2, (B_SZ, 1, 1, 1), dtype=jnp.float32) - 0.5) * 10.0
    # learned parameter: padded spline coefficients (image padded by 4 on each side)
    image = jax.random.normal(k3, (T0, T1), dtype=jnp.float32) * 0.1
    coeffs = jnp.pad(image, ((PAD, PAD), (PAD, PAD)))
    return {"x": x, "y": y, "coeffs": coeffs}


def reference(x, y, coeffs):
    bsz = x.shape[0]
    shift_px_x = jnp.floor(x).astype(jnp.int32)
    shift_px_y = jnp.floor(y).astype(jnp.int32)
    sub_x = jnp.mod(x, 1.0)
    sub_y = jnp.mod(y, 1.0)
    bx = bspline_basis_k3(sub_x)
    by = bspline_basis_k3(sub_y)
    # _render_template
    template = jnp.zeros((bsz, 1, T0 + 1, T1 + 1), dtype=jnp.float32)
    for i in range(K + 1):
        for j in range(K + 1):
            c = coeffs[i + OFFSET:i + OFFSET + T0 + 1, j + OFFSET:j + OFFSET + T1 + 1]
            template = template + bx[i] * by[j] * c
    # scatter along width (dim 3) into x_a
    x_a = jnp.zeros((bsz, 1, OUT0 + 2, OUT1 + 2), dtype=jnp.float32)
    index_a = jnp.tile(jnp.arange(T1 + 1)[None, :], (T0 + 1, 1))  # [T0+1, T1+1]
    idx_a = index_a[None, None, :, :] + shift_px_y + CENTER[1] + 1
    idx_a = jnp.clip(idx_a, 0, OUT1 + 1)
    bi = jnp.arange(bsz).reshape(bsz, 1, 1, 1)
    ri = jnp.arange(T0 + 1).reshape(1, 1, T0 + 1, 1)
    x_a = x_a.at[bi, 0, ri, idx_a].set(template)
    # scatter along height (dim 2) into x_b
    index_b = jnp.tile(jnp.arange(OUT0 + 2)[:, None], (1, OUT1 + 2))  # [OUT0+2, OUT1+2]
    idx_b = index_b[None, None, :, :] + shift_px_x + CENTER[0] + 1
    idx_b = jnp.clip(idx_b, 0, OUT0 + 1)
    ci = jnp.arange(OUT1 + 2).reshape(1, 1, 1, OUT1 + 2)
    x_b = jnp.zeros_like(x_a).at[bi, 0, idx_b, ci].set(x_a)
    return x_b[:, :, 1:-1, 1:-1]

if __name__ == "__main__":
    import jax
    _d = setup_inputs()
    print(jax.jit(kernel)(*tuple(_d.values())))

</pallas_src>

<mosaic_0001>
#map = affine_map<(d0, d1) -> (0)>
#map1 = affine_map<(d0, d1) -> (0, 0)>
#map2 = affine_map<(d0, d1) -> (0, 0, 0, 0)>
module attributes {stable_mosaic.version = 14 : i64} {
  func.func @_body(%arg0: i32, %arg1: i32, %arg2: memref<1024xf32, #tpu.memory_space<hbm>>, %arg3: memref<1024xf32, #tpu.memory_space<hbm>>, %arg4: memref<24x24xf32, #tpu.memory_space<hbm>>, %arg5: memref<1024x1x256x256xf32, #tpu.memory_space<hbm>>, %arg6: memref<32xf32, #tpu.memory_space<vmem>>, %arg7: memref<32xf32, #tpu.memory_space<vmem>>, %arg8: memref<24x24xf32, #tpu.memory_space<vmem>>, %arg9: memref<17x24xf32, #tpu.memory_space<vmem>>, %arg10: memref<256x256xf32, #tpu.memory_space<vmem>>, %arg11: memref<!tpu.dma_semaphore, #tpu.memory_space<semaphore_mem>>, %arg12: memref<!tpu.dma_semaphore, #tpu.memory_space<semaphore_mem>>) attributes {dimension_semantics = [#tpu.dimension_semantics<core_parallel>, #tpu.dimension_semantics<subcore_parallel>], iteration_bounds = array<i64: 2, 16>, scalar_prefetch = 0 : i64, scratch_operands = 7 : i64, tpu.core_type = #tpu.core_type<sc_vector_subcore>, window_params = [{transform_indices = #map}, {transform_indices = #map}, {transform_indices = #map1}, {transform_indices = #map2}]} {
    %mul3A = arith.constant 2 : i32
    %mul3A_0 = arith.muli %arg1, %mul3A : i32
    %add3A = arith.addi %mul3A_0, %arg0 : i32
    %mul3A_1 = arith.constant 32 : i32
    %mul3A_2 = arith.muli %add3A, %mul3A_1 : i32
    "tpu.region"() ({
      %run_scoped3A = tpu.sem_alloc : memref<!tpu.dma_semaphore, #tpu.memory_space<semaphore_mem>>
      %dma_start3A = tpu.memref_slice %arg2[%mul3A_2] : memref<1024xf32, #tpu.memory_space<hbm>> -> memref<32xf32, #tpu.memory_space<hbm>>
      %dma_start3A_1027 = tpu.memref_slice %arg2[%mul3A_2] : memref<1024xf32, #tpu.memory_space<hbm>> -> memref<32xf32, #tpu.memory_space<hbm>>
      tpu.enqueue_dma source(%dma_start3A_1027 : memref<32xf32, #tpu.memory_space<hbm>>) target(%arg6 : memref<32xf32, #tpu.memory_space<vmem>>) target_semaphore(%run_scoped3A : memref<!tpu.dma_semaphore, #tpu.memory_space<semaphore_mem>>)
      %dma_wait3A = tpu.memref_slice %arg2[%mul3A_2] : memref<1024xf32, #tpu.memory_space<hbm>> -> memref<32xf32, #tpu.memory_space<hbm>>
      %dma_wait3A_1028 = tpu.memref_slice %arg2[%mul3A_2] : memref<1024xf32, #tpu.memory_space<hbm>> -> memref<32xf32, #tpu.memory_space<hbm>>
      tpu.wait_dma2 semaphore(%run_scoped3A : memref<!tpu.dma_semaphore, #tpu.memory_space<semaphore_mem>>) src(%dma_wait3A_1028 : memref<32xf32, #tpu.memory_space<hbm>>) dst(%arg6 : memref<32xf32, #tpu.memory_space<vmem>>)
      tpu.yield
    }) : () -> ()
    "tpu.region"() ({
      %run_scoped3A = tpu.sem_alloc : memref<!tpu.dma_semaphore, #tpu.memory_space<semaphore_mem>>
      %dma_start3A = tpu.memref_slice %arg3[%mul3A_2] : memref<1024xf32, #tpu.memory_space<hbm>> -> memref<32xf32, #tpu.memory_space<hbm>>
      %dma_start3A_1027 = tpu.memref_slice %arg3[%mul3A_2] : memref<1024xf32, #tpu.memory_space<hbm>> -> memref<32xf32, #tpu.memory_space<hbm>>
      tpu.enqueue_dma source(%dma_start3A_1027 : memref<32xf32, #tpu.memory_space<hbm>>) target(%arg7 : memref<32xf32, #tpu.memory_space<vmem>>) target_semaphore(%run_scoped3A : memref<!tpu.dma_semaphore, #tpu.memory_space<semaphore_mem>>)
      %dma_wait3A = tpu.memref_slice %arg3[%mul3A_2] : memref<1024xf32, #tpu.memory_space<hbm>> -> memref<32xf32, #tpu.memory_space<hbm>>
      %dma_wait3A_1028 = tpu.memref_slice %arg3[%mul3A_2] : memref<1024xf32, #tpu.memory_space<hbm>> -> memref<32xf32, #tpu.memory_space<hbm>>
      tpu.wait_dma2 semaphore(%run_scoped3A : memref<!tpu.dma_semaphore, #tpu.memory_space<semaphore_mem>>) src(%dma_wait3A_1028 : memref<32xf32, #tpu.memory_space<hbm>>) dst(%arg7 : memref<32xf32, #tpu.memory_space<vmem>>)
      tpu.yield
    }) : () -> ()
    "tpu.region"() ({
      %run_scoped3A = tpu.sem_alloc : memref<!tpu.dma_semaphore, #tpu.memory_space<semaphore_mem>>
      tpu.enqueue_dma source(%arg4 : memref<24x24xf32, #tpu.memory_space<hbm>>) target(%arg8 : memref<24x24xf32, #tpu.memory_space<vmem>>) target_semaphore(%run_scoped3A : memref<!tpu.dma_semaphore, #tpu.memory_space<semaphore_mem>>)
      tpu.wait_dma2 semaphore(%run_scoped3A : memref<!tpu.dma_semaphore, #tpu.memory_space<semaphore_mem>>) src(%arg4 : memref<24x24xf32, #tpu.memory_space<hbm>>) dst(%arg8 : memref<24x24xf32, #tpu.memory_space<vmem>>)
      tpu.yield
    }) : () -> ()
    %broadcast_in_dim3A = arith.constant 0.000000e+00 : f32
    %broadcast_in_dim3A_3 = vector.broadcast %broadcast_in_dim3A : f32 to vector<16xf32>
    %iota3A = tpu.iota {dimensions = array<i32: 0>} : vector<16xi32>
    %scan3A = arith.constant 0 : i32
    %scan3A_4 = arith.constant 0 : i32
    %scan3A_5 = arith.constant 256 : i32
    %scan3A_6 = arith.addi %scan3A_4, %scan3A_5 : i32
    %scan3A_7 = arith.constant 1 : i32
    scf.for %scan3A_1027 = %scan3A_4 to %scan3A_6 step %scan3A_7  : i32 {
      %swap3A_1028 = arith.index_cast %scan3A_1027 : i32 to index
      %swap3A_1029 = arith.constant 0 : index
      %swap3A_1030 = tpu.vector_load %arg10[%swap3A_1028, %swap3A_1029] {strides = array<i32>} : memref<256x256xf32, #tpu.memory_space<vmem>>, vector<16xf32>,
      tpu.vector_store %arg10[%swap3A_1028, %swap3A_1029], %broadcast_in_dim3A_3 {strides = array<i32>} : memref<256x256xf32, #tpu.memory_space<vmem>>, vector<16xf32>,
      %swap3A_1031 = arith.index_cast %scan3A_1027 : i32 to index
      %swap3A_1032 = arith.constant 16 : index
      %swap3A_1033 = tpu.vector_load %arg10[%swap3A_1031, %swap3A_1032] {strides = array<i32>} : memref<256x256xf32, #tpu.memory_space<vmem>>, vector<16xf32>,
      tpu.vector_store %arg10[%swap3A_1031, %swap3A_1032], %broadcast_in_dim3A_3 {strides = array<i32>} : memref<256x256xf32, #tpu.memory_space<vmem>>, vector<16xf32>,
      %swap3A_1034 = arith.index_cast %scan3A_1027 : i32 to index
      %swap3A_1035 = arith.constant 32 : index
      %swap3A_1036 = tpu.vector_load %arg10[%swap3A_1034, %swap3A_1035] {strides = array<i32>} : memref<256x256xf32, #tpu.memory_space<vmem>>, vector<16xf32>,
      tpu.vector_store %arg10[%swap3A_1034, %swap3A_1035], %broadcast_in_dim3A_3 {strides = array<i32>} : memref<256x256xf32, #tpu.memory_space<vmem>>, vector<16xf32>,
      %swap3A_1037 = arith.index_cast %scan3A_1027 : i32 to index
      %swap3A_1038 = arith.constant 48 : index
      %swap3A_1039 = tpu.vector_load %arg10[%swap3A_1037, %swap3A_1038] {strides = array<i32>} : memref<256x256xf32, #tpu.memory_space<vmem>>, vector<16xf32>,
      tpu.vector_store %arg10[%swap3A_1037, %swap3A_1038], %broadcast_in_dim3A_3 {strides = array<i32>} : memref<256x256xf32, #tpu.memory_space<vmem>>, vector<16xf32>,
      %swap3A_1040 = arith.index_cast %scan3A_1027 : i32 to index
      %swap3A_1041 = arith.constant 64 : index
      %swap3A_1042 = tpu.vector_load %arg10[%swap3A_1040, %swap3A_1041] {strides = array<i32>} : memref<256x256xf32, #tpu.memory_space<vmem>>, vector<16xf32>,
      tpu.vector_store %arg10[%swap3A_1040, %swap3A_1041], %broadcast_in_dim3A_3 {strides = array<i32>} : memref<256x256xf32, #tpu.memory_space<vmem>>, vector<16xf32>,
      %swap3A_1043 = arith.index_cast %scan3A_1027 : i32 to index
      %swap3A_1044 = arith.constant 80 : index
      %swap3A_1045 = tpu.vector_load %arg10[%swap3A_1043, %swap3A_1044] {strides = array<i32>} : memref<256x256xf32, #tpu.memory_space<vmem>>, vector<16xf32>,
      tpu.vector_store %arg10[%swap3A_1043, %swap3A_1044], %broadcast_in_dim3A_3 {strides = array<i32>} : memref<256x256xf32, #tpu.memory_space<vmem>>, vector<16xf32>,
      %swap3A_1046 = arith.index_cast %scan3A_1027 : i32 to index
      %swap3A_1047 = arith.constant 96 : index
      %swap3A_1048 = tpu.vector_load %arg10[%swap3A_1046, %swap3A_1047] {strides = array<i32>} : memref<256x256xf32, #tpu.memory_space<vmem>>, vector<16xf32>,
      tpu.vector_store %arg10[%swap3A_1046, %swap3A_1047], %broadcast_in_dim3A_3 {strides = array<i32>} : memref<256x256xf32, #tpu.memory_space<vmem>>, vector<16xf32>,
      %swap3A_1049 = arith.index_cast %scan3A_1027 : i32 to index
      %swap3A_1050 = arith.constant 112 : index
      %swap3A_1051 = tpu.vector_load %arg10[%swap3A_1049, %swap3A_1050] {strides = array<i32>} : memref<256x256xf32, #tpu.memory_space<vmem>>, vector<16xf32>,
      tpu.vector_store %arg10[%swap3A_1049, %swap3A_1050], %broadcast_in_dim3A_3 {strides = array<i32>} : memref<256x256xf32, #tpu.memory_space<vmem>>, vector<16xf32>,
      %swap3A_1052 = arith.index_cast %scan3A_1027 : i32 to index
      %swap3A_1053 = arith.constant 128 : index
      %swap3A_1054 = tpu.vector_load %arg10[%swap3A_1052, %swap3A_1053] {strides = array<i32>} : memref<256x256xf32, #tpu.memory_space<vmem>>, vector<16xf32>,
      tpu.vector_store %arg10[%swap3A_1052, %swap3A_1053], %broadcast_in_dim3A_3 {strides = array<i32>} : memref<256x256xf32, #tpu.memory_space<vmem>>, vector<16xf32>,
      %swap3A_1055 = arith.index_cast %scan3A_1027 : i32 to index
      %swap3A_1056 = arith.constant 144 : index
      %swap3A_1057 = tpu.vector_load %arg10[%swap3A_1055, %swap3A_1056] {strides = array<i32>} : memref<256x256xf32, #tpu.memory_space<vmem>>, vector<16xf32>,
      tpu.vector_store %arg10[%swap3A_1055, %swap3A_1056], %broadcast_in_dim3A_3 {strides = array<i32>} : memref<256x256xf32, #tpu.memory_space<vmem>>, vector<16xf32>,
      %swap3A_1058 = arith.index_cast %scan3A_1027 : i32 to index
      %swap3A_1059 = arith.constant 160 : index
      %swap3A_1060 = tpu.vector_load %arg10[%swap3A_1058, %swap3A_1059] {strides = array<i32>} : memref<256x256xf32, #tpu.memory_space<vmem>>, vector<16xf32>,
      tpu.vector_store %arg10[%swap3A_1058, %swap3A_1059], %broadcast_in_dim3A_3 {strides = array<i32>} : memref<256x256xf32, #tpu.memory_space<vmem>>, vector<16xf32>,
      %swap3A_1061 = arith.index_cast %scan3A_1027 : i32 to index
      %swap3A_1062 = arith.constant 176 : index
      %swap3A_1063 = tpu.vector_load %arg10[%swap3A_1061, %swap3A_1062] {strides = array<i32>} : memref<256x256xf32, #tpu.memory_space<vmem>>, vector<16xf32>,
      tpu.vector_store %arg10[%swap3A_1061, %swap3A_1062], %broadcast_in_dim3A_3 {strides = array<i32>} : memref<256x256xf32, #tpu.memory_space<vmem>>, vector<16xf32>,
      %swap3A_1064 = arith.index_cast %scan3A_1027 : i32 to index
      %swap3A_1065 = arith.constant 192 : index
      %swap3A_1066 = tpu.vector_load %arg10[%swap3A_1064, %swap3A_1065] {strides = array<i32>} : memref<256x256xf32, #tpu.memory_space<vmem>>, vector<16xf32>,
      tpu.vector_store %arg10[%swap3A_1064, %swap3A_1065], %broadcast_in_dim3A_3 {strides = array<i32>} : memref<256x256xf32, #tpu.memory_space<vmem>>, vector<16xf32>,
      %swap3A_1067 = arith.index_cast %scan3A_1027 : i32 to index
      %swap3A_1068 = arith.constant 208 : index
      %swap3A_1069 = tpu.vector_load %arg10[%swap3A_1067, %swap3A_1068] {strides = array<i32>} : memref<256x256xf32, #tpu.memory_space<vmem>>, vector<16xf32>,
      tpu.vector_store %arg10[%swap3A_1067, %swap3A_1068], %broadcast_in_dim3A_3 {strides = array<i32>} : memref<256x256xf32, #tpu.memory_space<vmem>>, vector<16xf32>,
      %swap3A_1070 = arith.index_cast %scan3A_1027 : i32 to index
      %swap3A_1071 = arith.constant 224 : index
      %swap3A_1072 = tpu.vector_load %arg10[%swap3A_1070, %swap3A_1071] {strides = array<i32>} : memref<256x256xf32, #tpu.memory_space<vmem>>, vector<16xf32>,
      tpu.vector_store %arg10[%swap3A_1070, %swap3A_1071], %broadcast_in_dim3A_3 {strides = array<i32>} : memref<256x256xf32, #tpu.memory_space<vmem>>, vector<16xf32>,
      %swap3A_1073 = arith.index_cast %scan3A_1027 : i32 to index
      %swap3A_1074 = arith.constant 240 : index
      %swap3A_1075 = tpu.vector_load %arg10[%swap3A_1073, %swap3A_1074] {strides = array<i32>} : memref<256x256xf32, #tpu.memory_space<vmem>>, vector<16xf32>,
      tpu.vector_store %arg10[%swap3A_1073, %swap3A_1074], %broadcast_in_dim3A_3 {strides = array<i32>} : memref<256x256xf32, #tpu.memory_space<vmem>>, vector<16xf32>,
    }
    %scan3A_8 = arith.constant 256 : i32
    %broadcast_in_dim3A_9 = arith.constant 0 : i32
    %broadcast_in_dim3A_10 = vector.broadcast %broadcast_in_dim3A_9 : i32 to vector<16xi32>
    %gather3A = tpu.vector_load_idx %arg6[%broadcast_in_dim3A_10] : memref<32xf32, #tpu.memory_space<vmem>>[vector<16xi32>], vector<16xf32>,
    %gather3A_11 = tpu.vector_load_idx %arg7[%broadcast_in_dim3A_10] : memref<32xf32, #tpu.memory_space<vmem>>[vector<16xi32>], vector<16xf32>,
    %convert_element_type3A = arith.fptosi %gather3A : vector<16xf32> to vector<16xi32>
    %convert_element_type3A_12 = arith.sitofp %convert_element_type3A : vector<16xi32> to vector<16xf32>
    %lt3A = arith.cmpf olt, %gather3A, %convert_element_type3A_12 : vector<16xf32>
    %sub3A = arith.constant 1 : i32
    %sub3A_13 = vector.broadcast %sub3A : i32 to vector<16xi32>
    %sub3A_14 = arith.subi %convert_element_type3A, %sub3A_13 : vector<16xi32>
    %select_n3A = arith.select %lt3A, %sub3A_14, %convert_element_type3A : vector<16xi1>, vector<16xi32>
    %convert_element_type3A_15 = arith.fptosi %gather3A_11 : vector<16xf32> to vector<16xi32>
    %convert_element_type3A_16 = arith.sitofp %convert_element_type3A_15 : vector<16xi32> to vector<16xf32>
    %lt3A_17 = arith.cmpf olt, %gather3A_11, %convert_element_type3A_16 : vector<16xf32>
    %sub3A_18 = arith.constant 1 : i32
    %sub3A_19 = vector.broadcast %sub3A_18 : i32 to vector<16xi32>
    %sub3A_20 = arith.subi %convert_element_type3A_15, %sub3A_19 : vector<16xi32>
    %select_n3A_21 = arith.select %lt3A_17, %sub3A_20, %convert_element_type3A_15 : vector<16xi1>, vector<16xi32>
    %convert_element_type3A_22 = arith.sitofp %select_n3A : vector<16xi32> to vector<16xf32>
    %sub3A_23 = arith.subf %gather3A, %convert_element_type3A_22 : vector<16xf32>
    %mul3A_24 = arith.mulf %sub3A_23, %sub3A_23 : vector<16xf32>
    %mul3A_25 = arith.mulf %mul3A_24, %sub3A_23 : vector<16xf32>
    %sub3A_26 = arith.constant 1.000000e+00 : f32
    %sub3A_27 = vector.broadcast %sub3A_26 : f32 to vector<16xf32>
    %sub3A_28 = arith.subf %sub3A_27, %sub3A_23 : vector<16xf32>
    %mul3A_29 = arith.constant 0.166666672 : f32
    %mul3A_30 = vector.broadcast %mul3A_29 : f32 to vector<16xf32>
    %mul3A_31 = arith.mulf %mul3A_25, %mul3A_30 : vector<16xf32>
    %neg3A = arith.constant 0.000000e+00 : f32
    %neg3A_32 = vector.broadcast %neg3A : f32 to vector<16xf32>
    %neg3A_33 = arith.subf %neg3A_32, %mul3A_25 : vector<16xf32>
    %mul3A_34 = arith.constant 5.000000e-01 : f32
    %mul3A_35 = vector.broadcast %mul3A_34 : f32 to vector<16xf32>
    %mul3A_36 = arith.mulf %neg3A_33, %mul3A_35 : vector<16xf32>
    %mul3A_37 = arith.constant 5.000000e-01 : f32
    %mul3A_38 = vector.broadcast %mul3A_37 : f32 to vector<16xf32>
    %mul3A_39 = arith.mulf %mul3A_24, %mul3A_38 : vector<16xf32>
    %add3A_40 = arith.addf %mul3A_36, %mul3A_39 : vector<16xf32>
    %mul3A_41 = arith.constant 5.000000e-01 : f32
    %mul3A_42 = vector.broadcast %mul3A_41 : f32 to vector<16xf32>
    %mul3A_43 = arith.mulf %sub3A_23, %mul3A_42 : vector<16xf32>
    %add3A_44 = arith.addf %add3A_40, %mul3A_43 : vector<16xf32>
    %add3A_45 = arith.constant 0.166666672 : f32
    %add3A_46 = vector.broadcast %add3A_45 : f32 to vector<16xf32>
    %add3A_47 = arith.addf %add3A_44, %add3A_46 : vector<16xf32>
    %mul3A_48 = arith.constant 5.000000e-01 : f32
    %mul3A_49 = vector.broadcast %mul3A_48 : f32 to vector<16xf32>
    %mul3A_50 = arith.mulf %mul3A_25, %mul3A_49 : vector<16xf32>
    %sub3A_51 = arith.subf %mul3A_50, %mul3A_24 : vector<16xf32>
    %add3A_52 = arith.constant 0.666666686 : f32
    %add3A_53 = vector.broadcast %add3A_52 : f32 to vector<16xf32>
    %add3A_54 = arith.addf %sub3A_51, %add3A_53 : vector<16xf32>
    %mul3A_55 = arith.mulf %sub3A_28, %sub3A_28 : vector<16xf32>
    %mul3A_56 = arith.mulf %mul3A_55, %sub3A_28 : vector<16xf32>
    %mul3A_57 = arith.constant 0.166666672 : f32
    %mul3A_58 = vector.broadcast %mul3A_57 : f32 to vector<16xf32>
    %mul3A_59 = arith.mulf %mul3A_56, %mul3A_58 : vector<16xf32>
    %convert_element_type3A_60 = arith.sitofp %select_n3A_21 : vector<16xi32> to vector<16xf32>
    %sub3A_61 = arith.subf %gather3A_11, %convert_element_type3A_60 : vector<16xf32>
    %mul3A_62 = arith.mulf %sub3A_61, %sub3A_61 : vector<16xf32>
    %mul3A_63 = arith.mulf %mul3A_62, %sub3A_61 : vector<16xf32>
    %sub3A_64 = arith.constant 1.000000e+00 : f32
    %sub3A_65 = vector.broadcast %sub3A_64 : f32 to vector<16xf32>
    %sub3A_66 = arith.subf %sub3A_65, %sub3A_61 : vector<16xf32>
    %mul3A_67 = arith.constant 0.166666672 : f32
    %mul3A_68 = vector.broadcast %mul3A_67 : f32 to vector<16xf32>
    %mul3A_69 = arith.mulf %mul3A_63, %mul3A_68 : vector<16xf32>
    %neg3A_70 = arith.constant 0.000000e+00 : f32
    %neg3A_71 = vector.broadcast %neg3A_70 : f32 to vector<16xf32>
    %neg3A_72 = arith.subf %neg3A_71, %mul3A_63 : vector<16xf32>
    %mul3A_73 = arith.constant 5.000000e-01 : f32
    %mul3A_74 = vector.broadcast %mul3A_73 : f32 to vector<16xf32>
    %mul3A_75 = arith.mulf %neg3A_72, %mul3A_74 : vector<16xf32>
    %mul3A_76 = arith.constant 5.000000e-01 : f32
    %mul3A_77 = vector.broadcast %mul3A_76 : f32 to vector<16xf32>
    %mul3A_78 = arith.mulf %mul3A_62, %mul3A_77 : vector<16xf32>
    %add3A_79 = arith.addf %mul3A_75, %mul3A_78 : vector<16xf32>
    %mul3A_80 = arith.constant 5.000000e-01 : f32
    %mul3A_81 = vector.broadcast %mul3A_80 : f32 to vector<16xf32>
    %mul3A_82 = arith.mulf %sub3A_61, %mul3A_81 : vector<16xf32>
    %add3A_83 = arith.addf %add3A_79, %mul3A_82 : vector<16xf32>
    %add3A_84 = arith.constant 0.166666672 : f32
    %add3A_85 = vector.broadcast %add3A_84 : f32 to vector<16xf32>
    %add3A_86 = arith.addf %add3A_83, %add3A_85 : vector<16xf32>
    %mul3A_87 = arith.constant 5.000000e-01 : f32
    %mul3A_88 = vector.broadcast %mul3A_87 : f32 to vector<16xf32>
    %mul3A_89 = arith.mulf %mul3A_63, %mul3A_88 : vector<16xf32>
    %sub3A_90 = arith.subf %mul3A_89, %mul3A_62 : vector<16xf32>
    %add3A_91 = arith.constant 0.666666686 : f32
    %add3A_92 = vector.broadcast %add3A_91 : f32 to vector<16xf32>
    %add3A_93 = arith.addf %sub3A_90, %add3A_92 : vector<16xf32>
    %mul3A_94 = arith.mulf %sub3A_66, %sub3A_66 : vector<16xf32>
    %mul3A_95 = arith.mulf %mul3A_94, %sub3A_66 : vector<16xf32>
    %mul3A_96 = arith.constant 0.166666672 : f32
    %mul3A_97 = vector.broadcast %mul3A_96 : f32 to vector<16xf32>
    %mul3A_98 = arith.mulf %mul3A_95, %mul3A_97 : vector<16xf32>
    %get3A = arith.constant 2 : i32
    %get3A_99 = arith.index_cast %get3A : i32 to index
    %get3A_100 = arith.constant 0 : index
    %get3A_101 = tpu.vector_load %arg8[%get3A_99, %get3A_100] {strides = array<i32>} : memref<24x24xf32, #tpu.memory_space<vmem>>, vector<16xf32>,
    %mul3A_102 = arith.mulf %mul3A_31, %get3A_101 : vector<16xf32>
    %get3A_103 = arith.constant 3 : i32
    %get3A_104 = arith.index_cast %get3A_103 : i32 to index
    %get3A_105 = arith.constant 0 : index
    %get3A_106 = tpu.vector_load %arg8[%get3A_104, %get3A_105] {strides = array<i32>} : memref<24x24xf32, #tpu.memory_space<vmem>>, vector<16xf32>,
    %mul3A_107 = arith.mulf %add3A_47, %get3A_106 : vector<16xf32>
    %add3A_108 = arith.addf %mul3A_102, %mul3A_107 : vector<16xf32>
    %get3A_109 = arith.constant 4 : i32
    %get3A_110 = arith.index_cast %get3A_109 : i32 to index
    %get3A_111 = arith.constant 0 : index
    %get3A_112 = tpu.vector_load %arg8[%get3A_110, %get3A_111] {strides = array<i32>} : memref<24x24xf32, #tpu.memory_space<vmem>>, vector<16xf32>,
    %mul3A_113 = arith.mulf %add3A_54, %get3A_112 : vector<16xf32>
    %add3A_114 = arith.addf %add3A_108, %mul3A_113 : vector<16xf32>
    %get3A_115 = arith.constant 5 : i32
    %get3A_116 = arith.index_cast %get3A_115 : i32 to index
    %get3A_117 = arith.constant 0 : index
    %get3A_118 = tpu.vector_load %arg8[%get3A_116, %get3A_117] {strides = array<i32>} : memref<24x24xf32, #tpu.memory_space<vmem>>, vector<16xf32>,
    %mul3A_119 = arith.mulf %mul3A_59, %get3A_118 : vector<16xf32>
    %add3A_120 = arith.addf %add3A_114, %mul3A_119 : vector<16xf32>
    %swap3A = arith.constant 0 : i32
    %swap3A_121 = arith.index_cast %swap3A : i32 to index
    %swap3A_122 = arith.constant 0 : index
    %swap3A_123 = tpu.vector_load %arg9[%swap3A_121, %swap3A_122] {strides = array<i32>} : memref<17x24xf32, #tpu.memory_space<vmem>>, vector<16xf32>,
    tpu.vector_store %arg9[%swap3A_121, %swap3A_122], %add3A_120 {strides = array<i32>} : memref<17x24xf32, #tpu.memory_space<vmem>>, vector<16xf32>,
    %get3A_124 = arith.constant 2 : i32
    %get3A_125 = arith.index_cast %get3A_124 : i32 to index
    %get3A_126 = arith.constant 8 : index
    %get3A_127 = tpu.vector_load %arg8[%get3A_125, %get3A_126] {strides = array<i32>} : memref<24x24xf32, #tpu.memory_space<vmem>>, vector<16xf32>,
    %mul3A_128 = arith.mulf %mul3A_31, %get3A_127 : vector<16xf32>
    %get3A_129 = arith.constant 3 : i32
    %get3A_130 = arith.index_cast %get3A_129 : i32 to index
    %get3A_131 = arith.constant 8 : index
    %get3A_132 = tpu.vector_load %arg8[%get3A_130, %get3A_131] {strides = array<i32>} : memref<24x24xf32, #tpu.memory_space<vmem>>, vector<16xf32>,
    %mul3A_133 = arith.mulf %add3A_47, %get3A_132 : vector<16xf32>
    %add3A_134 = arith.addf %mul3A_128, %mul3A_133 : vector<16xf32>
    %get3A_135 = arith.constant 4 : i32
    %get3A_136 = arith.index_cast %get3A_135 : i32 to index
    %get3A_137 = arith.constant 8 : index
    %get3A_138 = tpu.vector_load %arg8[%get3A_136, %get3A_137] {strides = array<i32>} : memref<24x24xf32, #tpu.memory_space<vmem>>, vector<16xf32>,
    %mul3A_139 = arith.mulf %add3A_54, %get3A_138 : vector<16xf32>
    %add3A_140 = arith.addf %add3A_134, %mul3A_139 : vector<16xf32>
    %get3A_141 = arith.constant 5 : i32
    %get3A_142 = arith.index_cast %get3A_141 : i32 to index
    %get3A_143 = arith.constant 8 : index
    %get3A_144 = tpu.vector_load %arg8[%get3A_142, %get3A_143] {strides = array<i32>} : memref<24x24xf32, #tpu.memory_space<vmem>>, vector<16xf32>,
    %mul3A_145 = arith.mulf %mul3A_59, %get3A_144 : vector<16xf32>
    %add3A_146 = arith.addf %add3A_140, %mul3A_145 : vector<16xf32>
    %swap3A_147 = arith.constant 0 : i32
    %swap3A_148 = arith.index_cast %swap3A_147 : i32 to index
    %swap3A_149 = arith.constant 8 : index
    %swap3A_150 = tpu.vector_load %arg9[%swap3A_148, %swap3A_149] {strides = array<i32>} : memref<17x24xf32, #tpu.memory_space<vmem>>, vector<16xf32>,
    tpu.vector_store %arg9[%swap3A_148, %swap3A_149], %add3A_146 {strides = array<i32>} : memref<17x24xf32, #tpu.memory_space<vmem>>, vector<16xf32>,
    %get3A_151 = arith.constant 3 : i32
    %get3A_152 = arith.index_cast %get3A_151 : i32 to index
    %get3A_153 = arith.constant 0 : index
    %get3A_154 = tpu.vector_load %arg8[%get3A_152, %get3A_153] {strides = array<i32>} : memref<24x24xf32, #tpu.memory_space<vmem>>, vector<16xf32>,
    %mul3A_155 = arith.mulf %mul3A_31, %get3A_154 : vector<16xf32>
    %get3A_156 = arith.constant 4 : i32
    %get3A_157 = arith.index_cast %get3A_156 : i32 to index
    %get3A_158 = arith.constant 0 : index
    %get3A_159 = tpu.vector_load %arg8[%get3A_157, %get3A_158] {strides = array<i32>} : memref<24x24xf32, #tpu.memory_space<vmem>>, vector<16xf32>,
    %mul3A_160 = arith.mulf %add3A_47, %get3A_159 : vector<16xf32>
    %add3A_161 = arith.addf %mul3A_155, %mul3A_160 : vector<16xf32>
    %get3A_162 = arith.constant 5 : i32
    %get3A_163 = arith.index_cast %get3A_162 : i32 to index
    %get3A_164 = arith.constant 0 : index
    %get3A_165 = tpu.vector_load %arg8[%get3A_163, %get3A_164] {strides = array<i32>} : memref<24x24xf32, #tpu.memory_space<vmem>>, vector<16xf32>,
    %mul3A_166 = arith.mulf %add3A_54, %get3A_165 : vector<16xf32>
    %add3A_167 = arith.addf %add3A_161, %mul3A_166 : vector<16xf32>
    %get3A_168 = arith.constant 6 : i32
    %get3A_169 = arith.index_cast %get3A_168 : i32 to index
    %get3A_170 = arith.constant 0 : index
    %get3A_171 = tpu.vector_load %arg8[%get3A_169, %get3A_170] {strides = array<i32>} : memref<24x24xf32, #tpu.memory_space<vmem>>, vector<16xf32>,
    %mul3A_172 = arith.mulf %mul3A_59, %get3A_171 : vector<16xf32>
    %add3A_173 = arith.addf %add3A_167, %mul3A_172 : vector<16xf32>
    %swap3A_174 = arith.constant 1 : i32
    %swap3A_175 = arith.index_cast %swap3A_174 : i32 to index
    %swap3A_176 = arith.constant 0 : index
    %swap3A_177 = tpu.vector_load %arg9[%swap3A_175, %swap3A_176] {strides = array<i32>} : memref<17x24xf32, #tpu.memory_space<vmem>>, vector<16xf32>,
    tpu.vector_store %arg9[%swap3A_175, %swap3A_176], %add3A_173 {strides = array<i32>} : memref<17x24xf32, #tpu.memory_space<vmem>>, vector<16xf32>,
    %get3A_178 = arith.constant 3 : i32
    %get3A_179 = arith.index_cast %get3A_178 : i32 to index
    %get3A_180 = arith.constant 8 : index
    %get3A_181 = tpu.vector_load %arg8[%get3A_179, %get3A_180] {strides = array<i32>} : memref<24x24xf32, #tpu.memory_space<vmem>>, vector<16xf32>,
    %mul3A_182 = arith.mulf %mul3A_31, %get3A_181 : vector<16xf32>
    %get3A_183 = arith.constant 4 : i32
    %get3A_184 = arith.index_cast %get3A_183 : i32 to index
    %get3A_185 = arith.constant 8 : index
    %get3A_186 = tpu.vector_load %arg8[%get3A_184, %get3A_185] {strides = array<i32>} : memref<24x24xf32, #tpu.memory_space<vmem>>, vector<16xf32>,
    %mul3A_187 = arith.mulf %add3A_47, %get3A_186 : vector<16xf32>
    %add3A_188 = arith.addf %mul3A_182, %mul3A_187 : vector<16xf32>
    %get3A_189 = arith.constant 5 : i32
    %get3A_190 = arith.index_cast %get3A_189 : i32 to index
    %get3A_191 = arith.constant 8 : index
    %get3A_192 = tpu.vector_load %arg8[%get3A_190, %get3A_191] {strides = array<i32>} : memref<24x24xf32, #tpu.memory_space<vmem>>, vector<16xf32>,
    %mul3A_193 = arith.mulf %add3A_54, %get3A_192 : vector<16xf32>
    %add3A_194 = arith.addf %add3A_188, %mul3A_193 : vector<16xf32>
    %get3A_195 = arith.constant 6 : i32
    %get3A_196 = arith.index_cast %get3A_195 : i32 to index
    %get3A_197 = arith.constant 8 : index
    %get3A_198 = tpu.vector_load %arg8[%get3A_196, %get3A_197] {strides = array<i32>} : memref<24x24xf32, #tpu.memory_space<vmem>>, vector<16xf32>,
    %mul3A_199 = arith.mulf %mul3A_59, %get3A_198 : vector<16xf32>
    %add3A_200 = arith.addf %add3A_194, %mul3A_199 : vector<16xf32>
    %swap3A_201 = arith.constant 1 : i32
    %swap3A_202 = arith.index_cast %swap3A_201 : i32 to index
    %swap3A_203 = arith.constant 8 : index
    %swap3A_204 = tpu.vector_load %arg9[%swap3A_202, %swap3A_203] {strides = array<i32>} : memref<17x24xf32, #tpu.memory_space<vmem>>, vector<16xf32>,
    tpu.vector_store %arg9[%swap3A_202, %swap3A_203], %add3A_200 {strides = array<i32>} : memref<17x24xf32, #tpu.memory_space<vmem>>, vector<16xf32>,
    %get3A_205 = arith.constant 4 : i32
    %get3A_206 = arith.index_cast %get3A_205 : i32 to index
    %get3A_207 = arith.constant 0 : index
    %get3A_208 = tpu.vector_load %arg8[%get3A_206, %get3A_207] {strides = array<i32>} : memref<24x24xf32, #tpu.memory_space<vmem>>, vector<16xf32>,
    %mul3A_209 = arith.mulf %mul3A_31, %get3A_208 : vector<16xf32>
    %get3A_210 = arith.constant 5 : i32
    %get3A_211 = arith.index_cast %get3A_210 : i32 to index
    %get3A_212 = arith.constant 0 : index
    %get3A_213 = tpu.vector_load %arg8[%get3A_211, %get3A_212] {strides = array<i32>} : memref<24x24xf32, #tpu.memory_space<vmem>>, vector<16xf32>,
    %mul3A_214 = arith.mulf %add3A_47, %get3A_213 : vector<16xf32>
    %add3A_215 = arith.addf %mul3A_209, %mul3A_214 : vector<16xf32>
    %get3A_216 = arith.constant 6 : i32
    %get3A_217 = arith.index_cast %get3A_216 : i32 to index
    %get3A_218 = arith.constant 0 : index
    %get3A_219 = tpu.vector_load %arg8[%get3A_217, %get3A_218] {strides = array<i32>} : memref<24x24xf32, #tpu.memory_space<vmem>>, vector<16xf32>,
    %mul3A_220 = arith.mulf %add3A_54, %get3A_219 : vector<16xf32>
    %add3A_221 = arith.addf %add3A_215, %mul3A_220 : vector<16xf32>
    %get3A_222 = arith.constant 7 : i32
    %get3A_223 = arith.index_cast %get3A_222 : i32 to index
    %get3A_224 = arith.constant 0 : index
    %get3A_225 = tpu.vector_load %arg8[%get3A_223, %get3A_224] {strides = array<i32>} : memref<24x24xf32, #tpu.memory_space<vmem>>, vector<16xf32>,
    %mul3A_226 = arith.mulf %mul3A_59, %get3A_225 : vector<16xf32>
    %add3A_227 = arith.addf %add3A_221, %mul3A_226 : vector<16xf32>
    %swap3A_228 = arith.constant 2 : i32
    %swap3A_229 = arith.index_cast %swap3A_228 : i32 to index
    %swap3A_230 = arith.constant 0 : index
    %swap3A_231 = tpu.vector_load %arg9[%swap3A_229, %swap3A_230] {strides = array<i32>} : memref<17x24xf32, #tpu.memory_space<vmem>>, vector<16xf32>,
    tpu.vector_store %arg9[%swap3A_229, %swap3A_230], %add3A_227 {strides = array<i32>} : memref<17x24xf32, #tpu.memory_space<vmem>>, vector<16xf32>,
    %get3A_232 = arith.constant 4 : i32
    %get3A_233 = arith.index_cast %get3A_232 : i32 to index
    %get3A_234 = arith.constant 8 : index
    %get3A_235 = tpu.vector_load %arg8[%get3A_233, %get3A_234] {strides = array<i32>} : memref<24x24xf32, #tpu.memory_space<vmem>>, vector<16xf32>,
    %mul3A_236 = arith.mulf %mul3A_31, %get3A_235 : vector<16xf32>
    %get3A_237 = arith.constant 5 : i32
    %get3A_238 = arith.index_cast %get3A_237 : i32 to index
    %get3A_239 = arith.constant 8 : index
    %get3A_240 = tpu.vector_load %arg8[%get3A_238, %get3A_239] {strides = array<i32>} : memref<24x24xf32, #tpu.memory_space<vmem>>, vector<16xf32>,
    %mul3A_241 = arith.mulf %add3A_47, %get3A_240 : vector<16xf32>
    %add3A_242 = arith.addf %mul3A_236, %mul3A_241 : vector<16xf32>
    %get3A_243 = arith.constant 6 : i32
    %get3A_244 = arith.index_cast %get3A_243 : i32 to index
    %get3A_245 = arith.constant 8 : index
    %get3A_246 = tpu.vector_load %arg8[%get3A_244, %get3A_245] {strides = array<i32>} : memref<24x24xf32, #tpu.memory_space<vmem>>, vector<16xf32>,
    %mul3A_247 = arith.mulf %add3A_54, %get3A_246 : vector<16xf32>
    %add3A_248 = arith.addf %add3A_242, %mul3A_247 : vector<16xf32>
    %get3A_249 = arith.constant 7 : i32
    %get3A_250 = arith.index_cast %get3A_249 : i32 to index
    %get3A_251 = arith.constant 8 : index
    %get3A_252 = tpu.vector_load %arg8[%get3A_250, %get3A_251] {strides = array<i32>} : memref<24x24xf32, #tpu.memory_space<vmem>>, vector<16xf32>,
    %mul3A_253 = arith.mulf %mul3A_59, %get3A_252 : vector<16xf32>
    %add3A_254 = arith.addf %add3A_248, %mul3A_253 : vector<16xf32>
    %swap3A_255 = arith.constant 2 : i32
    %swap3A_256 = arith.index_cast %swap3A_255 : i32 to index
    %swap3A_257 = arith.constant 8 : index
    %swap3A_258 = tpu.vector_load %arg9[%swap3A_256, %swap3A_257] {strides = array<i32>} : memref<17x24xf32, #tpu.memory_space<vmem>>, vector<16xf32>,
    tpu.vector_store %arg9[%swap3A_256, %swap3A_257], %add3A_254 {strides = array<i32>} : memref<17x24xf32, #tpu.memory_space<vmem>>, vector<16xf32>,
    %get3A_259 = arith.constant 5 : i32
    %get3A_260 = arith.index_cast %get3A_259 : i32 to index
    %get3A_261 = arith.constant 0 : index
    %get3A_262 = tpu.vector_load %arg8[%get3A_260, %get3A_261] {strides = array<i32>} : memref<24x24xf32, #tpu.memory_space<vmem>>, vector<16xf32>,
    %mul3A_263 = arith.mulf %mul3A_31, %get3A_262 : vector<16xf32>
    %get3A_264 = arith.constant 6 : i32
    %get3A_265 = arith.index_cast %get3A_264 : i32 to index
    %get3A_266 = arith.constant 0 : index
    %get3A_267 = tpu.vector_load %arg8[%get3A_265, %get3A_266] {strides = array<i32>} : memref<24x24xf32, #tpu.memory_space<vmem>>, vector<16xf32>,
    %mul3A_268 = arith.mulf %add3A_47, %get3A_267 : vector<16xf32>
    %add3A_269 = arith.addf %mul3A_263, %mul3A_268 : vector<16xf32>
    %get3A_270 = arith.constant 7 : i32
    %get3A_271 = arith.index_cast %get3A_270 : i32 to index
    %get3A_272 = arith.constant 0 : index
    %get3A_273 = tpu.vector_load %arg8[%get3A_271, %get3A_272] {strides = array<i32>} : memref<24x24xf32, #tpu.memory_space<vmem>>, vector<16xf32>,
    %mul3A_274 = arith.mulf %add3A_54, %get3A_273 : vector<16xf32>
    %add3A_275 = arith.addf %add3A_269, %mul3A_274 : vector<16xf32>
    %get3A_276 = arith.constant 8 : i32
    %get3A_277 = arith.index_cast %get3A_276 : i32 to index
    %get3A_278 = arith.constant 0 : index
    %get3A_279 = tpu.vector_load %arg8[%get3A_277, %get3A_278] {strides = array<i32>} : memref<24x24xf32, #tpu.memory_space<vmem>>, vector<16xf32>,
    %mul3A_280 = arith.mulf %mul3A_59, %get3A_279 : vector<16xf32>
    %add3A_281 = arith.addf %add3A_275, %mul3A_280 : vector<16xf32>
    %swap3A_282 = arith.constant 3 : i32
    %swap3A_283 = arith.index_cast %swap3A_282 : i32 to index
    %swap3A_284 = arith.constant 0 : index
    %swap3A_285 = tpu.vector_load %arg9[%swap3A_283, %swap3A_284] {strides = array<i32>} : memref<17x24xf32, #tpu.memory_space<vmem>>, vector<16xf32>,
    tpu.vector_store %arg9[%swap3A_283, %swap3A_284], %add3A_281 {strides = array<i32>} : memref<17x24xf32, #tpu.memory_space<vmem>>, vector<16xf32>,
    %get3A_286 = arith.constant 5 : i32
    %get3A_287 = arith.index_cast %get3A_286 : i32 to index
    %get3A_288 = arith.constant 8 : index
    %get3A_289 = tpu.vector_load %arg8[%get3A_287, %get3A_288] {strides = array<i32>} : memref<24x24xf32, #tpu.memory_space<vmem>>, vector<16xf32>,
    %mul3A_290 = arith.mulf %mul3A_31, %get3A_289 : vector<16xf32>
    %get3A_291 = arith.constant 6 : i32
    %get3A_292 = arith.index_cast %get3A_291 : i32 to index
    %get3A_293 = arith.constant 8 : index
    %get3A_294 = tpu.vector_load %arg8[%get3A_292, %get3A_293] {strides = array<i32>} : memref<24x24xf32, #tpu.memory_space<vmem>>, vector<16xf32>,
    %mul3A_295 = arith.mulf %add3A_47, %get3A_294 : vector<16xf32>
    %add3A_296 = arith.addf %mul3A_290, %mul3A_295 : vector<16xf32>
    %get3A_297 = arith.constant 7 : i32
    %get3A_298 = arith.index_cast %get3A_297 : i32 to index
    %get3A_299 = arith.constant 8 : index
    %get3A_300 = tpu.vector_load %arg8[%get3A_298, %get3A_299] {strides = array<i32>} : memref<24x24xf32, #tpu.memory_space<vmem>>, vector<16xf32>,
    %mul3A_301 = arith.mulf %add3A_54, %get3A_300 : vector<16xf32>
    %add3A_302 = arith.addf %add3A_296, %mul3A_301 : vector<16xf32>
    %get3A_303 = arith.constant 8 : i32
    %get3A_304 = arith.index_cast %get3A_303 : i32 to index
    %get3A_305 = arith.constant 8 : index
    %get3A_306 = tpu.vector_load %arg8[%get3A_304, %get3A_305] {strides = array<i32>} : memref<24x24xf32, #tpu.memory_space<vmem>>, vector<16xf32>,
    %mul3A_307 = arith.mulf %mul3A_59, %get3A_306 : vector<16xf32>
    %add3A_308 = arith.addf %add3A_302, %mul3A_307 : vector<16xf32>
    %swap3A_309 = arith.constant 3 : i32
    %swap3A_310 = arith.index_cast %swap3A_309 : i32 to index
    %swap3A_311 = arith.constant 8 : index
    %swap3A_312 = tpu.vector_load %arg9[%swap3A_310, %swap3A_311] {strides = array<i32>} : memref<17x24xf32, #tpu.memory_space<vmem>>, vector<16xf32>,
    tpu.vector_store %arg9[%swap3A_310, %swap3A_311], %add3A_308 {strides = array<i32>} : memref<17x24xf32, #tpu.memory_space<vmem>>, vector<16xf32>,
    %get3A_313 = arith.constant 6 : i32
    %get3A_314 = arith.index_cast %get3A_313 : i32 to index
    %get3A_315 = arith.constant 0 : index
    %get3A_316 = tpu.vector_load %arg8[%get3A_314, %get3A_315] {strides = array<i32>} : memref<24x24xf32, #tpu.memory_space<vmem>>, vector<16xf32>,
    %mul3A_317 = arith.mulf %mul3A_31, %get3A_316 : vector<16xf32>
    %get3A_318 = arith.constant 7 : i32
    %get3A_319 = arith.index_cast %get3A_318 : i32 to index
    %get3A_320 = arith.constant 0 : index
    %get3A_321 = tpu.vector_load %arg8[%get3A_319, %get3A_320] {strides = array<i32>} : memref<24x24xf32, #tpu.memory_space<vmem>>, vector<16xf32>,
    %mul3A_322 = arith.mulf %add3A_47, %get3A_321 : vector<16xf32>
    %add3A_323 = arith.addf %mul3A_317, %mul3A_322 : vector<16xf32>
    %get3A_324 = arith.constant 8 : i32
    %get3A_325 = arith.index_cast %get3A_324 : i32 to index
    %get3A_326 = arith.constant 0 : index
    %get3A_327 = tpu.vector_load %arg8[%get3A_325, %get3A_326] {strides = array<i32>} : memref<24x24xf32, #tpu.memory_space<vmem>>, vector<16xf32>,
    %mul3A_328 = arith.mulf %add3A_54, %get3A_327 : vector<16xf32>
    %add3A_329 = arith.addf %add3A_323, %mul3A_328 : vector<16xf32>
    %get3A_330 = arith.constant 9 : i32
    %get3A_331 = arith.index_cast %get3A_330 : i32 to index
    %get3A_332 = arith.constant 0 : index
    %get3A_333 = tpu.vector_load %arg8[%get3A_331, %get3A_332] {strides = array<i32>} : memref<24x24xf32, #tpu.memory_space<vmem>>, vector<16xf32>,
    %mul3A_334 = arith.mulf %mul3A_59, %get3A_333 : vector<16xf32>
    %add3A_335 = arith.addf %add3A_329, %mul3A_334 : vector<16xf32>
    %swap3A_336 = arith.constant 4 : i32
    %swap3A_337 = arith.index_cast %swap3A_336 : i32 to index
    %swap3A_338 = arith.constant 0 : index
    %swap3A_339 = tpu.vector_load %arg9[%swap3A_337, %swap3A_338] {strides = array<i32>} : memref<17x24xf32, #tpu.memory_space<vmem>>, vector<16xf32>,
    tpu.vector_store %arg9[%swap3A_337, %swap3A_338], %add3A_335 {strides = array<i32>} : memref<17x24xf32, #tpu.memory_space<vmem>>, vector<16xf32>,
    %get3A_340 = arith.constant 6 : i32
    %get3A_341 = arith.index_cast %get3A_340 : i32 to index
    %get3A_342 = arith.constant 8 : index
    %get3A_343 = tpu.vector_load %arg8[%get3A_341, %get3A_342] {strides = array<i32>} : memref<24x24xf32, #tpu.memory_space<vmem>>, vector<16xf32>,
    %mul3A_344 = arith.mulf %mul3A_31, %get3A_343 : vector<16xf32>
    %get3A_345 = arith.constant 7 : i32
    %get3A_346 = arith.index_cast %get3A_345 : i32 to index
    %get3A_347 = arith.constant 8 : index
    %get3A_348 = tpu.vector_load %arg8[%get3A_346, %get3A_347] {strides = array<i32>} : memref<24x24xf32, #tpu.memory_space<vmem>>, vector<16xf32>,
    %mul3A_349 = arith.mulf %add3A_47, %get3A_348 : vector<16xf32>
    %add3A_350 = arith.addf %mul3A_344, %mul3A_349 : vector<16xf32>
    %get3A_351 = arith.constant 8 : i32
    %get3A_352 = arith.index_cast %get3A_351 : i32 to index
    %get3A_353 = arith.constant 8 : index
    %get3A_354 = tpu.vector_load %arg8[%get3A_352, %get3A_353] {strides = array<i32>} : memref<24x24xf32, #tpu.memory_space<vmem>>, vector<16xf32>,
    %mul3A_355 = arith.mulf %add3A_54, %get3A_354 : vector<16xf32>
    %add3A_356 = arith.addf %add3A_350, %mul3A_355 : vector<16xf32>
    %get3A_357 = arith.constant 9 : i32
    %get3A_358 = arith.index_cast %get3A_357 : i32 to index
    %get3A_359 = arith.constant 8 : index
    %get3A_360 = tpu.vector_load %arg8[%get3A_358, %get3A_359] {strides = array<i32>} : memref<24x24xf32, #tpu.memory_space<vmem>>, vector<16xf32>,
    %mul3A_361 = arith.mulf %mul3A_59, %get3A_360 : vector<16xf32>
    %add3A_362 = arith.addf %add3A_356, %mul3A_361 : vector<16xf32>
    %swap3A_363 = arith.constant 4 : i32
    %swap3A_364 = arith.index_cast %swap3A_363 : i32 to index
    %swap3A_365 = arith.constant 8 : index
    %swap3A_366 = tpu.vector_load %arg9[%swap3A_364, %swap3A_365] {strides = array<i32>} : memref<17x24xf32, #tpu.memory_space<vmem>>, vector<16xf32>,
    tpu.vector_store %arg9[%swap3A_364, %swap3A_365], %add3A_362 {strides = array<i32>} : memref<17x24xf32, #tpu.memory_space<vmem>>, vector<16xf32>,
    %get3A_367 = arith.constant 7 : i32
    %get3A_368 = arith.index_cast %get3A_367 : i32 to index
    %get3A_369 = arith.constant 0 : index
    %get3A_370 = tpu.vector_load %arg8[%get3A_368, %get3A_369] {strides = array<i32>} : memref<24x24xf32, #tpu.memory_space<vmem>>, vector<16xf32>,
    %mul3A_371 = arith.mulf %mul3A_31, %get3A_370 : vector<16xf32>
    %get3A_372 = arith.constant 8 : i32
    %get3A_373 = arith.index_cast %get3A_372 : i32 to index
    %get3A_374 = arith.constant 0 : index
    %get3A_375 = tpu.vector_load %arg8[%get3A_373, %get3A_374] {strides = array<i32>} : memref<24x24xf32, #tpu.memory_space<vmem>>, vector<16xf32>,
    %mul3A_376 = arith.mulf %add3A_47, %get3A_375 : vector<16xf32>
    %add3A_377 = arith.addf %mul3A_371, %mul3A_376 : vector<16xf32>
    %get3A_378 = arith.constant 9 : i32
    %get3A_379 = arith.index_cast %get3A_378 : i32 to index
    %get3A_380 = arith.constant 0 : index
    %get3A_381 = tpu.vector_load %arg8[%get3A_379, %get3A_380] {strides = array<i32>} : memref<24x24xf32, #tpu.memory_space<vmem>>, vector<16xf32>,
    %mul3A_382 = arith.mulf %add3A_54, %get3A_381 : vector<16xf32>
    %add3A_383 = arith.addf %add3A_377, %mul3A_382 : vector<16xf32>
    %get3A_384 = arith.constant 10 : i32
    %get3A_385 = arith.index_cast %get3A_384 : i32 to index
    %get3A_386 = arith.constant 0 : index
    %get3A_387 = tpu.vector_load %arg8[%get3A_385, %get3A_386] {strides = array<i32>} : memref<24x24xf32, #tpu.memory_space<vmem>>, vector<16xf32>,
    %mul3A_388 = arith.mulf %mul3A_59, %get3A_387 : vector<16xf32>
    %add3A_389 = arith.addf %add3A_383, %mul3A_388 : vector<16xf32>
    %swap3A_390 = arith.constant 5 : i32
    %swap3A_391 = arith.index_cast %swap3A_390 : i32 to index
    %swap3A_392 = arith.constant 0 : index
    %swap3A_393 = tpu.vector_load %arg9[%swap3A_391, %swap3A_392] {strides = array<i32>} : memref<17x24xf32, #tpu.memory_space<vmem>>, vector<16xf32>,
    tpu.vector_store %arg9[%swap3A_391, %swap3A_392], %add3A_389 {strides = array<i32>} : memref<17x24xf32, #tpu.memory_space<vmem>>, vector<16xf32>,
    %get3A_394 = arith.constant 7 : i32
    %get3A_395 = arith.index_cast %get3A_394 : i32 to index
    %get3A_396 = arith.constant 8 : index
    %get3A_397 = tpu.vector_load %arg8[%get3A_395, %get3A_396] {strides = array<i32>} : memref<24x24xf32, #tpu.memory_space<vmem>>, vector<16xf32>,
    %mul3A_398 = arith.mulf %mul3A_31, %get3A_397 : vector<16xf32>
    %get3A_399 = arith.constant 8 : i32
    %get3A_400 = arith.index_cast %get3A_399 : i32 to index
    %get3A_401 = arith.constant 8 : index
    %get3A_402 = tpu.vector_load %arg8[%get3A_400, %get3A_401] {strides = array<i32>} : memref<24x24xf32, #tpu.memory_space<vmem>>, vector<16xf32>,
    %mul3A_403 = arith.mulf %add3A_47, %get3A_402 : vector<16xf32>
    %add3A_404 = arith.addf %mul3A_398, %mul3A_403 : vector<16xf32>
    %get3A_405 = arith.constant 9 : i32
    %get3A_406 = arith.index_cast %get3A_405 : i32 to index
    %get3A_407 = arith.constant 8 : index
    %get3A_408 = tpu.vector_load %arg8[%get3A_406, %get3A_407] {strides = array<i32>} : memref<24x24xf32, #tpu.memory_space<vmem>>, vector<16xf32>,
    %mul3A_409 = arith.mulf %add3A_54, %get3A_408 : vector<16xf32>
    %add3A_410 = arith.addf %add3A_404, %mul3A_409 : vector<16xf32>
    %get3A_411 = arith.constant 10 : i32
    %get3A_412 = arith.index_cast %get3A_411 : i32 to index
    %get3A_413 = arith.constant 8 : index
    %get3A_414 = tpu.vector_load %arg8[%get3A_412, %get3A_413] {strides = array<i32>} : memref<24x24xf32, #tpu.memory_space<vmem>>, vector<16xf32>,
    %mul3A_415 = arith.mulf %mul3A_59, %get3A_414 : vector<16xf32>
    %add3A_416 = arith.addf %add3A_410, %mul3A_415 : vector<16xf32>
    %swap3A_417 = arith.constant 5 : i32
    %swap3A_418 = arith.index_cast %swap3A_417 : i32 to index
    %swap3A_419 = arith.constant 8 : index
    %swap3A_420 = tpu.vector_load %arg9[%swap3A_418, %swap3A_419] {strides = array<i32>} : memref<17x24xf32, #tpu.memory_space<vmem>>, vector<16xf32>,
    tpu.vector_store %arg9[%swap3A_418, %swap3A_419], %add3A_416 {strides = array<i32>} : memref<17x24xf32, #tpu.memory_space<vmem>>, vector<16xf32>,
    %get3A_421 = arith.constant 8 : i32
    %get3A_422 = arith.index_cast %get3A_421 : i32 to index
    %get3A_423 = arith.constant 0 : index
    %get3A_424 = tpu.vector_load %arg8[%get3A_422, %get3A_423] {strides = array<i32>} : memref<24x24xf32, #tpu.memory_space<vmem>>, vector<16xf32>,
    %mul3A_425 = arith.mulf %mul3A_31, %get3A_424 : vector<16xf32>
    %get3A_426 = arith.constant 9 : i32
    %get3A_427 = arith.index_cast %get3A_426 : i32 to index
    %get3A_428 = arith.constant 0 : index
    %get3A_429 = tpu.vector_load %arg8[%get3A_427, %get3A_428] {strides = array<i32>} : memref<24x24xf32, #tpu.memory_space<vmem>>, vector<16xf32>,
    %mul3A_430 = arith.mulf %add3A_47, %get3A_429 : vector<16xf32>
    %add3A_431 = arith.addf %mul3A_425, %mul3A_430 : vector<16xf32>
    %get3A_432 = arith.constant 10 : i32
    %get3A_433 = arith.index_cast %get3A_432 : i32 to index
    %get3A_434 = arith.constant 0 : index
    %get3A_435 = tpu.vector_load %arg8[%get3A_433, %get3A_434] {strides = array<i32>} : memref<24x24xf32, #tpu.memory_space<vmem>>, vector<16xf32>,
    %mul3A_436 = arith.mulf %add3A_54, %get3A_435 : vector<16xf32>
    %add3A_437 = arith.addf %add3A_431, %mul3A_436 : vector<16xf32>
    %get3A_438 = arith.constant 11 : i32
    %get3A_439 = arith.index_cast %get3A_438 : i32 to index
    %get3A_440 = arith.constant 0 : index
    %get3A_441 = tpu.vector_load %arg8[%get3A_439, %get3A_440] {strides = array<i32>} : memref<24x24xf32, #tpu.memory_space<vmem>>, vector<16xf32>,
    %mul3A_442 = arith.mulf %mul3A_59, %get3A_441 : vector<16xf32>
    %add3A_443 = arith.addf %add3A_437, %mul3A_442 : vector<16xf32>
    %swap3A_444 = arith.constant 6 : i32
    %swap3A_445 = arith.index_cast %swap3A_444 : i32 to index
    %swap3A_446 = arith.constant 0 : index
    %swap3A_447 = tpu.vector_load %arg9[%swap3A_445, %swap3A_446] {strides = array<i32>} : memref<17x24xf32, #tpu.memory_space<vmem>>, vector<16xf32>,
    tpu.vector_store %arg9[%swap3A_445, %swap3A_446], %add3A_443 {strides = array<i32>} : memref<17x24xf32, #tpu.memory_space<vmem>>, vector<16xf32>,
    %get3A_448 = arith.constant 8 : i32
    %get3A_449 = arith.index_cast %get3A_448 : i32 to index
    %get3A_450 = arith.constant 8 : index
    %get3A_451 = tpu.vector_load %arg8[%get3A_449, %get3A_450] {strides = array<i32>} : memref<24x24xf32, #tpu.memory_space<vmem>>, vector<16xf32>,
    %mul3A_452 = arith.mulf %mul3A_31, %get3A_451 : vector<16xf32>
    %get3A_453 = arith.constant 9 : i32
    %get3A_454 = arith.index_cast %get3A_453 : i32 to index
    %get3A_455 = arith.constant 8 : index
    %get3A_456 = tpu.vector_load %arg8[%get3A_454, %get3A_455] {strides = array<i32>} : memref<24x24xf32, #tpu.memory_space<vmem>>, vector<16xf32>,
    %mul3A_457 = arith.mulf %add3A_47, %get3A_456 : vector<16xf32>
    %add3A_458 = arith.addf %mul3A_452, %mul3A_457 : vector<16xf32>
    %get3A_459 = arith.constant 10 : i32
    %get3A_460 = arith.index_cast %get3A_459 : i32 to index
    %get3A_461 = arith.constant 8 : index
    %get3A_462 = tpu.vector_load %arg8[%get3A_460, %get3A_461] {strides = array<i32>} : memref<24x24xf32, #tpu.memory_space<vmem>>, vector<16xf32>,
    %mul3A_463 = arith.mulf %add3A_54, %get3A_462 : vector<16xf32>
    %add3A_464 = arith.addf %add3A_458, %mul3A_463 : vector<16xf32>
    %get3A_465 = arith.constant 11 : i32
    %get3A_466 = arith.index_cast %get3A_465 : i32 to index
    %get3A_467 = arith.constant 8 : index
    %get3A_468 = tpu.vector_load %arg8[%get3A_466, %get3A_467] {strides = array<i32>} : memref<24x24xf32, #tpu.memory_space<vmem>>, vector<16xf32>,
    %mul3A_469 = arith.mulf %mul3A_59, %get3A_468 : vector<16xf32>
    %add3A_470 = arith.addf %add3A_464, %mul3A_469 : vector<16xf32>
    %swap3A_471 = arith.constant 6 : i32
    %swap3A_472 = arith.index_cast %swap3A_471 : i32 to index
    %swap3A_473 = arith.constant 8 : index
    %swap3A_474 = tpu.vector_load %arg9[%swap3A_472, %swap3A_473] {strides = array<i32>} : memref<17x24xf32, #tpu.memory_space<vmem>>, vector<16xf32>,
    tpu.vector_store %arg9[%swap3A_472, %swap3A_473], %add3A_470 {strides = array<i32>} : memref<17x24xf32, #tpu.memory_space<vmem>>, vector<16xf32>,
    %get3A_475 = arith.constant 9 : i32
    %get3A_476 = arith.index_cast %get3A_475 : i32 to index
    %get3A_477 = arith.constant 0 : index
    %get3A_478 = tpu.vector_load %arg8[%get3A_476, %get3A_477] {strides = array<i32>} : memref<24x24xf32, #tpu.memory_space<vmem>>, vector<16xf32>,
    %mul3A_479 = arith.mulf %mul3A_31, %get3A_478 : vector<16xf32>
    %get3A_480 = arith.constant 10 : i32
    %get3A_481 = arith.index_cast %get3A_480 : i32 to index
    %get3A_482 = arith.constant 0 : index
    %get3A_483 = tpu.vector_load %arg8[%get3A_481, %get3A_482] {strides = array<i32>} : memref<24x24xf32, #tpu.memory_space<vmem>>, vector<16xf32>,
    %mul3A_484 = arith.mulf %add3A_47, %get3A_483 : vector<16xf32>
    %add3A_485 = arith.addf %mul3A_479, %mul3A_484 : vector<16xf32>
    %get3A_486 = arith.constant 11 : i32
    %get3A_487 = arith.index_cast %get3A_486 : i32 to index
    %get3A_488 = arith.constant 0 : index
    %get3A_489 = tpu.vector_load %arg8[%get3A_487, %get3A_488] {strides = array<i32>} : memref<24x24xf32, #tpu.memory_space<vmem>>, vector<16xf32>,
    %mul3A_490 = arith.mulf %add3A_54, %get3A_489 : vector<16xf32>
    %add3A_491 = arith.addf %add3A_485, %mul3A_490 : vector<16xf32>
    %get3A_492 = arith.constant 12 : i32
    %get3A_493 = arith.index_cast %get3A_492 : i32 to index
    %get3A_494 = arith.constant 0 : index
    %get3A_495 = tpu.vector_load %arg8[%get3A_493, %get3A_494] {strides = array<i32>} : memref<24x24xf32, #tpu.memory_space<vmem>>, vector<16xf32>,
    %mul3A_496 = arith.mulf %mul3A_59, %get3A_495 : vector<16xf32>
    %add3A_497 = arith.addf %add3A_491, %mul3A_496 : vector<16xf32>
    %swap3A_498 = arith.constant 7 : i32
    %swap3A_499 = arith.index_cast %swap3A_498 : i32 to index
    %swap3A_500 = arith.constant 0 : index
    %swap3A_501 = tpu.vector_load %arg9[%swap3A_499, %swap3A_500] {strides = array<i32>} : memref<17x24xf32, #tpu.memory_space<vmem>>, vector<16xf32>,
    tpu.vector_store %arg9[%swap3A_499, %swap3A_500], %add3A_497 {strides = array<i32>} : memref<17x24xf32, #tpu.memory_space<vmem>>, vector<16xf32>,
    %get3A_502 = arith.constant 9 : i32
    %get3A_503 = arith.index_cast %get3A_502 : i32 to index
    %get3A_504 = arith.constant 8 : index
    %get3A_505 = tpu.vector_load %arg8[%get3A_503, %get3A_504] {strides = array<i32>} : memref<24x24xf32, #tpu.memory_space<vmem>>, vector<16xf32>,
    %mul3A_506 = arith.mulf %mul3A_31, %get3A_505 : vector<16xf32>
    %get3A_507 = arith.constant 10 : i32
    %get3A_508 = arith.index_cast %get3A_507 : i32 to index
    %get3A_509 = arith.constant 8 : index
    %get3A_510 = tpu.vector_load %arg8[%get3A_508, %get3A_509] {strides = array<i32>} : memref<24x24xf32, #tpu.memory_space<vmem>>, vector<16xf32>,
    %mul3A_511 = arith.mulf %add3A_47, %get3A_510 : vector<16xf32>
    %add3A_512 = arith.addf %mul3A_506, %mul3A_511 : vector<16xf32>
    %get3A_513 = arith.constant 11 : i32
    %get3A_514 = arith.index_cast %get3A_513 : i32 to index
    %get3A_515 = arith.constant 8 : index
    %get3A_516 = tpu.vector_load %arg8[%get3A_514, %get3A_515] {strides = array<i32>} : memref<24x24xf32, #tpu.memory_space<vmem>>, vector<16xf32>,
    %mul3A_517 = arith.mulf %add3A_54, %get3A_516 : vector<16xf32>
    %add3A_518 = arith.addf %add3A_512, %mul3A_517 : vector<16xf32>
    %get3A_519 = arith.constant 12 : i32
    %get3A_520 = arith.index_cast %get3A_519 : i32 to index
    %get3A_521 = arith.constant 8 : index
    %get3A_522 = tpu.vector_load %arg8[%get3A_520, %get3A_521] {strides = array<i32>} : memref<24x24xf32, #tpu.memory_space<vmem>>, vector<16xf32>,
    %mul3A_523 = arith.mulf %mul3A_59, %get3A_522 : vector<16xf32>
    %add3A_524 = arith.addf %add3A_518, %mul3A_523 : vector<16xf32>
    %swap3A_525 = arith.constant 7 : i32
    %swap3A_526 = arith.index_cast %swap3A_525 : i32 to index
    %swap3A_527 = arith.constant 8 : index
    %swap3A_528 = tpu.vector_load %arg9[%swap3A_526, %swap3A_527] {strides = array<i32>} : memref<17x24xf32, #tpu.memory_space<vmem>>, vector<16xf32>,
    tpu.vector_store %arg9[%swap3A_526, %swap3A_527], %add3A_524 {strides = array<i32>} : memref<17x24xf32, #tpu.memory_space<vmem>>, vector<16xf32>,
    %get3A_529 = arith.constant 10 : i32
    %get3A_530 = arith.index_cast %get3A_529 : i32 to index
    %get3A_531 = arith.constant 0 : index
    %get3A_532 = tpu.vector_load %arg8[%get3A_530, %get3A_531] {strides = array<i32>} : memref<24x24xf32, #tpu.memory_space<vmem>>, vector<16xf32>,
    %mul3A_533 = arith.mulf %mul3A_31, %get3A_532 : vector<16xf32>
    %get3A_534 = arith.constant 11 : i32
    %get3A_535 = arith.index_cast %get3A_534 : i32 to index
    %get3A_536 = arith.constant 0 : index
    %get3A_537 = tpu.vector_load %arg8[%get3A_535, %get3A_536] {strides = array<i32>} : memref<24x24xf32, #tpu.memory_space<vmem>>, vector<16xf32>,
    %mul3A_538 = arith.mulf %add3A_47, %get3A_537 : vector<16xf32>
    %add3A_539 = arith.addf %mul3A_533, %mul3A_538 : vector<16xf32>
    %get3A_540 = arith.constant 12 : i32
    %get3A_541 = arith.index_cast %get3A_540 : i32 to index
    %get3A_542 = arith.constant 0 : index
    %get3A_543 = tpu.vector_load %arg8[%get3A_541, %get3A_542] {strides = array<i32>} : memref<24x24xf32, #tpu.memory_space<vmem>>, vector<16xf32>,
    %mul3A_544 = arith.mulf %add3A_54, %get3A_543 : vector<16xf32>
    %add3A_545 = arith.addf %add3A_539, %mul3A_544 : vector<16xf32>
    %get3A_546 = arith.constant 13 : i32
    %get3A_547 = arith.index_cast %get3A_546 : i32 to index
    %get3A_548 = arith.constant 0 : index
    %get3A_549 = tpu.vector_load %arg8[%get3A_547, %get3A_548] {strides = array<i32>} : memref<24x24xf32, #tpu.memory_space<vmem>>, vector<16xf32>,
    %mul3A_550 = arith.mulf %mul3A_59, %get3A_549 : vector<16xf32>
    %add3A_551 = arith.addf %add3A_545, %mul3A_550 : vector<16xf32>
    %swap3A_552 = arith.constant 8 : i32
    %swap3A_553 = arith.index_cast %swap3A_552 : i32 to index
    %swap3A_554 = arith.constant 0 : index
    %swap3A_555 = tpu.vector_load %arg9[%swap3A_553, %swap3A_554] {strides = array<i32>} : memref<17x24xf32, #tpu.memory_space<vmem>>, vector<16xf32>,
    tpu.vector_store %arg9[%swap3A_553, %swap3A_554], %add3A_551 {strides = array<i32>} : memref<17x24xf32, #tpu.memory_space<vmem>>, vector<16xf32>,
    %get3A_556 = arith.constant 10 : i32
    %get3A_557 = arith.index_cast %get3A_556 : i32 to index
    %get3A_558 = arith.constant 8 : index
    %get3A_559 = tpu.vector_load %arg8[%get3A_557, %get3A_558] {strides = array<i32>} : memref<24x24xf32, #tpu.memory_space<vmem>>, vector<16xf32>,
    %mul3A_560 = arith.mulf %mul3A_31, %get3A_559 : vector<16xf32>
    %get3A_561 = arith.constant 11 : i32
    %get3A_562 = arith.index_cast %get3A_561 : i32 to index
    %get3A_563 = arith.constant 8 : index
    %get3A_564 = tpu.vector_load %arg8[%get3A_562, %get3A_563] {strides = array<i32>} : memref<24x24xf32, #tpu.memory_space<vmem>>, vector<16xf32>,
    %mul3A_565 = arith.mulf %add3A_47, %get3A_564 : vector<16xf32>
    %add3A_566 = arith.addf %mul3A_560, %mul3A_565 : vector<16xf32>
    %get3A_567 = arith.constant 12 : i32
    %get3A_568 = arith.index_cast %get3A_567 : i32 to index
    %get3A_569 = arith.constant 8 : index
    %get3A_570 = tpu.vector_load %arg8[%get3A_568, %get3A_569] {strides = array<i32>} : memref<24x24xf32, #tpu.memory_space<vmem>>, vector<16xf32>,
    %mul3A_571 = arith.mulf %add3A_54, %get3A_570 : vector<16xf32>
    %add3A_572 = arith.addf %add3A_566, %mul3A_571 : vector<16xf32>
    %get3A_573 = arith.constant 13 : i32
    %get3A_574 = arith.index_cast %get3A_573 : i32 to index
    %get3A_575 = arith.constant 8 : index
    %get3A_576 = tpu.vector_load %arg8[%get3A_574, %get3A_575] {strides = array<i32>} : memref<24x24xf32, #tpu.memory_space<vmem>>, vector<16xf32>,
    %mul3A_577 = arith.mulf %mul3A_59, %get3A_576 : vector<16xf32>
    %add3A_578 = arith.addf %add3A_572, %mul3A_577 : vector<16xf32>
    %swap3A_579 = arith.constant 8 : i32
    %swap3A_580 = arith.index_cast %swap3A_579 : i32 to index
    %swap3A_581 = arith.constant 8 : index
    %swap3A_582 = tpu.vector_load %arg9[%swap3A_580, %swap3A_581] {strides = array<i32>} : memref<17x24xf32, #tpu.memory_space<vmem>>, vector<16xf32>,
    tpu.vector_store %arg9[%swap3A_580, %swap3A_581], %add3A_578 {strides = array<i32>} : memref<17x24xf32, #tpu.memory_space<vmem>>, vector<16xf32>,
    %get3A_583 = arith.constant 11 : i32
    %get3A_584 = arith.index_cast %get3A_583 : i32 to index
    %get3A_585 = arith.constant 0 : index
    %get3A_586 = tpu.vector_load %arg8[%get3A_584, %get3A_585] {strides = array<i32>} : memref<24x24xf32, #tpu.memory_space<vmem>>, vector<16xf32>,
    %mul3A_587 = arith.mulf %mul3A_31, %get3A_586 : vector<16xf32>
    %get3A_588 = arith.constant 12 : i32
    %get3A_589 = arith.index_cast %get3A_588 : i32 to index
    %get3A_590 = arith.constant 0 : index
    %get3A_591 = tpu.vector_load %arg8[%get3A_589, %get3A_590] {strides = array<i32>} : memref<24x24xf32, #tpu.memory_space<vmem>>, vector<16xf32>,
    %mul3A_592 = arith.mulf %add3A_47, %get3A_591 : vector<16xf32>
    %add3A_593 = arith.addf %mul3A_587, %mul3A_592 : vector<16xf32>
    %get3A_594 = arith.constant 13 : i32
    %get3A_595 = arith.index_cast %get3A_594 : i32 to index
    %get3A_596 = arith.constant 0 : index
    %get3A_597 = tpu.vector_load %arg8[%get3A_595, %get3A_596] {strides = array<i32>} : memref<24x24xf32, #tpu.memory_space<vmem>>, vector<16xf32>,
    %mul3A_598 = arith.mulf %add3A_54, %get3A_597 : vector<16xf32>
    %add3A_599 = arith.addf %add3A_593, %mul3A_598 : vector<16xf32>
    %get3A_600 = arith.constant 14 : i32
    %get3A_601 = arith.index_cast %get3A_600 : i32 to index
    %get3A_602 = arith.constant 0 : index
    %get3A_603 = tpu.vector_load %arg8[%get3A_601, %get3A_602] {strides = array<i32>} : memref<24x24xf32, #tpu.memory_space<vmem>>, vector<16xf32>,
    %mul3A_604 = arith.mulf %mul3A_59, %get3A_603 : vector<16xf32>
    %add3A_605 = arith.addf %add3A_599, %mul3A_604 : vector<16xf32>
    %swap3A_606 = arith.constant 9 : i32
    %swap3A_607 = arith.index_cast %swap3A_606 : i32 to index
    %swap3A_608 = arith.constant 0 : index
    %swap3A_609 = tpu.vector_load %arg9[%swap3A_607, %swap3A_608] {strides = array<i32>} : memref<17x24xf32, #tpu.memory_space<vmem>>, vector<16xf32>,
    tpu.vector_store %arg9[%swap3A_607, %swap3A_608], %add3A_605 {strides = array<i32>} : memref<17x24xf32, #tpu.memory_space<vmem>>, vector<16xf32>,
    %get3A_610 = arith.constant 11 : i32
    %get3A_611 = arith.index_cast %get3A_610 : i32 to index
    %get3A_612 = arith.constant 8 : index
    %get3A_613 = tpu.vector_load %arg8[%get3A_611, %get3A_612] {strides = array<i32>} : memref<24x24xf32, #tpu.memory_space<vmem>>, vector<16xf32>,
    %mul3A_614 = arith.mulf %mul3A_31, %get3A_613 : vector<16xf32>
    %get3A_615 = arith.constant 12 : i32
    %get3A_616 = arith.index_cast %get3A_615 : i32 to index
    %get3A_617 = arith.constant 8 : index
    %get3A_618 = tpu.vector_load %arg8[%get3A_616, %get3A_617] {strides = array<i32>} : memref<24x24xf32, #tpu.memory_space<vmem>>, vector<16xf32>,
    %mul3A_619 = arith.mulf %add3A_47, %get3A_618 : vector<16xf32>
    %add3A_620 = arith.addf %mul3A_614, %mul3A_619 : vector<16xf32>
    %get3A_621 = arith.constant 13 : i32
    %get3A_622 = arith.index_cast %get3A_621 : i32 to index
    %get3A_623 = arith.constant 8 : index
    %get3A_624 = tpu.vector_load %arg8[%get3A_622, %get3A_623] {strides = array<i32>} : memref<24x24xf32, #tpu.memory_space<vmem>>, vector<16xf32>,
    %mul3A_625 = arith.mulf %add3A_54, %get3A_624 : vector<16xf32>
    %add3A_626 = arith.addf %add3A_620, %mul3A_625 : vector<16xf32>
    %get3A_627 = arith.constant 14 : i32
    %get3A_628 = arith.index_cast %get3A_627 : i32 to index
    %get3A_629 = arith.constant 8 : index
    %get3A_630 = tpu.vector_load %arg8[%get3A_628, %get3A_629] {strides = array<i32>} : memref<24x24xf32, #tpu.memory_space<vmem>>, vector<16xf32>,
    %mul3A_631 = arith.mulf %mul3A_59, %get3A_630 : vector<16xf32>
    %add3A_632 = arith.addf %add3A_626, %mul3A_631 : vector<16xf32>
    %swap3A_633 = arith.constant 9 : i32
    %swap3A_634 = arith.index_cast %swap3A_633 : i32 to index
    %swap3A_635 = arith.constant 8 : index
    %swap3A_636 = tpu.vector_load %arg9[%swap3A_634, %swap3A_635] {strides = array<i32>} : memref<17x24xf32, #tpu.memory_space<vmem>>, vector<16xf32>,
    tpu.vector_store %arg9[%swap3A_634, %swap3A_635], %add3A_632 {strides = array<i32>} : memref<17x24xf32, #tpu.memory_space<vmem>>, vector<16xf32>,
    %get3A_637 = arith.constant 12 : i32
    %get3A_638 = arith.index_cast %get3A_637 : i32 to index
    %get3A_639 = arith.constant 0 : index
    %get3A_640 = tpu.vector_load %arg8[%get3A_638, %get3A_639] {strides = array<i32>} : memref<24x24xf32, #tpu.memory_space<vmem>>, vector<16xf32>,
    %mul3A_641 = arith.mulf %mul3A_31, %get3A_640 : vector<16xf32>
    %get3A_642 = arith.constant 13 : i32
    %get3A_643 = arith.index_cast %get3A_642 : i32 to index
    %get3A_644 = arith.constant 0 : index
    %get3A_645 = tpu.vector_load %arg8[%get3A_643, %get3A_644] {strides = array<i32>} : memref<24x24xf32, #tpu.memory_space<vmem>>, vector<16xf32>,
    %mul3A_646 = arith.mulf %add3A_47, %get3A_645 : vector<16xf32>
    %add3A_647 = arith.addf %mul3A_641, %mul3A_646 : vector<16xf32>
    %get3A_648 = arith.constant 14 : i32
    %get3A_649 = arith.index_cast %get3A_648 : i32 to index
    %get3A_650 = arith.constant 0 : index
    %get3A_651 = tpu.vector_load %arg8[%get3A_649, %get3A_650] {strides = array<i32>} : memref<24x24xf32, #tpu.memory_space<vmem>>, vector<16xf32>,
    %mul3A_652 = arith.mulf %add3A_54, %get3A_651 : vector<16xf32>
    %add3A_653 = arith.addf %add3A_647, %mul3A_652 : vector<16xf32>
    %get3A_654 = arith.constant 15 : i32
    %get3A_655 = arith.index_cast %get3A_654 : i32 to index
    %get3A_656 = arith.constant 0 : index
    %get3A_657 = tpu.vector_load %arg8[%get3A_655, %get3A_656] {strides = array<i32>} : memref<24x24xf32, #tpu.memory_space<vmem>>, vector<16xf32>,
    %mul3A_658 = arith.mulf %mul3A_59, %get3A_657 : vector<16xf32>
    %add3A_659 = arith.addf %add3A_653, %mul3A_658 : vector<16xf32>
    %swap3A_660 = arith.constant 10 : i32
    %swap3A_661 = arith.index_cast %swap3A_660 : i32 to index
    %swap3A_662 = arith.constant 0 : index
    %swap3A_663 = tpu.vector_load %arg9[%swap3A_661, %swap3A_662] {strides = array<i32>} : memref<17x24xf32, #tpu.memory_space<vmem>>, vector<16xf32>,
    tpu.vector_store %arg9[%swap3A_661, %swap3A_662], %add3A_659 {strides = array<i32>} : memref<17x24xf32, #tpu.memory_space<vmem>>, vector<16xf32>,
    %get3A_664 = arith.constant 12 : i32
    %get3A_665 = arith.index_cast %get3A_664 : i32 to index
    %get3A_666 = arith.constant 8 : index
    %get3A_667 = tpu.vector_load %arg8[%get3A_665, %get3A_666] {strides = array<i32>} : memref<24x24xf32, #tpu.memory_space<vmem>>, vector<16xf32>,
    %mul3A_668 = arith.mulf %mul3A_31, %get3A_667 : vector<16xf32>
    %get3A_669 = arith.constant 13 : i32
    %get3A_670 = arith.index_cast %get3A_669 : i32 to index
    %get3A_671 = arith.constant 8 : index
    %get3A_672 = tpu.vector_load %arg8[%get3A_670, %get3A_671] {strides = array<i32>} : memref<24x24xf32, #tpu.memory_space<vmem>>, vector<16xf32>,
    %mul3A_673 = arith.mulf %add3A_47, %get3A_672 : vector<16xf32>
    %add3A_674 = arith.addf %mul3A_668, %mul3A_673 : vector<16xf32>
    %get3A_675 = arith.constant 14 : i32
    %get3A_676 = arith.index_cast %get3A_675 : i32 to index
    %get3A_677 = arith.constant 8 : index
    %get3A_678 = tpu.vector_load %arg8[%get3A_676, %get3A_677] {strides = array<i32>} : memref<24x24xf32, #tpu.memory_space<vmem>>, vector<16xf32>,
    %mul3A_679 = arith.mulf %add3A_54, %get3A_678 : vector<16xf32>
    %add3A_680 = arith.addf %add3A_674, %mul3A_679 : vector<16xf32>
    %get3A_681 = arith.constant 15 : i32
    %get3A_682 = arith.index_cast %get3A_681 : i32 to index
    %get3A_683 = arith.constant 8 : index
    %get3A_684 = tpu.vector_load %arg8[%get3A_682, %get3A_683] {strides = array<i32>} : memref<24x24xf32, #tpu.memory_space<vmem>>, vector<16xf32>,
    %mul3A_685 = arith.mulf %mul3A_59, %get3A_684 : vector<16xf32>
    %add3A_686 = arith.addf %add3A_680, %mul3A_685 : vector<16xf32>
    %swap3A_687 = arith.constant 10 : i32
    %swap3A_688 = arith.index_cast %swap3A_687 : i32 to index
    %swap3A_689 = arith.constant 8 : index
    %swap3A_690 = tpu.vector_load %arg9[%swap3A_688, %swap3A_689] {strides = array<i32>} : memref<17x24xf32, #tpu.memory_space<vmem>>, vector<16xf32>,
    tpu.vector_store %arg9[%swap3A_688, %swap3A_689], %add3A_686 {strides = array<i32>} : memref<17x24xf32, #tpu.memory_space<vmem>>, vector<16xf32>,
    %get3A_691 = arith.constant 13 : i32
    %get3A_692 = arith.index_cast %get3A_691 : i32 to index
    %get3A_693 = arith.constant 0 : index
    %get3A_694 = tpu.vector_load %arg8[%get3A_692, %get3A_693] {strides = array<i32>} : memref<24x24xf32, #tpu.memory_space<vmem>>, vector<16xf32>,
    %mul3A_695 = arith.mulf %mul3A_31, %get3A_694 : vector<16xf32>
    %get3A_696 = arith.constant 14 : i32
    %get3A_697 = arith.index_cast %get3A_696 : i32 to index
    %get3A_698 = arith.constant 0 : index
    %get3A_699 = tpu.vector_load %arg8[%get3A_697, %get3A_698] {strides = array<i32>} : memref<24x24xf32, #tpu.memory_space<vmem>>, vector<16xf32>,
    %mul3A_700 = arith.mulf %add3A_47, %get3A_699 : vector<16xf32>
    %add3A_701 = arith.addf %mul3A_695, %mul3A_700 : vector<16xf32>
    %get3A_702 = arith.constant 15 : i32
    %get3A_703 = arith.index_cast %get3A_702 : i32 to index
    %get3A_704 = arith.constant 0 : index
    %get3A_705 = tpu.vector_load %arg8[%get3A_703, %get3A_704] {strides = array<i32>} : memref<24x24xf32, #tpu.memory_space<vmem>>, vector<16xf32>,
    %mul3A_706 = arith.mulf %add3A_54, %get3A_705 : vector<16xf32>
    %add3A_707 = arith.addf %add3A_701, %mul3A_706 : vector<16xf32>
    %get3A_708 = arith.constant 16 : i32
    %get3A_709 = arith.index_cast %get3A_708 : i32 to index
    %get3A_710 = arith.constant 0 : index
    %get3A_711 = tpu.vector_load %arg8[%get3A_709, %get3A_710] {strides = array<i32>} : memref<24x24xf32, #tpu.memory_space<vmem>>, vector<16xf32>,
    %mul3A_712 = arith.mulf %mul3A_59, %get3A_711 : vector<16xf32>
    %add3A_713 = arith.addf %add3A_707, %mul3A_712 : vector<16xf32>
    %swap3A_714 = arith.constant 11 : i32
    %swap3A_715 = arith.index_cast %swap3A_714 : i32 to index
    %swap3A_716 = arith.constant 0 : index
    %swap3A_717 = tpu.vector_load %arg9[%swap3A_715, %swap3A_716] {strides = array<i32>} : memref<17x24xf32, #tpu.memory_space<vmem>>, vector<16xf32>,
    tpu.vector_store %arg9[%swap3A_715, %swap3A_716], %add3A_713 {strides = array<i32>} : memref<17x24xf32, #tpu.memory_space<vmem>>, vector<16xf32>,
    %get3A_718 = arith.constant 13 : i32
    %get3A_719 = arith.index_cast %get3A_718 : i32 to index
    %get3A_720 = arith.constant 8 : index
    %get3A_721 = tpu.vector_load %arg8[%get3A_719, %get3A_720] {strides = array<i32>} : memref<24x24xf32, #tpu.memory_space<vmem>>, vector<16xf32>,
    %mul3A_722 = arith.mulf %mul3A_31, %get3A_721 : vector<16xf32>
    %get3A_723 = arith.constant 14 : i32
    %get3A_724 = arith.index_cast %get3A_723 : i32 to index
    %get3A_725 = arith.constant 8 : index
    %get3A_726 = tpu.vector_load %arg8[%get3A_724, %get3A_725] {strides = array<i32>} : memref<24x24xf32, #tpu.memory_space<vmem>>, vector<16xf32>,
    %mul3A_727 = arith.mulf %add3A_47, %get3A_726 : vector<16xf32>
    %add3A_728 = arith.addf %mul3A_722, %mul3A_727 : vector<16xf32>
    %get3A_729 = arith.constant 15 : i32
    %get3A_730 = arith.index_cast %get3A_729 : i32 to index
    %get3A_731 = arith.constant 8 : index
    %get3A_732 = tpu.vector_load %arg8[%get3A_730, %get3A_731] {strides = array<i32>} : memref<24x24xf32, #tpu.memory_space<vmem>>, vector<16xf32>,
    %mul3A_733 = arith.mulf %add3A_54, %get3A_732 : vector<16xf32>
    %add3A_734 = arith.addf %add3A_728, %mul3A_733 : vector<16xf32>
    %get3A_735 = arith.constant 16 : i32
    %get3A_736 = arith.index_cast %get3A_735 : i32 to index
    %get3A_737 = arith.constant 8 : index
    %get3A_738 = tpu.vector_load %arg8[%get3A_736, %get3A_737] {strides = array<i32>} : memref<24x24xf32, #tpu.memory_space<vmem>>, vector<16xf32>,
    %mul3A_739 = arith.mulf %mul3A_59, %get3A_738 : vector<16xf32>
    %add3A_740 = arith.addf %add3A_734, %mul3A_739 : vector<16xf32>
    %swap3A_741 = arith.constant 11 : i32
    %swap3A_742 = arith.index_cast %swap3A_741 : i32 to index
    %swap3A_743 = arith.constant 8 : index
    %swap3A_744 = tpu.vector_load %arg9[%swap3A_742, %swap3A_743] {strides = array<i32>} : memref<17x24xf32, #tpu.memory_space<vmem>>, vector<16xf32>,
    tpu.vector_store %arg9[%swap3A_742, %swap3A_743], %add3A_740 {strides = array<i32>} : memref<17x24xf32, #tpu.memory_space<vmem>>, vector<16xf32>,
    %get3A_745 = arith.constant 14 : i32
    %get3A_746 = arith.index_cast %get3A_745 : i32 to index
    %get3A_747 = arith.constant 0 : index
    %get3A_748 = tpu.vector_load %arg8[%get3A_746, %get3A_747] {strides = array<i32>} : memref<24x24xf32, #tpu.memory_space<vmem>>, vector<16xf32>,
    %mul3A_749 = arith.mulf %mul3A_31, %get3A_748 : vector<16xf32>
    %get3A_750 = arith.constant 15 : i32
    %get3A_751 = arith.index_cast %get3A_750 : i32 to index
    %get3A_752 = arith.constant 0 : index
    %get3A_753 = tpu.vector_load %arg8[%get3A_751, %get3A_752] {strides = array<i32>} : memref<24x24xf32, #tpu.memory_space<vmem>>, vector<16xf32>,
    %mul3A_754 = arith.mulf %add3A_47, %get3A_753 : vector<16xf32>
    %add3A_755 = arith.addf %mul3A_749, %mul3A_754 : vector<16xf32>
    %get3A_756 = arith.constant 16 : i32
    %get3A_757 = arith.index_cast %get3A_756 : i32 to index
    %get3A_758 = arith.constant 0 : index
    %get3A_759 = tpu.vector_load %arg8[%get3A_757, %get3A_758] {strides = array<i32>} : memref<24x24xf32, #tpu.memory_space<vmem>>, vector<16xf32>,
    %mul3A_760 = arith.mulf %add3A_54, %get3A_759 : vector<16xf32>
    %add3A_761 = arith.addf %add3A_755, %mul3A_760 : vector<16xf32>
    %get3A_762 = arith.constant 17 : i32
    %get3A_763 = arith.index_cast %get3A_762 : i32 to index
    %get3A_764 = arith.constant 0 : index
    %get3A_765 = tpu.vector_load %arg8[%get3A_763, %get3A_764] {strides = array<i32>} : memref<24x24xf32, #tpu.memory_space<vmem>>, vector<16xf32>,
    %mul3A_766 = arith.mulf %mul3A_59, %get3A_765 : vector<16xf32>
    %add3A_767 = arith.addf %add3A_761, %mul3A_766 : vector<16xf32>
    %swap3A_768 = arith.constant 12 : i32
    %swap3A_769 = arith.index_cast %swap3A_768 : i32 to index
    %swap3A_770 = arith.constant 0 : index
    %swap3A_771 = tpu.vector_load %arg9[%swap3A_769, %swap3A_770] {strides = array<i32>} : memref<17x24xf32, #tpu.memory_space<vmem>>, vector<16xf32>,
    tpu.vector_store %arg9[%swap3A_769, %swap3A_770], %add3A_767 {strides = array<i32>} : memref<17x24xf32, #tpu.memory_space<vmem>>, vector<16xf32>,
    %get3A_772 = arith.constant 14 : i32
    %get3A_773 = arith.index_cast %get3A_772 : i32 to index
    %get3A_774 = arith.constant 8 : index
    %get3A_775 = tpu.vector_load %arg8[%get3A_773, %get3A_774] {strides = array<i32>} : memref<24x24xf32, #tpu.memory_space<vmem>>, vector<16xf32>,
    %mul3A_776 = arith.mulf %mul3A_31, %get3A_775 : vector<16xf32>
    %get3A_777 = arith.constant 15 : i32
    %get3A_778 = arith.index_cast %get3A_777 : i32 to index
    %get3A_779 = arith.constant 8 : index
    %get3A_780 = tpu.vector_load %arg8[%get3A_778, %get3A_779] {strides = array<i32>} : memref<24x24xf32, #tpu.memory_space<vmem>>, vector<16xf32>,
    %mul3A_781 = arith.mulf %add3A_47, %get3A_780 : vector<16xf32>
    %add3A_782 = arith.addf %mul3A_776, %mul3A_781 : vector<16xf32>
    %get3A_783 = arith.constant 16 : i32
    %get3A_784 = arith.index_cast %get3A_783 : i32 to index
    %get3A_785 = arith.constant 8 : index
    %get3A_786 = tpu.vector_load %arg8[%get3A_784, %get3A_785] {strides = array<i32>} : memref<24x24xf32, #tpu.memory_space<vmem>>, vector<16xf32>,
    %mul3A_787 = arith.mulf %add3A_54, %get3A_786 : vector<16xf32>
    %add3A_788 = arith.addf %add3A_782, %mul3A_787 : vector<16xf32>
    %get3A_789 = arith.constant 17 : i32
    %get3A_790 = arith.index_cast %get3A_789 : i32 to index
    %get3A_791 = arith.constant 8 : index
    %get3A_792 = tpu.vector_load %arg8[%get3A_790, %get3A_791] {strides = array<i32>} : memref<24x24xf32, #tpu.memory_space<vmem>>, vector<16xf32>,
    %mul3A_793 = arith.mulf %mul3A_59, %get3A_792 : vector<16xf32>
    %add3A_794 = arith.addf %add3A_788, %mul3A_793 : vector<16xf32>
    %swap3A_795 = arith.constant 12 : i32
    %swap3A_796 = arith.index_cast %swap3A_795 : i32 to index
    %swap3A_797 = arith.constant 8 : index
    %swap3A_798 = tpu.vector_load %arg9[%swap3A_796, %swap3A_797] {strides = array<i32>} : memref<17x24xf32, #tpu.memory_space<vmem>>, vector<16xf32>,
    tpu.vector_store %arg9[%swap3A_796, %swap3A_797], %add3A_794 {strides = array<i32>} : memref<17x24xf32, #tpu.memory_space<vmem>>, vector<16xf32>,
    %get3A_799 = arith.constant 15 : i32
    %get3A_800 = arith.index_cast %get3A_799 : i32 to index
    %get3A_801 = arith.constant 0 : index
    %get3A_802 = tpu.vector_load %arg8[%get3A_800, %get3A_801] {strides = array<i32>} : memref<24x24xf32, #tpu.memory_space<vmem>>, vector<16xf32>,
    %mul3A_803 = arith.mulf %mul3A_31, %get3A_802 : vector<16xf32>
    %get3A_804 = arith.constant 16 : i32
    %get3A_805 = arith.index_cast %get3A_804 : i32 to index
    %get3A_806 = arith.constant 0 : index
    %get3A_807 = tpu.vector_load %arg8[%get3A_805, %get3A_806] {strides = array<i32>} : memref<24x24xf32, #tpu.memory_space<vmem>>, vector<16xf32>,
    %mul3A_808 = arith.mulf %add3A_47, %get3A_807 : vector<16xf32>
    %add3A_809 = arith.addf %mul3A_803, %mul3A_808 : vector<16xf32>
    %get3A_810 = arith.constant 17 : i32
    %get3A_811 = arith.index_cast %get3A_810 : i32 to index
    %get3A_812 = arith.constant 0 : index
    %get3A_813 = tpu.vector_load %arg8[%get3A_811, %get3A_812] {strides = array<i32>} : memref<24x24xf32, #tpu.memory_space<vmem>>, vector<16xf32>,
    %mul3A_814 = arith.mulf %add3A_54, %get3A_813 : vector<16xf32>
    %add3A_815 = arith.addf %add3A_809, %mul3A_814 : vector<16xf32>
    %get3A_816 = arith.constant 18 : i32
    %get3A_817 = arith.index_cast %get3A_816 : i32 to index
    %get3A_818 = arith.constant 0 : index
    %get3A_819 = tpu.vector_load %arg8[%get3A_817, %get3A_818] {strides = array<i32>} : memref<24x24xf32, #tpu.memory_space<vmem>>, vector<16xf32>,
    %mul3A_820 = arith.mulf %mul3A_59, %get3A_819 : vector<16xf32>
    %add3A_821 = arith.addf %add3A_815, %mul3A_820 : vector<16xf32>
    %swap3A_822 = arith.constant 13 : i32
    %swap3A_823 = arith.index_cast %swap3A_822 : i32 to index
    %swap3A_824 = arith.constant 0 : index
    %swap3A_825 = tpu.vector_load %arg9[%swap3A_823, %swap3A_824] {strides = array<i32>} : memref<17x24xf32, #tpu.memory_space<vmem>>, vector<16xf32>,
    tpu.vector_store %arg9[%swap3A_823, %swap3A_824], %add3A_821 {strides = array<i32>} : memref<17x24xf32, #tpu.memory_space<vmem>>, vector<16xf32>,
    %get3A_826 = arith.constant 15 : i32
    %get3A_827 = arith.index_cast %get3A_826 : i32 to index
    %get3A_828 = arith.constant 8 : index
    %get3A_829 = tpu.vector_load %arg8[%get3A_827, %get3A_828] {strides = array<i32>} : memref<24x24xf32, #tpu.memory_space<vmem>>, vector<16xf32>,
    %mul3A_830 = arith.mulf %mul3A_31, %get3A_829 : vector<16xf32>
    %get3A_831 = arith.constant 16 : i32
    %get3A_832 = arith.index_cast %get3A_831 : i32 to index
    %get3A_833 = arith.constant 8 : index
    %get3A_834 = tpu.vector_load %arg8[%get3A_832, %get3A_833] {strides = array<i32>} : memref<24x24xf32, #tpu.memory_space<vmem>>, vector<16xf32>,
    %mul3A_835 = arith.mulf %add3A_47, %get3A_834 : vector<16xf32>
    %add3A_836 = arith.addf %mul3A_830, %mul3A_835 : vector<16xf32>
    %get3A_837 = arith.constant 17 : i32
    %get3A_838 = arith.index_cast %get3A_837 : i32 to index
    %get3A_839 = arith.constant 8 : index
    %get3A_840 = tpu.vector_load %arg8[%get3A_838, %get3A_839] {strides = array<i32>} : memref<24x24xf32, #tpu.memory_space<vmem>>, vector<16xf32>,
    %mul3A_841 = arith.mulf %add3A_54, %get3A_840 : vector<16xf32>
    %add3A_842 = arith.addf %add3A_836, %mul3A_841 : vector<16xf32>
    %get3A_843 = arith.constant 18 : i32
    %get3A_844 = arith.index_cast %get3A_843 : i32 to index
    %get3A_845 = arith.constant 8 : index
    %get3A_846 = tpu.vector_load %arg8[%get3A_844, %get3A_845] {strides = array<i32>} : memref<24x24xf32, #tpu.memory_space<vmem>>, vector<16xf32>,
    %mul3A_847 = arith.mulf %mul3A_59, %get3A_846 : vector<16xf32>
    %add3A_848 = arith.addf %add3A_842, %mul3A_847 : vector<16xf32>
    %swap3A_849 = arith.constant 13 : i32
    %swap3A_850 = arith.index_cast %swap3A_849 : i32 to index
    %swap3A_851 = arith.constant 8 : index
    %swap3A_852 = tpu.vector_load %arg9[%swap3A_850, %swap3A_851] {strides = array<i32>} : memref<17x24xf32, #tpu.memory_space<vmem>>, vector<16xf32>,
    tpu.vector_store %arg9[%swap3A_850, %swap3A_851], %add3A_848 {strides = array<i32>} : memref<17x24xf32, #tpu.memory_space<vmem>>, vector<16xf32>,
    %get3A_853 = arith.constant 16 : i32
    %get3A_854 = arith.index_cast %get3A_853 : i32 to index
    %get3A_855 = arith.constant 0 : index
    %get3A_856 = tpu.vector_load %arg8[%get3A_854, %get3A_855] {strides = array<i32>} : memref<24x24xf32, #tpu.memory_space<vmem>>, vector<16xf32>,
    %mul3A_857 = arith.mulf %mul3A_31, %get3A_856 : vector<16xf32>
    %get3A_858 = arith.constant 17 : i32
    %get3A_859 = arith.index_cast %get3A_858 : i32 to index
    %get3A_860 = arith.constant 0 : index
    %get3A_861 = tpu.vector_load %arg8[%get3A_859, %get3A_860] {strides = array<i32>} : memref<24x24xf32, #tpu.memory_space<vmem>>, vector<16xf32>,
    %mul3A_862 = arith.mulf %add3A_47, %get3A_861 : vector<16xf32>
    %add3A_863 = arith.addf %mul3A_857, %mul3A_862 : vector<16xf32>
    %get3A_864 = arith.constant 18 : i32
    %get3A_865 = arith.index_cast %get3A_864 : i32 to index
    %get3A_866 = arith.constant 0 : index
    %get3A_867 = tpu.vector_load %arg8[%get3A_865, %get3A_866] {strides = array<i32>} : memref<24x24xf32, #tpu.memory_space<vmem>>, vector<16xf32>,
    %mul3A_868 = arith.mulf %add3A_54, %get3A_867 : vector<16xf32>
    %add3A_869 = arith.addf %add3A_863, %mul3A_868 : vector<16xf32>
    %get3A_870 = arith.constant 19 : i32
    %get3A_871 = arith.index_cast %get3A_870 : i32 to index
    %get3A_872 = arith.constant 0 : index
    %get3A_873 = tpu.vector_load %arg8[%get3A_871, %get3A_872] {strides = array<i32>} : memref<24x24xf32, #tpu.memory_space<vmem>>, vector<16xf32>,
    %mul3A_874 = arith.mulf %mul3A_59, %get3A_873 : vector<16xf32>
    %add3A_875 = arith.addf %add3A_869, %mul3A_874 : vector<16xf32>
    %swap3A_876 = arith.constant 14 : i32
    %swap3A_877 = arith.index_cast %swap3A_876 : i32 to index
    %swap3A_878 = arith.constant 0 : index
    %swap3A_879 = tpu.vector_load %arg9[%swap3A_877, %swap3A_878] {strides = array<i32>} : memref<17x24xf32, #tpu.memory_space<vmem>>, vector<16xf32>,
    tpu.vector_store %arg9[%swap3A_877, %swap3A_878], %add3A_875 {strides = array<i32>} : memref<17x24xf32, #tpu.memory_space<vmem>>, vector<16xf32>,
    %get3A_880 = arith.constant 16 : i32
    %get3A_881 = arith.index_cast %get3A_880 : i32 to index
    %get3A_882 = arith.constant 8 : index
    %get3A_883 = tpu.vector_load %arg8[%get3A_881, %get3A_882] {strides = array<i32>} : memref<24x24xf32, #tpu.memory_space<vmem>>, vector<16xf32>,
    %mul3A_884 = arith.mulf %mul3A_31, %get3A_883 : vector<16xf32>
    %get3A_885 = arith.constant 17 : i32
    %get3A_886 = arith.index_cast %get3A_885 : i32 to index
    %get3A_887 = arith.constant 8 : index
    %get3A_888 = tpu.vector_load %arg8[%get3A_886, %get3A_887] {strides = array<i32>} : memref<24x24xf32, #tpu.memory_space<vmem>>, vector<16xf32>,
    %mul3A_889 = arith.mulf %add3A_47, %get3A_888 : vector<16xf32>
    %add3A_890 = arith.addf %mul3A_884, %mul3A_889 : vector<16xf32>
    %get3A_891 = arith.constant 18 : i32
    %get3A_892 = arith.index_cast %get3A_891 : i32 to index
    %get3A_893 = arith.constant 8 : index
    %get3A_894 = tpu.vector_load %arg8[%get3A_892, %get3A_893] {strides = array<i32>} : memref<24x24xf32, #tpu.memory_space<vmem>>, vector<16xf32>,
    %mul3A_895 = arith.mulf %add3A_54, %get3A_894 : vector<16xf32>
    %add3A_896 = arith.addf %add3A_890, %mul3A_895 : vector<16xf32>
    %get3A_897 = arith.constant 19 : i32
    %get3A_898 = arith.index_cast %get3A_897 : i32 to index
    %get3A_899 = arith.constant 8 : index
    %get3A_900 = tpu.vector_load %arg8[%get3A_898, %get3A_899] {strides = array<i32>} : memref<24x24xf32, #tpu.memory_space<vmem>>, vector<16xf32>,
    %mul3A_901 = arith.mulf %mul3A_59, %get3A_900 : vector<16xf32>
    %add3A_902 = arith.addf %add3A_896, %mul3A_901 : vector<16xf32>
    %swap3A_903 = arith.constant 14 : i32
    %swap3A_904 = arith.index_cast %swap3A_903 : i32 to index
    %swap3A_905 = arith.constant 8 : index
    %swap3A_906 = tpu.vector_load %arg9[%swap3A_904, %swap3A_905] {strides = array<i32>} : memref<17x24xf32, #tpu.memory_space<vmem>>, vector<16xf32>,
    tpu.vector_store %arg9[%swap3A_904, %swap3A_905], %add3A_902 {strides = array<i32>} : memref<17x24xf32, #tpu.memory_space<vmem>>, vector<16xf32>,
    %get3A_907 = arith.constant 17 : i32
    %get3A_908 = arith.index_cast %get3A_907 : i32 to index
    %get3A_909 = arith.constant 0 : index
    %get3A_910 = tpu.vector_load %arg8[%get3A_908, %get3A_909] {strides = array<i32>} : memref<24x24xf32, #tpu.memory_space<vmem>>, vector<16xf32>,
    %mul3A_911 = arith.mulf %mul3A_31, %get3A_910 : vector<16xf32>
    %get3A_912 = arith.constant 18 : i32
    %get3A_913 = arith.index_cast %get3A_912 : i32 to index
    %get3A_914 = arith.constant 0 : index
    %get3A_915 = tpu.vector_load %arg8[%get3A_913, %get3A_914] {strides = array<i32>} : memref<24x24xf32, #tpu.memory_space<vmem>>, vector<16xf32>,
    %mul3A_916 = arith.mulf %add3A_47, %get3A_915 : vector<16xf32>
    %add3A_917 = arith.addf %mul3A_911, %mul3A_916 : vector<16xf32>
    %get3A_918 = arith.constant 19 : i32
    %get3A_919 = arith.index_cast %get3A_918 : i32 to index
    %get3A_920 = arith.constant 0 : index
    %get3A_921 = tpu.vector_load %arg8[%get3A_919, %get3A_920] {strides = array<i32>} : memref<24x24xf32, #tpu.memory_space<vmem>>, vector<16xf32>,
    %mul3A_922 = arith.mulf %add3A_54, %get3A_921 : vector<16xf32>
    %add3A_923 = arith.addf %add3A_917, %mul3A_922 : vector<16xf32>
    %get3A_924 = arith.constant 20 : i32
    %get3A_925 = arith.index_cast %get3A_924 : i32 to index
    %get3A_926 = arith.constant 0 : index
    %get3A_927 = tpu.vector_load %arg8[%get3A_925, %get3A_926] {strides = array<i32>} : memref<24x24xf32, #tpu.memory_space<vmem>>, vector<16xf32>,
    %mul3A_928 = arith.mulf %mul3A_59, %get3A_927 : vector<16xf32>
    %add3A_929 = arith.addf %add3A_923, %mul3A_928 : vector<16xf32>
    %swap3A_930 = arith.constant 15 : i32
    %swap3A_931 = arith.index_cast %swap3A_930 : i32 to index
    %swap3A_932 = arith.constant 0 : index
    %swap3A_933 = tpu.vector_load %arg9[%swap3A_931, %swap3A_932] {strides = array<i32>} : memref<17x24xf32, #tpu.memory_space<vmem>>, vector<16xf32>,
    tpu.vector_store %arg9[%swap3A_931, %swap3A_932], %add3A_929 {strides = array<i32>} : memref<17x24xf32, #tpu.memory_space<vmem>>, vector<16xf32>,
    %get3A_934 = arith.constant 17 : i32
    %get3A_935 = arith.index_cast %get3A_934 : i32 to index
    %get3A_936 = arith.constant 8 : index
    %get3A_937 = tpu.vector_load %arg8[%get3A_935, %get3A_936] {strides = array<i32>} : memref<24x24xf32, #tpu.memory_space<vmem>>, vector<16xf32>,
    %mul3A_938 = arith.mulf %mul3A_31, %get3A_937 : vector<16xf32>
    %get3A_939 = arith.constant 18 : i32
    %get3A_940 = arith.index_cast %get3A_939 : i32 to index
    %get3A_941 = arith.constant 8 : index
    %get3A_942 = tpu.vector_load %arg8[%get3A_940, %get3A_941] {strides = array<i32>} : memref<24x24xf32, #tpu.memory_space<vmem>>, vector<16xf32>,
    %mul3A_943 = arith.mulf %add3A_47, %get3A_942 : vector<16xf32>
    %add3A_944 = arith.addf %mul3A_938, %mul3A_943 : vector<16xf32>
    %get3A_945 = arith.constant 19 : i32
    %get3A_946 = arith.index_cast %get3A_945 : i32 to index
    %get3A_947 = arith.constant 8 : index
    %get3A_948 = tpu.vector_load %arg8[%get3A_946, %get3A_947] {strides = array<i32>} : memref<24x24xf32, #tpu.memory_space<vmem>>, vector<16xf32>,
    %mul3A_949 = arith.mulf %add3A_54, %get3A_948 : vector<16xf32>
    %add3A_950 = arith.addf %add3A_944, %mul3A_949 : vector<16xf32>
    %get3A_951 = arith.constant 20 : i32
    %get3A_952 = arith.index_cast %get3A_951 : i32 to index
    %get3A_953 = arith.constant 8 : index
    %get3A_954 = tpu.vector_load %arg8[%get3A_952, %get3A_953] {strides = array<i32>} : memref<24x24xf32, #tpu.memory_space<vmem>>, vector<16xf32>,
    %mul3A_955 = arith.mulf %mul3A_59, %get3A_954 : vector<16xf32>
    %add3A_956 = arith.addf %add3A_950, %mul3A_955 : vector<16xf32>
    %swap3A_957 = arith.constant 15 : i32
    %swap3A_958 = arith.index_cast %swap3A_957 : i32 to index
    %swap3A_959 = arith.constant 8 : index
    %swap3A_960 = tpu.vector_load %arg9[%swap3A_958, %swap3A_959] {strides = array<i32>} : memref<17x24xf32, #tpu.memory_space<vmem>>, vector<16xf32>,
    tpu.vector_store %arg9[%swap3A_958, %swap3A_959], %add3A_956 {strides = array<i32>} : memref<17x24xf32, #tpu.memory_space<vmem>>, vector<16xf32>,
    %get3A_961 = arith.constant 18 : i32
    %get3A_962 = arith.index_cast %get3A_961 : i32 to index
    %get3A_963 = arith.constant 0 : index
    %get3A_964 = tpu.vector_load %arg8[%get3A_962, %get3A_963] {strides = array<i32>} : memref<24x24xf32, #tpu.memory_space<vmem>>, vector<16xf32>,
    %mul3A_965 = arith.mulf %mul3A_31, %get3A_964 : vector<16xf32>
    %get3A_966 = arith.constant 19 : i32
    %get3A_967 = arith.index_cast %get3A_966 : i32 to index
    %get3A_968 = arith.constant 0 : index
    %get3A_969 = tpu.vector_load %arg8[%get3A_967, %get3A_968] {strides = array<i32>} : memref<24x24xf32, #tpu.memory_space<vmem>>, vector<16xf32>,
    %mul3A_970 = arith.mulf %add3A_47, %get3A_969 : vector<16xf32>
    %add3A_971 = arith.addf %mul3A_965, %mul3A_970 : vector<16xf32>
    %get3A_972 = arith.constant 20 : i32
    %get3A_973 = arith.index_cast %get3A_972 : i32 to index
    %get3A_974 = arith.constant 0 : index
    %get3A_975 = tpu.vector_load %arg8[%get3A_973, %get3A_974] {strides = array<i32>} : memref<24x24xf32, #tpu.memory_space<vmem>>, vector<16xf32>,
    %mul3A_976 = arith.mulf %add3A_54, %get3A_975 : vector<16xf32>
    %add3A_977 = arith.addf %add3A_971, %mul3A_976 : vector<16xf32>
    %get3A_978 = arith.constant 21 : i32
    %get3A_979 = arith.index_cast %get3A_978 : i32 to index
    %get3A_980 = arith.constant 0 : index
    %get3A_981 = tpu.vector_load %arg8[%get3A_979, %get3A_980] {strides = array<i32>} : memref<24x24xf32, #tpu.memory_space<vmem>>, vector<16xf32>,
    %mul3A_982 = arith.mulf %mul3A_59, %get3A_981 : vector<16xf32>
    %add3A_983 = arith.addf %add3A_977, %mul3A_982 : vector<16xf32>
    %swap3A_984 = arith.constant 16 : i32
    %swap3A_985 = arith.index_cast %swap3A_984 : i32 to index
    %swap3A_986 = arith.constant 0 : index
    %swap3A_987 = tpu.vector_load %arg9[%swap3A_985, %swap3A_986] {strides = array<i32>} : memref<17x24xf32, #tpu.memory_space<vmem>>, vector<16xf32>,
    tpu.vector_store %arg9[%swap3A_985, %swap3A_986], %add3A_983 {strides = array<i32>} : memref<17x24xf32, #tpu.memory_space<vmem>>, vector<16xf32>,
    %get3A_988 = arith.constant 18 : i32
    %get3A_989 = arith.index_cast %get3A_988 : i32 to index
    %get3A_990 = arith.constant 8 : index
    %get3A_991 = tpu.vector_load %arg8[%get3A_989, %get3A_990] {strides = array<i32>} : memref<24x24xf32, #tpu.memory_space<vmem>>, vector<16xf32>,
    %mul3A_992 = arith.mulf %mul3A_31, %get3A_991 : vector<16xf32>
    %get3A_993 = arith.constant 19 : i32
    %get3A_994 = arith.index_cast %get3A_993 : i32 to index
    %get3A_995 = arith.constant 8 : index
    %get3A_996 = tpu.vector_load %arg8[%get3A_994, %get3A_995] {strides = array<i32>} : memref<24x24xf32, #tpu.memory_space<vmem>>, vector<16xf32>,
    %mul3A_997 = arith.mulf %add3A_47, %get3A_996 : vector<16xf32>
    %add3A_998 = arith.addf %mul3A_992, %mul3A_997 : vector<16xf32>
    %get3A_999 = arith.constant 20 : i32
    %get3A_1000 = arith.index_cast %get3A_999 : i32 to index
    %get3A_1001 = arith.constant 8 : index
    %get3A_1002 = tpu.vector_load %arg8[%get3A_1000, %get3A_1001] {strides = array<i32>} : memref<24x24xf32, #tpu.memory_space<vmem>>, vector<16xf32>,
    %mul3A_1003 = arith.mulf %add3A_54, %get3A_1002 : vector<16xf32>
    %add3A_1004 = arith.addf %add3A_998, %mul3A_1003 : vector<16xf32>
    %get3A_1005 = arith.constant 21 : i32
    %get3A_1006 = arith.index_cast %get3A_1005 : i32 to index
    %get3A_1007 = arith.constant 8 : index
    %get3A_1008 = tpu.vector_load %arg8[%get3A_1006, %get3A_1007] {strides = array<i32>} : memref<24x24xf32, #tpu.memory_space<vmem>>, vector<16xf32>,
    %mul3A_1009 = arith.mulf %mul3A_59, %get3A_1008 : vector<16xf32>
    %add3A_1010 = arith.addf %add3A_1004, %mul3A_1009 : vector<16xf32>
    %swap3A_1011 = arith.constant 16 : i32
    %swap3A_1012 = arith.index_cast %swap3A_1011 : i32 to index
    %swap3A_1013 = arith.constant 8 : index
    %swap3A_1014 = tpu.vector_load %arg9[%swap3A_1012, %swap3A_1013] {strides = array<i32>} : memref<17x24xf32, #tpu.memory_space<vmem>>, vector<16xf32>,
    tpu.vector_store %arg9[%swap3A_1012, %swap3A_1013], %add3A_1010 {strides = array<i32>} : memref<17x24xf32, #tpu.memory_space<vmem>>, vector<16xf32>,
    %add3A_1015 = arith.constant 120 : i32
    %add3A_1016 = vector.broadcast %add3A_1015 : i32 to vector<16xi32>
    %add3A_1017 = arith.addi %select_n3A, %add3A_1016 : vector<16xi32>
    %add3A_1018 = arith.constant 120 : i32
    %add3A_1019 = vector.broadcast %add3A_1018 : i32 to vector<16xi32>
    %add3A_1020 = arith.addi %select_n3A_21, %add3A_1019 : vector<16xi32>
    %scan3A_1021 = arith.constant 0 : i32
    %scan3A_1022 = arith.constant 32 : i32
    %scan3A_1023 = arith.addi %scan3A_1021, %scan3A_1022 : i32
    %scan3A_1024 = arith.constant 1 : i32
    %scan3A_1025:6 = scf.for %scan3A_1027 = %scan3A_1021 to %scan3A_1023 step %scan3A_1024 iter_args(%scan3A_1028 = %mul3A_69, %scan3A_1029 = %add3A_86, %scan3A_1030 = %add3A_93, %scan3A_1031 = %mul3A_98, %scan3A_1032 = %add3A_1017, %scan3A_1033 = %add3A_1020) -> (vector<16xf32>, vector<16xf32>, vector<16xf32>, vector<16xf32>, vector<16xi32>, vector<16xi32>)  : i32 {
      %add3A_1034 = arith.constant 0 : i32
      %add3A_1035 = vector.broadcast %add3A_1034 : i32 to vector<16xi32>
      %add3A_1036 = arith.addi %scan3A_1033, %add3A_1035 : vector<16xi32>
      %add3A_1037 = arith.addi %add3A_1036, %iota3A : vector<16xi32>
      %ge3A = arith.constant 0 : i32
      %ge3A_1038 = vector.broadcast %ge3A : i32 to vector<16xi32>
      %ge3A_1039 = arith.cmpi sge, %add3A_1037, %ge3A_1038 : vector<16xi32>
      %lt3A_1040 = arith.constant 256 : i32
      %lt3A_1041 = vector.broadcast %lt3A_1040 : i32 to vector<16xi32>
      %lt3A_1042 = arith.cmpi slt, %add3A_1037, %lt3A_1041 : vector<16xi32>
      %and3A = arith.andi %ge3A_1039, %lt3A_1042 : vector<16xi1>
      %jit3A = arith.constant 0 : i32
      %jit3A_1043 = arith.constant 255 : i32
      %max3A = vector.broadcast %jit3A : i32 to vector<16xi32>
      %max3A_1044 = arith.maxsi %max3A, %add3A_1037 : vector<16xi32>
      %min3A = vector.broadcast %jit3A_1043 : i32 to vector<16xi32>
      %min3A_1045 = arith.minsi %min3A, %max3A_1044 : vector<16xi32>
      %add3A_1046 = arith.constant 1 : i32
      %add3A_1047 = vector.broadcast %add3A_1046 : i32 to vector<16xi32>
      %add3A_1048 = arith.addi %scan3A_1033, %add3A_1047 : vector<16xi32>
      %add3A_1049 = arith.addi %add3A_1048, %iota3A : vector<16xi32>
      %ge3A_1050 = arith.constant 0 : i32
      %ge3A_1051 = vector.broadcast %ge3A_1050 : i32 to vector<16xi32>
      %ge3A_1052 = arith.cmpi sge, %add3A_1049, %ge3A_1051 : vector<16xi32>
      %lt3A_1053 = arith.constant 256 : i32
      %lt3A_1054 = vector.broadcast %lt3A_1053 : i32 to vector<16xi32>
      %lt3A_1055 = arith.cmpi slt, %add3A_1049, %lt3A_1054 : vector<16xi32>
      %and3A_1056 = arith.andi %ge3A_1052, %lt3A_1055 : vector<16xi1>
      %lt3A_1057 = arith.constant 16 : i32
      %lt3A_1058 = vector.broadcast %lt3A_1057 : i32 to vector<16xi32>
      %lt3A_1059 = arith.cmpi slt, %iota3A, %lt3A_1058 : vector<16xi32>
      %and3A_1060 = arith.andi %and3A_1056, %lt3A_1059 : vector<16xi1>
      %jit3A_1061 = arith.constant 0 : i32
      %jit3A_1062 = arith.constant 255 : i32
      %max3A_1063 = vector.broadcast %jit3A_1061 : i32 to vector<16xi32>
      %max3A_1064 = arith.maxsi %max3A_1063, %add3A_1049 : vector<16xi32>
      %min3A_1065 = vector.broadcast %jit3A_1062 : i32 to vector<16xi32>
      %min3A_1066 = arith.minsi %min3A_1065, %max3A_1064 : vector<16xi32>
      %add3A_1067 = arith.constant 0 : i32
      %add3A_1068 = vector.broadcast %add3A_1067 : i32 to vector<16xi32>
      %add3A_1069 = arith.addi %scan3A_1032, %add3A_1068 : vector<16xi32>
      %ge3A_1070 = arith.constant 0 : i32
      %ge3A_1071 = vector.broadcast %ge3A_1070 : i32 to vector<16xi32>
      %ge3A_1072 = arith.cmpi sge, %add3A_1069, %ge3A_1071 : vector<16xi32>
      %lt3A_1073 = arith.constant 256 : i32
      %lt3A_1074 = vector.broadcast %lt3A_1073 : i32 to vector<16xi32>
      %lt3A_1075 = arith.cmpi slt, %add3A_1069, %lt3A_1074 : vector<16xi32>
      %and3A_1076 = arith.andi %ge3A_1072, %lt3A_1075 : vector<16xi1>
      %jit3A_1077 = arith.constant 0 : i32
      %jit3A_1078 = arith.constant 255 : i32
      %max3A_1079 = vector.broadcast %jit3A_1077 : i32 to vector<16xi32>
      %max3A_1080 = arith.maxsi %max3A_1079, %add3A_1069 : vector<16xi32>
      %min3A_1081 = vector.broadcast %jit3A_1078 : i32 to vector<16xi32>
      %min3A_1082 = arith.minsi %min3A_1081, %max3A_1080 : vector<16xi32>
      %get3A_1083 = arith.constant 0 : i32
      %get3A_1084 = arith.index_cast %get3A_1083 : i32 to index
      %get3A_1085 = arith.constant 2 : index
      %get3A_1086 = tpu.vector_load %arg9[%get3A_1084, %get3A_1085] {strides = array<i32>} : memref<17x24xf32, #tpu.memory_space<vmem>>, vector<16xf32>,
      %mul3A_1087 = arith.mulf %scan3A_1028, %get3A_1086 : vector<16xf32>
      %get3A_1088 = arith.constant 0 : i32
      %get3A_1089 = arith.index_cast %get3A_1088 : i32 to index
      %get3A_1090 = arith.constant 3 : index
      %get3A_1091 = tpu.vector_load %arg9[%get3A_1089, %get3A_1090] {strides = array<i32>} : memref<17x24xf32, #tpu.memory_space<vmem>>, vector<16xf32>,
      %mul3A_1092 = arith.mulf %scan3A_1029, %get3A_1091 : vector<16xf32>
      %add3A_1093 = arith.addf %mul3A_1087, %mul3A_1092 : vector<16xf32>
      %get3A_1094 = arith.constant 0 : i32
      %get3A_1095 = arith.index_cast %get3A_1094 : i32 to index
      %get3A_1096 = arith.constant 4 : index
      %get3A_1097 = tpu.vector_load %arg9[%get3A_1095, %get3A_1096] {strides = array<i32>} : memref<17x24xf32, #tpu.memory_space<vmem>>, vector<16xf32>,
      %mul3A_1098 = arith.mulf %scan3A_1030, %get3A_1097 : vector<16xf32>
      %add3A_1099 = arith.addf %add3A_1093, %mul3A_1098 : vector<16xf32>
      %get3A_1100 = arith.constant 0 : i32
      %get3A_1101 = arith.index_cast %get3A_1100 : i32 to index
      %get3A_1102 = arith.constant 5 : index
      %get3A_1103 = tpu.vector_load %arg9[%get3A_1101, %get3A_1102] {strides = array<i32>} : memref<17x24xf32, #tpu.memory_space<vmem>>, vector<16xf32>,
      %mul3A_1104 = arith.mulf %scan3A_1031, %get3A_1103 : vector<16xf32>
      %add3A_1105 = arith.addf %add3A_1099, %mul3A_1104 : vector<16xf32>
      %and3A_1106 = arith.andi %and3A, %and3A_1076 : vector<16xi1>
      tpu.vector_store_idx %arg10[%min3A_1082, %min3A_1045], %add3A_1105 masked %and3A_1106 : memref<256x256xf32, #tpu.memory_space<vmem>>[vector<16xi32>, vector<16xi32>], vector<16xf32>, vector<16xi1>
      %get3A_1107 = arith.constant 0 : i32
      %get3A_1108 = arith.index_cast %get3A_1107 : i32 to index
      %get3A_1109 = arith.constant 3 : index
      %get3A_1110 = tpu.vector_load %arg9[%get3A_1108, %get3A_1109] {strides = array<i32>} : memref<17x24xf32, #tpu.memory_space<vmem>>, vector<16xf32>,
      %mul3A_1111 = arith.mulf %scan3A_1028, %get3A_1110 : vector<16xf32>
      %get3A_1112 = arith.constant 0 : i32
      %get3A_1113 = arith.index_cast %get3A_1112 : i32 to index
      %get3A_1114 = arith.constant 4 : index
      %get3A_1115 = tpu.vector_load %arg9[%get3A_1113, %get3A_1114] {strides = array<i32>} : memref<17x24xf32, #tpu.memory_space<vmem>>, vector<16xf32>,
      %mul3A_1116 = arith.mulf %scan3A_1029, %get3A_1115 : vector<16xf32>
      %add3A_1117 = arith.addf %mul3A_1111, %mul3A_1116 : vector<16xf32>
      %get3A_1118 = arith.constant 0 : i32
      %get3A_1119 = arith.index_cast %get3A_1118 : i32 to index
      %get3A_1120 = arith.constant 5 : index
      %get3A_1121 = tpu.vector_load %arg9[%get3A_1119, %get3A_1120] {strides = array<i32>} : memref<17x24xf32, #tpu.memory_space<vmem>>, vector<16xf32>,
      %mul3A_1122 = arith.mulf %scan3A_1030, %get3A_1121 : vector<16xf32>
      %add3A_1123 = arith.addf %add3A_1117, %mul3A_1122 : vector<16xf32>
      %get3A_1124 = arith.constant 0 : i32
      %get3A_1125 = arith.index_cast %get3A_1124 : i32 to index
      %get3A_1126 = arith.constant 6 : index
      %get3A_1127 = tpu.vector_load %arg9[%get3A_1125, %get3A_1126] {strides = array<i32>} : memref<17x24xf32, #tpu.memory_space<vmem>>, vector<16xf32>,
      %mul3A_1128 = arith.mulf %scan3A_1031, %get3A_1127 : vector<16xf32>
      %add3A_1129 = arith.addf %add3A_1123, %mul3A_1128 : vector<16xf32>
      %and3A_1130 = arith.andi %and3A_1060, %and3A_1076 : vector<16xi1>
      tpu.vector_store_idx %arg10[%min3A_1082, %min3A_1066], %add3A_1129 masked %and3A_1130 : memref<256x256xf32, #tpu.memory_space<vmem>>[vector<16xi32>, vector<16xi32>], vector<16xf32>, vector<16xi1>
      %add3A_1131 = arith.constant 1 : i32
      %add3A_1132 = vector.broadcast %add3A_1131 : i32 to vector<16xi32>
      %add3A_1133 = arith.addi %scan3A_1032, %add3A_1132 : vector<16xi32>
      %ge3A_1134 = arith.constant 0 : i32
      %ge3A_1135 = vector.broadcast %ge3A_1134 : i32 to vector<16xi32>
      %ge3A_1136 = arith.cmpi sge, %add3A_1133, %ge3A_1135 : vector<16xi32>
      %lt3A_1137 = arith.constant 256 : i32
      %lt3A_1138 = vector.broadcast %lt3A_1137 : i32 to vector<16xi32>
      %lt3A_1139 = arith.cmpi slt, %add3A_1133, %lt3A_1138 : vector<16xi32>
      %and3A_1140 = arith.andi %ge3A_1136, %lt3A_1139 : vector<16xi1>
      %jit3A_1141 = arith.constant 0 : i32
      %jit3A_1142 = arith.constant 255 : i32
      %max3A_1143 = vector.broadcast %jit3A_1141 : i32 to vector<16xi32>
      %max3A_1144 = arith.maxsi %max3A_1143, %add3A_1133 : vector<16xi32>
      %min3A_1145 = vector.broadcast %jit3A_1142 : i32 to vector<16xi32>
      %min3A_1146 = arith.minsi %min3A_1145, %max3A_1144 : vector<16xi32>
      %get3A_1147 = arith.constant 1 : i32
      %get3A_1148 = arith.index_cast %get3A_1147 : i32 to index
      %get3A_1149 = arith.constant 2 : index
      %get3A_1150 = tpu.vector_load %arg9[%get3A_1148, %get3A_1149] {strides = array<i32>} : memref<17x24xf32, #tpu.memory_space<vmem>>, vector<16xf32>,
      %mul3A_1151 = arith.mulf %scan3A_1028, %get3A_1150 : vector<16xf32>
      %get3A_1152 = arith.constant 1 : i32
      %get3A_1153 = arith.index_cast %get3A_1152 : i32 to index
      %get3A_1154 = arith.constant 3 : index
      %get3A_1155 = tpu.vector_load %arg9[%get3A_1153, %get3A_1154] {strides = array<i32>} : memref<17x24xf32, #tpu.memory_space<vmem>>, vector<16xf32>,
      %mul3A_1156 = arith.mulf %scan3A_1029, %get3A_1155 : vector<16xf32>
      %add3A_1157 = arith.addf %mul3A_1151, %mul3A_1156 : vector<16xf32>
      %get3A_1158 = arith.constant 1 : i32
      %get3A_1159 = arith.index_cast %get3A_1158 : i32 to index
      %get3A_1160 = arith.constant 4 : index
      %get3A_1161 = tpu.vector_load %arg9[%get3A_1159, %get3A_1160] {strides = array<i32>} : memref<17x24xf32, #tpu.memory_space<vmem>>, vector<16xf32>,
      %mul3A_1162 = arith.mulf %scan3A_1030, %get3A_1161 : vector<16xf32>
      %add3A_1163 = arith.addf %add3A_1157, %mul3A_1162 : vector<16xf32>
      %get3A_1164 = arith.constant 1 : i32
      %get3A_1165 = arith.index_cast %get3A_1164 : i32 to index
      %get3A_1166 = arith.constant 5 : index
      %get3A_1167 = tpu.vector_load %arg9[%get3A_1165, %get3A_1166] {strides = array<i32>} : memref<17x24xf32, #tpu.memory_space<vmem>>, vector<16xf32>,
      %mul3A_1168 = arith.mulf %scan3A_1031, %get3A_1167 : vector<16xf32>
      %add3A_1169 = arith.addf %add3A_1163, %mul3A_1168 : vector<16xf32>
      %and3A_1170 = arith.andi %and3A, %and3A_1140 : vector<16xi1>
      tpu.vector_store_idx %arg10[%min3A_1146, %min3A_1045], %add3A_1169 masked %and3A_1170 : memref<256x256xf32, #tpu.memory_space<vmem>>[vector<16xi32>, vector<16xi32>], vector<16xf32>, vector<16xi1>
      %get3A_1171 = arith.constant 1 : i32
      %get3A_1172 = arith.index_cast %get3A_1171 : i32 to index
      %get3A_1173 = arith.constant 3 : index
      %get3A_1174 = tpu.vector_load %arg9[%get3A_1172, %get3A_1173] {strides = array<i32>} : memref<17x24xf32, #tpu.memory_space<vmem>>, vector<16xf32>,
      %mul3A_1175 = arith.mulf %scan3A_1028, %get3A_1174 : vector<16xf32>
      %get3A_1176 = arith.constant 1 : i32
      %get3A_1177 = arith.index_cast %get3A_1176 : i32 to index
      %get3A_1178 = arith.constant 4 : index
      %get3A_1179 = tpu.vector_load %arg9[%get3A_1177, %get3A_1178] {strides = array<i32>} : memref<17x24xf32, #tpu.memory_space<vmem>>, vector<16xf32>,
      %mul3A_1180 = arith.mulf %scan3A_1029, %get3A_1179 : vector<16xf32>
      %add3A_1181 = arith.addf %mul3A_1175, %mul3A_1180 : vector<16xf32>
      %get3A_1182 = arith.constant 1 : i32
      %get3A_1183 = arith.index_cast %get3A_1182 : i32 to index
      %get3A_1184 = arith.constant 5 : index
      %get3A_1185 = tpu.vector_load %arg9[%get3A_1183, %get3A_1184] {strides = array<i32>} : memref<17x24xf32, #tpu.memory_space<vmem>>, vector<16xf32>,
      %mul3A_1186 = arith.mulf %scan3A_1030, %get3A_1185 : vector<16xf32>
      %add3A_1187 = arith.addf %add3A_1181, %mul3A_1186 : vector<16xf32>
      %get3A_1188 = arith.constant 1 : i32
      %get3A_1189 = arith.index_cast %get3A_1188 : i32 to index
      %get3A_1190 = arith.constant 6 : index
      %get3A_1191 = tpu.vector_load %arg9[%get3A_1189, %get3A_1190] {strides = array<i32>} : memref<17x24xf32, #tpu.memory_space<vmem>>, vector<16xf32>,
      %mul3A_1192 = arith.mulf %scan3A_1031, %get3A_1191 : vector<16xf32>
      %add3A_1193 = arith.addf %add3A_1187, %mul3A_1192 : vector<16xf32>
      %and3A_1194 = arith.andi %and3A_1060, %and3A_1140 : vector<16xi1>
      tpu.vector_store_idx %arg10[%min3A_1146, %min3A_1066], %add3A_1193 masked %and3A_1194 : memref<256x256xf32, #tpu.memory_space<vmem>>[vector<16xi32>, vector<16xi32>], vector<16xf32>, vector<16xi1>
      %add3A_1195 = arith.constant 2 : i32
      %add3A_1196 = vector.broadcast %add3A_1195 : i32 to vector<16xi32>
      %add3A_1197 = arith.addi %scan3A_1032, %add3A_1196 : vector<16xi32>
      %ge3A_1198 = arith.constant 0 : i32
      %ge3A_1199 = vector.broadcast %ge3A_1198 : i32 to vector<16xi32>
      %ge3A_1200 = arith.cmpi sge, %add3A_1197, %ge3A_1199 : vector<16xi32>
      %lt3A_1201 = arith.constant 256 : i32
      %lt3A_1202 = vector.broadcast %lt3A_1201 : i32 to vector<16xi32>
      %lt3A_1203 = arith.cmpi slt, %add3A_1197, %lt3A_1202 : vector<16xi32>
      %and3A_1204 = arith.andi %ge3A_1200, %lt3A_1203 : vector<16xi1>
      %jit3A_1205 = arith.constant 0 : i32
      %jit3A_1206 = arith.constant 255 : i32
      %max3A_1207 = vector.broadcast %jit3A_1205 : i32 to vector<16xi32>
      %max3A_1208 = arith.maxsi %max3A_1207, %add3A_1197 : vector<16xi32>
      %min3A_1209 = vector.broadcast %jit3A_1206 : i32 to vector<16xi32>
      %min3A_1210 = arith.minsi %min3A_1209, %max3A_1208 : vector<16xi32>
      %get3A_1211 = arith.constant 2 : i32
      %get3A_1212 = arith.index_cast %get3A_1211 : i32 to index
      %get3A_1213 = arith.constant 2 : index
      %get3A_1214 = tpu.vector_load %arg9[%get3A_1212, %get3A_1213] {strides = array<i32>} : memref<17x24xf32, #tpu.memory_space<vmem>>, vector<16xf32>,
      %mul3A_1215 = arith.mulf %scan3A_1028, %get3A_1214 : vector<16xf32>
      %get3A_1216 = arith.constant 2 : i32
      %get3A_1217 = arith.index_cast %get3A_1216 : i32 to index
      %get3A_1218 = arith.constant 3 : index
      %get3A_1219 = tpu.vector_load %arg9[%get3A_1217, %get3A_1218] {strides = array<i32>} : memref<17x24xf32, #tpu.memory_space<vmem>>, vector<16xf32>,
      %mul3A_1220 = arith.mulf %scan3A_1029, %get3A_1219 : vector<16xf32>
      %add3A_1221 = arith.addf %mul3A_1215, %mul3A_1220 : vector<16xf32>
      %get3A_1222 = arith.constant 2 : i32
      %get3A_1223 = arith.index_cast %get3A_1222 : i32 to index
      %get3A_1224 = arith.constant 4 : index
      %get3A_1225 = tpu.vector_load %arg9[%get3A_1223, %get3A_1224] {strides = array<i32>} : memref<17x24xf32, #tpu.memory_space<vmem>>, vector<16xf32>,
      %mul3A_1226 = arith.mulf %scan3A_1030, %get3A_1225 : vector<16xf32>
      %add3A_1227 = arith.addf %add3A_1221, %mul3A_1226 : vector<16xf32>
      %get3A_1228 = arith.constant 2 : i32
      %get3A_1229 = arith.index_cast %get3A_1228 : i32 to index
      %get3A_1230 = arith.constant 5 : index
      %get3A_1231 = tpu.vector_load %arg9[%get3A_1229, %get3A_1230] {strides = array<i32>} : memref<17x24xf32, #tpu.memory_space<vmem>>, vector<16xf32>,
      %mul3A_1232 = arith.mulf %scan3A_1031, %get3A_1231 : vector<16xf32>
      %add3A_1233 = arith.addf %add3A_1227, %mul3A_1232 : vector<16xf32>
      %and3A_1234 = arith.andi %and3A, %and3A_1204 : vector<16xi1>
      tpu.vector_store_idx %arg10[%min3A_1210, %min3A_1045], %add3A_1233 masked %and3A_1234 : memref<256x256xf32, #tpu.memory_space<vmem>>[vector<16xi32>, vector<16xi32>], vector<16xf32>, vector<16xi1>
      %get3A_1235 = arith.constant 2 : i32
      %get3A_1236 = arith.index_cast %get3A_1235 : i32 to index
      %get3A_1237 = arith.constant 3 : index
      %get3A_1238 = tpu.vector_load %arg9[%get3A_1236, %get3A_1237] {strides = array<i32>} : memref<17x24xf32, #tpu.memory_space<vmem>>, vector<16xf32>,
      %mul3A_1239 = arith.mulf %scan3A_1028, %get3A_1238 : vector<16xf32>
      %get3A_1240 = arith.constant 2 : i32
      %get3A_1241 = arith.index_cast %get3A_1240 : i32 to index
      %get3A_1242 = arith.constant 4 : index
      %get3A_1243 = tpu.vector_load %arg9[%get3A_1241, %get3A_1242] {strides = array<i32>} : memref<17x24xf32, #tpu.memory_space<vmem>>, vector<16xf32>,
      %mul3A_1244 = arith.mulf %scan3A_1029, %get3A_1243 : vector<16xf32>
      %add3A_1245 = arith.addf %mul3A_1239, %mul3A_1244 : vector<16xf32>
      %get3A_1246 = arith.constant 2 : i32
      %get3A_1247 = arith.index_cast %get3A_1246 : i32 to index
      %get3A_1248 = arith.constant 5 : index
      %get3A_1249 = tpu.vector_load %arg9[%get3A_1247, %get3A_1248] {strides = array<i32>} : memref<17x24xf32, #tpu.memory_space<vmem>>, vector<16xf32>,
      %mul3A_1250 = arith.mulf %scan3A_1030, %get3A_1249 : vector<16xf32>
      %add3A_1251 = arith.addf %add3A_1245, %mul3A_1250 : vector<16xf32>
      %get3A_1252 = arith.constant 2 : i32
      %get3A_1253 = arith.index_cast %get3A_1252 : i32 to index
      %get3A_1254 = arith.constant 6 : index
      %get3A_1255 = tpu.vector_load %arg9[%get3A_1253, %get3A_1254] {strides = array<i32>} : memref<17x24xf32, #tpu.memory_space<vmem>>, vector<16xf32>,
      %mul3A_1256 = arith.mulf %scan3A_1031, %get3A_1255 : vector<16xf32>
      %add3A_1257 = arith.addf %add3A_1251, %mul3A_1256 : vector<16xf32>
      %and3A_1258 = arith.andi %and3A_1060, %and3A_1204 : vector<16xi1>
      tpu.vector_store_idx %arg10[%min3A_1210, %min3A_1066], %add3A_1257 masked %and3A_1258 : memref<256x256xf32, #tpu.memory_space<vmem>>[vector<16xi32>, vector<16xi32>], vector<16xf32>, vector<16xi1>
      %add3A_1259 = arith.constant 3 : i32
      %add3A_1260 = vector.broadcast %add3A_1259 : i32 to vector<16xi32>
      %add3A_1261 = arith.addi %scan3A_1032, %add3A_1260 : vector<16xi32>
      %ge3A_1262 = arith.constant 0 : i32
      %ge3A_1263 = vector.broadcast %ge3A_1262 : i32 to vector<16xi32>
      %ge3A_1264 = arith.cmpi sge, %add3A_1261, %ge3A_1263 : vector<16xi32>
      %lt3A_1265 = arith.constant 256 : i32
      %lt3A_1266 = vector.broadcast %lt3A_1265 : i32 to vector<16xi32>
      %lt3A_1267 = arith.cmpi slt, %add3A_1261, %lt3A_1266 : vector<16xi32>
      %and3A_1268 = arith.andi %ge3A_1264, %lt3A_1267 : vector<16xi1>
      %jit3A_1269 = arith.constant 0 : i32
      %jit3A_1270 = arith.constant 255 : i32
      %max3A_1271 = vector.broadcast %jit3A_1269 : i32 to vector<16xi32>
      %max3A_1272 = arith.maxsi %max3A_1271, %add3A_1261 : vector<16xi32>
      %min3A_1273 = vector.broadcast %jit3A_1270 : i32 to vector<16xi32>
      %min3A_1274 = arith.minsi %min3A_1273, %max3A_1272 : vector<16xi32>
      %get3A_1275 = arith.constant 3 : i32
      %get3A_1276 = arith.index_cast %get3A_1275 : i32 to index
      %get3A_1277 = arith.constant 2 : index
      %get3A_1278 = tpu.vector_load %arg9[%get3A_1276, %get3A_1277] {strides = array<i32>} : memref<17x24xf32, #tpu.memory_space<vmem>>, vector<16xf32>,
      %mul3A_1279 = arith.mulf %scan3A_1028, %get3A_1278 : vector<16xf32>
      %get3A_1280 = arith.constant 3 : i32
      %get3A_1281 = arith.index_cast %get3A_1280 : i32 to index
      %get3A_1282 = arith.constant 3 : index
      %get3A_1283 = tpu.vector_load %arg9[%get3A_1281, %get3A_1282] {strides = array<i32>} : memref<17x24xf32, #tpu.memory_space<vmem>>, vector<16xf32>,
      %mul3A_1284 = arith.mulf %scan3A_1029, %get3A_1283 : vector<16xf32>
      %add3A_1285 = arith.addf %mul3A_1279, %mul3A_1284 : vector<16xf32>
      %get3A_1286 = arith.constant 3 : i32
      %get3A_1287 = arith.index_cast %get3A_1286 : i32 to index
      %get3A_1288 = arith.constant 4 : index
      %get3A_1289 = tpu.vector_load %arg9[%get3A_1287, %get3A_1288] {strides = array<i32>} : memref<17x24xf32, #tpu.memory_space<vmem>>, vector<16xf32>,
      %mul3A_1290 = arith.mulf %scan3A_1030, %get3A_1289 : vector<16xf32>
      %add3A_1291 = arith.addf %add3A_1285, %mul3A_1290 : vector<16xf32>
      %get3A_1292 = arith.constant 3 : i32
      %get3A_1293 = arith.index_cast %get3A_1292 : i32 to index
      %get3A_1294 = arith.constant 5 : index
      %get3A_1295 = tpu.vector_load %arg9[%get3A_1293, %get3A_1294] {strides = array<i32>} : memref<17x24xf32, #tpu.memory_space<vmem>>, vector<16xf32>,
      %mul3A_1296 = arith.mulf %scan3A_1031, %get3A_1295 : vector<16xf32>
      %add3A_1297 = arith.addf %add3A_1291, %mul3A_1296 : vector<16xf32>
      %and3A_1298 = arith.andi %and3A, %and3A_1268 : vector<16xi1>
      tpu.vector_store_idx %arg10[%min3A_1274, %min3A_1045], %add3A_1297 masked %and3A_1298 : memref<256x256xf32, #tpu.memory_space<vmem>>[vector<16xi32>, vector<16xi32>], vector<16xf32>, vector<16xi1>
      %get3A_1299 = arith.constant 3 : i32
      %get3A_1300 = arith.index_cast %get3A_1299 : i32 to index
      %get3A_1301 = arith.constant 3 : index
      %get3A_1302 = tpu.vector_load %arg9[%get3A_1300, %get3A_1301] {strides = array<i32>} : memref<17x24xf32, #tpu.memory_space<vmem>>, vector<16xf32>,
      %mul3A_1303 = arith.mulf %scan3A_1028, %get3A_1302 : vector<16xf32>
      %get3A_1304 = arith.constant 3 : i32
      %get3A_1305 = arith.index_cast %get3A_1304 : i32 to index
      %get3A_1306 = arith.constant 4 : index
      %get3A_1307 = tpu.vector_load %arg9[%get3A_1305, %get3A_1306] {strides = array<i32>} : memref<17x24xf32, #tpu.memory_space<vmem>>, vector<16xf32>,
      %mul3A_1308 = arith.mulf %scan3A_1029, %get3A_1307 : vector<16xf32>
      %add3A_1309 = arith.addf %mul3A_1303, %mul3A_1308 : vector<16xf32>
      %get3A_1310 = arith.constant 3 : i32
      %get3A_1311 = arith.index_cast %get3A_1310 : i32 to index
      %get3A_1312 = arith.constant 5 : index
      %get3A_1313 = tpu.vector_load %arg9[%get3A_1311, %get3A_1312] {strides = array<i32>} : memref<17x24xf32, #tpu.memory_space<vmem>>, vector<16xf32>,
      %mul3A_1314 = arith.mulf %scan3A_1030, %get3A_1313 : vector<16xf32>
      %add3A_1315 = arith.addf %add3A_1309, %mul3A_1314 : vector<16xf32>
      %get3A_1316 = arith.constant 3 : i32
      %get3A_1317 = arith.index_cast %get3A_1316 : i32 to index
      %get3A_1318 = arith.constant 6 : index
      %get3A_1319 = tpu.vector_load %arg9[%get3A_1317, %get3A_1318] {strides = array<i32>} : memref<17x24xf32, #tpu.memory_space<vmem>>, vector<16xf32>,
      %mul3A_1320 = arith.mulf %scan3A_1031, %get3A_1319 : vector<16xf32>
      %add3A_1321 = arith.addf %add3A_1315, %mul3A_1320 : vector<16xf32>
      %and3A_1322 = arith.andi %and3A_1060, %and3A_1268 : vector<16xi1>
      tpu.vector_store_idx %arg10[%min3A_1274, %min3A_1066], %add3A_1321 masked %and3A_1322 : memref<256x256xf32, #tpu.memory_space<vmem>>[vector<16xi32>, vector<16xi32>], vector<16xf32>, vector<16xi1>
      %add3A_1323 = arith.constant 4 : i32
      %add3A_1324 = vector.broadcast %add3A_1323 : i32 to vector<16xi32>
      %add3A_1325 = arith.addi %scan3A_1032, %add3A_1324 : vector<16xi32>
      %ge3A_1326 = arith.constant 0 : i32
      %ge3A_1327 = vector.broadcast %ge3A_1326 : i32 to vector<16xi32>
      %ge3A_1328 = arith.cmpi sge, %add3A_1325, %ge3A_1327 : vector<16xi32>
      %lt3A_1329 = arith.constant 256 : i32
      %lt3A_1330 = vector.broadcast %lt3A_1329 : i32 to vector<16xi32>
      %lt3A_1331 = arith.cmpi slt, %add3A_1325, %lt3A_1330 : vector<16xi32>
      %and3A_1332 = arith.andi %ge3A_1328, %lt3A_1331 : vector<16xi1>
      %jit3A_1333 = arith.constant 0 : i32
      %jit3A_1334 = arith.constant 255 : i32
      %max3A_1335 = vector.broadcast %jit3A_1333 : i32 to vector<16xi32>
      %max3A_1336 = arith.maxsi %max3A_1335, %add3A_1325 : vector<16xi32>
      %min3A_1337 = vector.broadcast %jit3A_1334 : i32 to vector<16xi32>
      %min3A_1338 = arith.minsi %min3A_1337, %max3A_1336 : vector<16xi32>
      %get3A_1339 = arith.constant 4 : i32
      %get3A_1340 = arith.index_cast %get3A_1339 : i32 to index
      %get3A_1341 = arith.constant 2 : index
      %get3A_1342 = tpu.vector_load %arg9[%get3A_1340, %get3A_1341] {strides = array<i32>} : memref<17x24xf32, #tpu.memory_space<vmem>>, vector<16xf32>,
      %mul3A_1343 = arith.mulf %scan3A_1028, %get3A_1342 : vector<16xf32>
      %get3A_1344 = arith.constant 4 : i32
      %get3A_1345 = arith.index_cast %get3A_1344 : i32 to index
      %get3A_1346 = arith.constant 3 : index
      %get3A_1347 = tpu.vector_load %arg9[%get3A_1345, %get3A_1346] {strides = array<i32>} : memref<17x24xf32, #tpu.memory_space<vmem>>, vector<16xf32>,
      %mul3A_1348 = arith.mulf %scan3A_1029, %get3A_1347 : vector<16xf32>
      %add3A_1349 = arith.addf %mul3A_1343, %mul3A_1348 : vector<16xf32>
      %get3A_1350 = arith.constant 4 : i32
      %get3A_1351 = arith.index_cast %get3A_1350 : i32 to index
      %get3A_1352 = arith.constant 4 : index
      %get3A_1353 = tpu.vector_load %arg9[%get3A_1351, %get3A_1352] {strides = array<i32>} : memref<17x24xf32, #tpu.memory_space<vmem>>, vector<16xf32>,
      %mul3A_1354 = arith.mulf %scan3A_1030, %get3A_1353 : vector<16xf32>
      %add3A_1355 = arith.addf %add3A_1349, %mul3A_1354 : vector<16xf32>
      %get3A_1356 = arith.constant 4 : i32
      %get3A_1357 = arith.index_cast %get3A_1356 : i32 to index
      %get3A_1358 = arith.constant 5 : index
      %get3A_1359 = tpu.vector_load %arg9[%get3A_1357, %get3A_1358] {strides = array<i32>} : memref<17x24xf32, #tpu.memory_space<vmem>>, vector<16xf32>,
      %mul3A_1360 = arith.mulf %scan3A_1031, %get3A_1359 : vector<16xf32>
      %add3A_1361 = arith.addf %add3A_1355, %mul3A_1360 : vector<16xf32>
      %and3A_1362 = arith.andi %and3A, %and3A_1332 : vector<16xi1>
      tpu.vector_store_idx %arg10[%min3A_1338, %min3A_1045], %add3A_1361 masked %and3A_1362 : memref<256x256xf32, #tpu.memory_space<vmem>>[vector<16xi32>, vector<16xi32>], vector<16xf32>, vector<16xi1>
      %get3A_1363 = arith.constant 4 : i32
      %get3A_1364 = arith.index_cast %get3A_1363 : i32 to index
      %get3A_1365 = arith.constant 3 : index
      %get3A_1366 = tpu.vector_load %arg9[%get3A_1364, %get3A_1365] {strides = array<i32>} : memref<17x24xf32, #tpu.memory_space<vmem>>, vector<16xf32>,
      %mul3A_1367 = arith.mulf %scan3A_1028, %get3A_1366 : vector<16xf32>
      %get3A_1368 = arith.constant 4 : i32
      %get3A_1369 = arith.index_cast %get3A_1368 : i32 to index
      %get3A_1370 = arith.constant 4 : index
      %get3A_1371 = tpu.vector_load %arg9[%get3A_1369, %get3A_1370] {strides = array<i32>} : memref<17x24xf32, #tpu.memory_space<vmem>>, vector<16xf32>,
      %mul3A_1372 = arith.mulf %scan3A_1029, %get3A_1371 : vector<16xf32>
      %add3A_1373 = arith.addf %mul3A_1367, %mul3A_1372 : vector<16xf32>
      %get3A_1374 = arith.constant 4 : i32
      %get3A_1375 = arith.index_cast %get3A_1374 : i32 to index
      %get3A_1376 = arith.constant 5 : index
      %get3A_1377 = tpu.vector_load %arg9[%get3A_1375, %get3A_1376] {strides = array<i32>} : memref<17x24xf32, #tpu.memory_space<vmem>>, vector<16xf32>,
      %mul3A_1378 = arith.mulf %scan3A_1030, %get3A_1377 : vector<16xf32>
      %add3A_1379 = arith.addf %add3A_1373, %mul3A_1378 : vector<16xf32>
      %get3A_1380 = arith.constant 4 : i32
      %get3A_1381 = arith.index_cast %get3A_1380 : i32 to index
      %get3A_1382 = arith.constant 6 : index
      %get3A_1383 = tpu.vector_load %arg9[%get3A_1381, %get3A_1382] {strides = array<i32>} : memref<17x24xf32, #tpu.memory_space<vmem>>, vector<16xf32>,
      %mul3A_1384 = arith.mulf %scan3A_1031, %get3A_1383 : vector<16xf32>
      %add3A_1385 = arith.addf %add3A_1379, %mul3A_1384 : vector<16xf32>
      %and3A_1386 = arith.andi %and3A_1060, %and3A_1332 : vector<16xi1>
      tpu.vector_store_idx %arg10[%min3A_1338, %min3A_1066], %add3A_1385 masked %and3A_1386 : memref<256x256xf32, #tpu.memory_space<vmem>>[vector<16xi32>, vector<16xi32>], vector<16xf32>, vector<16xi1>
      %add3A_1387 = arith.constant 5 : i32
      %add3A_1388 = vector.broadcast %add3A_1387 : i32 to vector<16xi32>
      %add3A_1389 = arith.addi %scan3A_1032, %add3A_1388 : vector<16xi32>
      %ge3A_1390 = arith.constant 0 : i32
      %ge3A_1391 = vector.broadcast %ge3A_1390 : i32 to vector<16xi32>
      %ge3A_1392 = arith.cmpi sge, %add3A_1389, %ge3A_1391 : vector<16xi32>
      %lt3A_1393 = arith.constant 256 : i32
      %lt3A_1394 = vector.broadcast %lt3A_1393 : i32 to vector<16xi32>
      %lt3A_1395 = arith.cmpi slt, %add3A_1389, %lt3A_1394 : vector<16xi32>
      %and3A_1396 = arith.andi %ge3A_1392, %lt3A_1395 : vector<16xi1>
      %jit3A_1397 = arith.constant 0 : i32
      %jit3A_1398 = arith.constant 255 : i32
      %max3A_1399 = vector.broadcast %jit3A_1397 : i32 to vector<16xi32>
      %max3A_1400 = arith.maxsi %max3A_1399, %add3A_1389 : vector<16xi32>
      %min3A_1401 = vector.broadcast %jit3A_1398 : i32 to vector<16xi32>
      %min3A_1402 = arith.minsi %min3A_1401, %max3A_1400 : vector<16xi32>
      %get3A_1403 = arith.constant 5 : i32
      %get3A_1404 = arith.index_cast %get3A_1403 : i32 to index
      %get3A_1405 = arith.constant 2 : index
      %get3A_1406 = tpu.vector_load %arg9[%get3A_1404, %get3A_1405] {strides = array<i32>} : memref<17x24xf32, #tpu.memory_space<vmem>>, vector<16xf32>,
      %mul3A_1407 = arith.mulf %scan3A_1028, %get3A_1406 : vector<16xf32>
      %get3A_1408 = arith.constant 5 : i32
      %get3A_1409 = arith.index_cast %get3A_1408 : i32 to index
      %get3A_1410 = arith.constant 3 : index
      %get3A_1411 = tpu.vector_load %arg9[%get3A_1409, %get3A_1410] {strides = array<i32>} : memref<17x24xf32, #tpu.memory_space<vmem>>, vector<16xf32>,
      %mul3A_1412 = arith.mulf %scan3A_1029, %get3A_1411 : vector<16xf32>
      %add3A_1413 = arith.addf %mul3A_1407, %mul3A_1412 : vector<16xf32>
      %get3A_1414 = arith.constant 5 : i32
      %get3A_1415 = arith.index_cast %get3A_1414 : i32 to index
      %get3A_1416 = arith.constant 4 : index
      %get3A_1417 = tpu.vector_load %arg9[%get3A_1415, %get3A_1416] {strides = array<i32>} : memref<17x24xf32, #tpu.memory_space<vmem>>, vector<16xf32>,
      %mul3A_1418 = arith.mulf %scan3A_1030, %get3A_1417 : vector<16xf32>
      %add3A_1419 = arith.addf %add3A_1413, %mul3A_1418 : vector<16xf32>
      %get3A_1420 = arith.constant 5 : i32
      %get3A_1421 = arith.index_cast %get3A_1420 : i32 to index
      %get3A_1422 = arith.constant 5 : index
      %get3A_1423 = tpu.vector_load %arg9[%get3A_1421, %get3A_1422] {strides = array<i32>} : memref<17x24xf32, #tpu.memory_space<vmem>>, vector<16xf32>,
      %mul3A_1424 = arith.mulf %scan3A_1031, %get3A_1423 : vector<16xf32>
      %add3A_1425 = arith.addf %add3A_1419, %mul3A_1424 : vector<16xf32>
      %and3A_1426 = arith.andi %and3A, %and3A_1396 : vector<16xi1>
      tpu.vector_store_idx %arg10[%min3A_1402, %min3A_1045], %add3A_1425 masked %and3A_1426 : memref<256x256xf32, #tpu.memory_space<vmem>>[vector<16xi32>, vector<16xi32>], vector<16xf32>, vector<16xi1>
      %get3A_1427 = arith.constant 5 : i32
      %get3A_1428 = arith.index_cast %get3A_1427 : i32 to index
      %get3A_1429 = arith.constant 3 : index
      %get3A_1430 = tpu.vector_load %arg9[%get3A_1428, %get3A_1429] {strides = array<i32>} : memref<17x24xf32, #tpu.memory_space<vmem>>, vector<16xf32>,
      %mul3A_1431 = arith.mulf %scan3A_1028, %get3A_1430 : vector<16xf32>
      %get3A_1432 = arith.constant 5 : i32
      %get3A_1433 = arith.index_cast %get3A_1432 : i32 to index
      %get3A_1434 = arith.constant 4 : index
      %get3A_1435 = tpu.vector_load %arg9[%get3A_1433, %get3A_1434] {strides = array<i32>} : memref<17x24xf32, #tpu.memory_space<vmem>>, vector<16xf32>,
      %mul3A_1436 = arith.mulf %scan3A_1029, %get3A_1435 : vector<16xf32>
      %add3A_1437 = arith.addf %mul3A_1431, %mul3A_1436 : vector<16xf32>
      %get3A_1438 = arith.constant 5 : i32
      %get3A_1439 = arith.index_cast %get3A_1438 : i32 to index
      %get3A_1440 = arith.constant 5 : index
      %get3A_1441 = tpu.vector_load %arg9[%get3A_1439, %get3A_1440] {strides = array<i32>} : memref<17x24xf32, #tpu.memory_space<vmem>>, vector<16xf32>,
      %mul3A_1442 = arith.mulf %scan3A_1030, %get3A_1441 : vector<16xf32>
      %add3A_1443 = arith.addf %add3A_1437, %mul3A_1442 : vector<16xf32>
      %get3A_1444 = arith.constant 5 : i32
      %get3A_1445 = arith.index_cast %get3A_1444 : i32 to index
      %get3A_1446 = arith.constant 6 : index
      %get3A_1447 = tpu.vector_load %arg9[%get3A_1445, %get3A_1446] {strides = array<i32>} : memref<17x24xf32, #tpu.memory_space<vmem>>, vector<16xf32>,
      %mul3A_1448 = arith.mulf %scan3A_1031, %get3A_1447 : vector<16xf32>
      %add3A_1449 = arith.addf %add3A_1443, %mul3A_1448 : vector<16xf32>
      %and3A_1450 = arith.andi %and3A_1060, %and3A_1396 : vector<16xi1>
      tpu.vector_store_idx %arg10[%min3A_1402, %min3A_1066], %add3A_1449 masked %and3A_1450 : memref<256x256xf32, #tpu.memory_space<vmem>>[vector<16xi32>, vector<16xi32>], vector<16xf32>, vector<16xi1>
      %add3A_1451 = arith.constant 6 : i32
      %add3A_1452 = vector.broadcast %add3A_1451 : i32 to vector<16xi32>
      %add3A_1453 = arith.addi %scan3A_1032, %add3A_1452 : vector<16xi32>
      %ge3A_1454 = arith.constant 0 : i32
      %ge3A_1455 = vector.broadcast %ge3A_1454 : i32 to vector<16xi32>
      %ge3A_1456 = arith.cmpi sge, %add3A_1453, %ge3A_1455 : vector<16xi32>
      %lt3A_1457 = arith.constant 256 : i32
      %lt3A_1458 = vector.broadcast %lt3A_1457 : i32 to vector<16xi32>
      %lt3A_1459 = arith.cmpi slt, %add3A_1453, %lt3A_1458 : vector<16xi32>
      %and3A_1460 = arith.andi %ge3A_1456, %lt3A_1459 : vector<16xi1>
      %jit3A_1461 = arith.constant 0 : i32
      %jit3A_1462 = arith.constant 255 : i32
      %max3A_1463 = vector.broadcast %jit3A_1461 : i32 to vector<16xi32>
      %max3A_1464 = arith.maxsi %max3A_1463, %add3A_1453 : vector<16xi32>
      %min3A_1465 = vector.broadcast %jit3A_1462 : i32 to vector<16xi32>
      %min3A_1466 = arith.minsi %min3A_1465, %max3A_1464 : vector<16xi32>
      %get3A_1467 = arith.constant 6 : i32
      %get3A_1468 = arith.index_cast %get3A_1467 : i32 to index
      %get3A_1469 = arith.constant 2 : index
      %get3A_1470 = tpu.vector_load %arg9[%get3A_1468, %get3A_1469] {strides = array<i32>} : memref<17x24xf32, #tpu.memory_space<vmem>>, vector<16xf32>,
      %mul3A_1471 = arith.mulf %scan3A_1028, %get3A_1470 : vector<16xf32>
      %get3A_1472 = arith.constant 6 : i32
      %get3A_1473 = arith.index_cast %get3A_1472 : i32 to index
      %get3A_1474 = arith.constant 3 : index
      %get3A_1475 = tpu.vector_load %arg9[%get3A_1473, %get3A_1474] {strides = array<i32>} : memref<17x24xf32, #tpu.memory_space<vmem>>, vector<16xf32>,
      %mul3A_1476 = arith.mulf %scan3A_1029, %get3A_1475 : vector<16xf32>
      %add3A_1477 = arith.addf %mul3A_1471, %mul3A_1476 : vector<16xf32>
      %get3A_1478 = arith.constant 6 : i32
      %get3A_1479 = arith.index_cast %get3A_1478 : i32 to index
      %get3A_1480 = arith.constant 4 : index
      %get3A_1481 = tpu.vector_load %arg9[%get3A_1479, %get3A_1480] {strides = array<i32>} : memref<17x24xf32, #tpu.memory_space<vmem>>, vector<16xf32>,
      %mul3A_1482 = arith.mulf %scan3A_1030, %get3A_1481 : vector<16xf32>
      %add3A_1483 = arith.addf %add3A_1477, %mul3A_1482 : vector<16xf32>
      %get3A_1484 = arith.constant 6 : i32
      %get3A_1485 = arith.index_cast %get3A_1484 : i32 to index
      %get3A_1486 = arith.constant 5 : index
      %get3A_1487 = tpu.vector_load %arg9[%get3A_1485, %get3A_1486] {strides = array<i32>} : memref<17x24xf32, #tpu.memory_space<vmem>>, vector<16xf32>,
      %mul3A_1488 = arith.mulf %scan3A_1031, %get3A_1487 : vector<16xf32>
      %add3A_1489 = arith.addf %add3A_1483, %mul3A_1488 : vector<16xf32>
      %and3A_1490 = arith.andi %and3A, %and3A_1460 : vector<16xi1>
      tpu.vector_store_idx %arg10[%min3A_1466, %min3A_1045], %add3A_1489 masked %and3A_1490 : memref<256x256xf32, #tpu.memory_space<vmem>>[vector<16xi32>, vector<16xi32>], vector<16xf32>, vector<16xi1>
      %get3A_1491 = arith.constant 6 : i32
      %get3A_1492 = arith.index_cast %get3A_1491 : i32 to index
      %get3A_1493 = arith.constant 3 : index
      %get3A_1494 = tpu.vector_load %arg9[%get3A_1492, %get3A_1493] {strides = array<i32>} : memref<17x24xf32, #tpu.memory_space<vmem>>, vector<16xf32>,
      %mul3A_1495 = arith.mulf %scan3A_1028, %get3A_1494 : vector<16xf32>
      %get3A_1496 = arith.constant 6 : i32
      %get3A_1497 = arith.index_cast %get3A_1496 : i32 to index
      %get3A_1498 = arith.constant 4 : index
      %get3A_1499 = tpu.vector_load %arg9[%get3A_1497, %get3A_1498] {strides = array<i32>} : memref<17x24xf32, #tpu.memory_space<vmem>>, vector<16xf32>,
      %mul3A_1500 = arith.mulf %scan3A_1029, %get3A_1499 : vector<16xf32>
      %add3A_1501 = arith.addf %mul3A_1495, %mul3A_1500 : vector<16xf32>
      %get3A_1502 = arith.constant 6 : i32
      %get3A_1503 = arith.index_cast %get3A_1502 : i32 to index
      %get3A_1504 = arith.constant 5 : index
      %get3A_1505 = tpu.vector_load %arg9[%get3A_1503, %get3A_1504] {strides = array<i32>} : memref<17x24xf32, #tpu.memory_space<vmem>>, vector<16xf32>,
      %mul3A_1506 = arith.mulf %scan3A_1030, %get3A_1505 : vector<16xf32>
      %add3A_1507 = arith.addf %add3A_1501, %mul3A_1506 : vector<16xf32>
      %get3A_1508 = arith.constant 6 : i32
      %get3A_1509 = arith.index_cast %get3A_1508 : i32 to index
      %get3A_1510 = arith.constant 6 : index
      %get3A_1511 = tpu.vector_load %arg9[%get3A_1509, %get3A_1510] {strides = array<i32>} : memref<17x24xf32, #tpu.memory_space<vmem>>, vector<16xf32>,
      %mul3A_1512 = arith.mulf %scan3A_1031, %get3A_1511 : vector<16xf32>
      %add3A_1513 = arith.addf %add3A_1507, %mul3A_1512 : vector<16xf32>
      %and3A_1514 = arith.andi %and3A_1060, %and3A_1460 : vector<16xi1>
      tpu.vector_store_idx %arg10[%min3A_1466, %min3A_1066], %add3A_1513 masked %and3A_1514 : memref<256x256xf32, #tpu.memory_space<vmem>>[vector<16xi32>, vector<16xi32>], vector<16xf32>, vector<16xi1>
      %add3A_1515 = arith.constant 7 : i32
      %add3A_1516 = vector.broadcast %add3A_1515 : i32 to vector<16xi32>
      %add3A_1517 = arith.addi %scan3A_1032, %add3A_1516 : vector<16xi32>
      %ge3A_1518 = arith.constant 0 : i32
      %ge3A_1519 = vector.broadcast %ge3A_1518 : i32 to vector<16xi32>
      %ge3A_1520 = arith.cmpi sge, %add3A_1517, %ge3A_1519 : vector<16xi32>
      %lt3A_1521 = arith.constant 256 : i32
      %lt3A_1522 = vector.broadcast %lt3A_1521 : i32 to vector<16xi32>
      %lt3A_1523 = arith.cmpi slt, %add3A_1517, %lt3A_1522 : vector<16xi32>
      %and3A_1524 = arith.andi %ge3A_1520, %lt3A_1523 : vector<16xi1>
      %jit3A_1525 = arith.constant 0 : i32
      %jit3A_1526 = arith.constant 255 : i32
      %max3A_1527 = vector.broadcast %jit3A_1525 : i32 to vector<16xi32>
      %max3A_1528 = arith.maxsi %max3A_1527, %add3A_1517 : vector<16xi32>
      %min3A_1529 = vector.broadcast %jit3A_1526 : i32 to vector<16xi32>
      %min3A_1530 = arith.minsi %min3A_1529, %max3A_1528 : vector<16xi32>
      %get3A_1531 = arith.constant 7 : i32
      %get3A_1532 = arith.index_cast %get3A_1531 : i32 to index
      %get3A_1533 = arith.constant 2 : index
      %get3A_1534 = tpu.vector_load %arg9[%get3A_1532, %get3A_1533] {strides = array<i32>} : memref<17x24xf32, #tpu.memory_space<vmem>>, vector<16xf32>,
      %mul3A_1535 = arith.mulf %scan3A_1028, %get3A_1534 : vector<16xf32>
      %get3A_1536 = arith.constant 7 : i32
      %get3A_1537 = arith.index_cast %get3A_1536 : i32 to index
      %get3A_1538 = arith.constant 3 : index
      %get3A_1539 = tpu.vector_load %arg9[%get3A_1537, %get3A_1538] {strides = array<i32>} : memref<17x24xf32, #tpu.memory_space<vmem>>, vector<16xf32>,
      %mul3A_1540 = arith.mulf %scan3A_1029, %get3A_1539 : vector<16xf32>
      %add3A_1541 = arith.addf %mul3A_1535, %mul3A_1540 : vector<16xf32>
      %get3A_1542 = arith.constant 7 : i32
      %get3A_1543 = arith.index_cast %get3A_1542 : i32 to index
      %get3A_1544 = arith.constant 4 : index
      %get3A_1545 = tpu.vector_load %arg9[%get3A_1543, %get3A_1544] {strides = array<i32>} : memref<17x24xf32, #tpu.memory_space<vmem>>, vector<16xf32>,
      %mul3A_1546 = arith.mulf %scan3A_1030, %get3A_1545 : vector<16xf32>
      %add3A_1547 = arith.addf %add3A_1541, %mul3A_1546 : vector<16xf32>
      %get3A_1548 = arith.constant 7 : i32
      %get3A_1549 = arith.index_cast %get3A_1548 : i32 to index
      %get3A_1550 = arith.constant 5 : index
      %get3A_1551 = tpu.vector_load %arg9[%get3A_1549, %get3A_1550] {strides = array<i32>} : memref<17x24xf32, #tpu.memory_space<vmem>>, vector<16xf32>,
      %mul3A_1552 = arith.mulf %scan3A_1031, %get3A_1551 : vector<16xf32>
      %add3A_1553 = arith.addf %add3A_1547, %mul3A_1552 : vector<16xf32>
      %and3A_1554 = arith.andi %and3A, %and3A_1524 : vector<16xi1>
      tpu.vector_store_idx %arg10[%min3A_1530, %min3A_1045], %add3A_1553 masked %and3A_1554 : memref<256x256xf32, #tpu.memory_space<vmem>>[vector<16xi32>, vector<16xi32>], vector<16xf32>, vector<16xi1>
      %get3A_1555 = arith.constant 7 : i32
      %get3A_1556 = arith.index_cast %get3A_1555 : i32 to index
      %get3A_1557 = arith.constant 3 : index
      %get3A_1558 = tpu.vector_load %arg9[%get3A_1556, %get3A_1557] {strides = array<i32>} : memref<17x24xf32, #tpu.memory_space<vmem>>, vector<16xf32>,
      %mul3A_1559 = arith.mulf %scan3A_1028, %get3A_1558 : vector<16xf32>
      %get3A_1560 = arith.constant 7 : i32
      %get3A_1561 = arith.index_cast %get3A_1560 : i32 to index
      %get3A_1562 = arith.constant 4 : index
      %get3A_1563 = tpu.vector_load %arg9[%get3A_1561, %get3A_1562] {strides = array<i32>} : memref<17x24xf32, #tpu.memory_space<vmem>>, vector<16xf32>,
      %mul3A_1564 = arith.mulf %scan3A_1029, %get3A_1563 : vector<16xf32>
      %add3A_1565 = arith.addf %mul3A_1559, %mul3A_1564 : vector<16xf32>
      %get3A_1566 = arith.constant 7 : i32
      %get3A_1567 = arith.index_cast %get3A_1566 : i32 to index
      %get3A_1568 = arith.constant 5 : index
      %get3A_1569 = tpu.vector_load %arg9[%get3A_1567, %get3A_1568] {strides = array<i32>} : memref<17x24xf32, #tpu.memory_space<vmem>>, vector<16xf32>,
      %mul3A_1570 = arith.mulf %scan3A_1030, %get3A_1569 : vector<16xf32>
      %add3A_1571 = arith.addf %add3A_1565, %mul3A_1570 : vector<16xf32>
      %get3A_1572 = arith.constant 7 : i32
      %get3A_1573 = arith.index_cast %get3A_1572 : i32 to index
      %get3A_1574 = arith.constant 6 : index
      %get3A_1575 = tpu.vector_load %arg9[%get3A_1573, %get3A_1574] {strides = array<i32>} : memref<17x24xf32, #tpu.memory_space<vmem>>, vector<16xf32>,
      %mul3A_1576 = arith.mulf %scan3A_1031, %get3A_1575 : vector<16xf32>
      %add3A_1577 = arith.addf %add3A_1571, %mul3A_1576 : vector<16xf32>
      %and3A_1578 = arith.andi %and3A_1060, %and3A_1524 : vector<16xi1>
      tpu.vector_store_idx %arg10[%min3A_1530, %min3A_1066], %add3A_1577 masked %and3A_1578 : memref<256x256xf32, #tpu.memory_space<vmem>>[vector<16xi32>, vector<16xi32>], vector<16xf32>, vector<16xi1>
      %add3A_1579 = arith.constant 8 : i32
      %add3A_1580 = vector.broadcast %add3A_1579 : i32 to vector<16xi32>
      %add3A_1581 = arith.addi %scan3A_1032, %add3A_1580 : vector<16xi32>
      %ge3A_1582 = arith.constant 0 : i32
      %ge3A_1583 = vector.broadcast %ge3A_1582 : i32 to vector<16xi32>
      %ge3A_1584 = arith.cmpi sge, %add3A_1581, %ge3A_1583 : vector<16xi32>
      %lt3A_1585 = arith.constant 256 : i32
      %lt3A_1586 = vector.broadcast %lt3A_1585 : i32 to vector<16xi32>
      %lt3A_1587 = arith.cmpi slt, %add3A_1581, %lt3A_1586 : vector<16xi32>
      %and3A_1588 = arith.andi %ge3A_1584, %lt3A_1587 : vector<16xi1>
      %jit3A_1589 = arith.constant 0 : i32
      %jit3A_1590 = arith.constant 255 : i32
      %max3A_1591 = vector.broadcast %jit3A_1589 : i32 to vector<16xi32>
      %max3A_1592 = arith.maxsi %max3A_1591, %add3A_1581 : vector<16xi32>
      %min3A_1593 = vector.broadcast %jit3A_1590 : i32 to vector<16xi32>
      %min3A_1594 = arith.minsi %min3A_1593, %max3A_1592 : vector<16xi32>
      %get3A_1595 = arith.constant 8 : i32
      %get3A_1596 = arith.index_cast %get3A_1595 : i32 to index
      %get3A_1597 = arith.constant 2 : index
      %get3A_1598 = tpu.vector_load %arg9[%get3A_1596, %get3A_1597] {strides = array<i32>} : memref<17x24xf32, #tpu.memory_space<vmem>>, vector<16xf32>,
      %mul3A_1599 = arith.mulf %scan3A_1028, %get3A_1598 : vector<16xf32>
      %get3A_1600 = arith.constant 8 : i32
      %get3A_1601 = arith.index_cast %get3A_1600 : i32 to index
      %get3A_1602 = arith.constant 3 : index
      %get3A_1603 = tpu.vector_load %arg9[%get3A_1601, %get3A_1602] {strides = array<i32>} : memref<17x24xf32, #tpu.memory_space<vmem>>, vector<16xf32>,
      %mul3A_1604 = arith.mulf %scan3A_1029, %get3A_1603 : vector<16xf32>
      %add3A_1605 = arith.addf %mul3A_1599, %mul3A_1604 : vector<16xf32>
      %get3A_1606 = arith.constant 8 : i32
      %get3A_1607 = arith.index_cast %get3A_1606 : i32 to index
      %get3A_1608 = arith.constant 4 : index
      %get3A_1609 = tpu.vector_load %arg9[%get3A_1607, %get3A_1608] {strides = array<i32>} : memref<17x24xf32, #tpu.memory_space<vmem>>, vector<16xf32>,
      %mul3A_1610 = arith.mulf %scan3A_1030, %get3A_1609 : vector<16xf32>
      %add3A_1611 = arith.addf %add3A_1605, %mul3A_1610 : vector<16xf32>
      %get3A_1612 = arith.constant 8 : i32
      %get3A_1613 = arith.index_cast %get3A_1612 : i32 to index
      %get3A_1614 = arith.constant 5 : index
      %get3A_1615 = tpu.vector_load %arg9[%get3A_1613, %get3A_1614] {strides = array<i32>} : memref<17x24xf32, #tpu.memory_space<vmem>>, vector<16xf32>,
      %mul3A_1616 = arith.mulf %scan3A_1031, %get3A_1615 : vector<16xf32>
      %add3A_1617 = arith.addf %add3A_1611, %mul3A_1616 : vector<16xf32>
      %and3A_1618 = arith.andi %and3A, %and3A_1588 : vector<16xi1>
      tpu.vector_store_idx %arg10[%min3A_1594, %min3A_1045], %add3A_1617 masked %and3A_1618 : memref<256x256xf32, #tpu.memory_space<vmem>>[vector<16xi32>, vector<16xi32>], vector<16xf32>, vector<16xi1>
      %get3A_1619 = arith.constant 8 : i32
      %get3A_1620 = arith.index_cast %get3A_1619 : i32 to index
      %get3A_1621 = arith.constant 3 : index
      %get3A_1622 = tpu.vector_load %arg9[%get3A_1620, %get3A_1621] {strides = array<i32>} : memref<17x24xf32, #tpu.memory_space<vmem>>, vector<16xf32>,
      %mul3A_1623 = arith.mulf %scan3A_1028, %get3A_1622 : vector<16xf32>
      %get3A_1624 = arith.constant 8 : i32
      %get3A_1625 = arith.index_cast %get3A_1624 : i32 to index
      %get3A_1626 = arith.constant 4 : index
      %get3A_1627 = tpu.vector_load %arg9[%get3A_1625, %get3A_1626] {strides = array<i32>} : memref<17x24xf32, #tpu.memory_space<vmem>>, vector<16xf32>,
      %mul3A_1628 = arith.mulf %scan3A_1029, %get3A_1627 : vector<16xf32>
      %add3A_1629 = arith.addf %mul3A_1623, %mul3A_1628 : vector<16xf32>
      %get3A_1630 = arith.constant 8 : i32
      %get3A_1631 = arith.index_cast %get3A_1630 : i32 to index
      %get3A_1632 = arith.constant 5 : index
      %get3A_1633 = tpu.vector_load %arg9[%get3A_1631, %get3A_1632] {strides = array<i32>} : memref<17x24xf32, #tpu.memory_space<vmem>>, vector<16xf32>,
      %mul3A_1634 = arith.mulf %scan3A_1030, %get3A_1633 : vector<16xf32>
      %add3A_1635 = arith.addf %add3A_1629, %mul3A_1634 : vector<16xf32>
      %get3A_1636 = arith.constant 8 : i32
      %get3A_1637 = arith.index_cast %get3A_1636 : i32 to index
      %get3A_1638 = arith.constant 6 : index
      %get3A_1639 = tpu.vector_load %arg9[%get3A_1637, %get3A_1638] {strides = array<i32>} : memref<17x24xf32, #tpu.memory_space<vmem>>, vector<16xf32>,
      %mul3A_1640 = arith.mulf %scan3A_1031, %get3A_1639 : vector<16xf32>
      %add3A_1641 = arith.addf %add3A_1635, %mul3A_1640 : vector<16xf32>
      %and3A_1642 = arith.andi %and3A_1060, %and3A_1588 : vector<16xi1>
      tpu.vector_store_idx %arg10[%min3A_1594, %min3A_1066], %add3A_1641 masked %and3A_1642 : memref<256x256xf32, #tpu.memory_space<vmem>>[vector<16xi32>, vector<16xi32>], vector<16xf32>, vector<16xi1>
      %add3A_1643 = arith.constant 9 : i32
      %add3A_1644 = vector.broadcast %add3A_1643 : i32 to vector<16xi32>
      %add3A_1645 = arith.addi %scan3A_1032, %add3A_1644 : vector<16xi32>
      %ge3A_1646 = arith.constant 0 : i32
      %ge3A_1647 = vector.broadcast %ge3A_1646 : i32 to vector<16xi32>
      %ge3A_1648 = arith.cmpi sge, %add3A_1645, %ge3A_1647 : vector<16xi32>
      %lt3A_1649 = arith.constant 256 : i32
      %lt3A_1650 = vector.broadcast %lt3A_1649 : i32 to vector<16xi32>
      %lt3A_1651 = arith.cmpi slt, %add3A_1645, %lt3A_1650 : vector<16xi32>
      %and3A_1652 = arith.andi %ge3A_1648, %lt3A_1651 : vector<16xi1>
      %jit3A_1653 = arith.constant 0 : i32
      %jit3A_1654 = arith.constant 255 : i32
      %max3A_1655 = vector.broadcast %jit3A_1653 : i32 to vector<16xi32>
      %max3A_1656 = arith.maxsi %max3A_1655, %add3A_1645 : vector<16xi32>
      %min3A_1657 = vector.broadcast %jit3A_1654 : i32 to vector<16xi32>
      %min3A_1658 = arith.minsi %min3A_1657, %max3A_1656 : vector<16xi32>
      %get3A_1659 = arith.constant 9 : i32
      %get3A_1660 = arith.index_cast %get3A_1659 : i32 to index
      %get3A_1661 = arith.constant 2 : index
      %get3A_1662 = tpu.vector_load %arg9[%get3A_1660, %get3A_1661] {strides = array<i32>} : memref<17x24xf32, #tpu.memory_space<vmem>>, vector<16xf32>,
      %mul3A_1663 = arith.mulf %scan3A_1028, %get3A_1662 : vector<16xf32>
      %get3A_1664 = arith.constant 9 : i32
      %get3A_1665 = arith.index_cast %get3A_1664 : i32 to index
      %get3A_1666 = arith.constant 3 : index
      %get3A_1667 = tpu.vector_load %arg9[%get3A_1665, %get3A_1666] {strides = array<i32>} : memref<17x24xf32, #tpu.memory_space<vmem>>, vector<16xf32>,
      %mul3A_1668 = arith.mulf %scan3A_1029, %get3A_1667 : vector<16xf32>
      %add3A_1669 = arith.addf %mul3A_1663, %mul3A_1668 : vector<16xf32>
      %get3A_1670 = arith.constant 9 : i32
      %get3A_1671 = arith.index_cast %get3A_1670 : i32 to index
      %get3A_1672 = arith.constant 4 : index
      %get3A_1673 = tpu.vector_load %arg9[%get3A_1671, %get3A_1672] {strides = array<i32>} : memref<17x24xf32, #tpu.memory_space<vmem>>, vector<16xf32>,
      %mul3A_1674 = arith.mulf %scan3A_1030, %get3A_1673 : vector<16xf32>
      %add3A_1675 = arith.addf %add3A_1669, %mul3A_1674 : vector<16xf32>
      %get3A_1676 = arith.constant 9 : i32
      %get3A_1677 = arith.index_cast %get3A_1676 : i32 to index
      %get3A_1678 = arith.constant 5 : index
      %get3A_1679 = tpu.vector_load %arg9[%get3A_1677, %get3A_1678] {strides = array<i32>} : memref<17x24xf32, #tpu.memory_space<vmem>>, vector<16xf32>,
      %mul3A_1680 = arith.mulf %scan3A_1031, %get3A_1679 : vector<16xf32>
      %add3A_1681 = arith.addf %add3A_1675, %mul3A_1680 : vector<16xf32>
      %and3A_1682 = arith.andi %and3A, %and3A_1652 : vector<16xi1>
      tpu.vector_store_idx %arg10[%min3A_1658, %min3A_1045], %add3A_1681 masked %and3A_1682 : memref<256x256xf32, #tpu.memory_space<vmem>>[vector<16xi32>, vector<16xi32>], vector<16xf32>, vector<16xi1>
      %get3A_1683 = arith.constant 9 : i32
      %get3A_1684 = arith.index_cast %get3A_1683 : i32 to index
      %get3A_1685 = arith.constant 3 : index
      %get3A_1686 = tpu.vector_load %arg9[%get3A_1684, %get3A_1685] {strides = array<i32>} : memref<17x24xf32, #tpu.memory_space<vmem>>, vector<16xf32>,
      %mul3A_1687 = arith.mulf %scan3A_1028, %get3A_1686 : vector<16xf32>
      %get3A_1688 = arith.constant 9 : i32
      %get3A_1689 = arith.index_cast %get3A_1688 : i32 to index
      %get3A_1690 = arith.constant 4 : index
      %get3A_1691 = tpu.vector_load %arg9[%get3A_1689, %get3A_1690] {strides = array<i32>} : memref<17x24xf32, #tpu.memory_space<vmem>>, vector<16xf32>,
      %mul3A_1692 = arith.mulf %scan3A_1029, %get3A_1691 : vector<16xf32>
      %add3A_1693 = arith.addf %mul3A_1687, %mul3A_1692 : vector<16xf32>
      %get3A_1694 = arith.constant 9 : i32
      %get3A_1695 = arith.index_cast %get3A_1694 : i32 to index
      %get3A_1696 = arith.constant 5 : index
      %get3A_1697 = tpu.vector_load %arg9[%get3A_1695, %get3A_1696] {strides = array<i32>} : memref<17x24xf32, #tpu.memory_space<vmem>>, vector<16xf32>,
      %mul3A_1698 = arith.mulf %scan3A_1030, %get3A_1697 : vector<16xf32>
      %add3A_1699 = arith.addf %add3A_1693, %mul3A_1698 : vector<16xf32>
      %get3A_1700 = arith.constant 9 : i32
      %get3A_1701 = arith.index_cast %get3A_1700 : i32 to index
      %get3A_1702 = arith.constant 6 : index
      %get3A_1703 = tpu.vector_load %arg9[%get3A_1701, %get3A_1702] {strides = array<i32>} : memref<17x24xf32, #tpu.memory_space<vmem>>, vector<16xf32>,
      %mul3A_1704 = arith.mulf %scan3A_1031, %get3A_1703 : vector<16xf32>
      %add3A_1705 = arith.addf %add3A_1699, %mul3A_1704 : vector<16xf32>
      %and3A_1706 = arith.andi %and3A_1060, %and3A_1652 : vector<16xi1>
      tpu.vector_store_idx %arg10[%min3A_1658, %min3A_1066], %add3A_1705 masked %and3A_1706 : memref<256x256xf32, #tpu.memory_space<vmem>>[vector<16xi32>, vector<16xi32>], vector<16xf32>, vector<16xi1>
      %add3A_1707 = arith.constant 10 : i32
      %add3A_1708 = vector.broadcast %add3A_1707 : i32 to vector<16xi32>
      %add3A_1709 = arith.addi %scan3A_1032, %add3A_1708 : vector<16xi32>
      %ge3A_1710 = arith.constant 0 : i32
      %ge3A_1711 = vector.broadcast %ge3A_1710 : i32 to vector<16xi32>
      %ge3A_1712 = arith.cmpi sge, %add3A_1709, %ge3A_1711 : vector<16xi32>
      %lt3A_1713 = arith.constant 256 : i32
      %lt3A_1714 = vector.broadcast %lt3A_1713 : i32 to vector<16xi32>
      %lt3A_1715 = arith.cmpi slt, %add3A_1709, %lt3A_1714 : vector<16xi32>
      %and3A_1716 = arith.andi %ge3A_1712, %lt3A_1715 : vector<16xi1>
      %jit3A_1717 = arith.constant 0 : i32
      %jit3A_1718 = arith.constant 255 : i32
      %max3A_1719 = vector.broadcast %jit3A_1717 : i32 to vector<16xi32>
      %max3A_1720 = arith.maxsi %max3A_1719, %add3A_1709 : vector<16xi32>
      %min3A_1721 = vector.broadcast %jit3A_1718 : i32 to vector<16xi32>
      %min3A_1722 = arith.minsi %min3A_1721, %max3A_1720 : vector<16xi32>
      %get3A_1723 = arith.constant 10 : i32
      %get3A_1724 = arith.index_cast %get3A_1723 : i32 to index
      %get3A_1725 = arith.constant 2 : index
      %get3A_1726 = tpu.vector_load %arg9[%get3A_1724, %get3A_1725] {strides = array<i32>} : memref<17x24xf32, #tpu.memory_space<vmem>>, vector<16xf32>,
      %mul3A_1727 = arith.mulf %scan3A_1028, %get3A_1726 : vector<16xf32>
      %get3A_1728 = arith.constant 10 : i32
      %get3A_1729 = arith.index_cast %get3A_1728 : i32 to index
      %get3A_1730 = arith.constant 3 : index
      %get3A_1731 = tpu.vector_load %arg9[%get3A_1729, %get3A_1730] {strides = array<i32>} : memref<17x24xf32, #tpu.memory_space<vmem>>, vector<16xf32>,
      %mul3A_1732 = arith.mulf %scan3A_1029, %get3A_1731 : vector<16xf32>
      %add3A_1733 = arith.addf %mul3A_1727, %mul3A_1732 : vector<16xf32>
      %get3A_1734 = arith.constant 10 : i32
      %get3A_1735 = arith.index_cast %get3A_1734 : i32 to index
      %get3A_1736 = arith.constant 4 : index
      %get3A_1737 = tpu.vector_load %arg9[%get3A_1735, %get3A_1736] {strides = array<i32>} : memref<17x24xf32, #tpu.memory_space<vmem>>, vector<16xf32>,
      %mul3A_1738 = arith.mulf %scan3A_1030, %get3A_1737 : vector<16xf32>
      %add3A_1739 = arith.addf %add3A_1733, %mul3A_1738 : vector<16xf32>
      %get3A_1740 = arith.constant 10 : i32
      %get3A_1741 = arith.index_cast %get3A_1740 : i32 to index
      %get3A_1742 = arith.constant 5 : index
      %get3A_1743 = tpu.vector_load %arg9[%get3A_1741, %get3A_1742] {strides = array<i32>} : memref<17x24xf32, #tpu.memory_space<vmem>>, vector<16xf32>,
      %mul3A_1744 = arith.mulf %scan3A_1031, %get3A_1743 : vector<16xf32>
      %add3A_1745 = arith.addf %add3A_1739, %mul3A_1744 : vector<16xf32>
      %and3A_1746 = arith.andi %and3A, %and3A_1716 : vector<16xi1>
      tpu.vector_store_idx %arg10[%min3A_1722, %min3A_1045], %add3A_1745 masked %and3A_1746 : memref<256x256xf32, #tpu.memory_space<vmem>>[vector<16xi32>, vector<16xi32>], vector<16xf32>, vector<16xi1>
      %get3A_1747 = arith.constant 10 : i32
      %get3A_1748 = arith.index_cast %get3A_1747 : i32 to index
      %get3A_1749 = arith.constant 3 : index
      %get3A_1750 = tpu.vector_load %arg9[%get3A_1748, %get3A_1749] {strides = array<i32>} : memref<17x24xf32, #tpu.memory_space<vmem>>, vector<16xf32>,
      %mul3A_1751 = arith.mulf %scan3A_1028, %get3A_1750 : vector<16xf32>
      %get3A_1752 = arith.constant 10 : i32
      %get3A_1753 = arith.index_cast %get3A_1752 : i32 to index
      %get3A_1754 = arith.constant 4 : index
      %get3A_1755 = tpu.vector_load %arg9[%get3A_1753, %get3A_1754] {strides = array<i32>} : memref<17x24xf32, #tpu.memory_space<vmem>>, vector<16xf32>,
      %mul3A_1756 = arith.mulf %scan3A_1029, %get3A_1755 : vector<16xf32>
      %add3A_1757 = arith.addf %mul3A_1751, %mul3A_1756 : vector<16xf32>
      %get3A_1758 = arith.constant 10 : i32
      %get3A_1759 = arith.index_cast %get3A_1758 : i32 to index
      %get3A_1760 = arith.constant 5 : index
      %get3A_1761 = tpu.vector_load %arg9[%get3A_1759, %get3A_1760] {strides = array<i32>} : memref<17x24xf32, #tpu.memory_space<vmem>>, vector<16xf32>,
      %mul3A_1762 = arith.mulf %scan3A_1030, %get3A_1761 : vector<16xf32>
      %add3A_1763 = arith.addf %add3A_1757, %mul3A_1762 : vector<16xf32>
      %get3A_1764 = arith.constant 10 : i32
      %get3A_1765 = arith.index_cast %get3A_1764 : i32 to index
      %get3A_1766 = arith.constant 6 : index
      %get3A_1767 = tpu.vector_load %arg9[%get3A_1765, %get3A_1766] {strides = array<i32>} : memref<17x24xf32, #tpu.memory_space<vmem>>, vector<16xf32>,
      %mul3A_1768 = arith.mulf %scan3A_1031, %get3A_1767 : vector<16xf32>
      %add3A_1769 = arith.addf %add3A_1763, %mul3A_1768 : vector<16xf32>
      %and3A_1770 = arith.andi %and3A_1060, %and3A_1716 : vector<16xi1>
      tpu.vector_store_idx %arg10[%min3A_1722, %min3A_1066], %add3A_1769 masked %and3A_1770 : memref<256x256xf32, #tpu.memory_space<vmem>>[vector<16xi32>, vector<16xi32>], vector<16xf32>, vector<16xi1>
      %add3A_1771 = arith.constant 11 : i32
      %add3A_1772 = vector.broadcast %add3A_1771 : i32 to vector<16xi32>
      %add3A_1773 = arith.addi %scan3A_1032, %add3A_1772 : vector<16xi32>
      %ge3A_1774 = arith.constant 0 : i32
      %ge3A_1775 = vector.broadcast %ge3A_1774 : i32 to vector<16xi32>
      %ge3A_1776 = arith.cmpi sge, %add3A_1773, %ge3A_1775 : vector<16xi32>
      %lt3A_1777 = arith.constant 256 : i32
      %lt3A_1778 = vector.broadcast %lt3A_1777 : i32 to vector<16xi32>
      %lt3A_1779 = arith.cmpi slt, %add3A_1773, %lt3A_1778 : vector<16xi32>
      %and3A_1780 = arith.andi %ge3A_1776, %lt3A_1779 : vector<16xi1>
      %jit3A_1781 = arith.constant 0 : i32
      %jit3A_1782 = arith.constant 255 : i32
      %max3A_1783 = vector.broadcast %jit3A_1781 : i32 to vector<16xi32>
      %max3A_1784 = arith.maxsi %max3A_1783, %add3A_1773 : vector<16xi32>
      %min3A_1785 = vector.broadcast %jit3A_1782 : i32 to vector<16xi32>
      %min3A_1786 = arith.minsi %min3A_1785, %max3A_1784 : vector<16xi32>
      %get3A_1787 = arith.constant 11 : i32
      %get3A_1788 = arith.index_cast %get3A_1787 : i32 to index
      %get3A_1789 = arith.constant 2 : index
      %get3A_1790 = tpu.vector_load %arg9[%get3A_1788, %get3A_1789] {strides = array<i32>} : memref<17x24xf32, #tpu.memory_space<vmem>>, vector<16xf32>,
      %mul3A_1791 = arith.mulf %scan3A_1028, %get3A_1790 : vector<16xf32>
      %get3A_1792 = arith.constant 11 : i32
      %get3A_1793 = arith.index_cast %get3A_1792 : i32 to index
      %get3A_1794 = arith.constant 3 : index
      %get3A_1795 = tpu.vector_load %arg9[%get3A_1793, %get3A_1794] {strides = array<i32>} : memref<17x24xf32, #tpu.memory_space<vmem>>, vector<16xf32>,
      %mul3A_1796 = arith.mulf %scan3A_1029, %get3A_1795 : vector<16xf32>
      %add3A_1797 = arith.addf %mul3A_1791, %mul3A_1796 : vector<16xf32>
      %get3A_1798 = arith.constant 11 : i32
      %get3A_1799 = arith.index_cast %get3A_1798 : i32 to index
      %get3A_1800 = arith.constant 4 : index
      %get3A_1801 = tpu.vector_load %arg9[%get3A_1799, %get3A_1800] {strides = array<i32>} : memref<17x24xf32, #tpu.memory_space<vmem>>, vector<16xf32>,
      %mul3A_1802 = arith.mulf %scan3A_1030, %get3A_1801 : vector<16xf32>
      %add3A_1803 = arith.addf %add3A_1797, %mul3A_1802 : vector<16xf32>
      %get3A_1804 = arith.constant 11 : i32
      %get3A_1805 = arith.index_cast %get3A_1804 : i32 to index
      %get3A_1806 = arith.constant 5 : index
      %get3A_1807 = tpu.vector_load %arg9[%get3A_1805, %get3A_1806] {strides = array<i32>} : memref<17x24xf32, #tpu.memory_space<vmem>>, vector<16xf32>,
      %mul3A_1808 = arith.mulf %scan3A_1031, %get3A_1807 : vector<16xf32>
      %add3A_1809 = arith.addf %add3A_1803, %mul3A_1808 : vector<16xf32>
      %and3A_1810 = arith.andi %and3A, %and3A_1780 : vector<16xi1>
      tpu.vector_store_idx %arg10[%min3A_1786, %min3A_1045], %add3A_1809 masked %and3A_1810 : memref<256x256xf32, #tpu.memory_space<vmem>>[vector<16xi32>, vector<16xi32>], vector<16xf32>, vector<16xi1>
      %get3A_1811 = arith.constant 11 : i32
      %get3A_1812 = arith.index_cast %get3A_1811 : i32 to index
      %get3A_1813 = arith.constant 3 : index
      %get3A_1814 = tpu.vector_load %arg9[%get3A_1812, %get3A_1813] {strides = array<i32>} : memref<17x24xf32, #tpu.memory_space<vmem>>, vector<16xf32>,
      %mul3A_1815 = arith.mulf %scan3A_1028, %get3A_1814 : vector<16xf32>
      %get3A_1816 = arith.constant 11 : i32
      %get3A_1817 = arith.index_cast %get3A_1816 : i32 to index
      %get3A_1818 = arith.constant 4 : index
      %get3A_1819 = tpu.vector_load %arg9[%get3A_1817, %get3A_1818] {strides = array<i32>} : memref<17x24xf32, #tpu.memory_space<vmem>>, vector<16xf32>,
      %mul3A_1820 = arith.mulf %scan3A_1029, %get3A_1819 : vector<16xf32>
      %add3A_1821 = arith.addf %mul3A_1815, %mul3A_1820 : vector<16xf32>
      %get3A_1822 = arith.constant 11 : i32
      %get3A_1823 = arith.index_cast %get3A_1822 : i32 to index
      %get3A_1824 = arith.constant 5 : index
      %get3A_1825 = tpu.vector_load %arg9[%get3A_1823, %get3A_1824] {strides = array<i32>} : memref<17x24xf32, #tpu.memory_space<vmem>>, vector<16xf32>,
      %mul3A_1826 = arith.mulf %scan3A_1030, %get3A_1825 : vector<16xf32>
      %add3A_1827 = arith.addf %add3A_1821, %mul3A_1826 : vector<16xf32>
      %get3A_1828 = arith.constant 11 : i32
      %get3A_1829 = arith.index_cast %get3A_1828 : i32 to index
      %get3A_1830 = arith.constant 6 : index
      %get3A_1831 = tpu.vector_load %arg9[%get3A_1829, %get3A_1830] {strides = array<i32>} : memref<17x24xf32, #tpu.memory_space<vmem>>, vector<16xf32>,
      %mul3A_1832 = arith.mulf %scan3A_1031, %get3A_1831 : vector<16xf32>
      %add3A_1833 = arith.addf %add3A_1827, %mul3A_1832 : vector<16xf32>
      %and3A_1834 = arith.andi %and3A_1060, %and3A_1780 : vector<16xi1>
      tpu.vector_store_idx %arg10[%min3A_1786, %min3A_1066], %add3A_1833 masked %and3A_1834 : memref<256x256xf32, #tpu.memory_space<vmem>>[vector<16xi32>, vector<16xi32>], vector<16xf32>, vector<16xi1>
      %add3A_1835 = arith.constant 12 : i32
      %add3A_1836 = vector.broadcast %add3A_1835 : i32 to vector<16xi32>
      %add3A_1837 = arith.addi %scan3A_1032, %add3A_1836 : vector<16xi32>
      %ge3A_1838 = arith.constant 0 : i32
      %ge3A_1839 = vector.broadcast %ge3A_1838 : i32 to vector<16xi32>
      %ge3A_1840 = arith.cmpi sge, %add3A_1837, %ge3A_1839 : vector<16xi32>
      %lt3A_1841 = arith.constant 256 : i32
      %lt3A_1842 = vector.broadcast %lt3A_1841 : i32 to vector<16xi32>
      %lt3A_1843 = arith.cmpi slt, %add3A_1837, %lt3A_1842 : vector<16xi32>
      %and3A_1844 = arith.andi %ge3A_1840, %lt3A_1843 : vector<16xi1>
      %jit3A_1845 = arith.constant 0 : i32
      %jit3A_1846 = arith.constant 255 : i32
      %max3A_1847 = vector.broadcast %jit3A_1845 : i32 to vector<16xi32>
      %max3A_1848 = arith.maxsi %max3A_1847, %add3A_1837 : vector<16xi32>
      %min3A_1849 = vector.broadcast %jit3A_1846 : i32 to vector<16xi32>
      %min3A_1850 = arith.minsi %min3A_1849, %max3A_1848 : vector<16xi32>
      %get3A_1851 = arith.constant 12 : i32
      %get3A_1852 = arith.index_cast %get3A_1851 : i32 to index
      %get3A_1853 = arith.constant 2 : index
      %get3A_1854 = tpu.vector_load %arg9[%get3A_1852, %get3A_1853] {strides = array<i32>} : memref<17x24xf32, #tpu.memory_space<vmem>>, vector<16xf32>,
      %mul3A_1855 = arith.mulf %scan3A_1028, %get3A_1854 : vector<16xf32>
      %get3A_1856 = arith.constant 12 : i32
      %get3A_1857 = arith.index_cast %get3A_1856 : i32 to index
      %get3A_1858 = arith.constant 3 : index
      %get3A_1859 = tpu.vector_load %arg9[%get3A_1857, %get3A_1858] {strides = array<i32>} : memref<17x24xf32, #tpu.memory_space<vmem>>, vector<16xf32>,
      %mul3A_1860 = arith.mulf %scan3A_1029, %get3A_1859 : vector<16xf32>
      %add3A_1861 = arith.addf %mul3A_1855, %mul3A_1860 : vector<16xf32>
      %get3A_1862 = arith.constant 12 : i32
      %get3A_1863 = arith.index_cast %get3A_1862 : i32 to index
      %get3A_1864 = arith.constant 4 : index
      %get3A_1865 = tpu.vector_load %arg9[%get3A_1863, %get3A_1864] {strides = array<i32>} : memref<17x24xf32, #tpu.memory_space<vmem>>, vector<16xf32>,
      %mul3A_1866 = arith.mulf %scan3A_1030, %get3A_1865 : vector<16xf32>
      %add3A_1867 = arith.addf %add3A_1861, %mul3A_1866 : vector<16xf32>
      %get3A_1868 = arith.constant 12 : i32
      %get3A_1869 = arith.index_cast %get3A_1868 : i32 to index
      %get3A_1870 = arith.constant 5 : index
      %get3A_1871 = tpu.vector_load %arg9[%get3A_1869, %get3A_1870] {strides = array<i32>} : memref<17x24xf32, #tpu.memory_space<vmem>>, vector<16xf32>,
      %mul3A_1872 = arith.mulf %scan3A_1031, %get3A_1871 : vector<16xf32>
      %add3A_1873 = arith.addf %add3A_1867, %mul3A_1872 : vector<16xf32>
      %and3A_1874 = arith.andi %and3A, %and3A_1844 : vector<16xi1>
      tpu.vector_store_idx %arg10[%min3A_1850, %min3A_1045], %add3A_1873 masked %and3A_1874 : memref<256x256xf32, #tpu.memory_space<vmem>>[vector<16xi32>, vector<16xi32>], vector<16xf32>, vector<16xi1>
      %get3A_1875 = arith.constant 12 : i32
      %get3A_1876 = arith.index_cast %get3A_1875 : i32 to index
      %get3A_1877 = arith.constant 3 : index
      %get3A_1878 = tpu.vector_load %arg9[%get3A_1876, %get3A_1877] {strides = array<i32>} : memref<17x24xf32, #tpu.memory_space<vmem>>, vector<16xf32>,
      %mul3A_1879 = arith.mulf %scan3A_1028, %get3A_1878 : vector<16xf32>
      %get3A_1880 = arith.constant 12 : i32
      %get3A_1881 = arith.index_cast %get3A_1880 : i32 to index
      %get3A_1882 = arith.constant 4 : index
      %get3A_1883 = tpu.vector_load %arg9[%get3A_1881, %get3A_1882] {strides = array<i32>} : memref<17x24xf32, #tpu.memory_space<vmem>>, vector<16xf32>,
      %mul3A_1884 = arith.mulf %scan3A_1029, %get3A_1883 : vector<16xf32>
      %add3A_1885 = arith.addf %mul3A_1879, %mul3A_1884 : vector<16xf32>
      %get3A_1886 = arith.constant 12 : i32
      %get3A_1887 = arith.index_cast %get3A_1886 : i32 to index
      %get3A_1888 = arith.constant 5 : index
      %get3A_1889 = tpu.vector_load %arg9[%get3A_1887, %get3A_1888] {strides = array<i32>} : memref<17x24xf32, #tpu.memory_space<vmem>>, vector<16xf32>,
      %mul3A_1890 = arith.mulf %scan3A_1030, %get3A_1889 : vector<16xf32>
      %add3A_1891 = arith.addf %add3A_1885, %mul3A_1890 : vector<16xf32>
      %get3A_1892 = arith.constant 12 : i32
      %get3A_1893 = arith.index_cast %get3A_1892 : i32 to index
      %get3A_1894 = arith.constant 6 : index
      %get3A_1895 = tpu.vector_load %arg9[%get3A_1893, %get3A_1894] {strides = array<i32>} : memref<17x24xf32, #tpu.memory_space<vmem>>, vector<16xf32>,
      %mul3A_1896 = arith.mulf %scan3A_1031, %get3A_1895 : vector<16xf32>
      %add3A_1897 = arith.addf %add3A_1891, %mul3A_1896 : vector<16xf32>
      %and3A_1898 = arith.andi %and3A_1060, %and3A_1844 : vector<16xi1>
      tpu.vector_store_idx %arg10[%min3A_1850, %min3A_1066], %add3A_1897 masked %and3A_1898 : memref<256x256xf32, #tpu.memory_space<vmem>>[vector<16xi32>, vector<16xi32>], vector<16xf32>, vector<16xi1>
      %add3A_1899 = arith.constant 13 : i32
      %add3A_1900 = vector.broadcast %add3A_1899 : i32 to vector<16xi32>
      %add3A_1901 = arith.addi %scan3A_1032, %add3A_1900 : vector<16xi32>
      %ge3A_1902 = arith.constant 0 : i32
      %ge3A_1903 = vector.broadcast %ge3A_1902 : i32 to vector<16xi32>
      %ge3A_1904 = arith.cmpi sge, %add3A_1901, %ge3A_1903 : vector<16xi32>
      %lt3A_1905 = arith.constant 256 : i32
      %lt3A_1906 = vector.broadcast %lt3A_1905 : i32 to vector<16xi32>
      %lt3A_1907 = arith.cmpi slt, %add3A_1901, %lt3A_1906 : vector<16xi32>
      %and3A_1908 = arith.andi %ge3A_1904, %lt3A_1907 : vector<16xi1>
      %jit3A_1909 = arith.constant 0 : i32
      %jit3A_1910 = arith.constant 255 : i32
      %max3A_1911 = vector.broadcast %jit3A_1909 : i32 to vector<16xi32>
      %max3A_1912 = arith.maxsi %max3A_1911, %add3A_1901 : vector<16xi32>
      %min3A_1913 = vector.broadcast %jit3A_1910 : i32 to vector<16xi32>
      %min3A_1914 = arith.minsi %min3A_1913, %max3A_1912 : vector<16xi32>
      %get3A_1915 = arith.constant 13 : i32
      %get3A_1916 = arith.index_cast %get3A_1915 : i32 to index
      %get3A_1917 = arith.constant 2 : index
      %get3A_1918 = tpu.vector_load %arg9[%get3A_1916, %get3A_1917] {strides = array<i32>} : memref<17x24xf32, #tpu.memory_space<vmem>>, vector<16xf32>,
      %mul3A_1919 = arith.mulf %scan3A_1028, %get3A_1918 : vector<16xf32>
      %get3A_1920 = arith.constant 13 : i32
      %get3A_1921 = arith.index_cast %get3A_1920 : i32 to index
      %get3A_1922 = arith.constant 3 : index
      %get3A_1923 = tpu.vector_load %arg9[%get3A_1921, %get3A_1922] {strides = array<i32>} : memref<17x24xf32, #tpu.memory_space<vmem>>, vector<16xf32>,
      %mul3A_1924 = arith.mulf %scan3A_1029, %get3A_1923 : vector<16xf32>
      %add3A_1925 = arith.addf %mul3A_1919, %mul3A_1924 : vector<16xf32>
      %get3A_1926 = arith.constant 13 : i32
      %get3A_1927 = arith.index_cast %get3A_1926 : i32 to index
      %get3A_1928 = arith.constant 4 : index
      %get3A_1929 = tpu.vector_load %arg9[%get3A_1927, %get3A_1928] {strides = array<i32>} : memref<17x24xf32, #tpu.memory_space<vmem>>, vector<16xf32>,
      %mul3A_1930 = arith.mulf %scan3A_1030, %get3A_1929 : vector<16xf32>
      %add3A_1931 = arith.addf %add3A_1925, %mul3A_1930 : vector<16xf32>
      %get3A_1932 = arith.constant 13 : i32
      %get3A_1933 = arith.index_cast %get3A_1932 : i32 to index
      %get3A_1934 = arith.constant 5 : index
      %get3A_1935 = tpu.vector_load %arg9[%get3A_1933, %get3A_1934] {strides = array<i32>} : memref<17x24xf32, #tpu.memory_space<vmem>>, vector<16xf32>,
      %mul3A_1936 = arith.mulf %scan3A_1031, %get3A_1935 : vector<16xf32>
      %add3A_1937 = arith.addf %add3A_1931, %mul3A_1936 : vector<16xf32>
      %and3A_1938 = arith.andi %and3A, %and3A_1908 : vector<16xi1>
      tpu.vector_store_idx %arg10[%min3A_1914, %min3A_1045], %add3A_1937 masked %and3A_1938 : memref<256x256xf32, #tpu.memory_space<vmem>>[vector<16xi32>, vector<16xi32>], vector<16xf32>, vector<16xi1>
      %get3A_1939 = arith.constant 13 : i32
      %get3A_1940 = arith.index_cast %get3A_1939 : i32 to index
      %get3A_1941 = arith.constant 3 : index
      %get3A_1942 = tpu.vector_load %arg9[%get3A_1940, %get3A_1941] {strides = array<i32>} : memref<17x24xf32, #tpu.memory_space<vmem>>, vector<16xf32>,
      %mul3A_1943 = arith.mulf %scan3A_1028, %get3A_1942 : vector<16xf32>
      %get3A_1944 = arith.constant 13 : i32
      %get3A_1945 = arith.index_cast %get3A_1944 : i32 to index
      %get3A_1946 = arith.constant 4 : index
      %get3A_1947 = tpu.vector_load %arg9[%get3A_1945, %get3A_1946] {strides = array<i32>} : memref<17x24xf32, #tpu.memory_space<vmem>>, vector<16xf32>,
      %mul3A_1948 = arith.mulf %scan3A_1029, %get3A_1947 : vector<16xf32>
      %add3A_1949 = arith.addf %mul3A_1943, %mul3A_1948 : vector<16xf32>
      %get3A_1950 = arith.constant 13 : i32
      %get3A_1951 = arith.index_cast %get3A_1950 : i32 to index
      %get3A_1952 = arith.constant 5 : index
      %get3A_1953 = tpu.vector_load %arg9[%get3A_1951, %get3A_1952] {strides = array<i32>} : memref<17x24xf32, #tpu.memory_space<vmem>>, vector<16xf32>,
      %mul3A_1954 = arith.mulf %scan3A_1030, %get3A_1953 : vector<16xf32>
      %add3A_1955 = arith.addf %add3A_1949, %mul3A_1954 : vector<16xf32>
      %get3A_1956 = arith.constant 13 : i32
      %get3A_1957 = arith.index_cast %get3A_1956 : i32 to index
      %get3A_1958 = arith.constant 6 : index
      %get3A_1959 = tpu.vector_load %arg9[%get3A_1957, %get3A_1958] {strides = array<i32>} : memref<17x24xf32, #tpu.memory_space<vmem>>, vector<16xf32>,
      %mul3A_1960 = arith.mulf %scan3A_1031, %get3A_1959 : vector<16xf32>
      %add3A_1961 = arith.addf %add3A_1955, %mul3A_1960 : vector<16xf32>
      %and3A_1962 = arith.andi %and3A_1060, %and3A_1908 : vector<16xi1>
      tpu.vector_store_idx %arg10[%min3A_1914, %min3A_1066], %add3A_1961 masked %and3A_1962 : memref<256x256xf32, #tpu.memory_space<vmem>>[vector<16xi32>, vector<16xi32>], vector<16xf32>, vector<16xi1>
      %add3A_1963 = arith.constant 14 : i32
      %add3A_1964 = vector.broadcast %add3A_1963 : i32 to vector<16xi32>
      %add3A_1965 = arith.addi %scan3A_1032, %add3A_1964 : vector<16xi32>
      %ge3A_1966 = arith.constant 0 : i32
      %ge3A_1967 = vector.broadcast %ge3A_1966 : i32 to vector<16xi32>
      %ge3A_1968 = arith.cmpi sge, %add3A_1965, %ge3A_1967 : vector<16xi32>
      %lt3A_1969 = arith.constant 256 : i32
      %lt3A_1970 = vector.broadcast %lt3A_1969 : i32 to vector<16xi32>
      %lt3A_1971 = arith.cmpi slt, %add3A_1965, %lt3A_1970 : vector<16xi32>
      %and3A_1972 = arith.andi %ge3A_1968, %lt3A_1971 : vector<16xi1>
      %jit3A_1973 = arith.constant 0 : i32
      %jit3A_1974 = arith.constant 255 : i32
      %max3A_1975 = vector.broadcast %jit3A_1973 : i32 to vector<16xi32>
      %max3A_1976 = arith.maxsi %max3A_1975, %add3A_1965 : vector<16xi32>
      %min3A_1977 = vector.broadcast %jit3A_1974 : i32 to vector<16xi32>
      %min3A_1978 = arith.minsi %min3A_1977, %max3A_1976 : vector<16xi32>
      %get3A_1979 = arith.constant 14 : i32
      %get3A_1980 = arith.index_cast %get3A_1979 : i32 to index
      %get3A_1981 = arith.constant 2 : index
      %get3A_1982 = tpu.vector_load %arg9[%get3A_1980, %get3A_1981] {strides = array<i32>} : memref<17x24xf32, #tpu.memory_space<vmem>>, vector<16xf32>,
      %mul3A_1983 = arith.mulf %scan3A_1028, %get3A_1982 : vector<16xf32>
      %get3A_1984 = arith.constant 14 : i32
      %get3A_1985 = arith.index_cast %get3A_1984 : i32 to index
      %get3A_1986 = arith.constant 3 : index
      %get3A_1987 = tpu.vector_load %arg9[%get3A_1985, %get3A_1986] {strides = array<i32>} : memref<17x24xf32, #tpu.memory_space<vmem>>, vector<16xf32>,
      %mul3A_1988 = arith.mulf %scan3A_1029, %get3A_1987 : vector<16xf32>
      %add3A_1989 = arith.addf %mul3A_1983, %mul3A_1988 : vector<16xf32>
      %get3A_1990 = arith.constant 14 : i32
      %get3A_1991 = arith.index_cast %get3A_1990 : i32 to index
      %get3A_1992 = arith.constant 4 : index
      %get3A_1993 = tpu.vector_load %arg9[%get3A_1991, %get3A_1992] {strides = array<i32>} : memref<17x24xf32, #tpu.memory_space<vmem>>, vector<16xf32>,
      %mul3A_1994 = arith.mulf %scan3A_1030, %get3A_1993 : vector<16xf32>
      %add3A_1995 = arith.addf %add3A_1989, %mul3A_1994 : vector<16xf32>
      %get3A_1996 = arith.constant 14 : i32
      %get3A_1997 = arith.index_cast %get3A_1996 : i32 to index
      %get3A_1998 = arith.constant 5 : index
      %get3A_1999 = tpu.vector_load %arg9[%get3A_1997, %get3A_1998] {strides = array<i32>} : memref<17x24xf32, #tpu.memory_space<vmem>>, vector<16xf32>,
      %mul3A_2000 = arith.mulf %scan3A_1031, %get3A_1999 : vector<16xf32>
      %add3A_2001 = arith.addf %add3A_1995, %mul3A_2000 : vector<16xf32>
      %and3A_2002 = arith.andi %and3A, %and3A_1972 : vector<16xi1>
      tpu.vector_store_idx %arg10[%min3A_1978, %min3A_1045], %add3A_2001 masked %and3A_2002 : memref<256x256xf32, #tpu.memory_space<vmem>>[vector<16xi32>, vector<16xi32>], vector<16xf32>, vector<16xi1>
      %get3A_2003 = arith.constant 14 : i32
      %get3A_2004 = arith.index_cast %get3A_2003 : i32 to index
      %get3A_2005 = arith.constant 3 : index
      %get3A_2006 = tpu.vector_load %arg9[%get3A_2004, %get3A_2005] {strides = array<i32>} : memref<17x24xf32, #tpu.memory_space<vmem>>, vector<16xf32>,
      %mul3A_2007 = arith.mulf %scan3A_1028, %get3A_2006 : vector<16xf32>
      %get3A_2008 = arith.constant 14 : i32
      %get3A_2009 = arith.index_cast %get3A_2008 : i32 to index
      %get3A_2010 = arith.constant 4 : index
      %get3A_2011 = tpu.vector_load %arg9[%get3A_2009, %get3A_2010] {strides = array<i32>} : memref<17x24xf32, #tpu.memory_space<vmem>>, vector<16xf32>,
      %mul3A_2012 = arith.mulf %scan3A_1029, %get3A_2011 : vector<16xf32>
      %add3A_2013 = arith.addf %mul3A_2007, %mul3A_2012 : vector<16xf32>
      %get3A_2014 = arith.constant 14 : i32
      %get3A_2015 = arith.index_cast %get3A_2014 : i32 to index
      %get3A_2016 = arith.constant 5 : index
      %get3A_2017 = tpu.vector_load %arg9[%get3A_2015, %get3A_2016] {strides = array<i32>} : memref<17x24xf32, #tpu.memory_space<vmem>>, vector<16xf32>,
      %mul3A_2018 = arith.mulf %scan3A_1030, %get3A_2017 : vector<16xf32>
      %add3A_2019 = arith.addf %add3A_2013, %mul3A_2018 : vector<16xf32>
      %get3A_2020 = arith.constant 14 : i32
      %get3A_2021 = arith.index_cast %get3A_2020 : i32 to index
      %get3A_2022 = arith.constant 6 : index
      %get3A_2023 = tpu.vector_load %arg9[%get3A_2021, %get3A_2022] {strides = array<i32>} : memref<17x24xf32, #tpu.memory_space<vmem>>, vector<16xf32>,
      %mul3A_2024 = arith.mulf %scan3A_1031, %get3A_2023 : vector<16xf32>
      %add3A_2025 = arith.addf %add3A_2019, %mul3A_2024 : vector<16xf32>
      %and3A_2026 = arith.andi %and3A_1060, %and3A_1972 : vector<16xi1>
      tpu.vector_store_idx %arg10[%min3A_1978, %min3A_1066], %add3A_2025 masked %and3A_2026 : memref<256x256xf32, #tpu.memory_space<vmem>>[vector<16xi32>, vector<16xi32>], vector<16xf32>, vector<16xi1>
      %add3A_2027 = arith.constant 15 : i32
      %add3A_2028 = vector.broadcast %add3A_2027 : i32 to vector<16xi32>
      %add3A_2029 = arith.addi %scan3A_1032, %add3A_2028 : vector<16xi32>
      %ge3A_2030 = arith.constant 0 : i32
      %ge3A_2031 = vector.broadcast %ge3A_2030 : i32 to vector<16xi32>
      %ge3A_2032 = arith.cmpi sge, %add3A_2029, %ge3A_2031 : vector<16xi32>
      %lt3A_2033 = arith.constant 256 : i32
      %lt3A_2034 = vector.broadcast %lt3A_2033 : i32 to vector<16xi32>
      %lt3A_2035 = arith.cmpi slt, %add3A_2029, %lt3A_2034 : vector<16xi32>
      %and3A_2036 = arith.andi %ge3A_2032, %lt3A_2035 : vector<16xi1>
      %jit3A_2037 = arith.constant 0 : i32
      %jit3A_2038 = arith.constant 255 : i32
      %max3A_2039 = vector.broadcast %jit3A_2037 : i32 to vector<16xi32>
      %max3A_2040 = arith.maxsi %max3A_2039, %add3A_2029 : vector<16xi32>
      %min3A_2041 = vector.broadcast %jit3A_2038 : i32 to vector<16xi32>
      %min3A_2042 = arith.minsi %min3A_2041, %max3A_2040 : vector<16xi32>
      %get3A_2043 = arith.constant 15 : i32
      %get3A_2044 = arith.index_cast %get3A_2043 : i32 to index
      %get3A_2045 = arith.constant 2 : index
      %get3A_2046 = tpu.vector_load %arg9[%get3A_2044, %get3A_2045] {strides = array<i32>} : memref<17x24xf32, #tpu.memory_space<vmem>>, vector<16xf32>,
      %mul3A_2047 = arith.mulf %scan3A_1028, %get3A_2046 : vector<16xf32>
      %get3A_2048 = arith.constant 15 : i32
      %get3A_2049 = arith.index_cast %get3A_2048 : i32 to index
      %get3A_2050 = arith.constant 3 : index
      %get3A_2051 = tpu.vector_load %arg9[%get3A_2049, %get3A_2050] {strides = array<i32>} : memref<17x24xf32, #tpu.memory_space<vmem>>, vector<16xf32>,
      %mul3A_2052 = arith.mulf %scan3A_1029, %get3A_2051 : vector<16xf32>
      %add3A_2053 = arith.addf %mul3A_2047, %mul3A_2052 : vector<16xf32>
      %get3A_2054 = arith.constant 15 : i32
      %get3A_2055 = arith.index_cast %get3A_2054 : i32 to index
      %get3A_2056 = arith.constant 4 : index
      %get3A_2057 = tpu.vector_load %arg9[%get3A_2055, %get3A_2056] {strides = array<i32>} : memref<17x24xf32, #tpu.memory_space<vmem>>, vector<16xf32>,
      %mul3A_2058 = arith.mulf %scan3A_1030, %get3A_2057 : vector<16xf32>
      %add3A_2059 = arith.addf %add3A_2053, %mul3A_2058 : vector<16xf32>
      %get3A_2060 = arith.constant 15 : i32
      %get3A_2061 = arith.index_cast %get3A_2060 : i32 to index
      %get3A_2062 = arith.constant 5 : index
      %get3A_2063 = tpu.vector_load %arg9[%get3A_2061, %get3A_2062] {strides = array<i32>} : memref<17x24xf32, #tpu.memory_space<vmem>>, vector<16xf32>,
      %mul3A_2064 = arith.mulf %scan3A_1031, %get3A_2063 : vector<16xf32>
      %add3A_2065 = arith.addf %add3A_2059, %mul3A_2064 : vector<16xf32>
      %and3A_2066 = arith.andi %and3A, %and3A_2036 : vector<16xi1>
      tpu.vector_store_idx %arg10[%min3A_2042, %min3A_1045], %add3A_2065 masked %and3A_2066 : memref<256x256xf32, #tpu.memory_space<vmem>>[vector<16xi32>, vector<16xi32>], vector<16xf32>, vector<16xi1>
      %get3A_2067 = arith.constant 15 : i32
      %get3A_2068 = arith.index_cast %get3A_2067 : i32 to index
      %get3A_2069 = arith.constant 3 : index
      %get3A_2070 = tpu.vector_load %arg9[%get3A_2068, %get3A_2069] {strides = array<i32>} : memref<17x24xf32, #tpu.memory_space<vmem>>, vector<16xf32>,
      %mul3A_2071 = arith.mulf %scan3A_1028, %get3A_2070 : vector<16xf32>
      %get3A_2072 = arith.constant 15 : i32
      %get3A_2073 = arith.index_cast %get3A_2072 : i32 to index
      %get3A_2074 = arith.constant 4 : index
      %get3A_2075 = tpu.vector_load %arg9[%get3A_2073, %get3A_2074] {strides = array<i32>} : memref<17x24xf32, #tpu.memory_space<vmem>>, vector<16xf32>,
      %mul3A_2076 = arith.mulf %scan3A_1029, %get3A_2075 : vector<16xf32>
      %add3A_2077 = arith.addf %mul3A_2071, %mul3A_2076 : vector<16xf32>
      %get3A_2078 = arith.constant 15 : i32
      %get3A_2079 = arith.index_cast %get3A_2078 : i32 to index
      %get3A_2080 = arith.constant 5 : index
      %get3A_2081 = tpu.vector_load %arg9[%get3A_2079, %get3A_2080] {strides = array<i32>} : memref<17x24xf32, #tpu.memory_space<vmem>>, vector<16xf32>,
      %mul3A_2082 = arith.mulf %scan3A_1030, %get3A_2081 : vector<16xf32>
      %add3A_2083 = arith.addf %add3A_2077, %mul3A_2082 : vector<16xf32>
      %get3A_2084 = arith.constant 15 : i32
      %get3A_2085 = arith.index_cast %get3A_2084 : i32 to index
      %get3A_2086 = arith.constant 6 : index
      %get3A_2087 = tpu.vector_load %arg9[%get3A_2085, %get3A_2086] {strides = array<i32>} : memref<17x24xf32, #tpu.memory_space<vmem>>, vector<16xf32>,
      %mul3A_2088 = arith.mulf %scan3A_1031, %get3A_2087 : vector<16xf32>
      %add3A_2089 = arith.addf %add3A_2083, %mul3A_2088 : vector<16xf32>
      %and3A_2090 = arith.andi %and3A_1060, %and3A_2036 : vector<16xi1>
      tpu.vector_store_idx %arg10[%min3A_2042, %min3A_1066], %add3A_2089 masked %and3A_2090 : memref<256x256xf32, #tpu.memory_space<vmem>>[vector<16xi32>, vector<16xi32>], vector<16xf32>, vector<16xi1>
      %add3A_2091 = arith.constant 16 : i32
      %add3A_2092 = vector.broadcast %add3A_2091 : i32 to vector<16xi32>
      %add3A_2093 = arith.addi %scan3A_1032, %add3A_2092 : vector<16xi32>
      %ge3A_2094 = arith.constant 0 : i32
      %ge3A_2095 = vector.broadcast %ge3A_2094 : i32 to vector<16xi32>
      %ge3A_2096 = arith.cmpi sge, %add3A_2093, %ge3A_2095 : vector<16xi32>
      %lt3A_2097 = arith.constant 256 : i32
      %lt3A_2098 = vector.broadcast %lt3A_2097 : i32 to vector<16xi32>
      %lt3A_2099 = arith.cmpi slt, %add3A_2093, %lt3A_2098 : vector<16xi32>
      %and3A_2100 = arith.andi %ge3A_2096, %lt3A_2099 : vector<16xi1>
      %jit3A_2101 = arith.constant 0 : i32
      %jit3A_2102 = arith.constant 255 : i32
      %max3A_2103 = vector.broadcast %jit3A_2101 : i32 to vector<16xi32>
      %max3A_2104 = arith.maxsi %max3A_2103, %add3A_2093 : vector<16xi32>
      %min3A_2105 = vector.broadcast %jit3A_2102 : i32 to vector<16xi32>
      %min3A_2106 = arith.minsi %min3A_2105, %max3A_2104 : vector<16xi32>
      %get3A_2107 = arith.constant 16 : i32
      %get3A_2108 = arith.index_cast %get3A_2107 : i32 to index
      %get3A_2109 = arith.constant 2 : index
      %get3A_2110 = tpu.vector_load %arg9[%get3A_2108, %get3A_2109] {strides = array<i32>} : memref<17x24xf32, #tpu.memory_space<vmem>>, vector<16xf32>,
      %mul3A_2111 = arith.mulf %scan3A_1028, %get3A_2110 : vector<16xf32>
      %get3A_2112 = arith.constant 16 : i32
      %get3A_2113 = arith.index_cast %get3A_2112 : i32 to index
      %get3A_2114 = arith.constant 3 : index
      %get3A_2115 = tpu.vector_load %arg9[%get3A_2113, %get3A_2114] {strides = array<i32>} : memref<17x24xf32, #tpu.memory_space<vmem>>, vector<16xf32>,
      %mul3A_2116 = arith.mulf %scan3A_1029, %get3A_2115 : vector<16xf32>
      %add3A_2117 = arith.addf %mul3A_2111, %mul3A_2116 : vector<16xf32>
      %get3A_2118 = arith.constant 16 : i32
      %get3A_2119 = arith.index_cast %get3A_2118 : i32 to index
      %get3A_2120 = arith.constant 4 : index
      %get3A_2121 = tpu.vector_load %arg9[%get3A_2119, %get3A_2120] {strides = array<i32>} : memref<17x24xf32, #tpu.memory_space<vmem>>, vector<16xf32>,
      %mul3A_2122 = arith.mulf %scan3A_1030, %get3A_2121 : vector<16xf32>
      %add3A_2123 = arith.addf %add3A_2117, %mul3A_2122 : vector<16xf32>
      %get3A_2124 = arith.constant 16 : i32
      %get3A_2125 = arith.index_cast %get3A_2124 : i32 to index
      %get3A_2126 = arith.constant 5 : index
      %get3A_2127 = tpu.vector_load %arg9[%get3A_2125, %get3A_2126] {strides = array<i32>} : memref<17x24xf32, #tpu.memory_space<vmem>>, vector<16xf32>,
      %mul3A_2128 = arith.mulf %scan3A_1031, %get3A_2127 : vector<16xf32>
      %add3A_2129 = arith.addf %add3A_2123, %mul3A_2128 : vector<16xf32>
      %and3A_2130 = arith.andi %and3A, %and3A_2100 : vector<16xi1>
      tpu.vector_store_idx %arg10[%min3A_2106, %min3A_1045], %add3A_2129 masked %and3A_2130 : memref<256x256xf32, #tpu.memory_space<vmem>>[vector<16xi32>, vector<16xi32>], vector<16xf32>, vector<16xi1>
      %get3A_2131 = arith.constant 16 : i32
      %get3A_2132 = arith.index_cast %get3A_2131 : i32 to index
      %get3A_2133 = arith.constant 3 : index
      %get3A_2134 = tpu.vector_load %arg9[%get3A_2132, %get3A_2133] {strides = array<i32>} : memref<17x24xf32, #tpu.memory_space<vmem>>, vector<16xf32>,
      %mul3A_2135 = arith.mulf %scan3A_1028, %get3A_2134 : vector<16xf32>
      %get3A_2136 = arith.constant 16 : i32
      %get3A_2137 = arith.index_cast %get3A_2136 : i32 to index
      %get3A_2138 = arith.constant 4 : index
      %get3A_2139 = tpu.vector_load %arg9[%get3A_2137, %get3A_2138] {strides = array<i32>} : memref<17x24xf32, #tpu.memory_space<vmem>>, vector<16xf32>,
      %mul3A_2140 = arith.mulf %scan3A_1029, %get3A_2139 : vector<16xf32>
      %add3A_2141 = arith.addf %mul3A_2135, %mul3A_2140 : vector<16xf32>
      %get3A_2142 = arith.constant 16 : i32
      %get3A_2143 = arith.index_cast %get3A_2142 : i32 to index
      %get3A_2144 = arith.constant 5 : index
      %get3A_2145 = tpu.vector_load %arg9[%get3A_2143, %get3A_2144] {strides = array<i32>} : memref<17x24xf32, #tpu.memory_space<vmem>>, vector<16xf32>,
      %mul3A_2146 = arith.mulf %scan3A_1030, %get3A_2145 : vector<16xf32>
      %add3A_2147 = arith.addf %add3A_2141, %mul3A_2146 : vector<16xf32>
      %get3A_2148 = arith.constant 16 : i32
      %get3A_2149 = arith.index_cast %get3A_2148 : i32 to index
      %get3A_2150 = arith.constant 6 : index
      %get3A_2151 = tpu.vector_load %arg9[%get3A_2149, %get3A_2150] {strides = array<i32>} : memref<17x24xf32, #tpu.memory_space<vmem>>, vector<16xf32>,
      %mul3A_2152 = arith.mulf %scan3A_1031, %get3A_2151 : vector<16xf32>
      %add3A_2153 = arith.addf %add3A_2147, %mul3A_2152 : vector<16xf32>
      %and3A_2154 = arith.andi %and3A_1060, %and3A_2100 : vector<16xi1>
      tpu.vector_store_idx %arg10[%min3A_2106, %min3A_1066], %add3A_2153 masked %and3A_2154 : memref<256x256xf32, #tpu.memory_space<vmem>>[vector<16xi32>, vector<16xi32>], vector<16xf32>, vector<16xi1>
      %add3A_2155 = arith.addi %mul3A_2, %scan3A_1027 : i32
      %dma_start3A = arith.constant 0 : i32
      %dma_start3A_2156 = arith.constant 0 : i32
      %dma_start3A_2157 = arith.constant 0 : i32
      %dma_start3A_2158 = tpu.memref_slice %arg10[%dma_start3A_2156, %dma_start3A_2157] : memref<256x256xf32, #tpu.memory_space<vmem>> -> memref<128x256xf32, #tpu.memory_space<vmem>>
      %dma_start3A_2159 = arith.constant 0 : i32
      %dma_start3A_2160 = arith.constant 0 : i32
      %dma_start3A_2161 = tpu.memref_slice %arg5[%add3A_2155, %dma_start3A, %dma_start3A_2159, %dma_start3A_2160] : memref<1024x1x256x256xf32, #tpu.memory_space<hbm>> -> memref<1x1x128x256xf32, #tpu.memory_space<hbm>>
      %dma_start3A_2162 = tpu.memref_squeeze %dma_start3A_2161 : memref<1x1x128x256xf32, #tpu.memory_space<hbm>> -> memref<128x256xf32, #tpu.memory_space<hbm>>
      %dma_start3A_2163 = arith.constant 0 : i32
      %dma_start3A_2164 = arith.constant 0 : i32
      %dma_start3A_2165 = tpu.memref_slice %arg5[%add3A_2155, %dma_start3A, %dma_start3A_2163, %dma_start3A_2164] : memref<1024x1x256x256xf32, #tpu.memory_space<hbm>> -> memref<1x1x128x256xf32, #tpu.memory_space<hbm>>
      %dma_start3A_2166 = tpu.memref_squeeze %dma_start3A_2165 : memref<1x1x128x256xf32, #tpu.memory_space<hbm>> -> memref<128x256xf32, #tpu.memory_space<hbm>>
      %dma_start3A_2167 = arith.constant 0 : i32
      %dma_start3A_2168 = arith.constant 0 : i32
      %dma_start3A_2169 = tpu.memref_slice %arg10[%dma_start3A_2167, %dma_start3A_2168] : memref<256x256xf32, #tpu.memory_space<vmem>> -> memref<128x256xf32, #tpu.memory_space<vmem>>
      tpu.enqueue_dma source(%dma_start3A_2169 : memref<128x256xf32, #tpu.memory_space<vmem>>) target(%dma_start3A_2166 : memref<128x256xf32, #tpu.memory_space<hbm>>) target_semaphore(%arg11 : memref<!tpu.dma_semaphore, #tpu.memory_space<semaphore_mem>>)
      %add3A_2170 = arith.addi %mul3A_2, %scan3A_1027 : i32
      %dma_start3A_2171 = arith.constant 0 : i32
      %dma_start3A_2172 = arith.constant 128 : i32
      %dma_start3A_2173 = arith.constant 0 : i32
      %dma_start3A_2174 = tpu.memref_slice %arg10[%dma_start3A_2172, %dma_start3A_2173] : memref<256x256xf32, #tpu.memory_space<vmem>> -> memref<128x256xf32, #tpu.memory_space<vmem>>
      %dma_start3A_2175 = arith.constant 128 : i32
      %dma_start3A_2176 = arith.constant 0 : i32
      %dma_start3A_2177 = tpu.memref_slice %arg5[%add3A_2170, %dma_start3A_2171, %dma_start3A_2175, %dma_start3A_2176] : memref<1024x1x256x256xf32, #tpu.memory_space<hbm>> -> memref<1x1x128x256xf32, #tpu.memory_space<hbm>>
      %dma_start3A_2178 = tpu.memref_squeeze %dma_start3A_2177 : memref<1x1x128x256xf32, #tpu.memory_space<hbm>> -> memref<128x256xf32, #tpu.memory_space<hbm>>
      %dma_start3A_2179 = arith.constant 128 : i32
      %dma_start3A_2180 = arith.constant 0 : i32
      %dma_start3A_2181 = tpu.memref_slice %arg5[%add3A_2170, %dma_start3A_2171, %dma_start3A_2179, %dma_start3A_2180] : memref<1024x1x256x256xf32, #tpu.memory_space<hbm>> -> memref<1x1x128x256xf32, #tpu.memory_space<hbm>>
      %dma_start3A_2182 = tpu.memref_squeeze %dma_start3A_2181 : memref<1x1x128x256xf32, #tpu.memory_space<hbm>> -> memref<128x256xf32, #tpu.memory_space<hbm>>
      %dma_start3A_2183 = arith.constant 128 : i32
      %dma_start3A_2184 = arith.constant 0 : i32
      %dma_start3A_2185 = tpu.memref_slice %arg10[%dma_start3A_2183, %dma_start3A_2184] : memref<256x256xf32, #tpu.memory_space<vmem>> -> memref<128x256xf32, #tpu.memory_space<vmem>>
      tpu.enqueue_dma source(%dma_start3A_2185 : memref<128x256xf32, #tpu.memory_space<vmem>>) target(%dma_start3A_2182 : memref<128x256xf32, #tpu.memory_space<hbm>>) target_semaphore(%arg12 : memref<!tpu.dma_semaphore, #tpu.memory_space<semaphore_mem>>)
      %add3A_2186 = arith.constant 1 : i32
      %add3A_2187 = arith.addi %scan3A_1027, %add3A_2186 : i32
      %min3A_2188 = arith.constant 31 : i32
      %min3A_2189 = arith.minsi %add3A_2187, %min3A_2188 : i32
      %broadcast_in_dim3A_2190 = vector.broadcast %min3A_2189 : i32 to vector<16xi32>
      %gather3A_2191 = tpu.vector_load_idx %arg6[%broadcast_in_dim3A_2190] : memref<32xf32, #tpu.memory_space<vmem>>[vector<16xi32>], vector<16xf32>,
      %gather3A_2192 = tpu.vector_load_idx %arg7[%broadcast_in_dim3A_2190] : memref<32xf32, #tpu.memory_space<vmem>>[vector<16xi32>], vector<16xf32>,
      %convert_element_type3A_2193 = arith.fptosi %gather3A_2191 : vector<16xf32> to vector<16xi32>
      %convert_element_type3A_2194 = arith.sitofp %convert_element_type3A_2193 : vector<16xi32> to vector<16xf32>
      %lt3A_2195 = arith.cmpf olt, %gather3A_2191, %convert_element_type3A_2194 : vector<16xf32>
      %sub3A_2196 = arith.constant 1 : i32
      %sub3A_2197 = vector.broadcast %sub3A_2196 : i32 to vector<16xi32>
      %sub3A_2198 = arith.subi %convert_element_type3A_2193, %sub3A_2197 : vector<16xi32>
      %select_n3A_2199 = arith.select %lt3A_2195, %sub3A_2198, %convert_element_type3A_2193 : vector<16xi1>, vector<16xi32>
      %convert_element_type3A_2200 = arith.fptosi %gather3A_2192 : vector<16xf32> to vector<16xi32>
      %convert_element_type3A_2201 = arith.sitofp %convert_element_type3A_2200 : vector<16xi32> to vector<16xf32>
      %lt3A_2202 = arith.cmpf olt, %gather3A_2192, %convert_element_type3A_2201 : vector<16xf32>
      %sub3A_2203 = arith.constant 1 : i32
      %sub3A_2204 = vector.broadcast %sub3A_2203 : i32 to vector<16xi32>
      %sub3A_2205 = arith.subi %convert_element_type3A_2200, %sub3A_2204 : vector<16xi32>
      %select_n3A_2206 = arith.select %lt3A_2202, %sub3A_2205, %convert_element_type3A_2200 : vector<16xi1>, vector<16xi32>
      %convert_element_type3A_2207 = arith.sitofp %select_n3A_2199 : vector<16xi32> to vector<16xf32>
      %sub3A_2208 = arith.subf %gather3A_2191, %convert_element_type3A_2207 : vector<16xf32>
      %mul3A_2209 = arith.mulf %sub3A_2208, %sub3A_2208 : vector<16xf32>
      %mul3A_2210 = arith.mulf %mul3A_2209, %sub3A_2208 : vector<16xf32>
      %sub3A_2211 = arith.constant 1.000000e+00 : f32
      %sub3A_2212 = vector.broadcast %sub3A_2211 : f32 to vector<16xf32>
      %sub3A_2213 = arith.subf %sub3A_2212, %sub3A_2208 : vector<16xf32>
      %mul3A_2214 = arith.constant 0.166666672 : f32
      %mul3A_2215 = vector.broadcast %mul3A_2214 : f32 to vector<16xf32>
      %mul3A_2216 = arith.mulf %mul3A_2210, %mul3A_2215 : vector<16xf32>
      %neg3A_2217 = arith.constant 0.000000e+00 : f32
      %neg3A_2218 = vector.broadcast %neg3A_2217 : f32 to vector<16xf32>
      %neg3A_2219 = arith.subf %neg3A_2218, %mul3A_2210 : vector<16xf32>
      %mul3A_2220 = arith.constant 5.000000e-01 : f32
      %mul3A_2221 = vector.broadcast %mul3A_2220 : f32 to vector<16xf32>
      %mul3A_2222 = arith.mulf %neg3A_2219, %mul3A_2221 : vector<16xf32>
      %mul3A_2223 = arith.constant 5.000000e-01 : f32
      %mul3A_2224 = vector.broadcast %mul3A_2223 : f32 to vector<16xf32>
      %mul3A_2225 = arith.mulf %mul3A_2209, %mul3A_2224 : vector<16xf32>
      %add3A_2226 = arith.addf %mul3A_2222, %mul3A_2225 : vector<16xf32>
      %mul3A_2227 = arith.constant 5.000000e-01 : f32
      %mul3A_2228 = vector.broadcast %mul3A_2227 : f32 to vector<16xf32>
      %mul3A_2229 = arith.mulf %sub3A_2208, %mul3A_2228 : vector<16xf32>
      %add3A_2230 = arith.addf %add3A_2226, %mul3A_2229 : vector<16xf32>
      %add3A_2231 = arith.constant 0.166666672 : f32
      %add3A_2232 = vector.broadcast %add3A_2231 : f32 to vector<16xf32>
      %add3A_2233 = arith.addf %add3A_2230, %add3A_2232 : vector<16xf32>
      %mul3A_2234 = arith.constant 5.000000e-01 : f32
      %mul3A_2235 = vector.broadcast %mul3A_2234 : f32 to vector<16xf32>
      %mul3A_2236 = arith.mulf %mul3A_2210, %mul3A_2235 : vector<16xf32>
      %sub3A_2237 = arith.subf %mul3A_2236, %mul3A_2209 : vector<16xf32>
      %add3A_2238 = arith.constant 0.666666686 : f32
      %add3A_2239 = vector.broadcast %add3A_2238 : f32 to vector<16xf32>
      %add3A_2240 = arith.addf %sub3A_2237, %add3A_2239 : vector<16xf32>
      %mul3A_2241 = arith.mulf %sub3A_2213, %sub3A_2213 : vector<16xf32>
      %mul3A_2242 = arith.mulf %mul3A_2241, %sub3A_2213 : vector<16xf32>
      %mul3A_2243 = arith.constant 0.166666672 : f32
      %mul3A_2244 = vector.broadcast %mul3A_2243 : f32 to vector<16xf32>
      %mul3A_2245 = arith.mulf %mul3A_2242, %mul3A_2244 : vector<16xf32>
      %convert_element_type3A_2246 = arith.sitofp %select_n3A_2206 : vector<16xi32> to vector<16xf32>
      %sub3A_2247 = arith.subf %gather3A_2192, %convert_element_type3A_2246 : vector<16xf32>
      %mul3A_2248 = arith.mulf %sub3A_2247, %sub3A_2247 : vector<16xf32>
      %mul3A_2249 = arith.mulf %mul3A_2248, %sub3A_2247 : vector<16xf32>
      %sub3A_2250 = arith.constant 1.000000e+00 : f32
      %sub3A_2251 = vector.broadcast %sub3A_2250 : f32 to vector<16xf32>
      %sub3A_2252 = arith.subf %sub3A_2251, %sub3A_2247 : vector<16xf32>
      %mul3A_2253 = arith.constant 0.166666672 : f32
      %mul3A_2254 = vector.broadcast %mul3A_2253 : f32 to vector<16xf32>
      %mul3A_2255 = arith.mulf %mul3A_2249, %mul3A_2254 : vector<16xf32>
      %neg3A_2256 = arith.constant 0.000000e+00 : f32
      %neg3A_2257 = vector.broadcast %neg3A_2256 : f32 to vector<16xf32>
      %neg3A_2258 = arith.subf %neg3A_2257, %mul3A_2249 : vector<16xf32>
      %mul3A_2259 = arith.constant 5.000000e-01 : f32
      %mul3A_2260 = vector.broadcast %mul3A_2259 : f32 to vector<16xf32>
      %mul3A_2261 = arith.mulf %neg3A_2258, %mul3A_2260 : vector<16xf32>
      %mul3A_2262 = arith.constant 5.000000e-01 : f32
      %mul3A_2263 = vector.broadcast %mul3A_2262 : f32 to vector<16xf32>
      %mul3A_2264 = arith.mulf %mul3A_2248, %mul3A_2263 : vector<16xf32>
      %add3A_2265 = arith.addf %mul3A_2261, %mul3A_2264 : vector<16xf32>
      %mul3A_2266 = arith.constant 5.000000e-01 : f32
      %mul3A_2267 = vector.broadcast %mul3A_2266 : f32 to vector<16xf32>
      %mul3A_2268 = arith.mulf %sub3A_2247, %mul3A_2267 : vector<16xf32>
      %add3A_2269 = arith.addf %add3A_2265, %mul3A_2268 : vector<16xf32>
      %add3A_2270 = arith.constant 0.166666672 : f32
      %add3A_2271 = vector.broadcast %add3A_2270 : f32 to vector<16xf32>
      %add3A_2272 = arith.addf %add3A_2269, %add3A_2271 : vector<16xf32>
      %mul3A_2273 = arith.constant 5.000000e-01 : f32
      %mul3A_2274 = vector.broadcast %mul3A_2273 : f32 to vector<16xf32>
      %mul3A_2275 = arith.mulf %mul3A_2249, %mul3A_2274 : vector<16xf32>
      %sub3A_2276 = arith.subf %mul3A_2275, %mul3A_2248 : vector<16xf32>
      %add3A_2277 = arith.constant 0.666666686 : f32
      %add3A_2278 = vector.broadcast %add3A_2277 : f32 to vector<16xf32>
      %add3A_2279 = arith.addf %sub3A_2276, %add3A_2278 : vector<16xf32>
      %mul3A_2280 = arith.mulf %sub3A_2252, %sub3A_2252 : vector<16xf32>
      %mul3A_2281 = arith.mulf %mul3A_2280, %sub3A_2252 : vector<16xf32>
      %mul3A_2282 = arith.constant 0.166666672 : f32
      %mul3A_2283 = vector.broadcast %mul3A_2282 : f32 to vector<16xf32>
      %mul3A_2284 = arith.mulf %mul3A_2281, %mul3A_2283 : vector<16xf32>
      %get3A_2285 = arith.constant 2 : i32
      %get3A_2286 = arith.index_cast %get3A_2285 : i32 to index
      %get3A_2287 = arith.constant 0 : index
      %get3A_2288 = tpu.vector_load %arg8[%get3A_2286, %get3A_2287] {strides = array<i32>} : memref<24x24xf32, #tpu.memory_space<vmem>>, vector<16xf32>,
      %mul3A_2289 = arith.mulf %mul3A_2216, %get3A_2288 : vector<16xf32>
      %get3A_2290 = arith.constant 3 : i32
      %get3A_2291 = arith.index_cast %get3A_2290 : i32 to index
      %get3A_2292 = arith.constant 0 : index
      %get3A_2293 = tpu.vector_load %arg8[%get3A_2291, %get3A_2292] {strides = array<i32>} : memref<24x24xf32, #tpu.memory_space<vmem>>, vector<16xf32>,
      %mul3A_2294 = arith.mulf %add3A_2233, %get3A_2293 : vector<16xf32>
      %add3A_2295 = arith.addf %mul3A_2289, %mul3A_2294 : vector<16xf32>
      %get3A_2296 = arith.constant 4 : i32
      %get3A_2297 = arith.index_cast %get3A_2296 : i32 to index
      %get3A_2298 = arith.constant 0 : index
      %get3A_2299 = tpu.vector_load %arg8[%get3A_2297, %get3A_2298] {strides = array<i32>} : memref<24x24xf32, #tpu.memory_space<vmem>>, vector<16xf32>,
      %mul3A_2300 = arith.mulf %add3A_2240, %get3A_2299 : vector<16xf32>
      %add3A_2301 = arith.addf %add3A_2295, %mul3A_2300 : vector<16xf32>
      %get3A_2302 = arith.constant 5 : i32
      %get3A_2303 = arith.index_cast %get3A_2302 : i32 to index
      %get3A_2304 = arith.constant 0 : index
      %get3A_2305 = tpu.vector_load %arg8[%get3A_2303, %get3A_2304] {strides = array<i32>} : memref<24x24xf32, #tpu.memory_space<vmem>>, vector<16xf32>,
      %mul3A_2306 = arith.mulf %mul3A_2245, %get3A_2305 : vector<16xf32>
      %add3A_2307 = arith.addf %add3A_2301, %mul3A_2306 : vector<16xf32>
      %swap3A_2308 = arith.constant 0 : i32
      %swap3A_2309 = arith.index_cast %swap3A_2308 : i32 to index
      %swap3A_2310 = arith.constant 0 : index
      %swap3A_2311 = tpu.vector_load %arg9[%swap3A_2309, %swap3A_2310] {strides = array<i32>} : memref<17x24xf32, #tpu.memory_space<vmem>>, vector<16xf32>,
      tpu.vector_store %arg9[%swap3A_2309, %swap3A_2310], %add3A_2307 {strides = array<i32>} : memref<17x24xf32, #tpu.memory_space<vmem>>, vector<16xf32>,
      %get3A_2312 = arith.constant 2 : i32
      %get3A_2313 = arith.index_cast %get3A_2312 : i32 to index
      %get3A_2314 = arith.constant 8 : index
      %get3A_2315 = tpu.vector_load %arg8[%get3A_2313, %get3A_2314] {strides = array<i32>} : memref<24x24xf32, #tpu.memory_space<vmem>>, vector<16xf32>,
      %mul3A_2316 = arith.mulf %mul3A_2216, %get3A_2315 : vector<16xf32>
      %get3A_2317 = arith.constant 3 : i32
      %get3A_2318 = arith.index_cast %get3A_2317 : i32 to index
      %get3A_2319 = arith.constant 8 : index
      %get3A_2320 = tpu.vector_load %arg8[%get3A_2318, %get3A_2319] {strides = array<i32>} : memref<24x24xf32, #tpu.memory_space<vmem>>, vector<16xf32>,
      %mul3A_2321 = arith.mulf %add3A_2233, %get3A_2320 : vector<16xf32>
      %add3A_2322 = arith.addf %mul3A_2316, %mul3A_2321 : vector<16xf32>
      %get3A_2323 = arith.constant 4 : i32
      %get3A_2324 = arith.index_cast %get3A_2323 : i32 to index
      %get3A_2325 = arith.constant 8 : index
      %get3A_2326 = tpu.vector_load %arg8[%get3A_2324, %get3A_2325] {strides = array<i32>} : memref<24x24xf32, #tpu.memory_space<vmem>>, vector<16xf32>,
      %mul3A_2327 = arith.mulf %add3A_2240, %get3A_2326 : vector<16xf32>
      %add3A_2328 = arith.addf %add3A_2322, %mul3A_2327 : vector<16xf32>
      %get3A_2329 = arith.constant 5 : i32
      %get3A_2330 = arith.index_cast %get3A_2329 : i32 to index
      %get3A_2331 = arith.constant 8 : index
      %get3A_2332 = tpu.vector_load %arg8[%get3A_2330, %get3A_2331] {strides = array<i32>} : memref<24x24xf32, #tpu.memory_space<vmem>>, vector<16xf32>,
      %mul3A_2333 = arith.mulf %mul3A_2245, %get3A_2332 : vector<16xf32>
      %add3A_2334 = arith.addf %add3A_2328, %mul3A_2333 : vector<16xf32>
      %swap3A_2335 = arith.constant 0 : i32
      %swap3A_2336 = arith.index_cast %swap3A_2335 : i32 to index
      %swap3A_2337 = arith.constant 8 : index
      %swap3A_2338 = tpu.vector_load %arg9[%swap3A_2336, %swap3A_2337] {strides = array<i32>} : memref<17x24xf32, #tpu.memory_space<vmem>>, vector<16xf32>,
      tpu.vector_store %arg9[%swap3A_2336, %swap3A_2337], %add3A_2334 {strides = array<i32>} : memref<17x24xf32, #tpu.memory_space<vmem>>, vector<16xf32>,
      %get3A_2339 = arith.constant 3 : i32
      %get3A_2340 = arith.index_cast %get3A_2339 : i32 to index
      %get3A_2341 = arith.constant 0 : index
      %get3A_2342 = tpu.vector_load %arg8[%get3A_2340, %get3A_2341] {strides = array<i32>} : memref<24x24xf32, #tpu.memory_space<vmem>>, vector<16xf32>,
      %mul3A_2343 = arith.mulf %mul3A_2216, %get3A_2342 : vector<16xf32>
      %get3A_2344 = arith.constant 4 : i32
      %get3A_2345 = arith.index_cast %get3A_2344 : i32 to index
      %get3A_2346 = arith.constant 0 : index
      %get3A_2347 = tpu.vector_load %arg8[%get3A_2345, %get3A_2346] {strides = array<i32>} : memref<24x24xf32, #tpu.memory_space<vmem>>, vector<16xf32>,
      %mul3A_2348 = arith.mulf %add3A_2233, %get3A_2347 : vector<16xf32>
      %add3A_2349 = arith.addf %mul3A_2343, %mul3A_2348 : vector<16xf32>
      %get3A_2350 = arith.constant 5 : i32
      %get3A_2351 = arith.index_cast %get3A_2350 : i32 to index
      %get3A_2352 = arith.constant 0 : index
      %get3A_2353 = tpu.vector_load %arg8[%get3A_2351, %get3A_2352] {strides = array<i32>} : memref<24x24xf32, #tpu.memory_space<vmem>>, vector<16xf32>,
      %mul3A_2354 = arith.mulf %add3A_2240, %get3A_2353 : vector<16xf32>
      %add3A_2355 = arith.addf %add3A_2349, %mul3A_2354 : vector<16xf32>
      %get3A_2356 = arith.constant 6 : i32
      %get3A_2357 = arith.index_cast %get3A_2356 : i32 to index
      %get3A_2358 = arith.constant 0 : index
      %get3A_2359 = tpu.vector_load %arg8[%get3A_2357, %get3A_2358] {strides = array<i32>} : memref<24x24xf32, #tpu.memory_space<vmem>>, vector<16xf32>,
      %mul3A_2360 = arith.mulf %mul3A_2245, %get3A_2359 : vector<16xf32>
      %add3A_2361 = arith.addf %add3A_2355, %mul3A_2360 : vector<16xf32>
      %swap3A_2362 = arith.constant 1 : i32
      %swap3A_2363 = arith.index_cast %swap3A_2362 : i32 to index
      %swap3A_2364 = arith.constant 0 : index
      %swap3A_2365 = tpu.vector_load %arg9[%swap3A_2363, %swap3A_2364] {strides = array<i32>} : memref<17x24xf32, #tpu.memory_space<vmem>>, vector<16xf32>,
      tpu.vector_store %arg9[%swap3A_2363, %swap3A_2364], %add3A_2361 {strides = array<i32>} : memref<17x24xf32, #tpu.memory_space<vmem>>, vector<16xf32>,
      %get3A_2366 = arith.constant 3 : i32
      %get3A_2367 = arith.index_cast %get3A_2366 : i32 to index
      %get3A_2368 = arith.constant 8 : index
      %get3A_2369 = tpu.vector_load %arg8[%get3A_2367, %get3A_2368] {strides = array<i32>} : memref<24x24xf32, #tpu.memory_space<vmem>>, vector<16xf32>,
      %mul3A_2370 = arith.mulf %mul3A_2216, %get3A_2369 : vector<16xf32>
      %get3A_2371 = arith.constant 4 : i32
      %get3A_2372 = arith.index_cast %get3A_2371 : i32 to index
      %get3A_2373 = arith.constant 8 : index
      %get3A_2374 = tpu.vector_load %arg8[%get3A_2372, %get3A_2373] {strides = array<i32>} : memref<24x24xf32, #tpu.memory_space<vmem>>, vector<16xf32>,
      %mul3A_2375 = arith.mulf %add3A_2233, %get3A_2374 : vector<16xf32>
      %add3A_2376 = arith.addf %mul3A_2370, %mul3A_2375 : vector<16xf32>
      %get3A_2377 = arith.constant 5 : i32
      %get3A_2378 = arith.index_cast %get3A_2377 : i32 to index
      %get3A_2379 = arith.constant 8 : index
      %get3A_2380 = tpu.vector_load %arg8[%get3A_2378, %get3A_2379] {strides = array<i32>} : memref<24x24xf32, #tpu.memory_space<vmem>>, vector<16xf32>,
      %mul3A_2381 = arith.mulf %add3A_2240, %get3A_2380 : vector<16xf32>
      %add3A_2382 = arith.addf %add3A_2376, %mul3A_2381 : vector<16xf32>
      %get3A_2383 = arith.constant 6 : i32
      %get3A_2384 = arith.index_cast %get3A_2383 : i32 to index
      %get3A_2385 = arith.constant 8 : index
      %get3A_2386 = tpu.vector_load %arg8[%get3A_2384, %get3A_2385] {strides = array<i32>} : memref<24x24xf32, #tpu.memory_space<vmem>>, vector<16xf32>,
      %mul3A_2387 = arith.mulf %mul3A_2245, %get3A_2386 : vector<16xf32>
      %add3A_2388 = arith.addf %add3A_2382, %mul3A_2387 : vector<16xf32>
      %swap3A_2389 = arith.constant 1 : i32
      %swap3A_2390 = arith.index_cast %swap3A_2389 : i32 to index
      %swap3A_2391 = arith.constant 8 : index
      %swap3A_2392 = tpu.vector_load %arg9[%swap3A_2390, %swap3A_2391] {strides = array<i32>} : memref<17x24xf32, #tpu.memory_space<vmem>>, vector<16xf32>,
      tpu.vector_store %arg9[%swap3A_2390, %swap3A_2391], %add3A_2388 {strides = array<i32>} : memref<17x24xf32, #tpu.memory_space<vmem>>, vector<16xf32>,
      %get3A_2393 = arith.constant 4 : i32
      %get3A_2394 = arith.index_cast %get3A_2393 : i32 to index
      %get3A_2395 = arith.constant 0 : index
      %get3A_2396 = tpu.vector_load %arg8[%get3A_2394, %get3A_2395] {strides = array<i32>} : memref<24x24xf32, #tpu.memory_space<vmem>>, vector<16xf32>,
      %mul3A_2397 = arith.mulf %mul3A_2216, %get3A_2396 : vector<16xf32>
      %get3A_2398 = arith.constant 5 : i32
      %get3A_2399 = arith.index_cast %get3A_2398 : i32 to index
      %get3A_2400 = arith.constant 0 : index
      %get3A_2401 = tpu.vector_load %arg8[%get3A_2399, %get3A_2400] {strides = array<i32>} : memref<24x24xf32, #tpu.memory_space<vmem>>, vector<16xf32>,
      %mul3A_2402 = arith.mulf %add3A_2233, %get3A_2401 : vector<16xf32>
      %add3A_2403 = arith.addf %mul3A_2397, %mul3A_2402 : vector<16xf32>
      %get3A_2404 = arith.constant 6 : i32
      %get3A_2405 = arith.index_cast %get3A_2404 : i32 to index
      %get3A_2406 = arith.constant 0 : index
      %get3A_2407 = tpu.vector_load %arg8[%get3A_2405, %get3A_2406] {strides = array<i32>} : memref<24x24xf32, #tpu.memory_space<vmem>>, vector<16xf32>,
      %mul3A_2408 = arith.mulf %add3A_2240, %get3A_2407 : vector<16xf32>
      %add3A_2409 = arith.addf %add3A_2403, %mul3A_2408 : vector<16xf32>
      %get3A_2410 = arith.constant 7 : i32
      %get3A_2411 = arith.index_cast %get3A_2410 : i32 to index
      %get3A_2412 = arith.constant 0 : index
      %get3A_2413 = tpu.vector_load %arg8[%get3A_2411, %get3A_2412] {strides = array<i32>} : memref<24x24xf32, #tpu.memory_space<vmem>>, vector<16xf32>,
      %mul3A_2414 = arith.mulf %mul3A_2245, %get3A_2413 : vector<16xf32>
      %add3A_2415 = arith.addf %add3A_2409, %mul3A_2414 : vector<16xf32>
      %swap3A_2416 = arith.constant 2 : i32
      %swap3A_2417 = arith.index_cast %swap3A_2416 : i32 to index
      %swap3A_2418 = arith.constant 0 : index
      %swap3A_2419 = tpu.vector_load %arg9[%swap3A_2417, %swap3A_2418] {strides = array<i32>} : memref<17x24xf32, #tpu.memory_space<vmem>>, vector<16xf32>,
      tpu.vector_store %arg9[%swap3A_2417, %swap3A_2418], %add3A_2415 {strides = array<i32>} : memref<17x24xf32, #tpu.memory_space<vmem>>, vector<16xf32>,
      %get3A_2420 = arith.constant 4 : i32
      %get3A_2421 = arith.index_cast %get3A_2420 : i32 to index
      %get3A_2422 = arith.constant 8 : index
      %get3A_2423 = tpu.vector_load %arg8[%get3A_2421, %get3A_2422] {strides = array<i32>} : memref<24x24xf32, #tpu.memory_space<vmem>>, vector<16xf32>,
      %mul3A_2424 = arith.mulf %mul3A_2216, %get3A_2423 : vector<16xf32>
      %get3A_2425 = arith.constant 5 : i32
      %get3A_2426 = arith.index_cast %get3A_2425 : i32 to index
      %get3A_2427 = arith.constant 8 : index
      %get3A_2428 = tpu.vector_load %arg8[%get3A_2426, %get3A_2427] {strides = array<i32>} : memref<24x24xf32, #tpu.memory_space<vmem>>, vector<16xf32>,
      %mul3A_2429 = arith.mulf %add3A_2233, %get3A_2428 : vector<16xf32>
      %add3A_2430 = arith.addf %mul3A_2424, %mul3A_2429 : vector<16xf32>
      %get3A_2431 = arith.constant 6 : i32
      %get3A_2432 = arith.index_cast %get3A_2431 : i32 to index
      %get3A_2433 = arith.constant 8 : index
      %get3A_2434 = tpu.vector_load %arg8[%get3A_2432, %get3A_2433] {strides = array<i32>} : memref<24x24xf32, #tpu.memory_space<vmem>>, vector<16xf32>,
      %mul3A_2435 = arith.mulf %add3A_2240, %get3A_2434 : vector<16xf32>
      %add3A_2436 = arith.addf %add3A_2430, %mul3A_2435 : vector<16xf32>
      %get3A_2437 = arith.constant 7 : i32
      %get3A_2438 = arith.index_cast %get3A_2437 : i32 to index
      %get3A_2439 = arith.constant 8 : index
      %get3A_2440 = tpu.vector_load %arg8[%get3A_2438, %get3A_2439] {strides = array<i32>} : memref<24x24xf32, #tpu.memory_space<vmem>>, vector<16xf32>,
      %mul3A_2441 = arith.mulf %mul3A_2245, %get3A_2440 : vector<16xf32>
      %add3A_2442 = arith.addf %add3A_2436, %mul3A_2441 : vector<16xf32>
      %swap3A_2443 = arith.constant 2 : i32
      %swap3A_2444 = arith.index_cast %swap3A_2443 : i32 to index
      %swap3A_2445 = arith.constant 8 : index
      %swap3A_2446 = tpu.vector_load %arg9[%swap3A_2444, %swap3A_2445] {strides = array<i32>} : memref<17x24xf32, #tpu.memory_space<vmem>>, vector<16xf32>,
      tpu.vector_store %arg9[%swap3A_2444, %swap3A_2445], %add3A_2442 {strides = array<i32>} : memref<17x24xf32, #tpu.memory_space<vmem>>, vector<16xf32>,
      %get3A_2447 = arith.constant 5 : i32
      %get3A_2448 = arith.index_cast %get3A_2447 : i32 to index
      %get3A_2449 = arith.constant 0 : index
      %get3A_2450 = tpu.vector_load %arg8[%get3A_2448, %get3A_2449] {strides = array<i32>} : memref<24x24xf32, #tpu.memory_space<vmem>>, vector<16xf32>,
      %mul3A_2451 = arith.mulf %mul3A_2216, %get3A_2450 : vector<16xf32>
      %get3A_2452 = arith.constant 6 : i32
      %get3A_2453 = arith.index_cast %get3A_2452 : i32 to index
      %get3A_2454 = arith.constant 0 : index
      %get3A_2455 = tpu.vector_load %arg8[%get3A_2453, %get3A_2454] {strides = array<i32>} : memref<24x24xf32, #tpu.memory_space<vmem>>, vector<16xf32>,
      %mul3A_2456 = arith.mulf %add3A_2233, %get3A_2455 : vector<16xf32>
      %add3A_2457 = arith.addf %mul3A_2451, %mul3A_2456 : vector<16xf32>
      %get3A_2458 = arith.constant 7 : i32
      %get3A_2459 = arith.index_cast %get3A_2458 : i32 to index
      %get3A_2460 = arith.constant 0 : index
      %get3A_2461 = tpu.vector_load %arg8[%get3A_2459, %get3A_2460] {strides = array<i32>} : memref<24x24xf32, #tpu.memory_space<vmem>>, vector<16xf32>,
      %mul3A_2462 = arith.mulf %add3A_2240, %get3A_2461 : vector<16xf32>
      %add3A_2463 = arith.addf %add3A_2457, %mul3A_2462 : vector<16xf32>
      %get3A_2464 = arith.constant 8 : i32
      %get3A_2465 = arith.index_cast %get3A_2464 : i32 to index
      %get3A_2466 = arith.constant 0 : index
      %get3A_2467 = tpu.vector_load %arg8[%get3A_2465, %get3A_2466] {strides = array<i32>} : memref<24x24xf32, #tpu.memory_space<vmem>>, vector<16xf32>,
      %mul3A_2468 = arith.mulf %mul3A_2245, %get3A_2467 : vector<16xf32>
      %add3A_2469 = arith.addf %add3A_2463, %mul3A_2468 : vector<16xf32>
      %swap3A_2470 = arith.constant 3 : i32
      %swap3A_2471 = arith.index_cast %swap3A_2470 : i32 to index
      %swap3A_2472 = arith.constant 0 : index
      %swap3A_2473 = tpu.vector_load %arg9[%swap3A_2471, %swap3A_2472] {strides = array<i32>} : memref<17x24xf32, #tpu.memory_space<vmem>>, vector<16xf32>,
      tpu.vector_store %arg9[%swap3A_2471, %swap3A_2472], %add3A_2469 {strides = array<i32>} : memref<17x24xf32, #tpu.memory_space<vmem>>, vector<16xf32>,
      %get3A_2474 = arith.constant 5 : i32
      %get3A_2475 = arith.index_cast %get3A_2474 : i32 to index
      %get3A_2476 = arith.constant 8 : index
      %get3A_2477 = tpu.vector_load %arg8[%get3A_2475, %get3A_2476] {strides = array<i32>} : memref<24x24xf32, #tpu.memory_space<vmem>>, vector<16xf32>,
      %mul3A_2478 = arith.mulf %mul3A_2216, %get3A_2477 : vector<16xf32>
      %get3A_2479 = arith.constant 6 : i32
      %get3A_2480 = arith.index_cast %get3A_2479 : i32 to index
      %get3A_2481 = arith.constant 8 : index
      %get3A_2482 = tpu.vector_load %arg8[%get3A_2480, %get3A_2481] {strides = array<i32>} : memref<24x24xf32, #tpu.memory_space<vmem>>, vector<16xf32>,
      %mul3A_2483 = arith.mulf %add3A_2233, %get3A_2482 : vector<16xf32>
      %add3A_2484 = arith.addf %mul3A_2478, %mul3A_2483 : vector<16xf32>
      %get3A_2485 = arith.constant 7 : i32
      %get3A_2486 = arith.index_cast %get3A_2485 : i32 to index
      %get3A_2487 = arith.constant 8 : index
      %get3A_2488 = tpu.vector_load %arg8[%get3A_2486, %get3A_2487] {strides = array<i32>} : memref<24x24xf32, #tpu.memory_space<vmem>>, vector<16xf32>,
      %mul3A_2489 = arith.mulf %add3A_2240, %get3A_2488 : vector<16xf32>
      %add3A_2490 = arith.addf %add3A_2484, %mul3A_2489 : vector<16xf32>
      %get3A_2491 = arith.constant 8 : i32
      %get3A_2492 = arith.index_cast %get3A_2491 : i32 to index
      %get3A_2493 = arith.constant 8 : index
      %get3A_2494 = tpu.vector_load %arg8[%get3A_2492, %get3A_2493] {strides = array<i32>} : memref<24x24xf32, #tpu.memory_space<vmem>>, vector<16xf32>,
      %mul3A_2495 = arith.mulf %mul3A_2245, %get3A_2494 : vector<16xf32>
      %add3A_2496 = arith.addf %add3A_2490, %mul3A_2495 : vector<16xf32>
      %swap3A_2497 = arith.constant 3 : i32
      %swap3A_2498 = arith.index_cast %swap3A_2497 : i32 to index
      %swap3A_2499 = arith.constant 8 : index
      %swap3A_2500 = tpu.vector_load %arg9[%swap3A_2498, %swap3A_2499] {strides = array<i32>} : memref<17x24xf32, #tpu.memory_space<vmem>>, vector<16xf32>,
      tpu.vector_store %arg9[%swap3A_2498, %swap3A_2499], %add3A_2496 {strides = array<i32>} : memref<17x24xf32, #tpu.memory_space<vmem>>, vector<16xf32>,
      %get3A_2501 = arith.constant 6 : i32
      %get3A_2502 = arith.index_cast %get3A_2501 : i32 to index
      %get3A_2503 = arith.constant 0 : index
      %get3A_2504 = tpu.vector_load %arg8[%get3A_2502, %get3A_2503] {strides = array<i32>} : memref<24x24xf32, #tpu.memory_space<vmem>>, vector<16xf32>,
      %mul3A_2505 = arith.mulf %mul3A_2216, %get3A_2504 : vector<16xf32>
      %get3A_2506 = arith.constant 7 : i32
      %get3A_2507 = arith.index_cast %get3A_2506 : i32 to index
      %get3A_2508 = arith.constant 0 : index
      %get3A_2509 = tpu.vector_load %arg8[%get3A_2507, %get3A_2508] {strides = array<i32>} : memref<24x24xf32, #tpu.memory_space<vmem>>, vector<16xf32>,
      %mul3A_2510 = arith.mulf %add3A_2233, %get3A_2509 : vector<16xf32>
      %add3A_2511 = arith.addf %mul3A_2505, %mul3A_2510 : vector<16xf32>
      %get3A_2512 = arith.constant 8 : i32
      %get3A_2513 = arith.index_cast %get3A_2512 : i32 to index
      %get3A_2514 = arith.constant 0 : index
      %get3A_2515 = tpu.vector_load %arg8[%get3A_2513, %get3A_2514] {strides = array<i32>} : memref<24x24xf32, #tpu.memory_space<vmem>>, vector<16xf32>,
      %mul3A_2516 = arith.mulf %add3A_2240, %get3A_2515 : vector<16xf32>
      %add3A_2517 = arith.addf %add3A_2511, %mul3A_2516 : vector<16xf32>
      %get3A_2518 = arith.constant 9 : i32
      %get3A_2519 = arith.index_cast %get3A_2518 : i32 to index
      %get3A_2520 = arith.constant 0 : index
      %get3A_2521 = tpu.vector_load %arg8[%get3A_2519, %get3A_2520] {strides = array<i32>} : memref<24x24xf32, #tpu.memory_space<vmem>>, vector<16xf32>,
      %mul3A_2522 = arith.mulf %mul3A_2245, %get3A_2521 : vector<16xf32>
      %add3A_2523 = arith.addf %add3A_2517, %mul3A_2522 : vector<16xf32>
      %swap3A_2524 = arith.constant 4 : i32
      %swap3A_2525 = arith.index_cast %swap3A_2524 : i32 to index
      %swap3A_2526 = arith.constant 0 : index
      %swap3A_2527 = tpu.vector_load %arg9[%swap3A_2525, %swap3A_2526] {strides = array<i32>} : memref<17x24xf32, #tpu.memory_space<vmem>>, vector<16xf32>,
      tpu.vector_store %arg9[%swap3A_2525, %swap3A_2526], %add3A_2523 {strides = array<i32>} : memref<17x24xf32, #tpu.memory_space<vmem>>, vector<16xf32>,
      %get3A_2528 = arith.constant 6 : i32
      %get3A_2529 = arith.index_cast %get3A_2528 : i32 to index
      %get3A_2530 = arith.constant 8 : index
      %get3A_2531 = tpu.vector_load %arg8[%get3A_2529, %get3A_2530] {strides = array<i32>} : memref<24x24xf32, #tpu.memory_space<vmem>>, vector<16xf32>,
      %mul3A_2532 = arith.mulf %mul3A_2216, %get3A_2531 : vector<16xf32>
      %get3A_2533 = arith.constant 7 : i32
      %get3A_2534 = arith.index_cast %get3A_2533 : i32 to index
      %get3A_2535 = arith.constant 8 : index
      %get3A_2536 = tpu.vector_load %arg8[%get3A_2534, %get3A_2535] {strides = array<i32>} : memref<24x24xf32, #tpu.memory_space<vmem>>, vector<16xf32>,
      %mul3A_2537 = arith.mulf %add3A_2233, %get3A_2536 : vector<16xf32>
      %add3A_2538 = arith.addf %mul3A_2532, %mul3A_2537 : vector<16xf32>
      %get3A_2539 = arith.constant 8 : i32
      %get3A_2540 = arith.index_cast %get3A_2539 : i32 to index
      %get3A_2541 = arith.constant 8 : index
      %get3A_2542 = tpu.vector_load %arg8[%get3A_2540, %get3A_2541] {strides = array<i32>} : memref<24x24xf32, #tpu.memory_space<vmem>>, vector<16xf32>,
      %mul3A_2543 = arith.mulf %add3A_2240, %get3A_2542 : vector<16xf32>
      %add3A_2544 = arith.addf %add3A_2538, %mul3A_2543 : vector<16xf32>
      %get3A_2545 = arith.constant 9 : i32
      %get3A_2546 = arith.index_cast %get3A_2545 : i32 to index
      %get3A_2547 = arith.constant 8 : index
      %get3A_2548 = tpu.vector_load %arg8[%get3A_2546, %get3A_2547] {strides = array<i32>} : memref<24x24xf32, #tpu.memory_space<vmem>>, vector<16xf32>,
      %mul3A_2549 = arith.mulf %mul3A_2245, %get3A_2548 : vector<16xf32>
      %add3A_2550 = arith.addf %add3A_2544, %mul3A_2549 : vector<16xf32>
      %swap3A_2551 = arith.constant 4 : i32
      %swap3A_2552 = arith.index_cast %swap3A_2551 : i32 to index
      %swap3A_2553 = arith.constant 8 : index
      %swap3A_2554 = tpu.vector_load %arg9[%swap3A_2552, %swap3A_2553] {strides = array<i32>} : memref<17x24xf32, #tpu.memory_space<vmem>>, vector<16xf32>,
      tpu.vector_store %arg9[%swap3A_2552, %swap3A_2553], %add3A_2550 {strides = array<i32>} : memref<17x24xf32, #tpu.memory_space<vmem>>, vector<16xf32>,
      %get3A_2555 = arith.constant 7 : i32
      %get3A_2556 = arith.index_cast %get3A_2555 : i32 to index
      %get3A_2557 = arith.constant 0 : index
      %get3A_2558 = tpu.vector_load %arg8[%get3A_2556, %get3A_2557] {strides = array<i32>} : memref<24x24xf32, #tpu.memory_space<vmem>>, vector<16xf32>,
      %mul3A_2559 = arith.mulf %mul3A_2216, %get3A_2558 : vector<16xf32>
      %get3A_2560 = arith.constant 8 : i32
      %get3A_2561 = arith.index_cast %get3A_2560 : i32 to index
      %get3A_2562 = arith.constant 0 : index
      %get3A_2563 = tpu.vector_load %arg8[%get3A_2561, %get3A_2562] {strides = array<i32>} : memref<24x24xf32, #tpu.memory_space<vmem>>, vector<16xf32>,
      %mul3A_2564 = arith.mulf %add3A_2233, %get3A_2563 : vector<16xf32>
      %add3A_2565 = arith.addf %mul3A_2559, %mul3A_2564 : vector<16xf32>
      %get3A_2566 = arith.constant 9 : i32
      %get3A_2567 = arith.index_cast %get3A_2566 : i32 to index
      %get3A_2568 = arith.constant 0 : index
      %get3A_2569 = tpu.vector_load %arg8[%get3A_2567, %get3A_2568] {strides = array<i32>} : memref<24x24xf32, #tpu.memory_space<vmem>>, vector<16xf32>,
      %mul3A_2570 = arith.mulf %add3A_2240, %get3A_2569 : vector<16xf32>
      %add3A_2571 = arith.addf %add3A_2565, %mul3A_2570 : vector<16xf32>
      %get3A_2572 = arith.constant 10 : i32
      %get3A_2573 = arith.index_cast %get3A_2572 : i32 to index
      %get3A_2574 = arith.constant 0 : index
      %get3A_2575 = tpu.vector_load %arg8[%get3A_2573, %get3A_2574] {strides = array<i32>} : memref<24x24xf32, #tpu.memory_space<vmem>>, vector<16xf32>,
      %mul3A_2576 = arith.mulf %mul3A_2245, %get3A_2575 : vector<16xf32>
      %add3A_2577 = arith.addf %add3A_2571, %mul3A_2576 : vector<16xf32>
      %swap3A_2578 = arith.constant 5 : i32
      %swap3A_2579 = arith.index_cast %swap3A_2578 : i32 to index
      %swap3A_2580 = arith.constant 0 : index
      %swap3A_2581 = tpu.vector_load %arg9[%swap3A_2579, %swap3A_2580] {strides = array<i32>} : memref<17x24xf32, #tpu.memory_space<vmem>>, vector<16xf32>,
      tpu.vector_store %arg9[%swap3A_2579, %swap3A_2580], %add3A_2577 {strides = array<i32>} : memref<17x24xf32, #tpu.memory_space<vmem>>, vector<16xf32>,
      %get3A_2582 = arith.constant 7 : i32
      %get3A_2583 = arith.index_cast %get3A_2582 : i32 to index
      %get3A_2584 = arith.constant 8 : index
      %get3A_2585 = tpu.vector_load %arg8[%get3A_2583, %get3A_2584] {strides = array<i32>} : memref<24x24xf32, #tpu.memory_space<vmem>>, vector<16xf32>,
      %mul3A_2586 = arith.mulf %mul3A_2216, %get3A_2585 : vector<16xf32>
      %get3A_2587 = arith.constant 8 : i32
      %get3A_2588 = arith.index_cast %get3A_2587 : i32 to index
      %get3A_2589 = arith.constant 8 : index
      %get3A_2590 = tpu.vector_load %arg8[%get3A_2588, %get3A_2589] {strides = array<i32>} : memref<24x24xf32, #tpu.memory_space<vmem>>, vector<16xf32>,
      %mul3A_2591 = arith.mulf %add3A_2233, %get3A_2590 : vector<16xf32>
      %add3A_2592 = arith.addf %mul3A_2586, %mul3A_2591 : vector<16xf32>
      %get3A_2593 = arith.constant 9 : i32
      %get3A_2594 = arith.index_cast %get3A_2593 : i32 to index
      %get3A_2595 = arith.constant 8 : index
      %get3A_2596 = tpu.vector_load %arg8[%get3A_2594, %get3A_2595] {strides = array<i32>} : memref<24x24xf32, #tpu.memory_space<vmem>>, vector<16xf32>,
      %mul3A_2597 = arith.mulf %add3A_2240, %get3A_2596 : vector<16xf32>
      %add3A_2598 = arith.addf %add3A_2592, %mul3A_2597 : vector<16xf32>
      %get3A_2599 = arith.constant 10 : i32
      %get3A_2600 = arith.index_cast %get3A_2599 : i32 to index
      %get3A_2601 = arith.constant 8 : index
      %get3A_2602 = tpu.vector_load %arg8[%get3A_2600, %get3A_2601] {strides = array<i32>} : memref<24x24xf32, #tpu.memory_space<vmem>>, vector<16xf32>,
      %mul3A_2603 = arith.mulf %mul3A_2245, %get3A_2602 : vector<16xf32>
      %add3A_2604 = arith.addf %add3A_2598, %mul3A_2603 : vector<16xf32>
      %swap3A_2605 = arith.constant 5 : i32
      %swap3A_2606 = arith.index_cast %swap3A_2605 : i32 to index
      %swap3A_2607 = arith.constant 8 : index
      %swap3A_2608 = tpu.vector_load %arg9[%swap3A_2606, %swap3A_2607] {strides = array<i32>} : memref<17x24xf32, #tpu.memory_space<vmem>>, vector<16xf32>,
      tpu.vector_store %arg9[%swap3A_2606, %swap3A_2607], %add3A_2604 {strides = array<i32>} : memref<17x24xf32, #tpu.memory_space<vmem>>, vector<16xf32>,
      %get3A_2609 = arith.constant 8 : i32
      %get3A_2610 = arith.index_cast %get3A_2609 : i32 to index
      %get3A_2611 = arith.constant 0 : index
      %get3A_2612 = tpu.vector_load %arg8[%get3A_2610, %get3A_2611] {strides = array<i32>} : memref<24x24xf32, #tpu.memory_space<vmem>>, vector<16xf32>,
      %mul3A_2613 = arith.mulf %mul3A_2216, %get3A_2612 : vector<16xf32>
      %get3A_2614 = arith.constant 9 : i32
      %get3A_2615 = arith.index_cast %get3A_2614 : i32 to index
      %get3A_2616 = arith.constant 0 : index
      %get3A_2617 = tpu.vector_load %arg8[%get3A_2615, %get3A_2616] {strides = array<i32>} : memref<24x24xf32, #tpu.memory_space<vmem>>, vector<16xf32>,
      %mul3A_2618 = arith.mulf %add3A_2233, %get3A_2617 : vector<16xf32>
      %add3A_2619 = arith.addf %mul3A_2613, %mul3A_2618 : vector<16xf32>
      %get3A_2620 = arith.constant 10 : i32
      %get3A_2621 = arith.index_cast %get3A_2620 : i32 to index
      %get3A_2622 = arith.constant 0 : index
      %get3A_2623 = tpu.vector_load %arg8[%get3A_2621, %get3A_2622] {strides = array<i32>} : memref<24x24xf32, #tpu.memory_space<vmem>>, vector<16xf32>,
      %mul3A_2624 = arith.mulf %add3A_2240, %get3A_2623 : vector<16xf32>
      %add3A_2625 = arith.addf %add3A_2619, %mul3A_2624 : vector<16xf32>
      %get3A_2626 = arith.constant 11 : i32
      %get3A_2627 = arith.index_cast %get3A_2626 : i32 to index
      %get3A_2628 = arith.constant 0 : index
      %get3A_2629 = tpu.vector_load %arg8[%get3A_2627, %get3A_2628] {strides = array<i32>} : memref<24x24xf32, #tpu.memory_space<vmem>>, vector<16xf32>,
      %mul3A_2630 = arith.mulf %mul3A_2245, %get3A_2629 : vector<16xf32>
      %add3A_2631 = arith.addf %add3A_2625, %mul3A_2630 : vector<16xf32>
      %swap3A_2632 = arith.constant 6 : i32
      %swap3A_2633 = arith.index_cast %swap3A_2632 : i32 to index
      %swap3A_2634 = arith.constant 0 : index
      %swap3A_2635 = tpu.vector_load %arg9[%swap3A_2633, %swap3A_2634] {strides = array<i32>} : memref<17x24xf32, #tpu.memory_space<vmem>>, vector<16xf32>,
      tpu.vector_store %arg9[%swap3A_2633, %swap3A_2634], %add3A_2631 {strides = array<i32>} : memref<17x24xf32, #tpu.memory_space<vmem>>, vector<16xf32>,
      %get3A_2636 = arith.constant 8 : i32
      %get3A_2637 = arith.index_cast %get3A_2636 : i32 to index
      %get3A_2638 = arith.constant 8 : index
      %get3A_2639 = tpu.vector_load %arg8[%get3A_2637, %get3A_2638] {strides = array<i32>} : memref<24x24xf32, #tpu.memory_space<vmem>>, vector<16xf32>,
      %mul3A_2640 = arith.mulf %mul3A_2216, %get3A_2639 : vector<16xf32>
      %get3A_2641 = arith.constant 9 : i32
      %get3A_2642 = arith.index_cast %get3A_2641 : i32 to index
      %get3A_2643 = arith.constant 8 : index
      %get3A_2644 = tpu.vector_load %arg8[%get3A_2642, %get3A_2643] {strides = array<i32>} : memref<24x24xf32, #tpu.memory_space<vmem>>, vector<16xf32>,
      %mul3A_2645 = arith.mulf %add3A_2233, %get3A_2644 : vector<16xf32>
      %add3A_2646 = arith.addf %mul3A_2640, %mul3A_2645 : vector<16xf32>
      %get3A_2647 = arith.constant 10 : i32
      %get3A_2648 = arith.index_cast %get3A_2647 : i32 to index
      %get3A_2649 = arith.constant 8 : index
      %get3A_2650 = tpu.vector_load %arg8[%get3A_2648, %get3A_2649] {strides = array<i32>} : memref<24x24xf32, #tpu.memory_space<vmem>>, vector<16xf32>,
      %mul3A_2651 = arith.mulf %add3A_2240, %get3A_2650 : vector<16xf32>
      %add3A_2652 = arith.addf %add3A_2646, %mul3A_2651 : vector<16xf32>
      %get3A_2653 = arith.constant 11 : i32
      %get3A_2654 = arith.index_cast %get3A_2653 : i32 to index
      %get3A_2655 = arith.constant 8 : index
      %get3A_2656 = tpu.vector_load %arg8[%get3A_2654, %get3A_2655] {strides = array<i32>} : memref<24x24xf32, #tpu.memory_space<vmem>>, vector<16xf32>,
      %mul3A_2657 = arith.mulf %mul3A_2245, %get3A_2656 : vector<16xf32>
      %add3A_2658 = arith.addf %add3A_2652, %mul3A_2657 : vector<16xf32>
      %swap3A_2659 = arith.constant 6 : i32
      %swap3A_2660 = arith.index_cast %swap3A_2659 : i32 to index
      %swap3A_2661 = arith.constant 8 : index
      %swap3A_2662 = tpu.vector_load %arg9[%swap3A_2660, %swap3A_2661] {strides = array<i32>} : memref<17x24xf32, #tpu.memory_space<vmem>>, vector<16xf32>,
      tpu.vector_store %arg9[%swap3A_2660, %swap3A_2661], %add3A_2658 {strides = array<i32>} : memref<17x24xf32, #tpu.memory_space<vmem>>, vector<16xf32>,
      %get3A_2663 = arith.constant 9 : i32
      %get3A_2664 = arith.index_cast %get3A_2663 : i32 to index
      %get3A_2665 = arith.constant 0 : index
      %get3A_2666 = tpu.vector_load %arg8[%get3A_2664, %get3A_2665] {strides = array<i32>} : memref<24x24xf32, #tpu.memory_space<vmem>>, vector<16xf32>,
      %mul3A_2667 = arith.mulf %mul3A_2216, %get3A_2666 : vector<16xf32>
      %get3A_2668 = arith.constant 10 : i32
      %get3A_2669 = arith.index_cast %get3A_2668 : i32 to index
      %get3A_2670 = arith.constant 0 : index
      %get3A_2671 = tpu.vector_load %arg8[%get3A_2669, %get3A_2670] {strides = array<i32>} : memref<24x24xf32, #tpu.memory_space<vmem>>, vector<16xf32>,
      %mul3A_2672 = arith.mulf %add3A_2233, %get3A_2671 : vector<16xf32>
      %add3A_2673 = arith.addf %mul3A_2667, %mul3A_2672 : vector<16xf32>
      %get3A_2674 = arith.constant 11 : i32
      %get3A_2675 = arith.index_cast %get3A_2674 : i32 to index
      %get3A_2676 = arith.constant 0 : index
      %get3A_2677 = tpu.vector_load %arg8[%get3A_2675, %get3A_2676] {strides = array<i32>} : memref<24x24xf32, #tpu.memory_space<vmem>>, vector<16xf32>,
      %mul3A_2678 = arith.mulf %add3A_2240, %get3A_2677 : vector<16xf32>
      %add3A_2679 = arith.addf %add3A_2673, %mul3A_2678 : vector<16xf32>
      %get3A_2680 = arith.constant 12 : i32
      %get3A_2681 = arith.index_cast %get3A_2680 : i32 to index
      %get3A_2682 = arith.constant 0 : index
      %get3A_2683 = tpu.vector_load %arg8[%get3A_2681, %get3A_2682] {strides = array<i32>} : memref<24x24xf32, #tpu.memory_space<vmem>>, vector<16xf32>,
      %mul3A_2684 = arith.mulf %mul3A_2245, %get3A_2683 : vector<16xf32>
      %add3A_2685 = arith.addf %add3A_2679, %mul3A_2684 : vector<16xf32>
      %swap3A_2686 = arith.constant 7 : i32
      %swap3A_2687 = arith.index_cast %swap3A_2686 : i32 to index
      %swap3A_2688 = arith.constant 0 : index
      %swap3A_2689 = tpu.vector_load %arg9[%swap3A_2687, %swap3A_2688] {strides = array<i32>} : memref<17x24xf32, #tpu.memory_space<vmem>>, vector<16xf32>,
      tpu.vector_store %arg9[%swap3A_2687, %swap3A_2688], %add3A_2685 {strides = array<i32>} : memref<17x24xf32, #tpu.memory_space<vmem>>, vector<16xf32>,
      %get3A_2690 = arith.constant 9 : i32
      %get3A_2691 = arith.index_cast %get3A_2690 : i32 to index
      %get3A_2692 = arith.constant 8 : index
      %get3A_2693 = tpu.vector_load %arg8[%get3A_2691, %get3A_2692] {strides = array<i32>} : memref<24x24xf32, #tpu.memory_space<vmem>>, vector<16xf32>,
      %mul3A_2694 = arith.mulf %mul3A_2216, %get3A_2693 : vector<16xf32>
      %get3A_2695 = arith.constant 10 : i32
      %get3A_2696 = arith.index_cast %get3A_2695 : i32 to index
      %get3A_2697 = arith.constant 8 : index
      %get3A_2698 = tpu.vector_load %arg8[%get3A_2696, %get3A_2697] {strides = array<i32>} : memref<24x24xf32, #tpu.memory_space<vmem>>, vector<16xf32>,
      %mul3A_2699 = arith.mulf %add3A_2233, %get3A_2698 : vector<16xf32>
      %add3A_2700 = arith.addf %mul3A_2694, %mul3A_2699 : vector<16xf32>
      %get3A_2701 = arith.constant 11 : i32
      %get3A_2702 = arith.index_cast %get3A_2701 : i32 to index
      %get3A_2703 = arith.constant 8 : index
      %get3A_2704 = tpu.vector_load %arg8[%get3A_2702, %get3A_2703] {strides = array<i32>} : memref<24x24xf32, #tpu.memory_space<vmem>>, vector<16xf32>,
      %mul3A_2705 = arith.mulf %add3A_2240, %get3A_2704 : vector<16xf32>
      %add3A_2706 = arith.addf %add3A_2700, %mul3A_2705 : vector<16xf32>
      %get3A_2707 = arith.constant 12 : i32
      %get3A_2708 = arith.index_cast %get3A_2707 : i32 to index
      %get3A_2709 = arith.constant 8 : index
      %get3A_2710 = tpu.vector_load %arg8[%get3A_2708, %get3A_2709] {strides = array<i32>} : memref<24x24xf32, #tpu.memory_space<vmem>>, vector<16xf32>,
      %mul3A_2711 = arith.mulf %mul3A_2245, %get3A_2710 : vector<16xf32>
      %add3A_2712 = arith.addf %add3A_2706, %mul3A_2711 : vector<16xf32>
      %swap3A_2713 = arith.constant 7 : i32
      %swap3A_2714 = arith.index_cast %swap3A_2713 : i32 to index
      %swap3A_2715 = arith.constant 8 : index
      %swap3A_2716 = tpu.vector_load %arg9[%swap3A_2714, %swap3A_2715] {strides = array<i32>} : memref<17x24xf32, #tpu.memory_space<vmem>>, vector<16xf32>,
      tpu.vector_store %arg9[%swap3A_2714, %swap3A_2715], %add3A_2712 {strides = array<i32>} : memref<17x24xf32, #tpu.memory_space<vmem>>, vector<16xf32>,
      %get3A_2717 = arith.constant 10 : i32
      %get3A_2718 = arith.index_cast %get3A_2717 : i32 to index
      %get3A_2719 = arith.constant 0 : index
      %get3A_2720 = tpu.vector_load %arg8[%get3A_2718, %get3A_2719] {strides = array<i32>} : memref<24x24xf32, #tpu.memory_space<vmem>>, vector<16xf32>,
      %mul3A_2721 = arith.mulf %mul3A_2216, %get3A_2720 : vector<16xf32>
      %get3A_2722 = arith.constant 11 : i32
      %get3A_2723 = arith.index_cast %get3A_2722 : i32 to index
      %get3A_2724 = arith.constant 0 : index
      %get3A_2725 = tpu.vector_load %arg8[%get3A_2723, %get3A_2724] {strides = array<i32>} : memref<24x24xf32, #tpu.memory_space<vmem>>, vector<16xf32>,
      %mul3A_2726 = arith.mulf %add3A_2233, %get3A_2725 : vector<16xf32>
      %add3A_2727 = arith.addf %mul3A_2721, %mul3A_2726 : vector<16xf32>
      %get3A_2728 = arith.constant 12 : i32
      %get3A_2729 = arith.index_cast %get3A_2728 : i32 to index
      %get3A_2730 = arith.constant 0 : index
      %get3A_2731 = tpu.vector_load %arg8[%get3A_2729, %get3A_2730] {strides = array<i32>} : memref<24x24xf32, #tpu.memory_space<vmem>>, vector<16xf32>,
      %mul3A_2732 = arith.mulf %add3A_2240, %get3A_2731 : vector<16xf32>
      %add3A_2733 = arith.addf %add3A_2727, %mul3A_2732 : vector<16xf32>
      %get3A_2734 = arith.constant 13 : i32
      %get3A_2735 = arith.index_cast %get3A_2734 : i32 to index
      %get3A_2736 = arith.constant 0 : index
      %get3A_2737 = tpu.vector_load %arg8[%get3A_2735, %get3A_2736] {strides = array<i32>} : memref<24x24xf32, #tpu.memory_space<vmem>>, vector<16xf32>,
      %mul3A_2738 = arith.mulf %mul3A_2245, %get3A_2737 : vector<16xf32>
      %add3A_2739 = arith.addf %add3A_2733, %mul3A_2738 : vector<16xf32>
      %swap3A_2740 = arith.constant 8 : i32
      %swap3A_2741 = arith.index_cast %swap3A_2740 : i32 to index
      %swap3A_2742 = arith.constant 0 : index
      %swap3A_2743 = tpu.vector_load %arg9[%swap3A_2741, %swap3A_2742] {strides = array<i32>} : memref<17x24xf32, #tpu.memory_space<vmem>>, vector<16xf32>,
      tpu.vector_store %arg9[%swap3A_2741, %swap3A_2742], %add3A_2739 {strides = array<i32>} : memref<17x24xf32, #tpu.memory_space<vmem>>, vector<16xf32>,
      %get3A_2744 = arith.constant 10 : i32
      %get3A_2745 = arith.index_cast %get3A_2744 : i32 to index
      %get3A_2746 = arith.constant 8 : index
      %get3A_2747 = tpu.vector_load %arg8[%get3A_2745, %get3A_2746] {strides = array<i32>} : memref<24x24xf32, #tpu.memory_space<vmem>>, vector<16xf32>,
      %mul3A_2748 = arith.mulf %mul3A_2216, %get3A_2747 : vector<16xf32>
      %get3A_2749 = arith.constant 11 : i32
      %get3A_2750 = arith.index_cast %get3A_2749 : i32 to index
      %get3A_2751 = arith.constant 8 : index
      %get3A_2752 = tpu.vector_load %arg8[%get3A_2750, %get3A_2751] {strides = array<i32>} : memref<24x24xf32, #tpu.memory_space<vmem>>, vector<16xf32>,
      %mul3A_2753 = arith.mulf %add3A_2233, %get3A_2752 : vector<16xf32>
      %add3A_2754 = arith.addf %mul3A_2748, %mul3A_2753 : vector<16xf32>
      %get3A_2755 = arith.constant 12 : i32
      %get3A_2756 = arith.index_cast %get3A_2755 : i32 to index
      %get3A_2757 = arith.constant 8 : index
      %get3A_2758 = tpu.vector_load %arg8[%get3A_2756, %get3A_2757] {strides = array<i32>} : memref<24x24xf32, #tpu.memory_space<vmem>>, vector<16xf32>,
      %mul3A_2759 = arith.mulf %add3A_2240, %get3A_2758 : vector<16xf32>
      %add3A_2760 = arith.addf %add3A_2754, %mul3A_2759 : vector<16xf32>
      %get3A_2761 = arith.constant 13 : i32
      %get3A_2762 = arith.index_cast %get3A_2761 : i32 to index
      %get3A_2763 = arith.constant 8 : index
      %get3A_2764 = tpu.vector_load %arg8[%get3A_2762, %get3A_2763] {strides = array<i32>} : memref<24x24xf32, #tpu.memory_space<vmem>>, vector<16xf32>,
      %mul3A_2765 = arith.mulf %mul3A_2245, %get3A_2764 : vector<16xf32>
      %add3A_2766 = arith.addf %add3A_2760, %mul3A_2765 : vector<16xf32>
      %swap3A_2767 = arith.constant 8 : i32
      %swap3A_2768 = arith.index_cast %swap3A_2767 : i32 to index
      %swap3A_2769 = arith.constant 8 : index
      %swap3A_2770 = tpu.vector_load %arg9[%swap3A_2768, %swap3A_2769] {strides = array<i32>} : memref<17x24xf32, #tpu.memory_space<vmem>>, vector<16xf32>,
      tpu.vector_store %arg9[%swap3A_2768, %swap3A_2769], %add3A_2766 {strides = array<i32>} : memref<17x24xf32, #tpu.memory_space<vmem>>, vector<16xf32>,
      %get3A_2771 = arith.constant 11 : i32
      %get3A_2772 = arith.index_cast %get3A_2771 : i32 to index
      %get3A_2773 = arith.constant 0 : index
      %get3A_2774 = tpu.vector_load %arg8[%get3A_2772, %get3A_2773] {strides = array<i32>} : memref<24x24xf32, #tpu.memory_space<vmem>>, vector<16xf32>,
      %mul3A_2775 = arith.mulf %mul3A_2216, %get3A_2774 : vector<16xf32>
      %get3A_2776 = arith.constant 12 : i32
      %get3A_2777 = arith.index_cast %get3A_2776 : i32 to index
      %get3A_2778 = arith.constant 0 : index
      %get3A_2779 = tpu.vector_load %arg8[%get3A_2777, %get3A_2778] {strides = array<i32>} : memref<24x24xf32, #tpu.memory_space<vmem>>, vector<16xf32>,
      %mul3A_2780 = arith.mulf %add3A_2233, %get3A_2779 : vector<16xf32>
      %add3A_2781 = arith.addf %mul3A_2775, %mul3A_2780 : vector<16xf32>
      %get3A_2782 = arith.constant 13 : i32
      %get3A_2783 = arith.index_cast %get3A_2782 : i32 to index
      %get3A_2784 = arith.constant 0 : index
      %get3A_2785 = tpu.vector_load %arg8[%get3A_2783, %get3A_2784] {strides = array<i32>} : memref<24x24xf32, #tpu.memory_space<vmem>>, vector<16xf32>,
      %mul3A_2786 = arith.mulf %add3A_2240, %get3A_2785 : vector<16xf32>
      %add3A_2787 = arith.addf %add3A_2781, %mul3A_2786 : vector<16xf32>
      %get3A_2788 = arith.constant 14 : i32
      %get3A_2789 = arith.index_cast %get3A_2788 : i32 to index
      %get3A_2790 = arith.constant 0 : index
      %get3A_2791 = tpu.vector_load %arg8[%get3A_2789, %get3A_2790] {strides = array<i32>} : memref<24x24xf32, #tpu.memory_space<vmem>>, vector<16xf32>,
      %mul3A_2792 = arith.mulf %mul3A_2245, %get3A_2791 : vector<16xf32>
      %add3A_2793 = arith.addf %add3A_2787, %mul3A_2792 : vector<16xf32>
      %swap3A_2794 = arith.constant 9 : i32
      %swap3A_2795 = arith.index_cast %swap3A_2794 : i32 to index
      %swap3A_2796 = arith.constant 0 : index
      %swap3A_2797 = tpu.vector_load %arg9[%swap3A_2795, %swap3A_2796] {strides = array<i32>} : memref<17x24xf32, #tpu.memory_space<vmem>>, vector<16xf32>,
      tpu.vector_store %arg9[%swap3A_2795, %swap3A_2796], %add3A_2793 {strides = array<i32>} : memref<17x24xf32, #tpu.memory_space<vmem>>, vector<16xf32>,
      %get3A_2798 = arith.constant 11 : i32
      %get3A_2799 = arith.index_cast %get3A_2798 : i32 to index
      %get3A_2800 = arith.constant 8 : index
      %get3A_2801 = tpu.vector_load %arg8[%get3A_2799, %get3A_2800] {strides = array<i32>} : memref<24x24xf32, #tpu.memory_space<vmem>>, vector<16xf32>,
      %mul3A_2802 = arith.mulf %mul3A_2216, %get3A_2801 : vector<16xf32>
      %get3A_2803 = arith.constant 12 : i32
      %get3A_2804 = arith.index_cast %get3A_2803 : i32 to index
      %get3A_2805 = arith.constant 8 : index
      %get3A_2806 = tpu.vector_load %arg8[%get3A_2804, %get3A_2805] {strides = array<i32>} : memref<24x24xf32, #tpu.memory_space<vmem>>, vector<16xf32>,
      %mul3A_2807 = arith.mulf %add3A_2233, %get3A_2806 : vector<16xf32>
      %add3A_2808 = arith.addf %mul3A_2802, %mul3A_2807 : vector<16xf32>
      %get3A_2809 = arith.constant 13 : i32
      %get3A_2810 = arith.index_cast %get3A_2809 : i32 to index
      %get3A_2811 = arith.constant 8 : index
      %get3A_2812 = tpu.vector_load %arg8[%get3A_2810, %get3A_2811] {strides = array<i32>} : memref<24x24xf32, #tpu.memory_space<vmem>>, vector<16xf32>,
      %mul3A_2813 = arith.mulf %add3A_2240, %get3A_2812 : vector<16xf32>
      %add3A_2814 = arith.addf %add3A_2808, %mul3A_2813 : vector<16xf32>
      %get3A_2815 = arith.constant 14 : i32
      %get3A_2816 = arith.index_cast %get3A_2815 : i32 to index
      %get3A_2817 = arith.constant 8 : index
      %get3A_2818 = tpu.vector_load %arg8[%get3A_2816, %get3A_2817] {strides = array<i32>} : memref<24x24xf32, #tpu.memory_space<vmem>>, vector<16xf32>,
      %mul3A_2819 = arith.mulf %mul3A_2245, %get3A_2818 : vector<16xf32>
      %add3A_2820 = arith.addf %add3A_2814, %mul3A_2819 : vector<16xf32>
      %swap3A_2821 = arith.constant 9 : i32
      %swap3A_2822 = arith.index_cast %swap3A_2821 : i32 to index
      %swap3A_2823 = arith.constant 8 : index
      %swap3A_2824 = tpu.vector_load %arg9[%swap3A_2822, %swap3A_2823] {strides = array<i32>} : memref<17x24xf32, #tpu.memory_space<vmem>>, vector<16xf32>,
      tpu.vector_store %arg9[%swap3A_2822, %swap3A_2823], %add3A_2820 {strides = array<i32>} : memref<17x24xf32, #tpu.memory_space<vmem>>, vector<16xf32>,
      %get3A_2825 = arith.constant 12 : i32
      %get3A_2826 = arith.index_cast %get3A_2825 : i32 to index
      %get3A_2827 = arith.constant 0 : index
      %get3A_2828 = tpu.vector_load %arg8[%get3A_2826, %get3A_2827] {strides = array<i32>} : memref<24x24xf32, #tpu.memory_space<vmem>>, vector<16xf32>,
      %mul3A_2829 = arith.mulf %mul3A_2216, %get3A_2828 : vector<16xf32>
      %get3A_2830 = arith.constant 13 : i32
      %get3A_2831 = arith.index_cast %get3A_2830 : i32 to index
      %get3A_2832 = arith.constant 0 : index
      %get3A_2833 = tpu.vector_load %arg8[%get3A_2831, %get3A_2832] {strides = array<i32>} : memref<24x24xf32, #tpu.memory_space<vmem>>, vector<16xf32>,
      %mul3A_2834 = arith.mulf %add3A_2233, %get3A_2833 : vector<16xf32>
      %add3A_2835 = arith.addf %mul3A_2829, %mul3A_2834 : vector<16xf32>
      %get3A_2836 = arith.constant 14 : i32
      %get3A_2837 = arith.index_cast %get3A_2836 : i32 to index
      %get3A_2838 = arith.constant 0 : index
      %get3A_2839 = tpu.vector_load %arg8[%get3A_2837, %get3A_2838] {strides = array<i32>} : memref<24x24xf32, #tpu.memory_space<vmem>>, vector<16xf32>,
      %mul3A_2840 = arith.mulf %add3A_2240, %get3A_2839 : vector<16xf32>
      %add3A_2841 = arith.addf %add3A_2835, %mul3A_2840 : vector<16xf32>
      %get3A_2842 = arith.constant 15 : i32
      %get3A_2843 = arith.index_cast %get3A_2842 : i32 to index
      %get3A_2844 = arith.constant 0 : index
      %get3A_2845 = tpu.vector_load %arg8[%get3A_2843, %get3A_2844] {strides = array<i32>} : memref<24x24xf32, #tpu.memory_space<vmem>>, vector<16xf32>,
      %mul3A_2846 = arith.mulf %mul3A_2245, %get3A_2845 : vector<16xf32>
      %add3A_2847 = arith.addf %add3A_2841, %mul3A_2846 : vector<16xf32>
      %swap3A_2848 = arith.constant 10 : i32
      %swap3A_2849 = arith.index_cast %swap3A_2848 : i32 to index
      %swap3A_2850 = arith.constant 0 : index
      %swap3A_2851 = tpu.vector_load %arg9[%swap3A_2849, %swap3A_2850] {strides = array<i32>} : memref<17x24xf32, #tpu.memory_space<vmem>>, vector<16xf32>,
      tpu.vector_store %arg9[%swap3A_2849, %swap3A_2850], %add3A_2847 {strides = array<i32>} : memref<17x24xf32, #tpu.memory_space<vmem>>, vector<16xf32>,
      %get3A_2852 = arith.constant 12 : i32
      %get3A_2853 = arith.index_cast %get3A_2852 : i32 to index
      %get3A_2854 = arith.constant 8 : index
      %get3A_2855 = tpu.vector_load %arg8[%get3A_2853, %get3A_2854] {strides = array<i32>} : memref<24x24xf32, #tpu.memory_space<vmem>>, vector<16xf32>,
      %mul3A_2856 = arith.mulf %mul3A_2216, %get3A_2855 : vector<16xf32>
      %get3A_2857 = arith.constant 13 : i32
      %get3A_2858 = arith.index_cast %get3A_2857 : i32 to index
      %get3A_2859 = arith.constant 8 : index
      %get3A_2860 = tpu.vector_load %arg8[%get3A_2858, %get3A_2859] {strides = array<i32>} : memref<24x24xf32, #tpu.memory_space<vmem>>, vector<16xf32>,
      %mul3A_2861 = arith.mulf %add3A_2233, %get3A_2860 : vector<16xf32>
      %add3A_2862 = arith.addf %mul3A_2856, %mul3A_2861 : vector<16xf32>
      %get3A_2863 = arith.constant 14 : i32
      %get3A_2864 = arith.index_cast %get3A_2863 : i32 to index
      %get3A_2865 = arith.constant 8 : index
      %get3A_2866 = tpu.vector_load %arg8[%get3A_2864, %get3A_2865] {strides = array<i32>} : memref<24x24xf32, #tpu.memory_space<vmem>>, vector<16xf32>,
      %mul3A_2867 = arith.mulf %add3A_2240, %get3A_2866 : vector<16xf32>
      %add3A_2868 = arith.addf %add3A_2862, %mul3A_2867 : vector<16xf32>
      %get3A_2869 = arith.constant 15 : i32
      %get3A_2870 = arith.index_cast %get3A_2869 : i32 to index
      %get3A_2871 = arith.constant 8 : index
      %get3A_2872 = tpu.vector_load %arg8[%get3A_2870, %get3A_2871] {strides = array<i32>} : memref<24x24xf32, #tpu.memory_space<vmem>>, vector<16xf32>,
      %mul3A_2873 = arith.mulf %mul3A_2245, %get3A_2872 : vector<16xf32>
      %add3A_2874 = arith.addf %add3A_2868, %mul3A_2873 : vector<16xf32>
      %swap3A_2875 = arith.constant 10 : i32
      %swap3A_2876 = arith.index_cast %swap3A_2875 : i32 to index
      %swap3A_2877 = arith.constant 8 : index
      %swap3A_2878 = tpu.vector_load %arg9[%swap3A_2876, %swap3A_2877] {strides = array<i32>} : memref<17x24xf32, #tpu.memory_space<vmem>>, vector<16xf32>,
      tpu.vector_store %arg9[%swap3A_2876, %swap3A_2877], %add3A_2874 {strides = array<i32>} : memref<17x24xf32, #tpu.memory_space<vmem>>, vector<16xf32>,
      %get3A_2879 = arith.constant 13 : i32
      %get3A_2880 = arith.index_cast %get3A_2879 : i32 to index
      %get3A_2881 = arith.constant 0 : index
      %get3A_2882 = tpu.vector_load %arg8[%get3A_2880, %get3A_2881] {strides = array<i32>} : memref<24x24xf32, #tpu.memory_space<vmem>>, vector<16xf32>,
      %mul3A_2883 = arith.mulf %mul3A_2216, %get3A_2882 : vector<16xf32>
      %get3A_2884 = arith.constant 14 : i32
      %get3A_2885 = arith.index_cast %get3A_2884 : i32 to index
      %get3A_2886 = arith.constant 0 : index
      %get3A_2887 = tpu.vector_load %arg8[%get3A_2885, %get3A_2886] {strides = array<i32>} : memref<24x24xf32, #tpu.memory_space<vmem>>, vector<16xf32>,
      %mul3A_2888 = arith.mulf %add3A_2233, %get3A_2887 : vector<16xf32>
      %add3A_2889 = arith.addf %mul3A_2883, %mul3A_2888 : vector<16xf32>
      %get3A_2890 = arith.constant 15 : i32
      %get3A_2891 = arith.index_cast %get3A_2890 : i32 to index
      %get3A_2892 = arith.constant 0 : index
      %get3A_2893 = tpu.vector_load %arg8[%get3A_2891, %get3A_2892] {strides = array<i32>} : memref<24x24xf32, #tpu.memory_space<vmem>>, vector<16xf32>,
      %mul3A_2894 = arith.mulf %add3A_2240, %get3A_2893 : vector<16xf32>
      %add3A_2895 = arith.addf %add3A_2889, %mul3A_2894 : vector<16xf32>
      %get3A_2896 = arith.constant 16 : i32
      %get3A_2897 = arith.index_cast %get3A_2896 : i32 to index
      %get3A_2898 = arith.constant 0 : index
      %get3A_2899 = tpu.vector_load %arg8[%get3A_2897, %get3A_2898] {strides = array<i32>} : memref<24x24xf32, #tpu.memory_space<vmem>>, vector<16xf32>,
      %mul3A_2900 = arith.mulf %mul3A_2245, %get3A_2899 : vector<16xf32>
      %add3A_2901 = arith.addf %add3A_2895, %mul3A_2900 : vector<16xf32>
      %swap3A_2902 = arith.constant 11 : i32
      %swap3A_2903 = arith.index_cast %swap3A_2902 : i32 to index
      %swap3A_2904 = arith.constant 0 : index
      %swap3A_2905 = tpu.vector_load %arg9[%swap3A_2903, %swap3A_2904] {strides = array<i32>} : memref<17x24xf32, #tpu.memory_space<vmem>>, vector<16xf32>,
      tpu.vector_store %arg9[%swap3A_2903, %swap3A_2904], %add3A_2901 {strides = array<i32>} : memref<17x24xf32, #tpu.memory_space<vmem>>, vector<16xf32>,
      %get3A_2906 = arith.constant 13 : i32
      %get3A_2907 = arith.index_cast %get3A_2906 : i32 to index
      %get3A_2908 = arith.constant 8 : index
      %get3A_2909 = tpu.vector_load %arg8[%get3A_2907, %get3A_2908] {strides = array<i32>} : memref<24x24xf32, #tpu.memory_space<vmem>>, vector<16xf32>,
      %mul3A_2910 = arith.mulf %mul3A_2216, %get3A_2909 : vector<16xf32>
      %get3A_2911 = arith.constant 14 : i32
      %get3A_2912 = arith.index_cast %get3A_2911 : i32 to index
      %get3A_2913 = arith.constant 8 : index
      %get3A_2914 = tpu.vector_load %arg8[%get3A_2912, %get3A_2913] {strides = array<i32>} : memref<24x24xf32, #tpu.memory_space<vmem>>, vector<16xf32>,
      %mul3A_2915 = arith.mulf %add3A_2233, %get3A_2914 : vector<16xf32>
      %add3A_2916 = arith.addf %mul3A_2910, %mul3A_2915 : vector<16xf32>
      %get3A_2917 = arith.constant 15 : i32
      %get3A_2918 = arith.index_cast %get3A_2917 : i32 to index
      %get3A_2919 = arith.constant 8 : index
      %get3A_2920 = tpu.vector_load %arg8[%get3A_2918, %get3A_2919] {strides = array<i32>} : memref<24x24xf32, #tpu.memory_space<vmem>>, vector<16xf32>,
      %mul3A_2921 = arith.mulf %add3A_2240, %get3A_2920 : vector<16xf32>
      %add3A_2922 = arith.addf %add3A_2916, %mul3A_2921 : vector<16xf32>
      %get3A_2923 = arith.constant 16 : i32
      %get3A_2924 = arith.index_cast %get3A_2923 : i32 to index
      %get3A_2925 = arith.constant 8 : index
      %get3A_2926 = tpu.vector_load %arg8[%get3A_2924, %get3A_2925] {strides = array<i32>} : memref<24x24xf32, #tpu.memory_space<vmem>>, vector<16xf32>,
      %mul3A_2927 = arith.mulf %mul3A_2245, %get3A_2926 : vector<16xf32>
      %add3A_2928 = arith.addf %add3A_2922, %mul3A_2927 : vector<16xf32>
      %swap3A_2929 = arith.constant 11 : i32
      %swap3A_2930 = arith.index_cast %swap3A_2929 : i32 to index
      %swap3A_2931 = arith.constant 8 : index
      %swap3A_2932 = tpu.vector_load %arg9[%swap3A_2930, %swap3A_2931] {strides = array<i32>} : memref<17x24xf32, #tpu.memory_space<vmem>>, vector<16xf32>,
      tpu.vector_store %arg9[%swap3A_2930, %swap3A_2931], %add3A_2928 {strides = array<i32>} : memref<17x24xf32, #tpu.memory_space<vmem>>, vector<16xf32>,
      %get3A_2933 = arith.constant 14 : i32
      %get3A_2934 = arith.index_cast %get3A_2933 : i32 to index
      %get3A_2935 = arith.constant 0 : index
      %get3A_2936 = tpu.vector_load %arg8[%get3A_2934, %get3A_2935] {strides = array<i32>} : memref<24x24xf32, #tpu.memory_space<vmem>>, vector<16xf32>,
      %mul3A_2937 = arith.mulf %mul3A_2216, %get3A_2936 : vector<16xf32>
      %get3A_2938 = arith.constant 15 : i32
      %get3A_2939 = arith.index_cast %get3A_2938 : i32 to index
      %get3A_2940 = arith.constant 0 : index
      %get3A_2941 = tpu.vector_load %arg8[%get3A_2939, %get3A_2940] {strides = array<i32>} : memref<24x24xf32, #tpu.memory_space<vmem>>, vector<16xf32>,
      %mul3A_2942 = arith.mulf %add3A_2233, %get3A_2941 : vector<16xf32>
      %add3A_2943 = arith.addf %mul3A_2937, %mul3A_2942 : vector<16xf32>
      %get3A_2944 = arith.constant 16 : i32
      %get3A_2945 = arith.index_cast %get3A_2944 : i32 to index
      %get3A_2946 = arith.constant 0 : index
      %get3A_2947 = tpu.vector_load %arg8[%get3A_2945, %get3A_2946] {strides = array<i32>} : memref<24x24xf32, #tpu.memory_space<vmem>>, vector<16xf32>,
      %mul3A_2948 = arith.mulf %add3A_2240, %get3A_2947 : vector<16xf32>
      %add3A_2949 = arith.addf %add3A_2943, %mul3A_2948 : vector<16xf32>
      %get3A_2950 = arith.constant 17 : i32
      %get3A_2951 = arith.index_cast %get3A_2950 : i32 to index
      %get3A_2952 = arith.constant 0 : index
      %get3A_2953 = tpu.vector_load %arg8[%get3A_2951, %get3A_2952] {strides = array<i32>} : memref<24x24xf32, #tpu.memory_space<vmem>>, vector<16xf32>,
      %mul3A_2954 = arith.mulf %mul3A_2245, %get3A_2953 : vector<16xf32>
      %add3A_2955 = arith.addf %add3A_2949, %mul3A_2954 : vector<16xf32>
      %swap3A_2956 = arith.constant 12 : i32
      %swap3A_2957 = arith.index_cast %swap3A_2956 : i32 to index
      %swap3A_2958 = arith.constant 0 : index
      %swap3A_2959 = tpu.vector_load %arg9[%swap3A_2957, %swap3A_2958] {strides = array<i32>} : memref<17x24xf32, #tpu.memory_space<vmem>>, vector<16xf32>,
      tpu.vector_store %arg9[%swap3A_2957, %swap3A_2958], %add3A_2955 {strides = array<i32>} : memref<17x24xf32, #tpu.memory_space<vmem>>, vector<16xf32>,
      %get3A_2960 = arith.constant 14 : i32
      %get3A_2961 = arith.index_cast %get3A_2960 : i32 to index
      %get3A_2962 = arith.constant 8 : index
      %get3A_2963 = tpu.vector_load %arg8[%get3A_2961, %get3A_2962] {strides = array<i32>} : memref<24x24xf32, #tpu.memory_space<vmem>>, vector<16xf32>,
      %mul3A_2964 = arith.mulf %mul3A_2216, %get3A_2963 : vector<16xf32>
      %get3A_2965 = arith.constant 15 : i32
      %get3A_2966 = arith.index_cast %get3A_2965 : i32 to index
      %get3A_2967 = arith.constant 8 : index
      %get3A_2968 = tpu.vector_load %arg8[%get3A_2966, %get3A_2967] {strides = array<i32>} : memref<24x24xf32, #tpu.memory_space<vmem>>, vector<16xf32>,
      %mul3A_2969 = arith.mulf %add3A_2233, %get3A_2968 : vector<16xf32>
      %add3A_2970 = arith.addf %mul3A_2964, %mul3A_2969 : vector<16xf32>
      %get3A_2971 = arith.constant 16 : i32
      %get3A_2972 = arith.index_cast %get3A_2971 : i32 to index
      %get3A_2973 = arith.constant 8 : index
      %get3A_2974 = tpu.vector_load %arg8[%get3A_2972, %get3A_2973] {strides = array<i32>} : memref<24x24xf32, #tpu.memory_space<vmem>>, vector<16xf32>,
      %mul3A_2975 = arith.mulf %add3A_2240, %get3A_2974 : vector<16xf32>
      %add3A_2976 = arith.addf %add3A_2970, %mul3A_2975 : vector<16xf32>
      %get3A_2977 = arith.constant 17 : i32
      %get3A_2978 = arith.index_cast %get3A_2977 : i32 to index
      %get3A_2979 = arith.constant 8 : index
      %get3A_2980 = tpu.vector_load %arg8[%get3A_2978, %get3A_2979] {strides = array<i32>} : memref<24x24xf32, #tpu.memory_space<vmem>>, vector<16xf32>,
      %mul3A_2981 = arith.mulf %mul3A_2245, %get3A_2980 : vector<16xf32>
      %add3A_2982 = arith.addf %add3A_2976, %mul3A_2981 : vector<16xf32>
      %swap3A_2983 = arith.constant 12 : i32
      %swap3A_2984 = arith.index_cast %swap3A_2983 : i32 to index
      %swap3A_2985 = arith.constant 8 : index
      %swap3A_2986 = tpu.vector_load %arg9[%swap3A_2984, %swap3A_2985] {strides = array<i32>} : memref<17x24xf32, #tpu.memory_space<vmem>>, vector<16xf32>,
      tpu.vector_store %arg9[%swap3A_2984, %swap3A_2985], %add3A_2982 {strides = array<i32>} : memref<17x24xf32, #tpu.memory_space<vmem>>, vector<16xf32>,
      %get3A_2987 = arith.constant 15 : i32
      %get3A_2988 = arith.index_cast %get3A_2987 : i32 to index
      %get3A_2989 = arith.constant 0 : index
      %get3A_2990 = tpu.vector_load %arg8[%get3A_2988, %get3A_2989] {strides = array<i32>} : memref<24x24xf32, #tpu.memory_space<vmem>>, vector<16xf32>,
      %mul3A_2991 = arith.mulf %mul3A_2216, %get3A_2990 : vector<16xf32>
      %get3A_2992 = arith.constant 16 : i32
      %get3A_2993 = arith.index_cast %get3A_2992 : i32 to index
      %get3A_2994 = arith.constant 0 : index
      %get3A_2995 = tpu.vector_load %arg8[%get3A_2993, %get3A_2994] {strides = array<i32>} : memref<24x24xf32, #tpu.memory_space<vmem>>, vector<16xf32>,
      %mul3A_2996 = arith.mulf %add3A_2233, %get3A_2995 : vector<16xf32>
      %add3A_2997 = arith.addf %mul3A_2991, %mul3A_2996 : vector<16xf32>
      %get3A_2998 = arith.constant 17 : i32
      %get3A_2999 = arith.index_cast %get3A_2998 : i32 to index
      %get3A_3000 = arith.constant 0 : index
      %get3A_3001 = tpu.vector_load %arg8[%get3A_2999, %get3A_3000] {strides = array<i32>} : memref<24x24xf32, #tpu.memory_space<vmem>>, vector<16xf32>,
      %mul3A_3002 = arith.mulf %add3A_2240, %get3A_3001 : vector<16xf32>
      %add3A_3003 = arith.addf %add3A_2997, %mul3A_3002 : vector<16xf32>
      %get3A_3004 = arith.constant 18 : i32
      %get3A_3005 = arith.index_cast %get3A_3004 : i32 to index
      %get3A_3006 = arith.constant 0 : index
      %get3A_3007 = tpu.vector_load %arg8[%get3A_3005, %get3A_3006] {strides = array<i32>} : memref<24x24xf32, #tpu.memory_space<vmem>>, vector<16xf32>,
      %mul3A_3008 = arith.mulf %mul3A_2245, %get3A_3007 : vector<16xf32>
      %add3A_3009 = arith.addf %add3A_3003, %mul3A_3008 : vector<16xf32>
      %swap3A_3010 = arith.constant 13 : i32
      %swap3A_3011 = arith.index_cast %swap3A_3010 : i32 to index
      %swap3A_3012 = arith.constant 0 : index
      %swap3A_3013 = tpu.vector_load %arg9[%swap3A_3011, %swap3A_3012] {strides = array<i32>} : memref<17x24xf32, #tpu.memory_space<vmem>>, vector<16xf32>,
      tpu.vector_store %arg9[%swap3A_3011, %swap3A_3012], %add3A_3009 {strides = array<i32>} : memref<17x24xf32, #tpu.memory_space<vmem>>, vector<16xf32>,
      %get3A_3014 = arith.constant 15 : i32
      %get3A_3015 = arith.index_cast %get3A_3014 : i32 to index
      %get3A_3016 = arith.constant 8 : index
      %get3A_3017 = tpu.vector_load %arg8[%get3A_3015, %get3A_3016] {strides = array<i32>} : memref<24x24xf32, #tpu.memory_space<vmem>>, vector<16xf32>,
      %mul3A_3018 = arith.mulf %mul3A_2216, %get3A_3017 : vector<16xf32>
      %get3A_3019 = arith.constant 16 : i32
      %get3A_3020 = arith.index_cast %get3A_3019 : i32 to index
      %get3A_3021 = arith.constant 8 : index
      %get3A_3022 = tpu.vector_load %arg8[%get3A_3020, %get3A_3021] {strides = array<i32>} : memref<24x24xf32, #tpu.memory_space<vmem>>, vector<16xf32>,
      %mul3A_3023 = arith.mulf %add3A_2233, %get3A_3022 : vector<16xf32>
      %add3A_3024 = arith.addf %mul3A_3018, %mul3A_3023 : vector<16xf32>
      %get3A_3025 = arith.constant 17 : i32
      %get3A_3026 = arith.index_cast %get3A_3025 : i32 to index
      %get3A_3027 = arith.constant 8 : index
      %get3A_3028 = tpu.vector_load %arg8[%get3A_3026, %get3A_3027] {strides = array<i32>} : memref<24x24xf32, #tpu.memory_space<vmem>>, vector<16xf32>,
      %mul3A_3029 = arith.mulf %add3A_2240, %get3A_3028 : vector<16xf32>
      %add3A_3030 = arith.addf %add3A_3024, %mul3A_3029 : vector<16xf32>
      %get3A_3031 = arith.constant 18 : i32
      %get3A_3032 = arith.index_cast %get3A_3031 : i32 to index
      %get3A_3033 = arith.constant 8 : index
      %get3A_3034 = tpu.vector_load %arg8[%get3A_3032, %get3A_3033] {strides = array<i32>} : memref<24x24xf32, #tpu.memory_space<vmem>>, vector<16xf32>,
      %mul3A_3035 = arith.mulf %mul3A_2245, %get3A_3034 : vector<16xf32>
      %add3A_3036 = arith.addf %add3A_3030, %mul3A_3035 : vector<16xf32>
      %swap3A_3037 = arith.constant 13 : i32
      %swap3A_3038 = arith.index_cast %swap3A_3037 : i32 to index
      %swap3A_3039 = arith.constant 8 : index
      %swap3A_3040 = tpu.vector_load %arg9[%swap3A_3038, %swap3A_3039] {strides = array<i32>} : memref<17x24xf32, #tpu.memory_space<vmem>>, vector<16xf32>,
      tpu.vector_store %arg9[%swap3A_3038, %swap3A_3039], %add3A_3036 {strides = array<i32>} : memref<17x24xf32, #tpu.memory_space<vmem>>, vector<16xf32>,
      %get3A_3041 = arith.constant 16 : i32
      %get3A_3042 = arith.index_cast %get3A_3041 : i32 to index
      %get3A_3043 = arith.constant 0 : index
      %get3A_3044 = tpu.vector_load %arg8[%get3A_3042, %get3A_3043] {strides = array<i32>} : memref<24x24xf32, #tpu.memory_space<vmem>>, vector<16xf32>,
      %mul3A_3045 = arith.mulf %mul3A_2216, %get3A_3044 : vector<16xf32>
      %get3A_3046 = arith.constant 17 : i32
      %get3A_3047 = arith.index_cast %get3A_3046 : i32 to index
      %get3A_3048 = arith.constant 0 : index
      %get3A_3049 = tpu.vector_load %arg8[%get3A_3047, %get3A_3048] {strides = array<i32>} : memref<24x24xf32, #tpu.memory_space<vmem>>, vector<16xf32>,
      %mul3A_3050 = arith.mulf %add3A_2233, %get3A_3049 : vector<16xf32>
      %add3A_3051 = arith.addf %mul3A_3045, %mul3A_3050 : vector<16xf32>
      %get3A_3052 = arith.constant 18 : i32
      %get3A_3053 = arith.index_cast %get3A_3052 : i32 to index
      %get3A_3054 = arith.constant 0 : index
      %get3A_3055 = tpu.vector_load %arg8[%get3A_3053, %get3A_3054] {strides = array<i32>} : memref<24x24xf32, #tpu.memory_space<vmem>>, vector<16xf32>,
      %mul3A_3056 = arith.mulf %add3A_2240, %get3A_3055 : vector<16xf32>
      %add3A_3057 = arith.addf %add3A_3051, %mul3A_3056 : vector<16xf32>
      %get3A_3058 = arith.constant 19 : i32
      %get3A_3059 = arith.index_cast %get3A_3058 : i32 to index
      %get3A_3060 = arith.constant 0 : index
      %get3A_3061 = tpu.vector_load %arg8[%get3A_3059, %get3A_3060] {strides = array<i32>} : memref<24x24xf32, #tpu.memory_space<vmem>>, vector<16xf32>,
      %mul3A_3062 = arith.mulf %mul3A_2245, %get3A_3061 : vector<16xf32>
      %add3A_3063 = arith.addf %add3A_3057, %mul3A_3062 : vector<16xf32>
      %swap3A_3064 = arith.constant 14 : i32
      %swap3A_3065 = arith.index_cast %swap3A_3064 : i32 to index
      %swap3A_3066 = arith.constant 0 : index
      %swap3A_3067 = tpu.vector_load %arg9[%swap3A_3065, %swap3A_3066] {strides = array<i32>} : memref<17x24xf32, #tpu.memory_space<vmem>>, vector<16xf32>,
      tpu.vector_store %arg9[%swap3A_3065, %swap3A_3066], %add3A_3063 {strides = array<i32>} : memref<17x24xf32, #tpu.memory_space<vmem>>, vector<16xf32>,
      %get3A_3068 = arith.constant 16 : i32
      %get3A_3069 = arith.index_cast %get3A_3068 : i32 to index
      %get3A_3070 = arith.constant 8 : index
      %get3A_3071 = tpu.vector_load %arg8[%get3A_3069, %get3A_3070] {strides = array<i32>} : memref<24x24xf32, #tpu.memory_space<vmem>>, vector<16xf32>,
      %mul3A_3072 = arith.mulf %mul3A_2216, %get3A_3071 : vector<16xf32>
      %get3A_3073 = arith.constant 17 : i32
      %get3A_3074 = arith.index_cast %get3A_3073 : i32 to index
      %get3A_3075 = arith.constant 8 : index
      %get3A_3076 = tpu.vector_load %arg8[%get3A_3074, %get3A_3075] {strides = array<i32>} : memref<24x24xf32, #tpu.memory_space<vmem>>, vector<16xf32>,
      %mul3A_3077 = arith.mulf %add3A_2233, %get3A_3076 : vector<16xf32>
      %add3A_3078 = arith.addf %mul3A_3072, %mul3A_3077 : vector<16xf32>
      %get3A_3079 = arith.constant 18 : i32
      %get3A_3080 = arith.index_cast %get3A_3079 : i32 to index
      %get3A_3081 = arith.constant 8 : index
      %get3A_3082 = tpu.vector_load %arg8[%get3A_3080, %get3A_3081] {strides = array<i32>} : memref<24x24xf32, #tpu.memory_space<vmem>>, vector<16xf32>,
      %mul3A_3083 = arith.mulf %add3A_2240, %get3A_3082 : vector<16xf32>
      %add3A_3084 = arith.addf %add3A_3078, %mul3A_3083 : vector<16xf32>
      %get3A_3085 = arith.constant 19 : i32
      %get3A_3086 = arith.index_cast %get3A_3085 : i32 to index
      %get3A_3087 = arith.constant 8 : index
      %get3A_3088 = tpu.vector_load %arg8[%get3A_3086, %get3A_3087] {strides = array<i32>} : memref<24x24xf32, #tpu.memory_space<vmem>>, vector<16xf32>,
      %mul3A_3089 = arith.mulf %mul3A_2245, %get3A_3088 : vector<16xf32>
      %add3A_3090 = arith.addf %add3A_3084, %mul3A_3089 : vector<16xf32>
      %swap3A_3091 = arith.constant 14 : i32
      %swap3A_3092 = arith.index_cast %swap3A_3091 : i32 to index
      %swap3A_3093 = arith.constant 8 : index
      %swap3A_3094 = tpu.vector_load %arg9[%swap3A_3092, %swap3A_3093] {strides = array<i32>} : memref<17x24xf32, #tpu.memory_space<vmem>>, vector<16xf32>,
      tpu.vector_store %arg9[%swap3A_3092, %swap3A_3093], %add3A_3090 {strides = array<i32>} : memref<17x24xf32, #tpu.memory_space<vmem>>, vector<16xf32>,
      %get3A_3095 = arith.constant 17 : i32
      %get3A_3096 = arith.index_cast %get3A_3095 : i32 to index
      %get3A_3097 = arith.constant 0 : index
      %get3A_3098 = tpu.vector_load %arg8[%get3A_3096, %get3A_3097] {strides = array<i32>} : memref<24x24xf32, #tpu.memory_space<vmem>>, vector<16xf32>,
      %mul3A_3099 = arith.mulf %mul3A_2216, %get3A_3098 : vector<16xf32>
      %get3A_3100 = arith.constant 18 : i32
      %get3A_3101 = arith.index_cast %get3A_3100 : i32 to index
      %get3A_3102 = arith.constant 0 : index
      %get3A_3103 = tpu.vector_load %arg8[%get3A_3101, %get3A_3102] {strides = array<i32>} : memref<24x24xf32, #tpu.memory_space<vmem>>, vector<16xf32>,
      %mul3A_3104 = arith.mulf %add3A_2233, %get3A_3103 : vector<16xf32>
      %add3A_3105 = arith.addf %mul3A_3099, %mul3A_3104 : vector<16xf32>
      %get3A_3106 = arith.constant 19 : i32
      %get3A_3107 = arith.index_cast %get3A_3106 : i32 to index
      %get3A_3108 = arith.constant 0 : index
      %get3A_3109 = tpu.vector_load %arg8[%get3A_3107, %get3A_3108] {strides = array<i32>} : memref<24x24xf32, #tpu.memory_space<vmem>>, vector<16xf32>,
      %mul3A_3110 = arith.mulf %add3A_2240, %get3A_3109 : vector<16xf32>
      %add3A_3111 = arith.addf %add3A_3105, %mul3A_3110 : vector<16xf32>
      %get3A_3112 = arith.constant 20 : i32
      %get3A_3113 = arith.index_cast %get3A_3112 : i32 to index
      %get3A_3114 = arith.constant 0 : index
      %get3A_3115 = tpu.vector_load %arg8[%get3A_3113, %get3A_3114] {strides = array<i32>} : memref<24x24xf32, #tpu.memory_space<vmem>>, vector<16xf32>,
      %mul3A_3116 = arith.mulf %mul3A_2245, %get3A_3115 : vector<16xf32>
      %add3A_3117 = arith.addf %add3A_3111, %mul3A_3116 : vector<16xf32>
      %swap3A_3118 = arith.constant 15 : i32
      %swap3A_3119 = arith.index_cast %swap3A_3118 : i32 to index
      %swap3A_3120 = arith.constant 0 : index
      %swap3A_3121 = tpu.vector_load %arg9[%swap3A_3119, %swap3A_3120] {strides = array<i32>} : memref<17x24xf32, #tpu.memory_space<vmem>>, vector<16xf32>,
      tpu.vector_store %arg9[%swap3A_3119, %swap3A_3120], %add3A_3117 {strides = array<i32>} : memref<17x24xf32, #tpu.memory_space<vmem>>, vector<16xf32>,
      %get3A_3122 = arith.constant 17 : i32
      %get3A_3123 = arith.index_cast %get3A_3122 : i32 to index
      %get3A_3124 = arith.constant 8 : index
      %get3A_3125 = tpu.vector_load %arg8[%get3A_3123, %get3A_3124] {strides = array<i32>} : memref<24x24xf32, #tpu.memory_space<vmem>>, vector<16xf32>,
      %mul3A_3126 = arith.mulf %mul3A_2216, %get3A_3125 : vector<16xf32>
      %get3A_3127 = arith.constant 18 : i32
      %get3A_3128 = arith.index_cast %get3A_3127 : i32 to index
      %get3A_3129 = arith.constant 8 : index
      %get3A_3130 = tpu.vector_load %arg8[%get3A_3128, %get3A_3129] {strides = array<i32>} : memref<24x24xf32, #tpu.memory_space<vmem>>, vector<16xf32>,
      %mul3A_3131 = arith.mulf %add3A_2233, %get3A_3130 : vector<16xf32>
      %add3A_3132 = arith.addf %mul3A_3126, %mul3A_3131 : vector<16xf32>
      %get3A_3133 = arith.constant 19 : i32
      %get3A_3134 = arith.index_cast %get3A_3133 : i32 to index
      %get3A_3135 = arith.constant 8 : index
      %get3A_3136 = tpu.vector_load %arg8[%get3A_3134, %get3A_3135] {strides = array<i32>} : memref<24x24xf32, #tpu.memory_space<vmem>>, vector<16xf32>,
      %mul3A_3137 = arith.mulf %add3A_2240, %get3A_3136 : vector<16xf32>
      %add3A_3138 = arith.addf %add3A_3132, %mul3A_3137 : vector<16xf32>
      %get3A_3139 = arith.constant 20 : i32
      %get3A_3140 = arith.index_cast %get3A_3139 : i32 to index
      %get3A_3141 = arith.constant 8 : index
      %get3A_3142 = tpu.vector_load %arg8[%get3A_3140, %get3A_3141] {strides = array<i32>} : memref<24x24xf32, #tpu.memory_space<vmem>>, vector<16xf32>,
      %mul3A_3143 = arith.mulf %mul3A_2245, %get3A_3142 : vector<16xf32>
      %add3A_3144 = arith.addf %add3A_3138, %mul3A_3143 : vector<16xf32>
      %swap3A_3145 = arith.constant 15 : i32
      %swap3A_3146 = arith.index_cast %swap3A_3145 : i32 to index
      %swap3A_3147 = arith.constant 8 : index
      %swap3A_3148 = tpu.vector_load %arg9[%swap3A_3146, %swap3A_3147] {strides = array<i32>} : memref<17x24xf32, #tpu.memory_space<vmem>>, vector<16xf32>,
      tpu.vector_store %arg9[%swap3A_3146, %swap3A_3147], %add3A_3144 {strides = array<i32>} : memref<17x24xf32, #tpu.memory_space<vmem>>, vector<16xf32>,
      %get3A_3149 = arith.constant 18 : i32
      %get3A_3150 = arith.index_cast %get3A_3149 : i32 to index
      %get3A_3151 = arith.constant 0 : index
      %get3A_3152 = tpu.vector_load %arg8[%get3A_3150, %get3A_3151] {strides = array<i32>} : memref<24x24xf32, #tpu.memory_space<vmem>>, vector<16xf32>,
      %mul3A_3153 = arith.mulf %mul3A_2216, %get3A_3152 : vector<16xf32>
      %get3A_3154 = arith.constant 19 : i32
      %get3A_3155 = arith.index_cast %get3A_3154 : i32 to index
      %get3A_3156 = arith.constant 0 : index
      %get3A_3157 = tpu.vector_load %arg8[%get3A_3155, %get3A_3156] {strides = array<i32>} : memref<24x24xf32, #tpu.memory_space<vmem>>, vector<16xf32>,
      %mul3A_3158 = arith.mulf %add3A_2233, %get3A_3157 : vector<16xf32>
      %add3A_3159 = arith.addf %mul3A_3153, %mul3A_3158 : vector<16xf32>
      %get3A_3160 = arith.constant 20 : i32
      %get3A_3161 = arith.index_cast %get3A_3160 : i32 to index
      %get3A_3162 = arith.constant 0 : index
      %get3A_3163 = tpu.vector_load %arg8[%get3A_3161, %get3A_3162] {strides = array<i32>} : memref<24x24xf32, #tpu.memory_space<vmem>>, vector<16xf32>,
      %mul3A_3164 = arith.mulf %add3A_2240, %get3A_3163 : vector<16xf32>
      %add3A_3165 = arith.addf %add3A_3159, %mul3A_3164 : vector<16xf32>
      %get3A_3166 = arith.constant 21 : i32
      %get3A_3167 = arith.index_cast %get3A_3166 : i32 to index
      %get3A_3168 = arith.constant 0 : index
      %get3A_3169 = tpu.vector_load %arg8[%get3A_3167, %get3A_3168] {strides = array<i32>} : memref<24x24xf32, #tpu.memory_space<vmem>>, vector<16xf32>,
      %mul3A_3170 = arith.mulf %mul3A_2245, %get3A_3169 : vector<16xf32>
      %add3A_3171 = arith.addf %add3A_3165, %mul3A_3170 : vector<16xf32>
      %swap3A_3172 = arith.constant 16 : i32
      %swap3A_3173 = arith.index_cast %swap3A_3172 : i32 to index
      %swap3A_3174 = arith.constant 0 : index
      %swap3A_3175 = tpu.vector_load %arg9[%swap3A_3173, %swap3A_3174] {strides = array<i32>} : memref<17x24xf32, #tpu.memory_space<vmem>>, vector<16xf32>,
      tpu.vector_store %arg9[%swap3A_3173, %swap3A_3174], %add3A_3171 {strides = array<i32>} : memref<17x24xf32, #tpu.memory_space<vmem>>, vector<16xf32>,
      %get3A_3176 = arith.constant 18 : i32
      %get3A_3177 = arith.index_cast %get3A_3176 : i32 to index
      %get3A_3178 = arith.constant 8 : index
      %get3A_3179 = tpu.vector_load %arg8[%get3A_3177, %get3A_3178] {strides = array<i32>} : memref<24x24xf32, #tpu.memory_space<vmem>>, vector<16xf32>,
      %mul3A_3180 = arith.mulf %mul3A_2216, %get3A_3179 : vector<16xf32>
      %get3A_3181 = arith.constant 19 : i32
      %get3A_3182 = arith.index_cast %get3A_3181 : i32 to index
      %get3A_3183 = arith.constant 8 : index
      %get3A_3184 = tpu.vector_load %arg8[%get3A_3182, %get3A_3183] {strides = array<i32>} : memref<24x24xf32, #tpu.memory_space<vmem>>, vector<16xf32>,
      %mul3A_3185 = arith.mulf %add3A_2233, %get3A_3184 : vector<16xf32>
      %add3A_3186 = arith.addf %mul3A_3180, %mul3A_3185 : vector<16xf32>
      %get3A_3187 = arith.constant 20 : i32
      %get3A_3188 = arith.index_cast %get3A_3187 : i32 to index
      %get3A_3189 = arith.constant 8 : index
      %get3A_3190 = tpu.vector_load %arg8[%get3A_3188, %get3A_3189] {strides = array<i32>} : memref<24x24xf32, #tpu.memory_space<vmem>>, vector<16xf32>,
      %mul3A_3191 = arith.mulf %add3A_2240, %get3A_3190 : vector<16xf32>
      %add3A_3192 = arith.addf %add3A_3186, %mul3A_3191 : vector<16xf32>
      %get3A_3193 = arith.constant 21 : i32
      %get3A_3194 = arith.index_cast %get3A_3193 : i32 to index
      %get3A_3195 = arith.constant 8 : index
      %get3A_3196 = tpu.vector_load %arg8[%get3A_3194, %get3A_3195] {strides = array<i32>} : memref<24x24xf32, #tpu.memory_space<vmem>>, vector<16xf32>,
      %mul3A_3197 = arith.mulf %mul3A_2245, %get3A_3196 : vector<16xf32>
      %add3A_3198 = arith.addf %add3A_3192, %mul3A_3197 : vector<16xf32>
      %swap3A_3199 = arith.constant 16 : i32
      %swap3A_3200 = arith.index_cast %swap3A_3199 : i32 to index
      %swap3A_3201 = arith.constant 8 : index
      %swap3A_3202 = tpu.vector_load %arg9[%swap3A_3200, %swap3A_3201] {strides = array<i32>} : memref<17x24xf32, #tpu.memory_space<vmem>>, vector<16xf32>,
      tpu.vector_store %arg9[%swap3A_3200, %swap3A_3201], %add3A_3198 {strides = array<i32>} : memref<17x24xf32, #tpu.memory_space<vmem>>, vector<16xf32>,
      %add3A_3203 = arith.constant 120 : i32
      %add3A_3204 = vector.broadcast %add3A_3203 : i32 to vector<16xi32>
      %add3A_3205 = arith.addi %select_n3A_2199, %add3A_3204 : vector<16xi32>
      %add3A_3206 = arith.constant 120 : i32
      %add3A_3207 = vector.broadcast %add3A_3206 : i32 to vector<16xi32>
      %add3A_3208 = arith.addi %select_n3A_2206, %add3A_3207 : vector<16xi32>
      %dma_wait3A = arith.constant 0 : i32
      %dma_wait3A_3209 = arith.constant 0 : i32
      %dma_wait3A_3210 = arith.constant 0 : i32
      %dma_wait3A_3211 = tpu.memref_slice %arg10[%dma_wait3A_3209, %dma_wait3A_3210] : memref<256x256xf32, #tpu.memory_space<vmem>> -> memref<128x256xf32, #tpu.memory_space<vmem>>
      %dma_wait3A_3212 = arith.constant 0 : i32
      %dma_wait3A_3213 = arith.constant 0 : i32
      %dma_wait3A_3214 = tpu.memref_slice %arg5[%add3A_2155, %dma_wait3A, %dma_wait3A_3212, %dma_wait3A_3213] : memref<1024x1x256x256xf32, #tpu.memory_space<hbm>> -> memref<1x1x128x256xf32, #tpu.memory_space<hbm>>
      %dma_wait3A_3215 = tpu.memref_squeeze %dma_wait3A_3214 : memref<1x1x128x256xf32, #tpu.memory_space<hbm>> -> memref<128x256xf32, #tpu.memory_space<hbm>>
      %dma_wait3A_3216 = arith.constant 0 : i32
      %dma_wait3A_3217 = arith.constant 0 : i32
      %dma_wait3A_3218 = tpu.memref_slice %arg5[%add3A_2155, %dma_wait3A, %dma_wait3A_3216, %dma_wait3A_3217] : memref<1024x1x256x256xf32, #tpu.memory_space<hbm>> -> memref<1x1x128x256xf32, #tpu.memory_space<hbm>>
      %dma_wait3A_3219 = tpu.memref_squeeze %dma_wait3A_3218 : memref<1x1x128x256xf32, #tpu.memory_space<hbm>> -> memref<128x256xf32, #tpu.memory_space<hbm>>
      %dma_wait3A_3220 = arith.constant 0 : i32
      %dma_wait3A_3221 = arith.constant 0 : i32
      %dma_wait3A_3222 = tpu.memref_slice %arg10[%dma_wait3A_3220, %dma_wait3A_3221] : memref<256x256xf32, #tpu.memory_space<vmem>> -> memref<128x256xf32, #tpu.memory_space<vmem>>
      tpu.wait_dma2 semaphore(%arg11 : memref<!tpu.dma_semaphore, #tpu.memory_space<semaphore_mem>>) src(%dma_wait3A_3222 : memref<128x256xf32, #tpu.memory_space<vmem>>) dst(%dma_wait3A_3219 : memref<128x256xf32, #tpu.memory_space<hbm>>)
      %dma_wait3A_3223 = arith.constant 0 : i32
      %dma_wait3A_3224 = arith.constant 128 : i32
      %dma_wait3A_3225 = arith.constant 0 : i32
      %dma_wait3A_3226 = tpu.memref_slice %arg10[%dma_wait3A_3224, %dma_wait3A_3225] : memref<256x256xf32, #tpu.memory_space<vmem>> -> memref<128x256xf32, #tpu.memory_space<vmem>>
      %dma_wait3A_3227 = arith.constant 128 : i32
      %dma_wait3A_3228 = arith.constant 0 : i32
      %dma_wait3A_3229 = tpu.memref_slice %arg5[%add3A_2170, %dma_wait3A_3223, %dma_wait3A_3227, %dma_wait3A_3228] : memref<1024x1x256x256xf32, #tpu.memory_space<hbm>> -> memref<1x1x128x256xf32, #tpu.memory_space<hbm>>
      %dma_wait3A_3230 = tpu.memref_squeeze %dma_wait3A_3229 : memref<1x1x128x256xf32, #tpu.memory_space<hbm>> -> memref<128x256xf32, #tpu.memory_space<hbm>>
      %dma_wait3A_3231 = arith.constant 128 : i32
      %dma_wait3A_3232 = arith.constant 0 : i32
      %dma_wait3A_3233 = tpu.memref_slice %arg5[%add3A_2170, %dma_wait3A_3223, %dma_wait3A_3231, %dma_wait3A_3232] : memref<1024x1x256x256xf32, #tpu.memory_space<hbm>> -> memref<1x1x128x256xf32, #tpu.memory_space<hbm>>
      %dma_wait3A_3234 = tpu.memref_squeeze %dma_wait3A_3233 : memref<1x1x128x256xf32, #tpu.memory_space<hbm>> -> memref<128x256xf32, #tpu.memory_space<hbm>>
      %dma_wait3A_3235 = arith.constant 128 : i32
      %dma_wait3A_3236 = arith.constant 0 : i32
      %dma_wait3A_3237 = tpu.memref_slice %arg10[%dma_wait3A_3235, %dma_wait3A_3236] : memref<256x256xf32, #tpu.memory_space<vmem>> -> memref<128x256xf32, #tpu.memory_space<vmem>>
      tpu.wait_dma2 semaphore(%arg12 : memref<!tpu.dma_semaphore, #tpu.memory_space<semaphore_mem>>) src(%dma_wait3A_3237 : memref<128x256xf32, #tpu.memory_space<vmem>>) dst(%dma_wait3A_3234 : memref<128x256xf32, #tpu.memory_space<hbm>>)
      %broadcast_in_dim3A_3238 = vector.broadcast %scan3A_1027 : i32 to vector<16xi32>
      %gather3A_3239 = tpu.vector_load_idx %arg6[%broadcast_in_dim3A_3238] : memref<32xf32, #tpu.memory_space<vmem>>[vector<16xi32>], vector<16xf32>,
      %gather3A_3240 = tpu.vector_load_idx %arg7[%broadcast_in_dim3A_3238] : memref<32xf32, #tpu.memory_space<vmem>>[vector<16xi32>], vector<16xf32>,
      %convert_element_type3A_3241 = arith.fptosi %gather3A_3239 : vector<16xf32> to vector<16xi32>
      %convert_element_type3A_3242 = arith.sitofp %convert_element_type3A_3241 : vector<16xi32> to vector<16xf32>
      %lt3A_3243 = arith.cmpf olt, %gather3A_3239, %convert_element_type3A_3242 : vector<16xf32>
      %sub3A_3244 = arith.constant 1 : i32
      %sub3A_3245 = vector.broadcast %sub3A_3244 : i32 to vector<16xi32>
      %sub3A_3246 = arith.subi %convert_element_type3A_3241, %sub3A_3245 : vector<16xi32>
      %select_n3A_3247 = arith.select %lt3A_3243, %sub3A_3246, %convert_element_type3A_3241 : vector<16xi1>, vector<16xi32>
      %convert_element_type3A_3248 = arith.fptosi %gather3A_3240 : vector<16xf32> to vector<16xi32>
      %convert_element_type3A_3249 = arith.sitofp %convert_element_type3A_3248 : vector<16xi32> to vector<16xf32>
      %lt3A_3250 = arith.cmpf olt, %gather3A_3240, %convert_element_type3A_3249 : vector<16xf32>
      %sub3A_3251 = arith.constant 1 : i32
      %sub3A_3252 = vector.broadcast %sub3A_3251 : i32 to vector<16xi32>
      %sub3A_3253 = arith.subi %convert_element_type3A_3248, %sub3A_3252 : vector<16xi32>
      %select_n3A_3254 = arith.select %lt3A_3250, %sub3A_3253, %convert_element_type3A_3248 : vector<16xi1>, vector<16xi32>
      %add3A_3255 = arith.constant 120 : i32
      %add3A_3256 = vector.broadcast %add3A_3255 : i32 to vector<16xi32>
      %add3A_3257 = arith.addi %select_n3A_3247, %add3A_3256 : vector<16xi32>
      %add3A_3258 = arith.constant 120 : i32
      %add3A_3259 = vector.broadcast %add3A_3258 : i32 to vector<16xi32>
      %add3A_3260 = arith.addi %select_n3A_3254, %add3A_3259 : vector<16xi32>
      %add3A_3261 = arith.constant 0 : i32
      %add3A_3262 = vector.broadcast %add3A_3261 : i32 to vector<16xi32>
      %add3A_3263 = arith.addi %add3A_3260, %add3A_3262 : vector<16xi32>
      %add3A_3264 = arith.addi %add3A_3263, %iota3A : vector<16xi32>
      %ge3A_3265 = arith.constant 0 : i32
      %ge3A_3266 = vector.broadcast %ge3A_3265 : i32 to vector<16xi32>
      %ge3A_3267 = arith.cmpi sge, %add3A_3264, %ge3A_3266 : vector<16xi32>
      %lt3A_3268 = arith.constant 256 : i32
      %lt3A_3269 = vector.broadcast %lt3A_3268 : i32 to vector<16xi32>
      %lt3A_3270 = arith.cmpi slt, %add3A_3264, %lt3A_3269 : vector<16xi32>
      %and3A_3271 = arith.andi %ge3A_3267, %lt3A_3270 : vector<16xi1>
      %jit3A_3272 = arith.constant 0 : i32
      %jit3A_3273 = arith.constant 255 : i32
      %max3A_3274 = vector.broadcast %jit3A_3272 : i32 to vector<16xi32>
      %max3A_3275 = arith.maxsi %max3A_3274, %add3A_3264 : vector<16xi32>
      %min3A_3276 = vector.broadcast %jit3A_3273 : i32 to vector<16xi32>
      %min3A_3277 = arith.minsi %min3A_3276, %max3A_3275 : vector<16xi32>
      %add3A_3278 = arith.constant 1 : i32
      %add3A_3279 = vector.broadcast %add3A_3278 : i32 to vector<16xi32>
      %add3A_3280 = arith.addi %add3A_3260, %add3A_3279 : vector<16xi32>
      %add3A_3281 = arith.addi %add3A_3280, %iota3A : vector<16xi32>
      %ge3A_3282 = arith.constant 0 : i32
      %ge3A_3283 = vector.broadcast %ge3A_3282 : i32 to vector<16xi32>
      %ge3A_3284 = arith.cmpi sge, %add3A_3281, %ge3A_3283 : vector<16xi32>
      %lt3A_3285 = arith.constant 256 : i32
      %lt3A_3286 = vector.broadcast %lt3A_3285 : i32 to vector<16xi32>
      %lt3A_3287 = arith.cmpi slt, %add3A_3281, %lt3A_3286 : vector<16xi32>
      %and3A_3288 = arith.andi %ge3A_3284, %lt3A_3287 : vector<16xi1>
      %lt3A_3289 = arith.constant 16 : i32
      %lt3A_3290 = vector.broadcast %lt3A_3289 : i32 to vector<16xi32>
      %lt3A_3291 = arith.cmpi slt, %iota3A, %lt3A_3290 : vector<16xi32>
      %and3A_3292 = arith.andi %and3A_3288, %lt3A_3291 : vector<16xi1>
      %jit3A_3293 = arith.constant 0 : i32
      %jit3A_3294 = arith.constant 255 : i32
      %max3A_3295 = vector.broadcast %jit3A_3293 : i32 to vector<16xi32>
      %max3A_3296 = arith.maxsi %max3A_3295, %add3A_3281 : vector<16xi32>
      %min3A_3297 = vector.broadcast %jit3A_3294 : i32 to vector<16xi32>
      %min3A_3298 = arith.minsi %min3A_3297, %max3A_3296 : vector<16xi32>
      %add3A_3299 = arith.constant 0 : i32
      %add3A_3300 = vector.broadcast %add3A_3299 : i32 to vector<16xi32>
      %add3A_3301 = arith.addi %add3A_3257, %add3A_3300 : vector<16xi32>
      %jit3A_3302 = arith.constant 0 : i32
      %jit3A_3303 = arith.constant 255 : i32
      %max3A_3304 = vector.broadcast %jit3A_3302 : i32 to vector<16xi32>
      %max3A_3305 = arith.maxsi %max3A_3304, %add3A_3301 : vector<16xi32>
      %min3A_3306 = vector.broadcast %jit3A_3303 : i32 to vector<16xi32>
      %min3A_3307 = arith.minsi %min3A_3306, %max3A_3305 : vector<16xi32>
      tpu.vector_store_idx %arg10[%min3A_3307, %min3A_3277], %broadcast_in_dim3A_3 : memref<256x256xf32, #tpu.memory_space<vmem>>[vector<16xi32>, vector<16xi32>], vector<16xf32>,
      tpu.vector_store_idx %arg10[%min3A_3307, %min3A_3298], %broadcast_in_dim3A_3 : memref<256x256xf32, #tpu.memory_space<vmem>>[vector<16xi32>, vector<16xi32>], vector<16xf32>,
      %add3A_3308 = arith.constant 1 : i32
      %add3A_3309 = vector.broadcast %add3A_3308 : i32 to vector<16xi32>
      %add3A_3310 = arith.addi %add3A_3257, %add3A_3309 : vector<16xi32>
      %jit3A_3311 = arith.constant 0 : i32
      %jit3A_3312 = arith.constant 255 : i32
      %max3A_3313 = vector.broadcast %jit3A_3311 : i32 to vector<16xi32>
      %max3A_3314 = arith.maxsi %max3A_3313, %add3A_3310 : vector<16xi32>
      %min3A_3315 = vector.broadcast %jit3A_3312 : i32 to vector<16xi32>
      %min3A_3316 = arith.minsi %min3A_3315, %max3A_3314 : vector<16xi32>
      tpu.vector_store_idx %arg10[%min3A_3316, %min3A_3277], %broadcast_in_dim3A_3 : memref<256x256xf32, #tpu.memory_space<vmem>>[vector<16xi32>, vector<16xi32>], vector<16xf32>,
      tpu.vector_store_idx %arg10[%min3A_3316, %min3A_3298], %broadcast_in_dim3A_3 : memref<256x256xf32, #tpu.memory_space<vmem>>[vector<16xi32>, vector<16xi32>], vector<16xf32>,
      %add3A_3317 = arith.constant 2 : i32
      %add3A_3318 = vector.broadcast %add3A_3317 : i32 to vector<16xi32>
      %add3A_3319 = arith.addi %add3A_3257, %add3A_3318 : vector<16xi32>
      %jit3A_3320 = arith.constant 0 : i32
      %jit3A_3321 = arith.constant 255 : i32
      %max3A_3322 = vector.broadcast %jit3A_3320 : i32 to vector<16xi32>
      %max3A_3323 = arith.maxsi %max3A_3322, %add3A_3319 : vector<16xi32>
      %min3A_3324 = vector.broadcast %jit3A_3321 : i32 to vector<16xi32>
      %min3A_3325 = arith.minsi %min3A_3324, %max3A_3323 : vector<16xi32>
      tpu.vector_store_idx %arg10[%min3A_3325, %min3A_3277], %broadcast_in_dim3A_3 : memref<256x256xf32, #tpu.memory_space<vmem>>[vector<16xi32>, vector<16xi32>], vector<16xf32>,
      tpu.vector_store_idx %arg10[%min3A_3325, %min3A_3298], %broadcast_in_dim3A_3 : memref<256x256xf32, #tpu.memory_space<vmem>>[vector<16xi32>, vector<16xi32>], vector<16xf32>,
      %add3A_3326 = arith.constant 3 : i32
      %add3A_3327 = vector.broadcast %add3A_3326 : i32 to vector<16xi32>
      %add3A_3328 = arith.addi %add3A_3257, %add3A_3327 : vector<16xi32>
      %jit3A_3329 = arith.constant 0 : i32
      %jit3A_3330 = arith.constant 255 : i32
      %max3A_3331 = vector.broadcast %jit3A_3329 : i32 to vector<16xi32>
      %max3A_3332 = arith.maxsi %max3A_3331, %add3A_3328 : vector<16xi32>
      %min3A_3333 = vector.broadcast %jit3A_3330 : i32 to vector<16xi32>
      %min3A_3334 = arith.minsi %min3A_3333, %max3A_3332 : vector<16xi32>
      tpu.vector_store_idx %arg10[%min3A_3334, %min3A_3277], %broadcast_in_dim3A_3 : memref<256x256xf32, #tpu.memory_space<vmem>>[vector<16xi32>, vector<16xi32>], vector<16xf32>,
      tpu.vector_store_idx %arg10[%min3A_3334, %min3A_3298], %broadcast_in_dim3A_3 : memref<256x256xf32, #tpu.memory_space<vmem>>[vector<16xi32>, vector<16xi32>], vector<16xf32>,
      %add3A_3335 = arith.constant 4 : i32
      %add3A_3336 = vector.broadcast %add3A_3335 : i32 to vector<16xi32>
      %add3A_3337 = arith.addi %add3A_3257, %add3A_3336 : vector<16xi32>
      %jit3A_3338 = arith.constant 0 : i32
      %jit3A_3339 = arith.constant 255 : i32
      %max3A_3340 = vector.broadcast %jit3A_3338 : i32 to vector<16xi32>
      %max3A_3341 = arith.maxsi %max3A_3340, %add3A_3337 : vector<16xi32>
      %min3A_3342 = vector.broadcast %jit3A_3339 : i32 to vector<16xi32>
      %min3A_3343 = arith.minsi %min3A_3342, %max3A_3341 : vector<16xi32>
      tpu.vector_store_idx %arg10[%min3A_3343, %min3A_3277], %broadcast_in_dim3A_3 : memref<256x256xf32, #tpu.memory_space<vmem>>[vector<16xi32>, vector<16xi32>], vector<16xf32>,
      tpu.vector_store_idx %arg10[%min3A_3343, %min3A_3298], %broadcast_in_dim3A_3 : memref<256x256xf32, #tpu.memory_space<vmem>>[vector<16xi32>, vector<16xi32>], vector<16xf32>,
      %add3A_3344 = arith.constant 5 : i32
      %add3A_3345 = vector.broadcast %add3A_3344 : i32 to vector<16xi32>
      %add3A_3346 = arith.addi %add3A_3257, %add3A_3345 : vector<16xi32>
      %jit3A_3347 = arith.constant 0 : i32
      %jit3A_3348 = arith.constant 255 : i32
      %max3A_3349 = vector.broadcast %jit3A_3347 : i32 to vector<16xi32>
      %max3A_3350 = arith.maxsi %max3A_3349, %add3A_3346 : vector<16xi32>
      %min3A_3351 = vector.broadcast %jit3A_3348 : i32 to vector<16xi32>
      %min3A_3352 = arith.minsi %min3A_3351, %max3A_3350 : vector<16xi32>
      tpu.vector_store_idx %arg10[%min3A_3352, %min3A_3277], %broadcast_in_dim3A_3 : memref<256x256xf32, #tpu.memory_space<vmem>>[vector<16xi32>, vector<16xi32>], vector<16xf32>,
      tpu.vector_store_idx %arg10[%min3A_3352, %min3A_3298], %broadcast_in_dim3A_3 : memref<256x256xf32, #tpu.memory_space<vmem>>[vector<16xi32>, vector<16xi32>], vector<16xf32>,
      %add3A_3353 = arith.constant 6 : i32
      %add3A_3354 = vector.broadcast %add3A_3353 : i32 to vector<16xi32>
      %add3A_3355 = arith.addi %add3A_3257, %add3A_3354 : vector<16xi32>
      %jit3A_3356 = arith.constant 0 : i32
      %jit3A_3357 = arith.constant 255 : i32
      %max3A_3358 = vector.broadcast %jit3A_3356 : i32 to vector<16xi32>
      %max3A_3359 = arith.maxsi %max3A_3358, %add3A_3355 : vector<16xi32>
      %min3A_3360 = vector.broadcast %jit3A_3357 : i32 to vector<16xi32>
      %min3A_3361 = arith.minsi %min3A_3360, %max3A_3359 : vector<16xi32>
      tpu.vector_store_idx %arg10[%min3A_3361, %min3A_3277], %broadcast_in_dim3A_3 : memref<256x256xf32, #tpu.memory_space<vmem>>[vector<16xi32>, vector<16xi32>], vector<16xf32>,
      tpu.vector_store_idx %arg10[%min3A_3361, %min3A_3298], %broadcast_in_dim3A_3 : memref<256x256xf32, #tpu.memory_space<vmem>>[vector<16xi32>, vector<16xi32>], vector<16xf32>,
      %add3A_3362 = arith.constant 7 : i32
      %add3A_3363 = vector.broadcast %add3A_3362 : i32 to vector<16xi32>
      %add3A_3364 = arith.addi %add3A_3257, %add3A_3363 : vector<16xi32>
      %jit3A_3365 = arith.constant 0 : i32
      %jit3A_3366 = arith.constant 255 : i32
      %max3A_3367 = vector.broadcast %jit3A_3365 : i32 to vector<16xi32>
      %max3A_3368 = arith.maxsi %max3A_3367, %add3A_3364 : vector<16xi32>
      %min3A_3369 = vector.broadcast %jit3A_3366 : i32 to vector<16xi32>
      %min3A_3370 = arith.minsi %min3A_3369, %max3A_3368 : vector<16xi32>
      tpu.vector_store_idx %arg10[%min3A_3370, %min3A_3277], %broadcast_in_dim3A_3 : memref<256x256xf32, #tpu.memory_space<vmem>>[vector<16xi32>, vector<16xi32>], vector<16xf32>,
      tpu.vector_store_idx %arg10[%min3A_3370, %min3A_3298], %broadcast_in_dim3A_3 : memref<256x256xf32, #tpu.memory_space<vmem>>[vector<16xi32>, vector<16xi32>], vector<16xf32>,
      %add3A_3371 = arith.constant 8 : i32
      %add3A_3372 = vector.broadcast %add3A_3371 : i32 to vector<16xi32>
      %add3A_3373 = arith.addi %add3A_3257, %add3A_3372 : vector<16xi32>
      %jit3A_3374 = arith.constant 0 : i32
      %jit3A_3375 = arith.constant 255 : i32
      %max3A_3376 = vector.broadcast %jit3A_3374 : i32 to vector<16xi32>
      %max3A_3377 = arith.maxsi %max3A_3376, %add3A_3373 : vector<16xi32>
      %min3A_3378 = vector.broadcast %jit3A_3375 : i32 to vector<16xi32>
      %min3A_3379 = arith.minsi %min3A_3378, %max3A_3377 : vector<16xi32>
      tpu.vector_store_idx %arg10[%min3A_3379, %min3A_3277], %broadcast_in_dim3A_3 : memref<256x256xf32, #tpu.memory_space<vmem>>[vector<16xi32>, vector<16xi32>], vector<16xf32>,
      tpu.vector_store_idx %arg10[%min3A_3379, %min3A_3298], %broadcast_in_dim3A_3 : memref<256x256xf32, #tpu.memory_space<vmem>>[vector<16xi32>, vector<16xi32>], vector<16xf32>,
      %add3A_3380 = arith.constant 9 : i32
      %add3A_3381 = vector.broadcast %add3A_3380 : i32 to vector<16xi32>
      %add3A_3382 = arith.addi %add3A_3257, %add3A_3381 : vector<16xi32>
      %jit3A_3383 = arith.constant 0 : i32
      %jit3A_3384 = arith.constant 255 : i32
      %max3A_3385 = vector.broadcast %jit3A_3383 : i32 to vector<16xi32>
      %max3A_3386 = arith.maxsi %max3A_3385, %add3A_3382 : vector<16xi32>
      %min3A_3387 = vector.broadcast %jit3A_3384 : i32 to vector<16xi32>
      %min3A_3388 = arith.minsi %min3A_3387, %max3A_3386 : vector<16xi32>
      tpu.vector_store_idx %arg10[%min3A_3388, %min3A_3277], %broadcast_in_dim3A_3 : memref<256x256xf32, #tpu.memory_space<vmem>>[vector<16xi32>, vector<16xi32>], vector<16xf32>,
      tpu.vector_store_idx %arg10[%min3A_3388, %min3A_3298], %broadcast_in_dim3A_3 : memref<256x256xf32, #tpu.memory_space<vmem>>[vector<16xi32>, vector<16xi32>], vector<16xf32>,
      %add3A_3389 = arith.constant 10 : i32
      %add3A_3390 = vector.broadcast %add3A_3389 : i32 to vector<16xi32>
      %add3A_3391 = arith.addi %add3A_3257, %add3A_3390 : vector<16xi32>
      %jit3A_3392 = arith.constant 0 : i32
      %jit3A_3393 = arith.constant 255 : i32
      %max3A_3394 = vector.broadcast %jit3A_3392 : i32 to vector<16xi32>
      %max3A_3395 = arith.maxsi %max3A_3394, %add3A_3391 : vector<16xi32>
      %min3A_3396 = vector.broadcast %jit3A_3393 : i32 to vector<16xi32>
      %min3A_3397 = arith.minsi %min3A_3396, %max3A_3395 : vector<16xi32>
      tpu.vector_store_idx %arg10[%min3A_3397, %min3A_3277], %broadcast_in_dim3A_3 : memref<256x256xf32, #tpu.memory_space<vmem>>[vector<16xi32>, vector<16xi32>], vector<16xf32>,
      tpu.vector_store_idx %arg10[%min3A_3397, %min3A_3298], %broadcast_in_dim3A_3 : memref<256x256xf32, #tpu.memory_space<vmem>>[vector<16xi32>, vector<16xi32>], vector<16xf32>,
      %add3A_3398 = arith.constant 11 : i32
      %add3A_3399 = vector.broadcast %add3A_3398 : i32 to vector<16xi32>
      %add3A_3400 = arith.addi %add3A_3257, %add3A_3399 : vector<16xi32>
      %jit3A_3401 = arith.constant 0 : i32
      %jit3A_3402 = arith.constant 255 : i32
      %max3A_3403 = vector.broadcast %jit3A_3401 : i32 to vector<16xi32>
      %max3A_3404 = arith.maxsi %max3A_3403, %add3A_3400 : vector<16xi32>
      %min3A_3405 = vector.broadcast %jit3A_3402 : i32 to vector<16xi32>
      %min3A_3406 = arith.minsi %min3A_3405, %max3A_3404 : vector<16xi32>
      tpu.vector_store_idx %arg10[%min3A_3406, %min3A_3277], %broadcast_in_dim3A_3 : memref<256x256xf32, #tpu.memory_space<vmem>>[vector<16xi32>, vector<16xi32>], vector<16xf32>,
      tpu.vector_store_idx %arg10[%min3A_3406, %min3A_3298], %broadcast_in_dim3A_3 : memref<256x256xf32, #tpu.memory_space<vmem>>[vector<16xi32>, vector<16xi32>], vector<16xf32>,
      %add3A_3407 = arith.constant 12 : i32
      %add3A_3408 = vector.broadcast %add3A_3407 : i32 to vector<16xi32>
      %add3A_3409 = arith.addi %add3A_3257, %add3A_3408 : vector<16xi32>
      %jit3A_3410 = arith.constant 0 : i32
      %jit3A_3411 = arith.constant 255 : i32
      %max3A_3412 = vector.broadcast %jit3A_3410 : i32 to vector<16xi32>
      %max3A_3413 = arith.maxsi %max3A_3412, %add3A_3409 : vector<16xi32>
      %min3A_3414 = vector.broadcast %jit3A_3411 : i32 to vector<16xi32>
      %min3A_3415 = arith.minsi %min3A_3414, %max3A_3413 : vector<16xi32>
      tpu.vector_store_idx %arg10[%min3A_3415, %min3A_3277], %broadcast_in_dim3A_3 : memref<256x256xf32, #tpu.memory_space<vmem>>[vector<16xi32>, vector<16xi32>], vector<16xf32>,
      tpu.vector_store_idx %arg10[%min3A_3415, %min3A_3298], %broadcast_in_dim3A_3 : memref<256x256xf32, #tpu.memory_space<vmem>>[vector<16xi32>, vector<16xi32>], vector<16xf32>,
      %add3A_3416 = arith.constant 13 : i32
      %add3A_3417 = vector.broadcast %add3A_3416 : i32 to vector<16xi32>
      %add3A_3418 = arith.addi %add3A_3257, %add3A_3417 : vector<16xi32>
      %jit3A_3419 = arith.constant 0 : i32
      %jit3A_3420 = arith.constant 255 : i32
      %max3A_3421 = vector.broadcast %jit3A_3419 : i32 to vector<16xi32>
      %max3A_3422 = arith.maxsi %max3A_3421, %add3A_3418 : vector<16xi32>
      %min3A_3423 = vector.broadcast %jit3A_3420 : i32 to vector<16xi32>
      %min3A_3424 = arith.minsi %min3A_3423, %max3A_3422 : vector<16xi32>
      tpu.vector_store_idx %arg10[%min3A_3424, %min3A_3277], %broadcast_in_dim3A_3 : memref<256x256xf32, #tpu.memory_space<vmem>>[vector<16xi32>, vector<16xi32>], vector<16xf32>,
      tpu.vector_store_idx %arg10[%min3A_3424, %min3A_3298], %broadcast_in_dim3A_3 : memref<256x256xf32, #tpu.memory_space<vmem>>[vector<16xi32>, vector<16xi32>], vector<16xf32>,
      %add3A_3425 = arith.constant 14 : i32
      %add3A_3426 = vector.broadcast %add3A_3425 : i32 to vector<16xi32>
      %add3A_3427 = arith.addi %add3A_3257, %add3A_3426 : vector<16xi32>
      %jit3A_3428 = arith.constant 0 : i32
      %jit3A_3429 = arith.constant 255 : i32
      %max3A_3430 = vector.broadcast %jit3A_3428 : i32 to vector<16xi32>
      %max3A_3431 = arith.maxsi %max3A_3430, %add3A_3427 : vector<16xi32>
      %min3A_3432 = vector.broadcast %jit3A_3429 : i32 to vector<16xi32>
      %min3A_3433 = arith.minsi %min3A_3432, %max3A_3431 : vector<16xi32>
      tpu.vector_store_idx %arg10[%min3A_3433, %min3A_3277], %broadcast_in_dim3A_3 : memref<256x256xf32, #tpu.memory_space<vmem>>[vector<16xi32>, vector<16xi32>], vector<16xf32>,
      tpu.vector_store_idx %arg10[%min3A_3433, %min3A_3298], %broadcast_in_dim3A_3 : memref<256x256xf32, #tpu.memory_space<vmem>>[vector<16xi32>, vector<16xi32>], vector<16xf32>,
      %add3A_3434 = arith.constant 15 : i32
      %add3A_3435 = vector.broadcast %add3A_3434 : i32 to vector<16xi32>
      %add3A_3436 = arith.addi %add3A_3257, %add3A_3435 : vector<16xi32>
      %jit3A_3437 = arith.constant 0 : i32
      %jit3A_3438 = arith.constant 255 : i32
      %max3A_3439 = vector.broadcast %jit3A_3437 : i32 to vector<16xi32>
      %max3A_3440 = arith.maxsi %max3A_3439, %add3A_3436 : vector<16xi32>
      %min3A_3441 = vector.broadcast %jit3A_3438 : i32 to vector<16xi32>
      %min3A_3442 = arith.minsi %min3A_3441, %max3A_3440 : vector<16xi32>
      tpu.vector_store_idx %arg10[%min3A_3442, %min3A_3277], %broadcast_in_dim3A_3 : memref<256x256xf32, #tpu.memory_space<vmem>>[vector<16xi32>, vector<16xi32>], vector<16xf32>,
      tpu.vector_store_idx %arg10[%min3A_3442, %min3A_3298], %broadcast_in_dim3A_3 : memref<256x256xf32, #tpu.memory_space<vmem>>[vector<16xi32>, vector<16xi32>], vector<16xf32>,
      %add3A_3443 = arith.constant 16 : i32
      %add3A_3444 = vector.broadcast %add3A_3443 : i32 to vector<16xi32>
      %add3A_3445 = arith.addi %add3A_3257, %add3A_3444 : vector<16xi32>
      %jit3A_3446 = arith.constant 0 : i32
      %jit3A_3447 = arith.constant 255 : i32
      %max3A_3448 = vector.broadcast %jit3A_3446 : i32 to vector<16xi32>
      %max3A_3449 = arith.maxsi %max3A_3448, %add3A_3445 : vector<16xi32>
      %min3A_3450 = vector.broadcast %jit3A_3447 : i32 to vector<16xi32>
      %min3A_3451 = arith.minsi %min3A_3450, %max3A_3449 : vector<16xi32>
      tpu.vector_store_idx %arg10[%min3A_3451, %min3A_3277], %broadcast_in_dim3A_3 : memref<256x256xf32, #tpu.memory_space<vmem>>[vector<16xi32>, vector<16xi32>], vector<16xf32>,
      tpu.vector_store_idx %arg10[%min3A_3451, %min3A_3298], %broadcast_in_dim3A_3 : memref<256x256xf32, #tpu.memory_space<vmem>>[vector<16xi32>, vector<16xi32>], vector<16xf32>,
      scf.yield %mul3A_2255, %add3A_2272, %add3A_2279, %mul3A_2284, %add3A_3205, %add3A_3208 : vector<16xf32>, vector<16xf32>, vector<16xf32>, vector<16xf32>, vector<16xi32>, vector<16xi32>
    }
    %scan3A_1026 = arith.constant 32 : i32
    return
  }
}

</mosaic_0001>

<sc_bundles>
// kernel: _spline2d.3.cloned.1.call-start
scs
__scs_entry_jumppad:
0x0: {  	(pc) =	sbr.rel $0x88, $3  }
0x1: {  	(tag) =	ssettag $0x0;
	lr =	simm.s32 $0x1  }
0x2: {  	[smem:$0x3F9E] =	sst lr;
	_ =	strace $0xD0000000  }
0x3: {  	_ = 	snop  }
0x4: {  	_ = 	snop  }
0x5: {  	_ = 	snop  }
0x6: {  	_ = 	snop  }
0x7: {  	_ = 	snop  }
__scs_overlays_trampoline_lowered:
0x8: {  	[smem:$0x3FAD] =	sst s0  }
0x9: {  	[smem:$0x3FAE] =	sst s1  }
0xa: {  	[smem:$0x3FAF] =	sst s2  }
0xb: {  	[smem:$0x3FB0] =	sst s3  }
0xc: {  	[smem:$0x3FB1] =	sst s4  }
0xd: {  	[smem:$0x3FB2] =	sst s5  }
0xe: {  	[smem:$0x3FB3] =	sst s6  }
0xf: {  	[smem:$0x3FB4] =	sst s7  }
0x10: {  	[smem:$0x3FB5] =	sst s8  }
0x11: {  	[smem:$0x3FB6] =	sst s9;
	s0 =	simm.s32 @!p0 $0x0  }
0x12: {  	s1 =	sld [smem:$0x3F9C];
	s0 =	simm.s32 @p0 $0x1  }
0x13: {  	[smem:$0x3FB7] =	sst s0;
	s0 =	simm.s32 @!p1 $0x0  }
0x14: {  	s2 =	sld [smem:$0x3F9B];
	s0 =	simm.s32 @p1 $0x1  }
0x15: {  	[smem:$0x3FB8] =	sst s0;
	s0 =	simm.s32 @!p2 $0x0  }
0x16: {  	s3 =	sld [smem:$0x3FDB];
	s0 =	simm.s32 @p2 $0x1  }
0x17: {  	s4 =	simm.s32 $0x1BF5;
	[smem:$0x3FBA] =	sst s0  }
0x18: {  	s0 =	sld [smem:$0x3F9D];
	_ =	swait.ge [sflag:s4], $0x0  }
0x19: {  	s7 =	sld [smem:$0x3F9E]  }
0x1a: {  	s8 =	sadd.s32 $0xFFFFE003, lr  }
0x1b: {  	s9 =	sadd.s32 $0xFFFFFEF7, lr;
	s5 =	simm.s32 $0xFFFFFFFF;
	p2 =	slt.u32 s8, $0xFFFFF086  }
0x1c: {  	p1 =	slt.u32 s9, $0xF7A;
	s5 =	simm.s32 @!p2 $0x0  }
0x1d: {  	s5 =	simm.s32 @p1 $0x1;
	p0 =	seq.s32 s7, s2  }
0x1e: {  	s7 =	smul.u32 @!p0 $0xF7A, s2;
	p2 =	seq.s32 @!p0 s5, $0x0  }
0x1f: {  	s9 =	smul.u32 $0xF7A, s1;
	s8 =	simm.s32 @!p0 $0x1BF5;
	p2 =	por !p2, p0  }
0x20: {  	[sflag:s8] =	ssyncset.s32 @!p0 $0xFFFFF086;
	s6 =	sadd.s32 @!p0 s3, s7;
	s7 =	simm.s32 @!p0 $0x108  }
0x21: {  	s3 =	sadd.s32 s3, s9;
	s6 =	sadd.s32 @!p0 $0x88, s6;
	s7 =	simm.s32 @p2 $0x1082  }
0x22: {  	[simem:s7], [sflag:s8] =	dma.local @!p0 [hbm:s6], $0xF7A  }
0x23: {  	s9 =	sor.u32 $0xD0000000, s2;
	s6 =	simm.s32 $0x108;
	_ =	swait.ge @!p0 [sflag:s8], $0x0  }
0x24: {  	s3 =	sadd.s32 $0x88, s3;
	s6 =	simm.s32 @!p1 $0x1082;
	[sflag:s4] =	ssyncset.s32 $0xFFFFF086  }
0x25: {  	[simem:s6], [sflag:s4] =	dma.local [hbm:s3], $0xF7A  }
0x26: {  	[smem:$0x3F9E] =	sst s1;
	(tag) =	ssettag s2;
	_ =	strace s9  }
0x27: {  	s1 =	sld [smem:$0x3FAE]  }
0x28: {  	s2 =	sld [smem:$0x3FAF]  }
0x29: {  	s4 =	sld [smem:$0x3FB1]  }
0x2a: {  	p0 =	seq.s32 s5, $0x0;
	s5 =	sld [smem:$0x3FB2]  }
0x2b: {  	s6 =	sld [smem:$0x3FB3]  }
0x2c: {  	s7 =	sld [smem:$0x3FB4]  }
0x2d: {  	s3 =	simm.s32 $0x108;
	s8 =	sld [smem:$0x3FB5]  }
0x2e: {  	s3 =	simm.s32 @!p0 $0x1082;
	s9 =	sld [smem:$0x3FB6]  }
0x2f: {  	lr =	sadd.s32 s0, s3;
	s0 =	sld [smem:$0x3FAD]  }
0x30: {  	s3 =	sld [smem:$0x3FB0]  }
0x31: {  	[smem:$0x3FB9] =	sst s10  }
0x32: {  	s10 =	sld [smem:$0x3FB7];
	_ =	sdelay $0x3  }
0x33: {  	p0 =	seq.s32 s10, $0x1;
	s10 =	sld [smem:$0x3FB9];
	_ =	sdelay $0x3  }
0x34: {  	[smem:$0x3FB9] =	sst s10  }
0x35: {  	s10 =	sld [smem:$0x3FB8];
	_ =	sdelay $0x3  }
0x36: {  	p1 =	seq.s32 s10, $0x1;
	s10 =	sld [smem:$0x3FB9];
	_ =	sdelay $0x3  }
0x37: {  	[smem:$0x3FB9] =	sst s10  }
0x38: {  	s10 =	sld [smem:$0x3FBA]  }
0x39: {  	_ = 	snop;
	(pc) =	sbr.ind lr, $3  }
0x3a: {  	_ = 	snop  }
0x3b: {  	_ = 	snop  }
0x3c: {  	p2 =	seq.s32 s10, $0x1;
	s10 =	sld [smem:$0x3FB9]  }
0x3d: {  	_ =	shalt  }
0x3e: {  	_ =	shalt  }
0x3f: {  	_ =	shalt  }
0x40: {  	_ =	shalt  }
0x41: {  	_ =	shalt  }
0x42: {  	_ =	shalt  }
0x43: {  	_ =	shalt  }
0x44: {  	_ =	shalt  }
0x45: {  	_ =	shalt  }
0x46: {  	_ =	shalt  }
0x47: {  	_ =	shalt  }
0x48: {  	_ =	shalt  }
0x49: {  	_ =	shalt  }
0x4a: {  	_ =	shalt  }
0x4b: {  	_ =	shalt  }
0x4c: {  	_ =	shalt  }
0x4d: {  	_ =	shalt  }
0x4e: {  	_ =	shalt  }
0x4f: {  	_ =	shalt  }
0x50: {  	_ =	shalt  }
0x51: {  	_ =	shalt  }
0x52: {  	_ =	shalt  }
0x53: {  	_ =	shalt  }
0x54: {  	_ =	shalt  }
0x55: {  	_ =	shalt  }
0x56: {  	_ =	shalt  }
0x57: {  	_ =	shalt  }
0x58: {  	_ =	shalt  }
0x59: {  	_ =	shalt  }
0x5a: {  	_ =	shalt  }
0x5b: {  	_ =	shalt  }
0x5c: {  	_ =	shalt  }
0x5d: {  	_ =	shalt  }
0x5e: {  	_ =	shalt  }
0x5f: {  	_ =	shalt  }
0x60: {  	_ =	shalt  }
0x61: {  	_ =	shalt  }
0x62: {  	_ =	shalt  }
0x63: {  	_ =	shalt  }
0x64: {  	_ =	shalt  }
0x65: {  	_ =	shalt  }
0x66: {  	_ =	shalt  }
0x67: {  	_ =	shalt  }
0x68: {  	_ =	shalt  }
0x69: {  	_ =	shalt  }
0x6a: {  	_ =	shalt  }
0x6b: {  	_ =	shalt  }
0x6c: {  	_ =	shalt  }
0x6d: {  	_ =	shalt  }
0x6e: {  	_ =	shalt  }
0x6f: {  	_ =	shalt  }
0x70: {  	_ =	shalt  }
0x71: {  	_ =	shalt  }
0x72: {  	_ =	shalt  }
0x73: {  	_ =	shalt  }
0x74: {  	_ =	shalt  }
0x75: {  	_ =	shalt  }
0x76: {  	_ =	shalt  }
0x77: {  	_ =	shalt  }
0x78: {  	_ =	shalt  }
0x79: {  	_ =	shalt  }
0x7a: {  	_ =	shalt  }
0x7b: {  	_ =	shalt  }
0x7c: {  	_ =	shalt  }
0x7d: {  	_ =	shalt  }
0x7e: {  	_ =	shalt  }
0x7f: {  	_ =	shalt  }
0x80: {  	_ =	shalt  }
0x81: {  	_ =	shalt  }
0x82: {  	_ =	shalt  }
0x83: {  	_ =	shalt  }
0x84: {  	_ =	shalt  }
0x85: {  	_ =	shalt  }
0x86: {  	_ =	shalt  }
0x87: {  	_ =	shalt  }
.Lfunc_end0:
.L_simem_size_0:
called_computation_lowered:
.L_overlay_start_0:
0x88: {  	s2 =	sld [smem:$0x3FD9]  }
0x89: {  	s3 =	sld [smem:$0x3FFE];
	_ =	sdelay $0x1  }
0x8a: {  	s1 =	srdreg.scid  }
0x8b: {  	s0 =	sand.u32 $0x1, s1  }
0x8c: {  	s18 =	sshll.u32 s0, $0xA;
	s2 =	sadd.s32 s3, s2  }
0x8d: {  	s2 =	sadd.s32 s2, s18  }
0x8e: {  	[smem:$0x3FC5] =	sst s2  }
0x8f: {  	_ = 	snop  }
0x90: {  	s2 =	sld [smem:$0x3FC9]  }
0x91: {  	s19 =	sld [smem:$0x3FC8]  }
0x92: {  	s4 =	sld [smem:$0x3FC7]  }
0x93: {  	s5 =	sld [smem:$0x3FD0];
	(tm) =	ssettm $0x1  }
0x94: {  	s6 =	sld [smem:$0x3FFB];
	_ =	sdelay $0x3  }
0x95: {  	_ =	strace s6  }
0x96: {  	s6 =	sld [smem:$0x3FFC];
	_ =	sdelay $0x3  }
0x97: {  	_ =	strace s6  }
0x98: {  	s6 =	sld [smem:$0x3FFD];
	_ =	sdelay $0x3  }
0x99: {  	_ =	strace s6  }
0x9a: {  	_ =	strace $0x8FFFFFFF  }
0x9b: {  	s20 =	sld [smem:$0x3FDB];
	_ =	sdelay $0x1  }
0x9c: {  	s7 =	simm.s32 $_scs_section_size  }
0x9d: {  	s8 =	simm.s32 $_size__tile_overlayer_lowered;
	s9 =	simm.s32 $_tile_overlayer_lowered  }
0x9e: {  	s23 =	simm.s32 $0x1BFF;
	s22 =	sshll.u32 s9, $0x1;
	s6 =	sadd.s32 s7, s20  }
0x9f: {  	s10 =	simm.s32 $0x0;
	s21 =	sshll.u32 s8, $0x1;
	s8 =	sadd.s32 s22, s6  }
0xa0: {  	[timem:s10], [sflag:s23] =	dma.local [hbm:s8], s21  }
0xa1: {  	_ =	swait.ge [sflag:s23], s21  }
0xa2: {  	s7 =	ssub.s32 $0x0, s21;
	[sflag:s23] =	ssyncset.done $0x0  }
0xa3: {  	[sflag:s23] =	ssyncadd.s32 s7;
	_ =	sdelay $0x1  }
0xa4: {  	s24 =	simm.s32 $0x1B8B  }
0xa5: {  	_ =	swait.ge [sflag:s24], $0x1  }
0xa6: {  	[sflag:s24] =	ssyncset.done $0x0  }
0xa7: {  	s25 =	simm.s32 $0x1B8E;
	[sflag:s24] =	ssyncadd.s32 $0xFFFFFFFF  }
0xa8: {  	s26 =	simm.s32 $execute0_lowered;
	[smem:$0x3FD2] =	sst s25  }
0xa9: {  	s7 =	sshll.u32 s26, $0x1;
	_ =	strace $0x80000046;
	[dreg:$0x1] =	wrdreg $0xFFFFFFFF  }
0xaa: {  	s28 =	simm.s32 $_size_execute0_lowered;
	s6 =	sadd.s32 s6, s7;
	[dreg:$0x0] =	wrdreg $0x0  }
0xab: {  	s7 =	sshll.u32 s28, $0x1;
	[dreg:$0x2] =	wrdreg s6  }
0xac: {  	[dreg:$0x3] =	wrdreg s7  }
0xad: {  	[dreg:$0x4] =	wrdreg $0xC0  }
0xae: {  	_ =	task [dreg:s10], $0x5FFFF  }
0xaf: {  	[dreg:$0x1] =	wrdreg $0xFFFFFFFF  }
0xb0: {  	[dreg:$0x0] =	wrdreg $0x60  }
0xb1: {  	[dreg:$0x2] =	wrdreg s2  }
0xb2: {  	[dreg:$0x3] =	wrdreg s19  }
0xb3: {  	[dreg:$0x4] =	wrdreg s4  }
0xb4: {  	[dreg:$0x5] =	wrdreg s5  }
0xb5: {  	[dreg:$0x6] =	wrdreg $0x9  }
0xb6: {  	_ =	task.clear_ibuf [dreg:s10], $0x7FFFF;
	_ =	strace $0x90000046  }
0xb7: {  	s29 =	simm.s32 $0x9;
	_ =	strace $0x80000048  }
0xb8: {  	_ =	swait.ge [sflag:s29], $0x1  }
0xb9: {  	[sflag:s29] =	ssyncadd.s32 $0xFFFFFFFF  }
0xba: {  	_ =	strace $0x90000048  }
0xbb: {  	_ =	sfence  }
0xbc: {  	s30 =	sld [smem:$0x0];
	_ =	sdelay $0x2  }
0xbd: {  	s31 =	sshll.u32 s1, $0xD;
	s1 =	sshrl.u32 s1, $0x2  }
0xbe: {  	s3 =	sand.u32 $0x4000, s31;
	s1 =	sadd.s32 s1, s30  }
0xbf: {  	s0 =	sor.u32 s3, s0;
	s1 =	sshll.u32 s1, $0x11  }
0xc0: {  	s0 =	sor.u32 s1, s0  }
0xc1: {  	s0 =	sadd.s32 $0x8F2B, s0  }
0xc2: {  	[sflag:s0] =	ssyncadd.remote.s32 $0x1  }
0xc3: {  	_ =	sfence.sel $0xFFFF  }
0xc4: {  	[dreg:$0x0] =	wrdreg $0xFFFFFFFF;
	(pc) =	sbr.abs _section_cstart, $3  }
0xc5: {  	[dreg:$0x1] =	wrdreg $0xFFFFFFFF  }
0xc6: {  	_ =	task.clear_ibuf [dreg:s10], $0x2FFFF;
	_ =	strace $0x9FFFFFFF  }
0xc7: {  	(tm) =	ssettm $0x7FFFFFFF  }
tec
execute0_lowered:
.L_overlay_start_1:
0x0: {  	(tag) =	ssettag $0x1  }
0x1: {  	s4 =	rddreg [dreg:$0x0]  }
0x2: {  	s5 =	rddreg [dreg:$0x1]  }
0x3: {  	s1 =	rddreg [dreg:$0x2]  }
0x4: {  	s6 =	rddreg [dreg:$0x3]  }
0x5: {  	s0 =	rddreg [dreg:$0x4];
	s3 =	simm.s32 $0x0;
	s7 =	srdreg.scid  }
0x6: {  	s2 =	stileid.u32;
	s12 =	simm.s32 $0x9900;
	s13 =	simm.s32 $0x1  }
0x7: {  	s14 =	simm.s32 $0x2;
	s15 =	simm.s32 $0x0;
	[smem:$0x7FF] =	sst s3  }
0x8: {  	s7 =	sand.u32 $0x1, s7;
	s9 =	sshll.u32 s2, $0x6;
	s31 =	sshll.u32 s2, $0x13  }
0x9: {  	s8 =	ssub.s32 $0x2, s7;
	s10 =	sshll.u32 s7, $0x5;
	_ =	strace $0x80000047  }
0xa: {  	s7 =	sshll.u32 s7, $0x12;
	s11 =	sshrl.u32 s8, $0x1;
	s9 =	sor.u32 s10, s9  }
0xb: {  	v3 =	vlaneseq.u32;
	s10 =	sadd.s32 s31, s6;
	s8 =	ssub.s32 s8, s11;
	s9 =	sshrl.u32 s9, $0x3  }
0xc: {  	v28 =	vadd.s32 $0x78, v3;
	s7 =	sadd.s32 s7, s10;
	s10 =	simm.s32 $0x100;
	s11 =	simm.s32 $0x1900  }
0xd: {  	v29 =	vadd.s32 $0x79, v3;
	[tilespmem:$0x1FFE0] =	vst v28;
	s4 =	sadd.s32 s4, s9;
	s5 =	sadd.s32 s5, s9;
	s6 =	smax.u32 s8, $0x1  }
0xe: {  	v0 =	vimm.f32 $0.0e+00;
	v1 =	vimm.s32 $0x0;
	[tilespmem:$0x1FFF0] =	vst v29;
	s7 =	sadd.s32 $0x1000, s7;
	s8 =	simm.s32 $0x3;
	s9 =	simm.s32 $0x80  }
.LBB2_1:
0xf: {  	[tilespmem:s3], [sflag:$0x3] =	stream.linear.gather [hbm4b:s4+s3], $0x20, $0x38;
	[tilespmem:$0x11900] =	vst v63  }
0x10: {  	_ =	swait.ge [sflag:s8], $0x20  }
0x11: {  	[sflag:s8] =	ssyncset.done $0x0  }
0x12: {  	[sflag:s8] =	ssyncadd.s32 $0xFFFFFFE0  }
0x13: {  	[tilespmem:s9], [sflag:$0x3] =	stream.linear.gather [hbm4b:s5+s3], $0x20, $0x38;
	[tilespmem:$0x11900] =	vst v63  }
0x14: {  	_ =	swait.ge [sflag:s8], $0x20  }
0x15: {  	[sflag:s8] =	ssyncset.done $0x0  }
0x16: {  	[sflag:s8] =	ssyncadd.s32 $0xFFFFFFE0  }
0x17: {  	[tilespmem:s10], [sflag:$0x3] =	stream.linear.gather [hbm4b:s1+s3], $0xC00, $0x38;
	[tilespmem:$0x11900] =	vst v63  }
0x18: {  	_ =	swait.ge [sflag:s8], $0xC00  }
0x19: {  	s16 =	sand.u32 $0xF800, s3;
	s17 =	sand.u32 $0x380, s3;
	[sflag:s8] =	ssyncset.done $0x0  }
0x1a: {  	s16 =	sor.u32 s17, s16;
	[sflag:s8] =	ssyncadd.s32 $0xFFFFF400  }
0x1b: {  	[tilespmem:s16+$0x1D70] =	vst v0  }
0x1c: {  	[tilespmem:s16+$0x1900] =	vst v0  }
0x1d: {  	[tilespmem:s16+$0x1910] =	vst v0  }
0x1e: {  	[tilespmem:s16+$0x1920] =	vst v0  }
0x1f: {  	[tilespmem:s16+$0x1930] =	vst v0  }
0x20: {  	[tilespmem:s16+$0x1940] =	vst v0  }
0x21: {  	[tilespmem:s16+$0x1950] =	vst v0  }
0x22: {  	[tilespmem:s16+$0x1960] =	vst v0  }
0x23: {  	[tilespmem:s16+$0x1970] =	vst v0  }
0x24: {  	[tilespmem:s16+$0x1D00] =	vst v0  }
0x25: {  	[tilespmem:s16+$0x1D10] =	vst v0  }
0x26: {  	[tilespmem:s16+$0x1D20] =	vst v0  }
0x27: {  	[tilespmem:s16+$0x1D30] =	vst v0  }
0x28: {  	s18 =	simm.s32 $0x100;
	s17 =	simm.s32 $0x80;
	[tilespmem:s16+$0x1D40] =	vst v0  }
0x29: {  	s19 =	sand.u32 $0xF800, s18;
	s18 =	simm.s32 $0x200;
	s20 =	sand.u32 $0x380, s17;
	[tilespmem:s16+$0x1D50] =	vst v0  }
.LBB2_2:
0x2a: {  	p0 =	sne.s32 s18, $0xFF00;
	[tilespmem:s16+$0x1D60] =	vst v0;
	s16 =	sor.u32 s20, s19  }
0x2b: {  	[tilespmem:s16+$0x1D70] =	vst v0  }
0x2c: {  	[tilespmem:s16+$0x1900] =	vst v0  }
0x2d: {  	[tilespmem:s16+$0x1910] =	vst v0  }
0x2e: {  	[tilespmem:s16+$0x1920] =	vst v0  }
0x2f: {  	[tilespmem:s16+$0x1930] =	vst v0  }
0x30: {  	[tilespmem:s16+$0x1940] =	vst v0  }
0x31: {  	[tilespmem:s16+$0x1950] =	vst v0  }
0x32: {  	[tilespmem:s16+$0x1960] =	vst v0  }
0x33: {  	[tilespmem:s16+$0x1970] =	vst v0  }
0x34: {  	[tilespmem:s16+$0x1D00] =	vst v0  }
.Ltmp0:
0x35: {  	[tilespmem:s16+$0x1D10] =	vst v0;
	(pc) =	sbr.rel @p0 .LBB2_2-.Ltmp0, $4  }
0x36: {  	[tilespmem:s16+$0x1D20] =	vst v0  }
0x37: {  	[tilespmem:s16+$0x1D30] =	vst v0  }
0x38: {  	s17 =	sadd.s32 $0x80, s17;
	[tilespmem:s16+$0x1D40] =	vst v0  }
0x39: {  	s19 =	sand.u32 $0xF800, s18;
	s18 =	sadd.s32 $0x100, s18;
	s20 =	sand.u32 $0x380, s17;
	[tilespmem:s16+$0x1D50] =	vst v0  }
0x3a: {  	s17 =	sor.u32 s20, s19;
	[tilespmem:s16+$0x1D60] =	vst v0  }
0x3b: {  	[tilespmem:s17+$0x1D70] =	vst v0  }
0x3c: {  	[tilespmem:s17+$0x1900] =	vst v0  }
0x3d: {  	[tilespmem:s17+$0x1910] =	vst v0  }
0x3e: {  	[tilespmem:s17+$0x1920] =	vst v0  }
0x3f: {  	[tilespmem:s17+$0x1930] =	vst v0  }
0x40: {  	[tilespmem:s17+$0x1940] =	vst v0  }
0x41: {  	[tilespmem:s17+$0x1950] =	vst v0  }
0x42: {  	[tilespmem:s17+$0x1960] =	vst v0  }
0x43: {  	[tilespmem:s17+$0x1970] =	vst v0  }
0x44: {  	[tilespmem:s17+$0x1D00] =	vst v0  }
0x45: {  	[tilespmem:s17+$0x1D10] =	vst v0  }
0x46: {  	[tilespmem:s17+$0x1D20] =	vst v0  }
0x47: {  	[tilespmem:s17+$0x1D30] =	vst v0  }
0x48: {  	[tilespmem:s17+$0x1D40] =	vst v0  }
0x49: {  	[tilespmem:s17+$0x1D50] =	vst v0  }
0x4a: {  	s16 =	simm.s32 $0x0;
	[tilespmem:s17+$0x1D60] =	vst v0  }
0x4b: {  	v5 =	vld.msk [tilespmem:s16+$0x0], $0xffff  }
0x4c: {  	v10 =	vld.msk [tilespmem:s9+$0x0], $0xffff  }
0x4d: {  	v6 =	vld [tilespmem:$0x200]  }
0x4e: {  	v7 =	vld [tilespmem:$0x280]  }
0x4f: {  	v11 =	vld [tilespmem:$0x300]  }
0x50: {  	v12 =	vld [tilespmem:$0x380]  }
0x51: {  	v13 =	vld [tilespmem:$0x208]  }
0x52: {  	v14 =	vld [tilespmem:$0x288]  }
0x53: {  	v15 =	vld [tilespmem:$0x308]  }
0x54: {  	v16 =	vld [tilespmem:$0x388]  }
0x55: {  	v17 =	vld [tilespmem:$0x280]  }
0x56: {  	v24 =	vld [tilespmem:$0x300]  }
0x57: {  	v41 =	vld [tilespmem:$0x380]  }
0x58: {  	v50 =	vld [tilespmem:$0x400]  }
0x59: {  	v51 =	vld [tilespmem:$0x288]  }
0x5a: {  	v52 =	vld [tilespmem:$0x308]  }
0x5b: {  	v53 =	vld [tilespmem:$0x388]  }
0x5c: {  	v54 =	vld [tilespmem:$0x408]  }
0x5d: {  	v55 =	vld [tilespmem:$0x300]  }
0x5e: {  	v56 =	vld [tilespmem:$0x380]  }
0x5f: {  	v57 =	vld [tilespmem:$0x400]  }
0x60: {  	v58 =	vld [tilespmem:$0x480]  }
0x61: {  	v59 =	vld [tilespmem:$0x308]  }
0x62: {  	v60 =	vld [tilespmem:$0x388]  }
0x63: {  	v61 =	vld [tilespmem:$0x408]  }
0x64: {  	v62 =	vld [tilespmem:$0x488]  }
0x65: {  	v63 =	vld [tilespmem:$0x380]  }
0x66: {  	v18 =	vld [tilespmem:$0x400]  }
0x67: {  	v19 =	vld [tilespmem:$0x480]  }
0x68: {  	v20 =	vld [tilespmem:$0x500]  }
0x69: {  	v21 =	vld [tilespmem:$0x388]  }
0x6a: {  	v22 =	vld [tilespmem:$0x408]  }
0x6b: {  	v27 =	vld [tilespmem:$0x488]  }
0x6c: {  	v36 =	vld [tilespmem:$0x508]  }
0x6d: {  	v23 =	vld [tilespmem:$0x400]  }
0x6e: {  	v25 =	vld [tilespmem:$0x480]  }
0x6f: {  	v37 =	vld [tilespmem:$0x500];
	v4 =	vtrunc.f32 v5  }
0x70: {  	v42 =	vld [tilespmem:$0x580];
	v8 =	vcvt.f32.s32 v4;
	vm0 =	vlt.f32 v5, v4  }
0x71: {  	v43 =	vld [tilespmem:$0x408];
	v4 =	vsel vm0, $0xFFFFFFFF, v1  }
0x72: {  	v45 =	vld [tilespmem:$0x488];
	v2 =	vadd.s32 v8, v4  }
0x73: {  	v28 =	vld [tilespmem:$0x508];
	v8 =	vcvt.s32.f32 v2  }
0x74: {  	v3 =	vld [tilespmem:$0x588]  }
0x75: {  	v49 =	vld [tilespmem:$0x480];
	v5 =	vsub.f32 v5, v8  }
0x76: {  	v26 =	vld [tilespmem:$0x500]  }
0x77: {  	v39 =	vld [tilespmem:$0x680];
	v8 =	vmul.f32 v5, v5  }
0x78: {  	v31 =	vld [tilespmem:$0x580]  }
0x79: {  	v32 =	vld [tilespmem:$0x488];
	v9 =	vmul.f32 v8, v5  }
0x7a: {  	v33 =	vld [tilespmem:$0x608]  }
0x7b: {  	v35 =	vld [tilespmem:$0x508];
	v30 =	vsub.f32 $0.0e+00, v9  }
0x7c: {  	v29 =	vld [tilespmem:$0x588];
	[tilespmem:$0x1FF90] =	vst v39;
	v48 =	vmul.f32 $5.000000000e-01, v5;
	v39 =	vsub.f32 $1.000000000e+00, v5;
	v5 =	vmul.f32 $5.000000000e-01, v9  }
0x7d: {  	v38 =	vld [tilespmem:$0x500];
	v34 =	vmul.f32 $5.000000000e-01, v8;
	v40 =	vmul.f32 $5.000000000e-01, v30  }
0x7e: {  	v5 =	vsub.f32 v5, v8;
	v8 =	vld [tilespmem:$0x608]  }
0x7f: {  	[tilespmem:$0x1FF80] =	vst v33;
	v33 =	vadd.f32 v40, v34;
	v40 =	vld [tilespmem:$0x508]  }
0x80: {  	v46 =	vld [tilespmem:$0x580]  }
0x81: {  	v4 =	vld [tilespmem:$0x600]  }
0x82: {  	v30 =	vld [tilespmem:$0x600];
	v33 =	vadd.f32 v33, v48  }
0x83: {  	v44 =	vtrunc.f32 v10;
	v47 =	vmul.f32 v39, v39;
	v48 =	vld [tilespmem:$0x688];
	[tilespmem:$0x1FFC0] =	vst v8  }
0x84: {  	vm15 =	vlt.f32 v10, v44;
	v8 =	vmul.f32 $1.666666720e-01, v9;
	v9 =	vadd.f32 $1.666666720e-01, v33;
	[tilespmem:$0x1FFA0] =	vst v40;
	v40 =	vld [tilespmem:$0x588]  }
0x85: {  	v44 =	vcvt.f32.s32 v44;
	v5 =	vadd.f32 $6.666666860e-01, v5;
	v34 =	vmul.f32 v47, v39;
	v39 =	vld [tilespmem:$0x580]  }
0x86: {  	v33 =	vld [tilespmem:$0x680];
	v47 =	vmul.f32 v8, v6;
	v6 =	vsel vm15, $0xFFFFFFFF, v1;
	v7 =	vmul.f32 v9, v7  }
0x87: {  	v11 =	vmul.f32 v5, v11;
	v6 =	vadd.s32 v44, v6;
	v44 =	vld [tilespmem:$0x700]  }
0x88: {  	v13 =	vmul.f32 v8, v13;
	v14 =	vmul.f32 v9, v14;
	[tilespmem:$0x1FFD0] =	vst v48;
	v48 =	vld [tilespmem:$0x600];
	v47 =	vadd.f32 v7, v47  }
0x89: {  	v7 =	vmul.f32 $1.666666720e-01, v34;
	v34 =	vcvt.s32.f32 v6;
	[tilespmem:$0x1FFB0] =	vst v40;
	v40 =	vld [tilespmem:$0x588]  }
0x8a: {  	v19 =	vmul.f32 v19, v5;
	v11 =	vadd.f32 v47, v11;
	v47 =	vld [tilespmem:$0x608]  }
0x8b: {  	v13 =	vadd.f32 v14, v13;
	v14 =	vmul.f32 v5, v15;
	v10 =	vsub.f32 v10, v34;
	v34 =	vld [tilespmem:$0x688]  }
0x8c: {  	v12 =	vmul.f32 v7, v12;
	v15 =	vmul.f32 v7, v16;
	v16 =	vld [tilespmem:$0x600]  }
0x8d: {  	v52 =	vmul.f32 v52, v9;
	v13 =	vadd.f32 v13, v14;
	v14 =	vmul.f32 v51, v8;
	v51 =	vld [tilespmem:$0x780]  }
0x8e: {  	v1 =	vadd.f32 v11, v12;
	v12 =	vmul.f32 v17, v8;
	v17 =	vmul.f32 v9, v24;
	v24 =	vld [tilespmem:$0x708]  }
0x8f: {  	v11 =	vld [tilespmem:$0x700];
	v13 =	vadd.f32 v13, v15;
	v14 =	vadd.f32 v52, v14;
	v15 =	vmul.f32 v53, v5  }
0x90: {  	v18 =	vmul.f32 v18, v9;
	v52 =	vld [tilespmem:$0x608];
	v12 =	vadd.f32 v17, v12;
	v17 =	vmul.f32 v41, v5  }
0x91: {  	v50 =	vmul.f32 v50, v7;
	v53 =	vld [tilespmem:$0x688];
	v14 =	vadd.f32 v15, v14;
	v15 =	vmul.f32 v59, v8  }
0x92: {  	v41 =	vld [tilespmem:$0x680];
	v40 =	vmul.f32 v40, v8;
	v47 =	vmul.f32 v47, v9;
	v12 =	vadd.f32 v12, v17  }
0x93: {  	v59 =	vld [tilespmem:$0x680];
	v17 =	vmul.f32 v55, v8;
	v55 =	vmul.f32 v56, v9  }
0x94: {  	v54 =	vmul.f32 v54, v7;
	v56 =	vld [tilespmem:$0x708];
	v40 =	vadd.f32 v47, v40;
	v12 =	vadd.f32 v12, v50  }
0x95: {  	v47 =	vld [tilespmem:$0x800];
	v17 =	vadd.f32 v55, v17;
	v50 =	vmul.f32 v57, v5;
	v55 =	vmul.f32 v60, v9  }
0x96: {  	v60 =	vmul.f32 v63, v8;
	v57 =	vld [tilespmem:$0x788];
	v63 =	vmul.f32 v22, v9  }
0x97: {  	v22 =	vmul.f32 v36, v7;
	v36 =	vld [tilespmem:$0x808];
	v15 =	vadd.f32 v55, v15;
	v55 =	vmul.f32 v61, v5  }
0x98: {  	v58 =	vmul.f32 v58, v7;
	v50 =	vadd.f32 v50, v17;
	v18 =	vadd.f32 v18, v60;
	v60 =	vld [tilespmem:$0x700]  }
0x99: {  	v17 =	vadd.f32 v54, v14;
	v54 =	vld [tilespmem:$0x780];
	v61 =	vmul.f32 v23, v8;
	v14 =	vadd.f32 v55, v15  }
0x9a: {  	v23 =	vld [tilespmem:$0x708];
	v15 =	vmul.f32 v62, v7;
	v18 =	vadd.f32 v19, v18;
	v62 =	vmul.f32 v20, v7  }
0x9b: {  	v50 =	vadd.f32 v58, v50;
	v55 =	vld [tilespmem:$0x800];
	v20 =	vmul.f32 v21, v8  }
0x9c: {  	v58 =	vld [tilespmem:$0x688];
	v15 =	vadd.f32 v15, v14;
	v14 =	vadd.f32 v62, v18;
	v62 =	vmul.f32 v25, v9  }
0x9d: {  	v26 =	vmul.f32 v26, v9;
	v20 =	vadd.f32 v63, v20;
	v63 =	vmul.f32 v27, v5;
	v25 =	vld [tilespmem:$0x788]  }
0x9e: {  	v27 =	vmul.f32 v42, v7;
	v42 =	vld [tilespmem:$0x700];
	v18 =	vadd.f32 v62, v61;
	v61 =	vmul.f32 v37, v5  }
0x9f: {  	v20 =	vadd.f32 v63, v20;
	v62 =	vmul.f32 v43, v8;
	v63 =	vmul.f32 v45, v9;
	v45 =	vld [tilespmem:$0x780]  }
0xa0: {  	v43 =	vmul.f32 v31, v5;
	v31 =	vmul.f32 v35, v9;
	v35 =	vld [tilespmem:$0x888]  }
0xa1: {  	v18 =	vadd.f32 v61, v18;
	v62 =	vadd.f32 v63, v62;
	v63 =	vmul.f32 v28, v5;
	v28 =	vld [tilespmem:$0x800]  }
0xa2: {  	v61 =	vmul.f32 v49, v8;
	v49 =	vmul.f32 v32, v8;
	v32 =	vld [tilespmem:$0x708]  }
0xa3: {  	v19 =	vadd.f32 v22, v20;
	v18 =	vadd.f32 v27, v18;
	v27 =	vld [tilespmem:$0x880]  }
0xa4: {  	v37 =	vadd.f32 v26, v61;
	v20 =	vadd.f32 v63, v62;
	v63 =	vmul.f32 v3, v7;
	v3 =	vld [tilespmem:$0x1FF80]  }
0xa5: {  	v61 =	vmul.f32 v38, v8;
	v62 =	vmul.f32 v46, v9;
	v38 =	vld [tilespmem:$0x800]  }
0xa6: {  	v21 =	vadd.f32 v31, v49;
	v31 =	vmul.f32 v29, v5;
	v22 =	vadd.f32 v43, v37;
	v37 =	vld [tilespmem:$0x788]  }
0xa7: {  	v42 =	vmul.f32 v42, v8;
	v43 =	vld [tilespmem:$0x808]  }
0xa8: {  	v45 =	vmul.f32 v45, v9;
	v26 =	vadd.f32 v62, v61;
	v61 =	vadd.f32 v31, v21;
	v31 =	vld [tilespmem:$0x780]  }
0xa9: {  	v29 =	vadd.f32 v63, v20;
	v63 =	vmul.f32 v44, v7;
	v44 =	vld [tilespmem:$0x808]  }
0xaa: {  	v42 =	vadd.f32 v45, v42;
	v28 =	vmul.f32 v28, v5;
	v62 =	vmul.f32 v3, v7;
	v3 =	vld [tilespmem:$0x1FF90]  }
0xab: {  	v45 =	vld [tilespmem:$0xA00]  }
0xac: {  	v30 =	vmul.f32 v30, v5;
	v27 =	vmul.f32 v27, v7;
	v28 =	vadd.f32 v28, v42;
	v42 =	vld [tilespmem:$0x908]  }
0xad: {  	v38 =	vmul.f32 v38, v9;
	v21 =	vadd.f32 v62, v61;
	v61 =	vld [tilespmem:$0x880];
	v31 =	vmul.f32 v31, v8  }
0xae: {  	v62 =	vld [tilespmem:$0x788];
	v27 =	vadd.f32 v27, v28  }
0xaf: {  	v26 =	vadd.f32 v30, v26;
	v28 =	vadd.f32 v38, v31;
	v38 =	vld [tilespmem:$0xA08];
	v30 =	vmul.f32 v3, v7  }
0xb0: {  	v34 =	vmul.f32 v34, v5;
	[tilespmem:$0x1200] =	vst v27;
	v27 =	vld [tilespmem:$0xA88]  }
0xb1: {  	v3 =	vld [tilespmem:$0x1FFA0];
	v20 =	vadd.f32 v30, v26;
	v26 =	vmul.f32 v39, v8;
	v30 =	vmul.f32 v48, v9  }
0xb2: {  	v16 =	vmul.f32 v16, v8;
	v39 =	vld [tilespmem:$0x900];
	v31 =	vmul.f32 v61, v5  }
0xb3: {  	v26 =	vadd.f32 v30, v26;
	v30 =	vmul.f32 v33, v5;
	v33 =	vadd.f32 v34, v40;
	v40 =	vld [tilespmem:$0x908]  }
0xb4: {  	v51 =	vmul.f32 v51, v7;
	v34 =	vmul.f32 v52, v8;
	v52 =	vld [tilespmem:$0x988]  }
0xb5: {  	v11 =	vmul.f32 v11, v5;
	v24 =	vmul.f32 v24, v7;
	[tilespmem:$0xD80] =	vst v12;
	v12 =	vadd.f32 v31, v28;
	v31 =	vld [tilespmem:$0x980]  }
0xb6: {  	v60 =	vmul.f32 v60, v9;
	v46 =	vmul.f32 v3, v8;
	v3 =	vld [tilespmem:$0x1FFB0]  }
0xb7: {  	v28 =	vmul.f32 v47, v8;
	v47 =	vld [tilespmem:$0xA08];
	v26 =	vadd.f32 v30, v26;
	v30 =	vmul.f32 v41, v9  }
0xb8: {  	v23 =	vmul.f32 v23, v9;
	v49 =	vmul.f32 v4, v7;
	v41 =	vld [tilespmem:$0x908]  }
0xb9: {  	v26 =	vadd.f32 v63, v26;
	v16 =	vadd.f32 v30, v16;
	v30 =	vld [tilespmem:$0x880];
	v63 =	vmul.f32 v53, v9  }
0xba: {  	v25 =	vmul.f32 v25, v5;
	v22 =	vadd.f32 v49, v22;
	v62 =	vmul.f32 v62, v8;
	v53 =	vld [tilespmem:$0x980]  }
0xbb: {  	v49 =	vmul.f32 v3, v9;
	v3 =	vld [tilespmem:$0x1FFC0];
	v34 =	vadd.f32 v63, v34;
	v63 =	vmul.f32 v56, v5  }
0xbc: {  	v24 =	vadd.f32 v24, v33;
	v11 =	vadd.f32 v11, v16;
	v16 =	vmul.f32 v59, v8;
	v56 =	vld [tilespmem:$0x808]  }
0xbd: {  	v59 =	vmul.f32 v57, v7;
	v57 =	vmul.f32 v36, v7;
	v36 =	vld [tilespmem:$0x980];
	v63 =	vadd.f32 v63, v34  }
0xbe: {  	v39 =	vmul.f32 v39, v7;
	v16 =	vadd.f32 v60, v16;
	v60 =	vmul.f32 v54, v5;
	v54 =	vld [tilespmem:$0x888]  }
0xbf: {  	v11 =	vadd.f32 v51, v11;
	v51 =	vld [tilespmem:$0x900];
	v33 =	vadd.f32 v59, v63;
	v63 =	vmul.f32 v58, v8  }
0xc0: {  	[tilespmem:$0xE00] =	vst v50;
	v50 =	vmul.f32 v40, v5;
	v48 =	vmul.f32 v3, v5;
	v3 =	vld [tilespmem:$0x1FFD0]  }
0xc1: {  	v34 =	vld [tilespmem:$0x988];
	v16 =	vadd.f32 v60, v16;
	v60 =	vmul.f32 v55, v7;
	v23 =	vadd.f32 v23, v63  }
0xc2: {  	v46 =	vadd.f32 v49, v46;
	v55 =	vld [tilespmem:$0x880];
	v58 =	vmul.f32 v32, v8;
	v59 =	vmul.f32 v37, v9  }
0xc3: {  	[tilespmem:$0xD00] =	vst v1;
	v37 =	vld [tilespmem:$0x888];
	v16 =	vadd.f32 v60, v16;
	v60 =	vmul.f32 v43, v5;
	v23 =	vadd.f32 v25, v23  }
0xc4: {  	[tilespmem:$0xF00] =	vst v18;
	v63 =	vmul.f32 v44, v9;
	v46 =	vadd.f32 v48, v46;
	v48 =	vld [tilespmem:$0x888];
	v25 =	vadd.f32 v59, v58  }
0xc5: {  	[tilespmem:$0xF08] =	vst v29;
	v29 =	vmul.f32 v52, v7;
	v44 =	vld [tilespmem:$0xA80];
	v49 =	vmul.f32 v3, v7;
	v23 =	vadd.f32 v57, v23  }
0xc6: {  	[tilespmem:$0xD08] =	vst v13;
	v61 =	vmul.f32 v41, v7;
	v13 =	vadd.f32 v60, v25;
	v57 =	vld [tilespmem:$0x900];
	v25 =	vadd.f32 v63, v62  }
0xc7: {  	v62 =	vmul.f32 v56, v8;
	v63 =	vmul.f32 v54, v9;
	v46 =	vadd.f32 v49, v46;
	v49 =	vld [tilespmem:$0x900]  }
0xc8: {  	v12 =	vadd.f32 v39, v12;
	v30 =	vmul.f32 v30, v9;
	v52 =	vmul.f32 v36, v5;
	v60 =	vld [tilespmem:$0xA00]  }
0xc9: {  	[tilespmem:$0xD88] =	vst v17;
	v58 =	vmul.f32 v35, v7;
	v56 =	vld [tilespmem:$0xA80];
	v59 =	vmul.f32 v48, v5;
	v17 =	vadd.f32 v63, v62  }
0xca: {  	[tilespmem:$0xE08] =	vst v15;
	v28 =	vadd.f32 v30, v28;
	v48 =	vmul.f32 v55, v8;
	v55 =	vmul.f32 v42, v9;
	v42 =	vld [tilespmem:$0xB08]  }
0xcb: {  	[tilespmem:$0x1000] =	vst v20;
	v54 =	vmul.f32 v37, v8;
	v15 =	vadd.f32 v59, v25;
	v25 =	vld [tilespmem:$0x908];
	v17 =	vadd.f32 v50, v17  }
0xcc: {  	v13 =	vadd.f32 v58, v13;
	[tilespmem:$0x1008] =	vst v46;
	v46 =	vmul.f32 v47, v5;
	v47 =	vld [tilespmem:$0xA80];
	v30 =	vmul.f32 v49, v5  }
0xcd: {  	v58 =	vmul.f32 v31, v9;
	v62 =	vmul.f32 v38, v7;
	v17 =	vadd.f32 v29, v17;
	v29 =	vld [tilespmem:$0x988]  }
0xce: {  	[tilespmem:$0xE80] =	vst v14;
	v63 =	vmul.f32 v44, v7;
	v14 =	vadd.f32 v30, v28;
	v28 =	vmul.f32 v53, v7;
	v30 =	vld [tilespmem:$0x988]  }
0xcf: {  	[tilespmem:$0xE88] =	vst v19;
	v19 =	vadd.f32 v55, v54;
	v59 =	vmul.f32 v34, v5;
	v57 =	vmul.f32 v57, v8;
	v53 =	vld [tilespmem:$0xA00]  }
0xd0: {  	[tilespmem:$0x1208] =	vst v13;
	v13 =	vmul.f32 v10, v10;
	v14 =	vadd.f32 v28, v14;
	v28 =	vmul.f32 v51, v9;
	v51 =	vld [tilespmem:$0x980]  }
0xd1: {  	[tilespmem:$0xF80] =	vst v22;
	v60 =	vmul.f32 v60, v5;
	v15 =	vadd.f32 v61, v15;
	v61 =	vld [tilespmem:$0xA08];
	v20 =	vadd.f32 v58, v57  }
0xd2: {  	[tilespmem:$0xF88] =	vst v21;
	v49 =	vld [tilespmem:$0xA88];
	v54 =	vmul.f32 v42, v7;
	v38 =	vmul.f32 v25, v8;
	v18 =	vadd.f32 v28, v48  }
0xd3: {  	[tilespmem:$0x1100] =	vst v11;
	v44 =	vld [tilespmem:$0xA00];
	v11 =	vadd.f32 v60, v20;
	v22 =	vmul.f32 v47, v9;
	v50 =	vmul.f32 v29, v8  }
0xd4: {  	[tilespmem:$0x1080] =	vst v26;
	v55 =	vld [tilespmem:$0xB80];
	v28 =	vmul.f32 v45, v7;
	v41 =	vmul.f32 v30, v9;
	v18 =	vadd.f32 v52, v18  }
0xd5: {  	[tilespmem:$0x1088] =	vst v24;
	v19 =	vadd.f32 v59, v19;
	v29 =	vld [tilespmem:$0xB00];
	v30 =	vmul.f32 v53, v9;
	v43 =	vmul.f32 v51, v8  }
0xd6: {  	[tilespmem:$0x1280] =	vst v12;
	v26 =	vmul.f32 v61, v9;
	v45 =	vadd.f32 v63, v11;
	v18 =	vadd.f32 v28, v18;
	v28 =	vld [tilespmem:$0xA88]  }
0xd7: {  	[tilespmem:$0x1108] =	vst v33;
	v48 =	vmul.f32 v49, v7;
	v11 =	vadd.f32 v41, v38;
	v21 =	vadd.f32 v30, v43;
	v30 =	vld [tilespmem:$0xA08]  }
0xd8: {  	[tilespmem:$0x1180] =	vst v16;
	v31 =	vld [tilespmem:$0xB00];
	v19 =	vadd.f32 v62, v19;
	v49 =	vmul.f32 v56, v5;
	v56 =	vmul.f32 v44, v8  }
0xd9: {  	[tilespmem:$0x1188] =	vst v23;
	v62 =	vmul.f32 $5.000000000e-01, v13;
	v20 =	vadd.f32 v26, v50;
	v53 =	vld [tilespmem:$0xB08];
	v11 =	vadd.f32 v46, v11  }
0xda: {  	[tilespmem:$0x1288] =	vst v15;
	v63 =	vmul.f32 v55, v7;
	v9 =	vmul.f32 v27, v9;
	v59 =	vadd.f32 v22, v56  }
0xdb: {  	v57 =	vld [tilespmem:$0xB88];
	[tilespmem:$0x1300] =	vst v14;
	v12 =	vadd.f32 v48, v11;
	v11 =	vmul.f32 v13, v10;
	v52 =	vmul.f32 v28, v5  }
0xdc: {  	[tilespmem:$0x1308] =	vst v17;
	v60 =	vmul.f32 v29, v5;
	v21 =	vadd.f32 v49, v21;
	v8 =	vmul.f32 v30, v8  }
0xdd: {  	[tilespmem:$0x1400] =	vst v45;
	v51 =	vmul.f32 v31, v7;
	v58 =	vsub.f32 $0.0e+00, v11;
	v14 =	vadd.f32 v52, v20  }
0xde: {  	v61 =	vadd.f32 v60, v59;
	[tilespmem:$0x1380] =	vst v18;
	v5 =	vmul.f32 v53, v5;
	v8 =	vadd.f32 v9, v8  }
0xdf: {  	[tilespmem:$0x1388] =	vst v19;
	v15 =	vadd.f32 v51, v21;
	v9 =	vmul.f32 $5.000000000e-01, v58;
	v14 =	vadd.f32 v54, v14  }
0xe0: {  	v7 =	vmul.f32 v57, v7;
	[tilespmem:$0x1408] =	vst v12;
	v5 =	vadd.f32 v5, v8;
	v8 =	vsub.f32 $1.000000000e+00, v10  }
0xe1: {  	v12 =	vadd.f32 v63, v61;
	[tilespmem:$0x1480] =	vst v15;
	v15 =	vmul.f32 $5.000000000e-01, v11;
	v9 =	vadd.f32 v9, v62  }
0xe2: {  	v10 =	vmul.f32 $5.000000000e-01, v10;
	[tilespmem:$0x1488] =	vst v14;
	v14 =	vmul.f32 v8, v8;
	v7 =	vadd.f32 v7, v5  }
0xe3: {  	v28 =	vld [tilespmem:$0x1FFE0];
	[tilespmem:$0x1500] =	vst v12  }
0xe4: {  	s17 =	smov.u32 s7;
	v29 =	vld [tilespmem:$0x1FFF0];
	v5 =	vadd.f32 v9, v10;
	v9 =	vsub.f32 v15, v13;
	v12 =	vmul.f32 v14, v8;
	[tilespmem:$0x1508] =	vst v7  }
.LBB2_4:
0xe5: {  	v13 =	vld [tilespmem:$0xD02]  }
0xe6: {  	v14 =	vld [tilespmem:$0xD03];
	_ =	sdelay $0x1  }
0xe7: {  	v8 =	vmul.f32 $1.666666720e-01, v11;
	v10 =	vadd.s32 v28, v6;
	v11 =	vld [tilespmem:$0xD04];
	v7 =	vadd.f32 $1.666666720e-01, v5  }
0xe8: {  	v5 =	vmul.f32 $1.666666720e-01, v12;
	vm0 =	vgt.s32 v10, $0x0;
	v12 =	vadd.s32 $0x78, v2  }
0xe9: {  	v9 =	vadd.f32 $6.666666860e-01, v9;
	v15 =	vnsel vm0, $0x0, v10;
	vm1 =	vgt.s32 v12, $0x0  }
0xea: {  	v13 =	vmul.f32 v13, v8;
	v14 =	vmul.f32 v14, v7;
	v16 =	vnsel vm1, $0x0, v12  }
0xeb: {  	v15 =	vmin.u32 v15, $0xFF;
	v18 =	vor.u32 v12, v10;
	v16 =	vmin.u32 v16, $0xFF  }
0xec: {  	v17 =	vld [tilespmem:$0xD05];
	v13 =	vadd.f32 v14, v13;
	v14 =	vmul.f32 v11, v9;
	v11 =	vshll.u32 v15, $0x3  }
0xed: {  	v15 =	vand.u32 $0x7F, v15;
	v19 =	vshll.u32 v16, $0x8;
	v11 =	vand.u32 $0x400, v11  }
0xee: {  	v16 =	vshll.u32 v16, $0x7;
	v19 =	vand.u32 $0xF800, v19;
	v11 =	vor.u32 v15, v11  }
0xef: {  	vm14 =	vlt.u32 v18, $0x100;
	v15 =	vand.u32 $0x380, v16;
	v60 =	vor.u32 v19, v11  }
0xf0: {  	v16 =	vor.u32 v15, v60  }
0xf1: {  	v13 =	vadd.f32 v14, v13;
	v14 =	vmul.f32 v17, v5;
	_ =	sdelay $0x1  }
0xf2: {  	v13 =	vadd.f32 v14, v13;
	_ =	sdelay $0x1  }
0xf3: {  	[tilespmem:v16+s11+$0x0] =	vst.idx.msk vm14, v13  }
0xf4: {  	v13 =	vld [tilespmem:$0xD03]  }
0xf5: {  	v14 =	vld [tilespmem:$0xD04]  }
0xf6: {  	v6 =	vadd.s32 v29, v6  }
0xf7: {  	vm15 =	vgt.s32 v6, $0x0  }
0xf8: {  	v61 =	vnsel vm15, $0x0, v6;
	v62 =	vld [tilespmem:$0xD05]  }
0xf9: {  	v16 =	vmin.u32 v61, $0xFF  }
0xfa: {  	v63 =	vld [tilespmem:$0xD06];
	v20 =	vshll.u32 v16, $0x3;
	v13 =	vmul.f32 v13, v8;
	v14 =	vmul.f32 v14, v7  }
0xfb: {  	v16 =	vand.u32 $0x7F, v16;
	v20 =	vand.u32 $0x400, v20  }
0xfc: {  	v13 =	vadd.f32 v14, v13;
	v14 =	vor.u32 v12, v6;
	v12 =	vor.u32 v16, v20  }
0xfd: {  	v20 =	vmul.f32 v62, v9;
	vm4 =	vlt.u32 v14, $0x100;
	v14 =	vor.u32 v19, v12  }
0xfe: {  	v14 =	vor.u32 v15, v14  }
0xff: {  	v13 =	vadd.f32 v20, v13;
	v15 =	vmul.f32 v63, v5;
	_ =	sdelay $0x1  }
0x100: {  	v13 =	vadd.f32 v15, v13;
	_ =	sdelay $0x1  }
0x101: {  	[tilespmem:v14+s11+$0x0] =	vst.idx.msk vm4, v13  }
0x102: {  	v13 =	vld [tilespmem:$0xD82]  }
0x103: {  	v14 =	vld [tilespmem:$0xD83];
	_ =	sdelay $0x1  }
0x104: {  	v15 =	vld [tilespmem:$0xD84]  }
0x105: {  	v21 =	vadd.s32 $0x79, v2  }
0x106: {  	vm5 =	vgt.s32 v21, $0x0  }
0x107: {  	v22 =	vnsel vm5, $0x0, v21;
	v13 =	vmul.f32 v13, v8;
	v14 =	vmul.f32 v14, v7  }
0x108: {  	v17 =	vmin.u32 v22, $0xFF;
	v23 =	vld [tilespmem:$0xD85]  }
0x109: {  	v13 =	vadd.f32 v14, v13;
	v14 =	vmul.f32 v15, v9;
	v15 =	vshll.u32 v17, $0x8  }
0x10a: {  	v24 =	vor.u32 v21, v10;
	v17 =	vshll.u32 v17, $0x7;
	v15 =	vand.u32 $0xF800, v15  }
0x10b: {  	vm6 =	vlt.u32 v24, $0x100;
	v17 =	vand.u32 $0x380, v17;
	v25 =	vor.u32 v15, v11  }
0x10c: {  	v19 =	vor.u32 v17, v25  }
0x10d: {  	v13 =	vadd.f32 v14, v13;
	v14 =	vmul.f32 v23, v5;
	_ =	sdelay $0x1  }
0x10e: {  	v13 =	vadd.f32 v14, v13;
	_ =	sdelay $0x1  }
0x10f: {  	[tilespmem:v19+s11+$0x0] =	vst.idx.msk vm6, v13  }
0x110: {  	v13 =	vld [tilespmem:$0xD83]  }
0x111: {  	v14 =	vld [tilespmem:$0xD84];
	_ =	sdelay $0x2  }
0x112: {  	v26 =	vld [tilespmem:$0xD85];
	_ =	sdelay $0x1  }
0x113: {  	v19 =	vld [tilespmem:$0xD86];
	v13 =	vmul.f32 v13, v8;
	v14 =	vmul.f32 v14, v7;
	_ =	sdelay $0x1  }
0x114: {  	v13 =	vadd.f32 v14, v13;
	v14 =	vor.u32 v21, v6  }
0x115: {  	v32 =	vmul.f32 v26, v9;
	vm7 =	vlt.u32 v14, $0x100;
	v14 =	vor.u32 v15, v12  }
0x116: {  	v14 =	vor.u32 v17, v14  }
0x117: {  	v15 =	vmul.f32 v19, v5;
	v13 =	vadd.f32 v32, v13;
	_ =	sdelay $0x1  }
0x118: {  	v13 =	vadd.f32 v15, v13;
	_ =	sdelay $0x1  }
0x119: {  	[tilespmem:v14+s11+$0x0] =	vst.idx.msk vm7, v13  }
0x11a: {  	v13 =	vld [tilespmem:$0xE02]  }
0x11b: {  	v14 =	vld [tilespmem:$0xE03];
	_ =	sdelay $0x1  }
0x11c: {  	v15 =	vld [tilespmem:$0xE04]  }
0x11d: {  	v33 =	vadd.s32 $0x7A, v2  }
0x11e: {  	vm8 =	vgt.s32 v33, $0x0  }
0x11f: {  	v34 =	vnsel vm8, $0x0, v33;
	v13 =	vmul.f32 v13, v8;
	v14 =	vmul.f32 v14, v7  }
0x120: {  	v17 =	vmin.u32 v34, $0xFF;
	v35 =	vld [tilespmem:$0xE05]  }
0x121: {  	v13 =	vadd.f32 v14, v13;
	v14 =	vmul.f32 v15, v9;
	v15 =	vshll.u32 v17, $0x8  }
0x122: {  	v36 =	vor.u32 v33, v10;
	v17 =	vshll.u32 v17, $0x7;
	v15 =	vand.u32 $0xF800, v15  }
0x123: {  	vm9 =	vlt.u32 v36, $0x100;
	v17 =	vand.u32 $0x380, v17;
	v37 =	vor.u32 v15, v11  }
0x124: {  	v19 =	vor.u32 v17, v37  }
0x125: {  	v13 =	vadd.f32 v14, v13;
	v14 =	vmul.f32 v35, v5;
	_ =	sdelay $0x1  }
0x126: {  	v13 =	vadd.f32 v14, v13;
	_ =	sdelay $0x1  }
0x127: {  	[tilespmem:v19+s11+$0x0] =	vst.idx.msk vm9, v13  }
0x128: {  	v13 =	vld [tilespmem:$0xE03]  }
0x129: {  	v14 =	vld [tilespmem:$0xE04];
	_ =	sdelay $0x2  }
0x12a: {  	v38 =	vld [tilespmem:$0xE05];
	_ =	sdelay $0x1  }
0x12b: {  	v19 =	vld [tilespmem:$0xE06];
	v13 =	vmul.f32 v13, v8;
	v14 =	vmul.f32 v14, v7;
	_ =	sdelay $0x1  }
0x12c: {  	v13 =	vadd.f32 v14, v13;
	v14 =	vor.u32 v33, v6  }
0x12d: {  	v39 =	vmul.f32 v38, v9;
	vm10 =	vlt.u32 v14, $0x100;
	v14 =	vor.u32 v15, v12  }
0x12e: {  	v14 =	vor.u32 v17, v14  }
0x12f: {  	v15 =	vmul.f32 v19, v5;
	v13 =	vadd.f32 v39, v13;
	_ =	sdelay $0x1  }
0x130: {  	v13 =	vadd.f32 v15, v13;
	_ =	sdelay $0x1  }
0x131: {  	[tilespmem:v14+s11+$0x0] =	vst.idx.msk vm10, v13  }
0x132: {  	v13 =	vld [tilespmem:$0xE82]  }
0x133: {  	v14 =	vld [tilespmem:$0xE83];
	_ =	sdelay $0x1  }
0x134: {  	v15 =	vld [tilespmem:$0xE84]  }
0x135: {  	v40 =	vadd.s32 $0x7B, v2  }
0x136: {  	vm11 =	vgt.s32 v40, $0x0  }
0x137: {  	v41 =	vnsel vm11, $0x0, v40;
	v13 =	vmul.f32 v13, v8;
	v14 =	vmul.f32 v14, v7  }
0x138: {  	v17 =	vmin.u32 v41, $0xFF;
	v42 =	vld [tilespmem:$0xE85]  }
0x139: {  	v13 =	vadd.f32 v14, v13;
	v14 =	vmul.f32 v15, v9;
	v15 =	vshll.u32 v17, $0x8  }
0x13a: {  	v43 =	vor.u32 v40, v10;
	v17 =	vshll.u32 v17, $0x7;
	v15 =	vand.u32 $0xF800, v15  }
0x13b: {  	vm12 =	vlt.u32 v43, $0x100;
	v17 =	vand.u32 $0x380, v17;
	v44 =	vor.u32 v15, v11  }
0x13c: {  	v19 =	vor.u32 v17, v44  }
0x13d: {  	v13 =	vadd.f32 v14, v13;
	v14 =	vmul.f32 v42, v5;
	_ =	sdelay $0x1  }
0x13e: {  	v13 =	vadd.f32 v14, v13;
	_ =	sdelay $0x1  }
0x13f: {  	[tilespmem:v19+s11+$0x0] =	vst.idx.msk vm12, v13  }
0x140: {  	v13 =	vld [tilespmem:$0xE83]  }
0x141: {  	v14 =	vld [tilespmem:$0xE84];
	_ =	sdelay $0x2  }
0x142: {  	v45 =	vld [tilespmem:$0xE85];
	_ =	sdelay $0x1  }
0x143: {  	v19 =	vld [tilespmem:$0xE86];
	v13 =	vmul.f32 v13, v8;
	v14 =	vmul.f32 v14, v7;
	_ =	sdelay $0x1  }
0x144: {  	v13 =	vadd.f32 v14, v13;
	v14 =	vor.u32 v40, v6  }
0x145: {  	v46 =	vmul.f32 v45, v9;
	vm13 =	vlt.u32 v14, $0x100;
	v14 =	vor.u32 v15, v12  }
0x146: {  	v14 =	vor.u32 v17, v14  }
0x147: {  	v15 =	vmul.f32 v19, v5;
	v13 =	vadd.f32 v46, v13;
	_ =	sdelay $0x1  }
0x148: {  	v13 =	vadd.f32 v15, v13;
	_ =	sdelay $0x1  }
0x149: {  	[tilespmem:v14+s11+$0x0] =	vst.idx.msk vm13, v13  }
0x14a: {  	v13 =	vld [tilespmem:$0xF02]  }
0x14b: {  	v14 =	vld [tilespmem:$0xF03];
	_ =	sdelay $0x1  }
0x14c: {  	v15 =	vld [tilespmem:$0xF04]  }
0x14d: {  	v47 =	vadd.s32 $0x7C, v2  }
0x14e: {  	vm14 =	vgt.s32 v47, $0x0  }
0x14f: {  	v48 =	vnsel vm14, $0x0, v47;
	v13 =	vmul.f32 v13, v8;
	v14 =	vmul.f32 v14, v7  }
0x150: {  	v17 =	vmin.u32 v48, $0xFF;
	v49 =	vld [tilespmem:$0xF05]  }
0x151: {  	v13 =	vadd.f32 v14, v13;
	v14 =	vmul.f32 v15, v9;
	v15 =	vshll.u32 v17, $0x8  }
0x152: {  	v50 =	vor.u32 v47, v10;
	v17 =	vshll.u32 v17, $0x7;
	v15 =	vand.u32 $0xF800, v15  }
0x153: {  	vm15 =	vlt.u32 v50, $0x100;
	v17 =	vand.u32 $0x380, v17;
	v51 =	vor.u32 v15, v11  }
0x154: {  	v19 =	vor.u32 v17, v51  }
0x155: {  	v13 =	vadd.f32 v14, v13;
	v14 =	vmul.f32 v49, v5;
	_ =	sdelay $0x1  }
0x156: {  	v13 =	vadd.f32 v14, v13;
	_ =	sdelay $0x1  }
0x157: {  	[tilespmem:v19+s11+$0x0] =	vst.idx.msk vm15, v13  }
0x158: {  	v13 =	vld [tilespmem:$0xF03]  }
0x159: {  	v14 =	vld [tilespmem:$0xF04];
	_ =	sdelay $0x2  }
0x15a: {  	v52 =	vld [tilespmem:$0xF05];
	_ =	sdelay $0x1  }
0x15b: {  	v19 =	vld [tilespmem:$0xF06];
	v13 =	vmul.f32 v13, v8;
	v14 =	vmul.f32 v14, v7;
	_ =	sdelay $0x1  }
0x15c: {  	v13 =	vadd.f32 v14, v13;
	v14 =	vor.u32 v47, v6  }
0x15d: {  	v53 =	vmul.f32 v52, v9;
	vm4 =	vlt.u32 v14, $0x100;
	v14 =	vor.u32 v15, v12  }
0x15e: {  	v14 =	vor.u32 v17, v14  }
0x15f: {  	v15 =	vmul.f32 v19, v5;
	v13 =	vadd.f32 v53, v13;
	_ =	sdelay $0x1  }
0x160: {  	v13 =	vadd.f32 v15, v13;
	_ =	sdelay $0x1  }
0x161: {  	[tilespmem:v14+s11+$0x0] =	vst.idx.msk vm4, v13  }
0x162: {  	v13 =	vld [tilespmem:$0xF82]  }
0x163: {  	v14 =	vld [tilespmem:$0xF83];
	_ =	sdelay $0x1  }
0x164: {  	v15 =	vld [tilespmem:$0xF84]  }
0x165: {  	v54 =	vadd.s32 $0x7D, v2  }
0x166: {  	vm5 =	vgt.s32 v54, $0x0  }
0x167: {  	v55 =	vnsel vm5, $0x0, v54;
	v13 =	vmul.f32 v13, v8;
	v14 =	vmul.f32 v14, v7  }
0x168: {  	v17 =	vmin.u32 v55, $0xFF;
	v56 =	vld [tilespmem:$0xF85]  }
0x169: {  	v13 =	vadd.f32 v14, v13;
	v14 =	vmul.f32 v15, v9;
	v15 =	vshll.u32 v17, $0x8  }
0x16a: {  	v57 =	vor.u32 v54, v10;
	v17 =	vshll.u32 v17, $0x7;
	v15 =	vand.u32 $0xF800, v15  }
0x16b: {  	vm6 =	vlt.u32 v57, $0x100;
	v17 =	vand.u32 $0x380, v17;
	v58 =	vor.u32 v15, v11  }
0x16c: {  	v19 =	vor.u32 v17, v58  }
0x16d: {  	v13 =	vadd.f32 v14, v13;
	v14 =	vmul.f32 v56, v5;
	_ =	sdelay $0x1  }
0x16e: {  	v13 =	vadd.f32 v14, v13;
	_ =	sdelay $0x1  }
0x16f: {  	[tilespmem:v19+s11+$0x0] =	vst.idx.msk vm6, v13  }
0x170: {  	v13 =	vld [tilespmem:$0xF83]  }
0x171: {  	v14 =	vld [tilespmem:$0xF84];
	_ =	sdelay $0x2  }
0x172: {  	v59 =	vld [tilespmem:$0xF85];
	_ =	sdelay $0x1  }
0x173: {  	v19 =	vld [tilespmem:$0xF86];
	v13 =	vmul.f32 v13, v8;
	v14 =	vmul.f32 v14, v7;
	_ =	sdelay $0x1  }
0x174: {  	v13 =	vadd.f32 v14, v13;
	v14 =	vor.u32 v54, v6  }
0x175: {  	v60 =	vmul.f32 v59, v9;
	vm7 =	vlt.u32 v14, $0x100;
	v14 =	vor.u32 v15, v12  }
0x176: {  	v14 =	vor.u32 v17, v14  }
0x177: {  	v15 =	vmul.f32 v19, v5;
	v13 =	vadd.f32 v60, v13;
	_ =	sdelay $0x1  }
0x178: {  	v13 =	vadd.f32 v15, v13;
	_ =	sdelay $0x1  }
0x179: {  	[tilespmem:v14+s11+$0x0] =	vst.idx.msk vm7, v13  }
0x17a: {  	v13 =	vld [tilespmem:$0x1002]  }
0x17b: {  	v14 =	vld [tilespmem:$0x1003];
	_ =	sdelay $0x1  }
0x17c: {  	v15 =	vld [tilespmem:$0x1004]  }
0x17d: {  	v61 =	vadd.s32 $0x7E, v2  }
0x17e: {  	vm8 =	vgt.s32 v61, $0x0  }
0x17f: {  	v62 =	vnsel vm8, $0x0, v61;
	v13 =	vmul.f32 v13, v8;
	v14 =	vmul.f32 v14, v7  }
0x180: {  	v17 =	vmin.u32 v62, $0xFF;
	v63 =	vld [tilespmem:$0x1005]  }
0x181: {  	v13 =	vadd.f32 v14, v13;
	v14 =	vmul.f32 v15, v9;
	v15 =	vshll.u32 v17, $0x8  }
0x182: {  	v21 =	vor.u32 v61, v10;
	v17 =	vshll.u32 v17, $0x7;
	v15 =	vand.u32 $0xF800, v15  }
0x183: {  	vm9 =	vlt.u32 v21, $0x100;
	v17 =	vand.u32 $0x380, v17;
	v22 =	vor.u32 v15, v11  }
0x184: {  	v19 =	vor.u32 v17, v22  }
0x185: {  	v13 =	vadd.f32 v14, v13;
	v14 =	vmul.f32 v63, v5;
	_ =	sdelay $0x1  }
0x186: {  	v13 =	vadd.f32 v14, v13;
	_ =	sdelay $0x1  }
0x187: {  	[tilespmem:v19+s11+$0x0] =	vst.idx.msk vm9, v13  }
0x188: {  	v13 =	vld [tilespmem:$0x1003]  }
0x189: {  	v14 =	vld [tilespmem:$0x1004];
	_ =	sdelay $0x2  }
0x18a: {  	v23 =	vld [tilespmem:$0x1005];
	_ =	sdelay $0x1  }
0x18b: {  	v19 =	vld [tilespmem:$0x1006];
	v13 =	vmul.f32 v13, v8;
	v14 =	vmul.f32 v14, v7;
	_ =	sdelay $0x1  }
0x18c: {  	v13 =	vadd.f32 v14, v13;
	v14 =	vor.u32 v61, v6  }
0x18d: {  	v24 =	vmul.f32 v23, v9;
	vm10 =	vlt.u32 v14, $0x100;
	v14 =	vor.u32 v15, v12  }
0x18e: {  	v14 =	vor.u32 v17, v14  }
0x18f: {  	v15 =	vmul.f32 v19, v5;
	v13 =	vadd.f32 v24, v13;
	_ =	sdelay $0x1  }
0x190: {  	v13 =	vadd.f32 v15, v13;
	_ =	sdelay $0x1  }
0x191: {  	[tilespmem:v14+s11+$0x0] =	vst.idx.msk vm10, v13  }
0x192: {  	v13 =	vld [tilespmem:$0x1082]  }
0x193: {  	v14 =	vld [tilespmem:$0x1083];
	_ =	sdelay $0x1  }
0x194: {  	v15 =	vld [tilespmem:$0x1084]  }
0x195: {  	v25 =	vadd.s32 $0x7F, v2  }
0x196: {  	vm11 =	vgt.s32 v25, $0x0  }
0x197: {  	v26 =	vnsel vm11, $0x0, v25;
	v13 =	vmul.f32 v13, v8;
	v14 =	vmul.f32 v14, v7  }
0x198: {  	v17 =	vmin.u32 v26, $0xFF;
	v32 =	vld [tilespmem:$0x1085]  }
0x199: {  	v13 =	vadd.f32 v14, v13;
	v14 =	vmul.f32 v15, v9;
	v15 =	vshll.u32 v17, $0x8  }
0x19a: {  	v33 =	vor.u32 v25, v10;
	v17 =	vshll.u32 v17, $0x7;
	v15 =	vand.u32 $0xF800, v15  }
0x19b: {  	vm12 =	vlt.u32 v33, $0x100;
	v17 =	vand.u32 $0x380, v17;
	v34 =	vor.u32 v15, v11  }
0x19c: {  	v19 =	vor.u32 v17, v34  }
0x19d: {  	v13 =	vadd.f32 v14, v13;
	v14 =	vmul.f32 v32, v5;
	_ =	sdelay $0x1  }
0x19e: {  	v13 =	vadd.f32 v14, v13;
	_ =	sdelay $0x1  }
0x19f: {  	[tilespmem:v19+s11+$0x0] =	vst.idx.msk vm12, v13  }
0x1a0: {  	v13 =	vld [tilespmem:$0x1083]  }
0x1a1: {  	v14 =	vld [tilespmem:$0x1084];
	_ =	sdelay $0x2  }
0x1a2: {  	v35 =	vld [tilespmem:$0x1085];
	_ =	sdelay $0x1  }
0x1a3: {  	v19 =	vld [tilespmem:$0x1086];
	v13 =	vmul.f32 v13, v8;
	v14 =	vmul.f32 v14, v7;
	_ =	sdelay $0x1  }
0x1a4: {  	v13 =	vadd.f32 v14, v13;
	v14 =	vor.u32 v25, v6  }
0x1a5: {  	v36 =	vmul.f32 v35, v9;
	vm13 =	vlt.u32 v14, $0x100;
	v14 =	vor.u32 v15, v12  }
0x1a6: {  	v14 =	vor.u32 v17, v14  }
0x1a7: {  	v15 =	vmul.f32 v19, v5;
	v13 =	vadd.f32 v36, v13;
	_ =	sdelay $0x1  }
0x1a8: {  	v13 =	vadd.f32 v15, v13;
	_ =	sdelay $0x1  }
0x1a9: {  	[tilespmem:v14+s11+$0x0] =	vst.idx.msk vm13, v13  }
0x1aa: {  	v13 =	vld [tilespmem:$0x1102]  }
0x1ab: {  	v14 =	vld [tilespmem:$0x1103];
	_ =	sdelay $0x1  }
0x1ac: {  	v15 =	vld [tilespmem:$0x1104]  }
0x1ad: {  	v37 =	vadd.s32 $0x80, v2  }
0x1ae: {  	vm14 =	vgt.s32 v37, $0x0  }
0x1af: {  	v38 =	vnsel vm14, $0x0, v37;
	v13 =	vmul.f32 v13, v8;
	v14 =	vmul.f32 v14, v7  }
0x1b0: {  	v17 =	vmin.u32 v38, $0xFF;
	v39 =	vld [tilespmem:$0x1105]  }
0x1b1: {  	v13 =	vadd.f32 v14, v13;
	v14 =	vmul.f32 v15, v9;
	v15 =	vshll.u32 v17, $0x8  }
0x1b2: {  	v40 =	vor.u32 v37, v10;
	v17 =	vshll.u32 v17, $0x7;
	v15 =	vand.u32 $0xF800, v15  }
0x1b3: {  	vm15 =	vlt.u32 v40, $0x100;
	v17 =	vand.u32 $0x380, v17;
	v41 =	vor.u32 v15, v11  }
0x1b4: {  	v19 =	vor.u32 v17, v41  }
0x1b5: {  	v13 =	vadd.f32 v14, v13;
	v14 =	vmul.f32 v39, v5;
	_ =	sdelay $0x1  }
0x1b6: {  	v13 =	vadd.f32 v14, v13;
	_ =	sdelay $0x1  }
0x1b7: {  	[tilespmem:v19+s11+$0x0] =	vst.idx.msk vm15, v13  }
0x1b8: {  	v13 =	vld [tilespmem:$0x1103]  }
0x1b9: {  	v14 =	vld [tilespmem:$0x1104];
	_ =	sdelay $0x2  }
0x1ba: {  	v42 =	vld [tilespmem:$0x1105];
	_ =	sdelay $0x1  }
0x1bb: {  	v19 =	vld [tilespmem:$0x1106];
	v13 =	vmul.f32 v13, v8;
	v14 =	vmul.f32 v14, v7;
	_ =	sdelay $0x1  }
0x1bc: {  	v13 =	vadd.f32 v14, v13;
	v14 =	vor.u32 v37, v6  }
0x1bd: {  	v43 =	vmul.f32 v42, v9;
	vm4 =	vlt.u32 v14, $0x100;
	v14 =	vor.u32 v15, v12  }
0x1be: {  	v14 =	vor.u32 v17, v14  }
0x1bf: {  	v15 =	vmul.f32 v19, v5;
	v13 =	vadd.f32 v43, v13;
	_ =	sdelay $0x1  }
0x1c0: {  	v13 =	vadd.f32 v15, v13;
	_ =	sdelay $0x1  }
0x1c1: {  	[tilespmem:v14+s11+$0x0] =	vst.idx.msk vm4, v13  }
0x1c2: {  	v13 =	vld [tilespmem:$0x1182]  }
0x1c3: {  	v14 =	vld [tilespmem:$0x1183];
	_ =	sdelay $0x1  }
0x1c4: {  	v15 =	vld [tilespmem:$0x1184]  }
0x1c5: {  	v44 =	vadd.s32 $0x81, v2  }
0x1c6: {  	vm5 =	vgt.s32 v44, $0x0  }
0x1c7: {  	v45 =	vnsel vm5, $0x0, v44;
	v13 =	vmul.f32 v13, v8;
	v14 =	vmul.f32 v14, v7  }
0x1c8: {  	v17 =	vmin.u32 v45, $0xFF;
	v46 =	vld [tilespmem:$0x1185]  }
0x1c9: {  	v13 =	vadd.f32 v14, v13;
	v14 =	vmul.f32 v15, v9;
	v15 =	vshll.u32 v17, $0x8  }
0x1ca: {  	v47 =	vor.u32 v44, v10;
	v17 =	vshll.u32 v17, $0x7;
	v15 =	vand.u32 $0xF800, v15  }
0x1cb: {  	vm6 =	vlt.u32 v47, $0x100;
	v17 =	vand.u32 $0x380, v17;
	v48 =	vor.u32 v15, v11  }
0x1cc: {  	v19 =	vor.u32 v17, v48  }
0x1cd: {  	v13 =	vadd.f32 v14, v13;
	v14 =	vmul.f32 v46, v5;
	_ =	sdelay $0x1  }
0x1ce: {  	v13 =	vadd.f32 v14, v13;
	_ =	sdelay $0x1  }
0x1cf: {  	[tilespmem:v19+s11+$0x0] =	vst.idx.msk vm6, v13  }
0x1d0: {  	v13 =	vld [tilespmem:$0x1183]  }
0x1d1: {  	v14 =	vld [tilespmem:$0x1184];
	_ =	sdelay $0x2  }
0x1d2: {  	v49 =	vld [tilespmem:$0x1185];
	_ =	sdelay $0x1  }
0x1d3: {  	v19 =	vld [tilespmem:$0x1186];
	v13 =	vmul.f32 v13, v8;
	v14 =	vmul.f32 v14, v7;
	_ =	sdelay $0x1  }
0x1d4: {  	v13 =	vadd.f32 v14, v13;
	v14 =	vor.u32 v44, v6  }
0x1d5: {  	v50 =	vmul.f32 v49, v9;
	vm7 =	vlt.u32 v14, $0x100;
	v14 =	vor.u32 v15, v12  }
0x1d6: {  	v14 =	vor.u32 v17, v14  }
0x1d7: {  	v15 =	vmul.f32 v19, v5;
	v13 =	vadd.f32 v50, v13;
	_ =	sdelay $0x1  }
0x1d8: {  	v13 =	vadd.f32 v15, v13;
	_ =	sdelay $0x1  }
0x1d9: {  	[tilespmem:v14+s11+$0x0] =	vst.idx.msk vm7, v13  }
0x1da: {  	v13 =	vld [tilespmem:$0x1202]  }
0x1db: {  	v14 =	vld [tilespmem:$0x1203];
	_ =	sdelay $0x1  }
0x1dc: {  	v15 =	vld [tilespmem:$0x1204]  }
0x1dd: {  	v51 =	vadd.s32 $0x82, v2  }
0x1de: {  	vm8 =	vgt.s32 v51, $0x0  }
0x1df: {  	v52 =	vnsel vm8, $0x0, v51;
	v13 =	vmul.f32 v13, v8;
	v14 =	vmul.f32 v14, v7  }
0x1e0: {  	v17 =	vmin.u32 v52, $0xFF;
	v53 =	vld [tilespmem:$0x1205]  }
0x1e1: {  	v13 =	vadd.f32 v14, v13;
	v14 =	vmul.f32 v15, v9;
	v15 =	vshll.u32 v17, $0x8  }
0x1e2: {  	v54 =	vor.u32 v51, v10;
	v17 =	vshll.u32 v17, $0x7;
	v15 =	vand.u32 $0xF800, v15  }
0x1e3: {  	vm9 =	vlt.u32 v54, $0x100;
	v17 =	vand.u32 $0x380, v17;
	v55 =	vor.u32 v15, v11  }
0x1e4: {  	v19 =	vor.u32 v17, v55  }
0x1e5: {  	v13 =	vadd.f32 v14, v13;
	v14 =	vmul.f32 v53, v5;
	_ =	sdelay $0x1  }
0x1e6: {  	v13 =	vadd.f32 v14, v13;
	_ =	sdelay $0x1  }
0x1e7: {  	[tilespmem:v19+s11+$0x0] =	vst.idx.msk vm9, v13  }
0x1e8: {  	v13 =	vld [tilespmem:$0x1203]  }
0x1e9: {  	v14 =	vld [tilespmem:$0x1204];
	_ =	sdelay $0x2  }
0x1ea: {  	v56 =	vld [tilespmem:$0x1205];
	_ =	sdelay $0x1  }
0x1eb: {  	v19 =	vld [tilespmem:$0x1206];
	v13 =	vmul.f32 v13, v8;
	v14 =	vmul.f32 v14, v7;
	_ =	sdelay $0x1  }
0x1ec: {  	v13 =	vadd.f32 v14, v13;
	v14 =	vor.u32 v51, v6  }
0x1ed: {  	v57 =	vmul.f32 v56, v9;
	vm10 =	vlt.u32 v14, $0x100;
	v14 =	vor.u32 v15, v12  }
0x1ee: {  	v14 =	vor.u32 v17, v14  }
0x1ef: {  	v15 =	vmul.f32 v19, v5;
	v13 =	vadd.f32 v57, v13;
	_ =	sdelay $0x1  }
0x1f0: {  	v13 =	vadd.f32 v15, v13;
	_ =	sdelay $0x1  }
0x1f1: {  	[tilespmem:v14+s11+$0x0] =	vst.idx.msk vm10, v13  }
0x1f2: {  	v13 =	vld [tilespmem:$0x1282]  }
0x1f3: {  	v14 =	vld [tilespmem:$0x1283];
	_ =	sdelay $0x1  }
0x1f4: {  	v15 =	vld [tilespmem:$0x1284]  }
0x1f5: {  	v58 =	vadd.s32 $0x83, v2  }
0x1f6: {  	vm11 =	vgt.s32 v58, $0x0  }
0x1f7: {  	v59 =	vnsel vm11, $0x0, v58;
	v13 =	vmul.f32 v13, v8;
	v14 =	vmul.f32 v14, v7  }
0x1f8: {  	v17 =	vmin.u32 v59, $0xFF;
	v60 =	vld [tilespmem:$0x1285]  }
0x1f9: {  	v13 =	vadd.f32 v14, v13;
	v14 =	vmul.f32 v15, v9;
	v15 =	vshll.u32 v17, $0x8  }
0x1fa: {  	v61 =	vor.u32 v58, v10;
	v17 =	vshll.u32 v17, $0x7;
	v15 =	vand.u32 $0xF800, v15  }
0x1fb: {  	vm12 =	vlt.u32 v61, $0x100;
	v17 =	vand.u32 $0x380, v17;
	v62 =	vor.u32 v15, v11  }
0x1fc: {  	v19 =	vor.u32 v17, v62  }
0x1fd: {  	v13 =	vadd.f32 v14, v13;
	v14 =	vmul.f32 v60, v5;
	_ =	sdelay $0x1  }
0x1fe: {  	v13 =	vadd.f32 v14, v13;
	_ =	sdelay $0x1  }
0x1ff: {  	[tilespmem:v19+s11+$0x0] =	vst.idx.msk vm12, v13  }
0x200: {  	v13 =	vld [tilespmem:$0x1283]  }
0x201: {  	v14 =	vld [tilespmem:$0x1284];
	_ =	sdelay $0x2  }
0x202: {  	v63 =	vld [tilespmem:$0x1285];
	_ =	sdelay $0x1  }
0x203: {  	v19 =	vld [tilespmem:$0x1286];
	v13 =	vmul.f32 v13, v8;
	v14 =	vmul.f32 v14, v7;
	_ =	sdelay $0x1  }
0x204: {  	v13 =	vadd.f32 v14, v13;
	v14 =	vor.u32 v58, v6  }
0x205: {  	v21 =	vmul.f32 v63, v9;
	vm13 =	vlt.u32 v14, $0x100;
	v14 =	vor.u32 v15, v12  }
0x206: {  	v14 =	vor.u32 v17, v14  }
0x207: {  	v15 =	vmul.f32 v19, v5;
	v13 =	vadd.f32 v21, v13;
	_ =	sdelay $0x1  }
0x208: {  	v13 =	vadd.f32 v15, v13;
	_ =	sdelay $0x1  }
0x209: {  	[tilespmem:v14+s11+$0x0] =	vst.idx.msk vm13, v13  }
0x20a: {  	v13 =	vld [tilespmem:$0x1302]  }
0x20b: {  	v14 =	vld [tilespmem:$0x1303];
	_ =	sdelay $0x1  }
0x20c: {  	v15 =	vld [tilespmem:$0x1304]  }
0x20d: {  	v22 =	vadd.s32 $0x84, v2  }
0x20e: {  	vm14 =	vgt.s32 v22, $0x0  }
0x20f: {  	v23 =	vnsel vm14, $0x0, v22;
	v13 =	vmul.f32 v13, v8;
	v14 =	vmul.f32 v14, v7  }
0x210: {  	v17 =	vmin.u32 v23, $0xFF;
	v24 =	vld [tilespmem:$0x1305]  }
0x211: {  	v13 =	vadd.f32 v14, v13;
	v14 =	vmul.f32 v15, v9;
	v15 =	vshll.u32 v17, $0x8  }
0x212: {  	v25 =	vor.u32 v22, v10;
	v17 =	vshll.u32 v17, $0x7;
	v15 =	vand.u32 $0xF800, v15  }
0x213: {  	vm15 =	vlt.u32 v25, $0x100;
	v17 =	vand.u32 $0x380, v17;
	v26 =	vor.u32 v15, v11  }
0x214: {  	v19 =	vor.u32 v17, v26  }
0x215: {  	v13 =	vadd.f32 v14, v13;
	v14 =	vmul.f32 v24, v5;
	_ =	sdelay $0x1  }
0x216: {  	v13 =	vadd.f32 v14, v13;
	_ =	sdelay $0x1  }
0x217: {  	[tilespmem:v19+s11+$0x0] =	vst.idx.msk vm15, v13  }
0x218: {  	v13 =	vld [tilespmem:$0x1303]  }
0x219: {  	v14 =	vld [tilespmem:$0x1304];
	_ =	sdelay $0x2  }
0x21a: {  	v32 =	vld [tilespmem:$0x1305];
	_ =	sdelay $0x1  }
0x21b: {  	v19 =	vld [tilespmem:$0x1306];
	v13 =	vmul.f32 v13, v8;
	v14 =	vmul.f32 v14, v7;
	_ =	sdelay $0x1  }
0x21c: {  	v13 =	vadd.f32 v14, v13;
	v14 =	vor.u32 v22, v6  }
0x21d: {  	v33 =	vmul.f32 v32, v9;
	vm4 =	vlt.u32 v14, $0x100;
	v14 =	vor.u32 v15, v12  }
0x21e: {  	v14 =	vor.u32 v17, v14  }
0x21f: {  	v15 =	vmul.f32 v19, v5;
	v13 =	vadd.f32 v33, v13;
	_ =	sdelay $0x1  }
0x220: {  	v13 =	vadd.f32 v15, v13;
	_ =	sdelay $0x1  }
0x221: {  	[tilespmem:v14+s11+$0x0] =	vst.idx.msk vm4, v13  }
0x222: {  	v13 =	vld [tilespmem:$0x1382]  }
0x223: {  	v14 =	vld [tilespmem:$0x1383];
	_ =	sdelay $0x1  }
0x224: {  	v15 =	vld [tilespmem:$0x1384]  }
0x225: {  	v34 =	vadd.s32 $0x85, v2  }
0x226: {  	vm5 =	vgt.s32 v34, $0x0  }
0x227: {  	v35 =	vnsel vm5, $0x0, v34;
	v13 =	vmul.f32 v13, v8;
	v14 =	vmul.f32 v14, v7  }
0x228: {  	v17 =	vmin.u32 v35, $0xFF;
	v36 =	vld [tilespmem:$0x1385]  }
0x229: {  	v13 =	vadd.f32 v14, v13;
	v14 =	vmul.f32 v15, v9;
	v15 =	vshll.u32 v17, $0x8  }
0x22a: {  	v37 =	vor.u32 v34, v10;
	v17 =	vshll.u32 v17, $0x7;
	v15 =	vand.u32 $0xF800, v15  }
0x22b: {  	vm6 =	vlt.u32 v37, $0x100;
	v17 =	vand.u32 $0x380, v17;
	v38 =	vor.u32 v15, v11  }
0x22c: {  	v19 =	vor.u32 v17, v38  }
0x22d: {  	v13 =	vadd.f32 v14, v13;
	v14 =	vmul.f32 v36, v5;
	_ =	sdelay $0x1  }
0x22e: {  	v13 =	vadd.f32 v14, v13;
	_ =	sdelay $0x1  }
0x22f: {  	[tilespmem:v19+s11+$0x0] =	vst.idx.msk vm6, v13  }
0x230: {  	v13 =	vld [tilespmem:$0x1383]  }
0x231: {  	v14 =	vld [tilespmem:$0x1384];
	_ =	sdelay $0x2  }
0x232: {  	v39 =	vld [tilespmem:$0x1385];
	_ =	sdelay $0x1  }
0x233: {  	v19 =	vld [tilespmem:$0x1386];
	v13 =	vmul.f32 v13, v8;
	v14 =	vmul.f32 v14, v7;
	_ =	sdelay $0x1  }
0x234: {  	v13 =	vadd.f32 v14, v13;
	v14 =	vor.u32 v34, v6  }
0x235: {  	v40 =	vmul.f32 v39, v9;
	vm7 =	vlt.u32 v14, $0x100;
	v14 =	vor.u32 v15, v12  }
0x236: {  	v14 =	vor.u32 v17, v14  }
0x237: {  	v15 =	vmul.f32 v19, v5;
	v13 =	vadd.f32 v40, v13;
	_ =	sdelay $0x1  }
0x238: {  	v13 =	vadd.f32 v15, v13;
	_ =	sdelay $0x1  }
0x239: {  	[tilespmem:v14+s11+$0x0] =	vst.idx.msk vm7, v13  }
0x23a: {  	v13 =	vld [tilespmem:$0x1402]  }
0x23b: {  	v14 =	vld [tilespmem:$0x1403];
	_ =	sdelay $0x1  }
0x23c: {  	v15 =	vld [tilespmem:$0x1404]  }
0x23d: {  	v41 =	vadd.s32 $0x86, v2  }
0x23e: {  	vm8 =	vgt.s32 v41, $0x0  }
0x23f: {  	v42 =	vnsel vm8, $0x0, v41;
	v13 =	vmul.f32 v13, v8;
	v14 =	vmul.f32 v14, v7  }
0x240: {  	v17 =	vmin.u32 v42, $0xFF;
	v43 =	vld [tilespmem:$0x1405]  }
0x241: {  	v13 =	vadd.f32 v14, v13;
	v14 =	vmul.f32 v15, v9;
	v15 =	vshll.u32 v17, $0x8  }
0x242: {  	v44 =	vor.u32 v41, v10;
	v17 =	vshll.u32 v17, $0x7;
	v15 =	vand.u32 $0xF800, v15  }
0x243: {  	vm9 =	vlt.u32 v44, $0x100;
	v17 =	vand.u32 $0x380, v17;
	v45 =	vor.u32 v15, v11  }
0x244: {  	v19 =	vor.u32 v17, v45  }
0x245: {  	v13 =	vadd.f32 v14, v13;
	v14 =	vmul.f32 v43, v5;
	_ =	sdelay $0x1  }
0x246: {  	v13 =	vadd.f32 v14, v13;
	_ =	sdelay $0x1  }
0x247: {  	[tilespmem:v19+s11+$0x0] =	vst.idx.msk vm9, v13  }
0x248: {  	v13 =	vld [tilespmem:$0x1403]  }
0x249: {  	v14 =	vld [tilespmem:$0x1404];
	_ =	sdelay $0x2  }
0x24a: {  	v46 =	vld [tilespmem:$0x1405];
	_ =	sdelay $0x1  }
0x24b: {  	v19 =	vld [tilespmem:$0x1406];
	v13 =	vmul.f32 v13, v8;
	v14 =	vmul.f32 v14, v7;
	_ =	sdelay $0x1  }
0x24c: {  	v13 =	vadd.f32 v14, v13;
	v14 =	vor.u32 v41, v6  }
0x24d: {  	v47 =	vmul.f32 v46, v9;
	vm10 =	vlt.u32 v14, $0x100;
	v14 =	vor.u32 v15, v12  }
0x24e: {  	v14 =	vor.u32 v17, v14  }
0x24f: {  	v15 =	vmul.f32 v19, v5;
	v13 =	vadd.f32 v47, v13;
	_ =	sdelay $0x1  }
0x250: {  	v13 =	vadd.f32 v15, v13;
	_ =	sdelay $0x1  }
0x251: {  	[tilespmem:v14+s11+$0x0] =	vst.idx.msk vm10, v13  }
0x252: {  	v13 =	vld [tilespmem:$0x1482]  }
0x253: {  	v14 =	vld [tilespmem:$0x1483];
	_ =	sdelay $0x1  }
0x254: {  	v15 =	vld [tilespmem:$0x1484]  }
0x255: {  	v48 =	vadd.s32 $0x87, v2  }
0x256: {  	vm11 =	vgt.s32 v48, $0x0  }
0x257: {  	v49 =	vnsel vm11, $0x0, v48;
	v13 =	vmul.f32 v13, v8;
	v14 =	vmul.f32 v14, v7  }
0x258: {  	v17 =	vmin.u32 v49, $0xFF;
	v50 =	vld [tilespmem:$0x1485]  }
0x259: {  	v13 =	vadd.f32 v14, v13;
	v14 =	vmul.f32 v15, v9;
	v15 =	vshll.u32 v17, $0x8  }
0x25a: {  	v51 =	vor.u32 v48, v10;
	v17 =	vshll.u32 v17, $0x7;
	v15 =	vand.u32 $0xF800, v15  }
0x25b: {  	vm12 =	vlt.u32 v51, $0x100;
	v17 =	vand.u32 $0x380, v17;
	v52 =	vor.u32 v15, v11  }
0x25c: {  	v19 =	vor.u32 v17, v52  }
0x25d: {  	v13 =	vadd.f32 v14, v13;
	v14 =	vmul.f32 v50, v5;
	_ =	sdelay $0x1  }
0x25e: {  	v13 =	vadd.f32 v14, v13;
	_ =	sdelay $0x1  }
0x25f: {  	[tilespmem:v19+s11+$0x0] =	vst.idx.msk vm12, v13  }
0x260: {  	v13 =	vld [tilespmem:$0x1483]  }
0x261: {  	v14 =	vld [tilespmem:$0x1484];
	_ =	sdelay $0x2  }
0x262: {  	v53 =	vld [tilespmem:$0x1485];
	_ =	sdelay $0x1  }
0x263: {  	v19 =	vld [tilespmem:$0x1486];
	v13 =	vmul.f32 v13, v8;
	v14 =	vmul.f32 v14, v7;
	_ =	sdelay $0x1  }
0x264: {  	v13 =	vadd.f32 v14, v13;
	v14 =	vor.u32 v48, v6  }
0x265: {  	v54 =	vmul.f32 v53, v9;
	vm13 =	vlt.u32 v14, $0x100;
	v14 =	vor.u32 v15, v12  }
0x266: {  	v14 =	vor.u32 v17, v14  }
0x267: {  	v15 =	vmul.f32 v19, v5;
	v13 =	vadd.f32 v54, v13;
	_ =	sdelay $0x1  }
0x268: {  	v13 =	vadd.f32 v15, v13;
	_ =	sdelay $0x1  }
0x269: {  	[tilespmem:v14+s11+$0x0] =	vst.idx.msk vm13, v13  }
0x26a: {  	v13 =	vld [tilespmem:$0x1502]  }
0x26b: {  	v14 =	vld [tilespmem:$0x1503];
	_ =	sdelay $0x1  }
0x26c: {  	v15 =	vld [tilespmem:$0x1504]  }
0x26d: {  	v4 =	vadd.s32 $0x88, v2  }
0x26e: {  	vm14 =	vgt.s32 v4, $0x0  }
0x26f: {  	v55 =	vnsel vm14, $0x0, v4;
	v13 =	vmul.f32 v13, v8;
	v14 =	vmul.f32 v14, v7  }
0x270: {  	v16 =	vmin.u32 v55, $0xFF;
	v56 =	vld [tilespmem:$0x1505]  }
0x271: {  	v13 =	vadd.f32 v14, v13;
	v14 =	vmul.f32 v15, v9;
	v15 =	vshll.u32 v16, $0x8  }
0x272: {  	v10 =	vor.u32 v4, v10;
	v16 =	vshll.u32 v16, $0x7;
	v15 =	vand.u32 $0xF800, v15  }
0x273: {  	vm15 =	vlt.u32 v10, $0x100;
	v10 =	vand.u32 $0x380, v16;
	v11 =	vor.u32 v15, v11  }
0x274: {  	v11 =	vor.u32 v10, v11  }
0x275: {  	v13 =	vadd.f32 v14, v13;
	v14 =	vmul.f32 v56, v5;
	_ =	sdelay $0x1  }
0x276: {  	v13 =	vadd.f32 v14, v13;
	_ =	sdelay $0x1  }
0x277: {  	[tilespmem:v11+s11+$0x0] =	vst.idx.msk vm15, v13  }
0x278: {  	v11 =	vld [tilespmem:$0x1503]  }
0x279: {  	v13 =	vld [tilespmem:$0x1504];
	_ =	sdelay $0x1  }
0x27a: {  	v14 =	vld [tilespmem:$0x1505];
	_ =	sdelay $0x1  }
0x27b: {  	v8 =	vmul.f32 v11, v8;
	v11 =	vld [tilespmem:$0x1506]  }
0x27c: {  	v4 =	vor.u32 v4, v6;
	v7 =	vmul.f32 v13, v7  }
0x27d: {  	vm4 =	vlt.u32 v4, $0x100  }
0x27e: {  	v4 =	vor.u32 v15, v12;
	v6 =	vmul.f32 v14, v9;
	v7 =	vadd.f32 v7, v8  }
0x27f: {  	v4 =	vor.u32 v10, v4  }
0x280: {  	v6 =	vadd.f32 v6, v7;
	v5 =	vmul.f32 v11, v5  }
0x281: {  	s18 =	sadd.s32 $0x1, s16  }
0x282: {  	s19 =	smin.u32 s18, $0x1F;
	v5 =	vadd.f32 v5, v6  }
0x283: {  	v6 =	vmov s19  }
0x284: {  	s31 =	sadd.s32 $0xFFFFF000, s17;
	[tilespmem:v4+s11+$0x0] =	vst.idx.msk vm4, v5  }
0x285: {  	[hbm4b:s31+s3] =	stream.linear.scatter [tilespmem:s11], [sflag:$0x1], $0x8000, $0x38;
	[tilespmem:$0x11900] =	vst v63  }
0x286: {  	_ = 	snop  }
0x287: {  	[hbm4b:s17+s3] =	stream.linear.scatter [tilespmem:s12], [sflag:$0x2], $0x8000, $0x38;
	[tilespmem:$0x11900] =	vst v63  }
0x288: {  	v7 =	vld.idx.msk [tilespmem:v6+s3+$0x0], $0xffff  }
0x289: {  	v1 =	vld.idx.msk [tilespmem:v6+s9+$0x0], $0xffff  }
0x28a: {  	v10 =	vld [tilespmem:$0x200]  }
0x28b: {  	v11 =	vld [tilespmem:$0x280]  }
0x28c: {  	v12 =	vld [tilespmem:$0x300]  }
0x28d: {  	v13 =	vld [tilespmem:$0x380]  }
0x28e: {  	v14 =	vld [tilespmem:$0x208]  }
0x28f: {  	v15 =	vld [tilespmem:$0x288]  }
0x290: {  	v31 =	vld [tilespmem:$0x308]  }
0x291: {  	v45 =	vld [tilespmem:$0x388]  }
0x292: {  	v32 =	vld [tilespmem:$0x280]  }
0x293: {  	v40 =	vld [tilespmem:$0x300]  }
0x294: {  	v41 =	vld [tilespmem:$0x380]  }
0x295: {  	v51 =	vld [tilespmem:$0x400]  }
0x296: {  	v52 =	vld [tilespmem:$0x288]  }
0x297: {  	v53 =	vld [tilespmem:$0x308]  }
0x298: {  	v54 =	vld [tilespmem:$0x388]  }
0x299: {  	v55 =	vld [tilespmem:$0x408]  }
0x29a: {  	v56 =	vld [tilespmem:$0x300]  }
0x29b: {  	v57 =	vld [tilespmem:$0x380]  }
0x29c: {  	v58 =	vld [tilespmem:$0x400]  }
0x29d: {  	v59 =	vld [tilespmem:$0x480]  }
0x29e: {  	v60 =	vld [tilespmem:$0x308]  }
0x29f: {  	v61 =	vld [tilespmem:$0x388]  }
0x2a0: {  	v62 =	vld [tilespmem:$0x408]  }
0x2a1: {  	v63 =	vld [tilespmem:$0x488];
	v6 =	vtrunc.f32 v7  }
0x2a2: {  	v2 =	vld [tilespmem:$0x380];
	[tilespmem:$0x1FF60] =	vst v1;
	v1 =	vimm.s32 $0x0;
	v8 =	vcvt.f32.s32 v6;
	vm5 =	vlt.f32 v7, v6  }
0x2a3: {  	v3 =	vld [tilespmem:$0x400];
	v6 =	vsel vm5, $0xFFFFFFFF, v1  }
0x2a4: {  	v17 =	vld [tilespmem:$0x480];
	v1 =	vadd.s32 v8, v6  }
0x2a5: {  	[tilespmem:$0x1FF70] =	vst v1;
	v6 =	vcvt.s32.f32 v1;
	v1 =	vld [tilespmem:$0x600]  }
0x2a6: {  	v23 =	vld [tilespmem:$0x500]  }
0x2a7: {  	v4 =	vld [tilespmem:$0x388]  }
0x2a8: {  	v5 =	vld [tilespmem:$0x408]  }
0x2a9: {  	v16 =	vld [tilespmem:$0x488]  }
0x2aa: {  	[tilespmem:$0x1FF00] =	vst v1;
	v1 =	vld [tilespmem:$0x680]  }
0x2ab: {  	v22 =	vld [tilespmem:$0x508]  }
0x2ac: {  	v21 =	vld [tilespmem:$0x400]  }
0x2ad: {  	v18 =	vld [tilespmem:$0x480]  }
0x2ae: {  	v24 =	vld [tilespmem:$0x500]  }
0x2af: {  	[tilespmem:$0x1FF20] =	vst v1;
	v1 =	vld [tilespmem:$0x608]  }
0x2b0: {  	v25 =	vld [tilespmem:$0x580]  }
0x2b1: {  	v19 =	vld [tilespmem:$0x408]  }
0x2b2: {  	v20 =	vld [tilespmem:$0x488]  }
0x2b3: {  	v49 =	vld [tilespmem:$0x508];
	v6 =	vsub.f32 v7, v6  }
0x2b4: {  	[tilespmem:$0x1FF10] =	vst v1;
	v1 =	vld [tilespmem:$0x688]  }
0x2b5: {  	v38 =	vld [tilespmem:$0x588];
	v7 =	vmul.f32 v6, v6  }
0x2b6: {  	v39 =	vld [tilespmem:$0x480]  }
0x2b7: {  	v42 =	vld [tilespmem:$0x500];
	v8 =	vmul.f32 v7, v6  }
0x2b8: {  	v26 =	vld [tilespmem:$0x580]  }
0x2b9: {  	v9 =	vsub.f32 $0.0e+00, v8;
	[tilespmem:$0x1FF40] =	vst v1;
	v1 =	vld [tilespmem:$0x680]  }
0x2ba: {  	v29 =	vld [tilespmem:$0x600]  }
0x2bb: {  	v46 =	vld [tilespmem:$0x488];
	v27 =	vmul.f32 $5.000000000e-01, v7;
	v9 =	vmul.f32 $5.000000000e-01, v9  }
0x2bc: {  	v48 =	vld [tilespmem:$0x508]  }
0x2bd: {  	v33 =	vld [tilespmem:$0x588];
	v28 =	vmul.f32 $5.000000000e-01, v6;
	v9 =	vadd.f32 v9, v27  }
0x2be: {  	[tilespmem:$0x1FF30] =	vst v1;
	v1 =	vld [tilespmem:$0x700]  }
0x2bf: {  	v36 =	vld [tilespmem:$0x608];
	v6 =	vsub.f32 $1.000000000e+00, v6;
	v9 =	vadd.f32 v9, v28  }
0x2c0: {  	v30 =	vld [tilespmem:$0x500];
	v28 =	vmul.f32 $5.000000000e-01, v8;
	v8 =	vmul.f32 $1.666666720e-01, v8  }
0x2c1: {  	v34 =	vld [tilespmem:$0x580];
	v44 =	vmul.f32 v6, v6;
	v9 =	vadd.f32 $1.666666720e-01, v9  }
0x2c2: {  	v37 =	vld [tilespmem:$0x508];
	v7 =	vsub.f32 v28, v7;
	v2 =	vmul.f32 v2, v8  }
0x2c3: {  	v43 =	vld [tilespmem:$0x588];
	v3 =	vmul.f32 v3, v9;
	[tilespmem:$0x1FF50] =	vst v1;
	v1 =	vmul.f32 v44, v6  }
0x2c4: {  	v35 =	vld [tilespmem:$0x600];
	v6 =	vadd.f32 $6.666666860e-01, v7;
	v7 =	vmul.f32 v8, v10;
	v10 =	vmul.f32 v9, v11  }
0x2c5: {  	v47 =	vld [tilespmem:$0x588];
	v2 =	vadd.f32 v3, v2;
	v11 =	vmul.f32 v8, v14;
	v14 =	vmul.f32 v9, v15  }
0x2c6: {  	v50 =	vld [tilespmem:$0x608];
	v15 =	vmul.f32 v53, v9;
	v10 =	vadd.f32 v10, v7;
	v12 =	vmul.f32 v6, v12  }
0x2c7: {  	v27 =	vld [tilespmem:$0x580];
	v11 =	vadd.f32 v14, v11;
	v7 =	vmul.f32 $1.666666720e-01, v1;
	v1 =	vmul.f32 v6, v31  }
0x2c8: {  	v28 =	vld [tilespmem:$0x708];
	v14 =	vmul.f32 v9, v40;
	v10 =	vadd.f32 v10, v12;
	v12 =	vmul.f32 v32, v8  }
0x2c9: {  	v44 =	vld [tilespmem:$0x688];
	v3 =	vmul.f32 v17, v6;
	v1 =	vadd.f32 v11, v1;
	v11 =	vmul.f32 v52, v8  }
0x2ca: {  	v53 =	vld [tilespmem:$0x708];
	v13 =	vmul.f32 v7, v13;
	v12 =	vadd.f32 v14, v12;
	v14 =	vmul.f32 v41, v6  }
0x2cb: {  	v31 =	vld [tilespmem:$0x600];
	v11 =	vadd.f32 v15, v11;
	v15 =	vmul.f32 v7, v45;
	v45 =	vmul.f32 v54, v6  }
0x2cc: {  	v40 =	vld [tilespmem:$0x680];
	v13 =	vadd.f32 v10, v13;
	v10 =	vadd.f32 v12, v14;
	v14 =	vmul.f32 v51, v7  }
0x2cd: {  	v17 =	vld [tilespmem:$0x708];
	v12 =	vadd.f32 v1, v15;
	v1 =	vadd.f32 v45, v11;
	v15 =	vmul.f32 v55, v7  }
0x2ce: {  	v57 =	vmul.f32 v57, v9;
	v32 =	vld [tilespmem:$0x700];
	v11 =	vadd.f32 v10, v14;
	v14 =	vmul.f32 v56, v8  }
0x2cf: {  	v52 =	vld [tilespmem:$0x608];
	v10 =	vadd.f32 v15, v1;
	v1 =	vmul.f32 v60, v8;
	v15 =	vmul.f32 v61, v9  }
0x2d0: {  	v4 =	vmul.f32 v4, v8;
	v41 =	vld [tilespmem:$0x780];
	v61 =	vmul.f32 v58, v6  }
0x2d1: {  	v54 =	vld [tilespmem:$0x788];
	v14 =	vadd.f32 v57, v14;
	v1 =	vadd.f32 v15, v1;
	v15 =	vmul.f32 v62, v6  }
0x2d2: {  	v5 =	vmul.f32 v5, v9;
	v51 =	vld [tilespmem:$0x688];
	v56 =	vmul.f32 v59, v7  }
0x2d3: {  	v55 =	vld [tilespmem:$0x680];
	v58 =	vmul.f32 v63, v7;
	v14 =	vadd.f32 v61, v14;
	v1 =	vadd.f32 v15, v1  }
0x2d4: {  	v2 =	vadd.f32 v3, v2;
	v3 =	vmul.f32 v21, v8;
	v45 =	vld [tilespmem:$0x800];
	v63 =	vmul.f32 v20, v9  }
0x2d5: {  	v59 =	vld [tilespmem:$0x780];
	v62 =	vmul.f32 v18, v9;
	v15 =	vadd.f32 v56, v14;
	v14 =	vadd.f32 v58, v1  }
0x2d6: {  	v60 =	vld [tilespmem:$0x688];
	v1 =	vadd.f32 v5, v4;
	v4 =	vmul.f32 v16, v6;
	v58 =	vmul.f32 v23, v7  }
0x2d7: {  	v57 =	vld [tilespmem:$0x700];
	v3 =	vadd.f32 v62, v3;
	v61 =	vmul.f32 v24, v6;
	v62 =	vmul.f32 v22, v7  }
0x2d8: {  	v18 =	vld [tilespmem:$0x808];
	v1 =	vadd.f32 v4, v1;
	v4 =	vmul.f32 v19, v8;
	v24 =	vadd.f32 v58, v2  }
0x2d9: {  	v5 =	vld [tilespmem:$0x788];
	v2 =	vadd.f32 v61, v3;
	v3 =	vmul.f32 v25, v7;
	v58 =	vmul.f32 v43, v9  }
0x2da: {  	v56 =	vld [tilespmem:$0x700];
	v61 =	vmul.f32 v50, v9;
	v4 =	vadd.f32 v63, v4;
	v63 =	vmul.f32 v49, v6  }
0x2db: {  	v23 =	vld [tilespmem:$0x780];
	v20 =	vadd.f32 v3, v2;
	v2 =	vmul.f32 v39, v8;
	v3 =	vmul.f32 v42, v9  }
0x2dc: {  	v16 =	vld [tilespmem:$0x880];
	v22 =	vadd.f32 v62, v1;
	v1 =	vadd.f32 v63, v4;
	v4 =	vmul.f32 v38, v7  }
0x2dd: {  	v25 =	vld [tilespmem:$0x708];
	v50 =	vmul.f32 v44, v6;
	v2 =	vadd.f32 v3, v2;
	v3 =	vmul.f32 v26, v6  }
0x2de: {  	v43 =	vld [tilespmem:$0x888];
	v19 =	vadd.f32 v4, v1;
	v1 =	vmul.f32 v46, v8;
	v46 =	vmul.f32 v29, v7  }
0x2df: {  	v44 =	vld [tilespmem:$0x800];
	v2 =	vadd.f32 v3, v2;
	v3 =	vmul.f32 v30, v8;
	v30 =	vmul.f32 v34, v9  }
0x2e0: {  	v49 =	vld [tilespmem:$0x800]  }
0x2e1: {  	v4 =	vmul.f32 v48, v9;
	v26 =	vadd.f32 v46, v2;
	v2 =	vadd.f32 v30, v3;
	v3 =	vld [tilespmem:$0x1FF00]  }
0x2e2: {  	v39 =	vld [tilespmem:$0x808]  }
0x2e3: {  	v42 =	vld [tilespmem:$0x880];
	v1 =	vadd.f32 v4, v1;
	v4 =	vmul.f32 v33, v6  }
0x2e4: {  	v62 =	vld [tilespmem:$0x1FF20]  }
0x2e5: {  	v38 =	vld [tilespmem:$0x788];
	v48 =	vmul.f32 v36, v7;
	v1 =	vadd.f32 v4, v1;
	v4 =	vmul.f32 v37, v8  }
0x2e6: {  	v63 =	vld [tilespmem:$0x1FF40];
	v3 =	vmul.f32 v3, v6  }
0x2e7: {  	v29 =	vld [tilespmem:$0x888];
	v21 =	vadd.f32 v48, v1;
	v1 =	vadd.f32 v58, v4  }
0x2e8: {  	v4 =	vld [tilespmem:$0x1FF10];
	v2 =	vadd.f32 v3, v2;
	v3 =	vmul.f32 v27, v8;
	v27 =	vmul.f32 v35, v9  }
0x2e9: {  	v36 =	vld [tilespmem:$0x780]  }
0x2ea: {  	v3 =	vadd.f32 v27, v3;
	v27 =	vld [tilespmem:$0x1FF30]  }
0x2eb: {  	v28 =	vmul.f32 v28, v7;
	v34 =	vld [tilespmem:$0x800]  }
0x2ec: {  	v17 =	vmul.f32 v17, v9;
	v30 =	vld [tilespmem:$0x900];
	v46 =	vmul.f32 v62, v7  }
0x2ed: {  	v33 =	vld [tilespmem:$0x788];
	v62 =	vmul.f32 v54, v7;
	v4 =	vmul.f32 v4, v6  }
0x2ee: {  	v54 =	vld [tilespmem:$0x988];
	v48 =	vmul.f32 v63, v7;
	v58 =	vmul.f32 v41, v7  }
0x2ef: {  	v37 =	vld [tilespmem:$0x900];
	v1 =	vadd.f32 v4, v1;
	v4 =	vmul.f32 v47, v8;
	v27 =	vmul.f32 v27, v6  }
0x2f0: {  	v41 =	vld [tilespmem:$0x888];
	v63 =	vmul.f32 v57, v9;
	v57 =	vmul.f32 v60, v8  }
0x2f1: {  	v45 =	vmul.f32 v45, v7;
	v4 =	vadd.f32 v61, v4;
	v3 =	vadd.f32 v27, v3;
	v27 =	vld [tilespmem:$0x1FF50]  }
0x2f2: {  	v5 =	vmul.f32 v5, v6;
	v60 =	vmul.f32 v25, v8;
	v25 =	vld [tilespmem:$0x980];
	v17 =	vadd.f32 v17, v57  }
0x2f3: {  	v18 =	vmul.f32 v18, v7;
	v57 =	vmul.f32 v42, v6;
	v42 =	vld [tilespmem:$0x980];
	v4 =	vadd.f32 v50, v4  }
0x2f4: {  	v23 =	vmul.f32 v23, v9;
	v35 =	vld [tilespmem:$0x808];
	v5 =	vadd.f32 v5, v17;
	v2 =	vadd.f32 v46, v2  }
0x2f5: {  	v46 =	vld [tilespmem:$0x880];
	v4 =	vadd.f32 v28, v4;
	v28 =	vmul.f32 v52, v8;
	v52 =	vmul.f32 v51, v9  }
0x2f6: {  	[tilespmem:$0xE00] =	vst v15;
	v16 =	vmul.f32 v16, v7;
	v5 =	vadd.f32 v18, v5;
	v18 =	vld [tilespmem:$0x900];
	v27 =	vmul.f32 v27, v7  }
0x2f7: {  	[tilespmem:$0xE08] =	vst v14;
	v14 =	vmul.f32 v43, v6;
	v47 =	vld [tilespmem:$0x908];
	v61 =	vmul.f32 v53, v6;
	v28 =	vadd.f32 v52, v28  }
0x2f8: {  	v53 =	vld [tilespmem:$0x900];
	v3 =	vadd.f32 v27, v3;
	v27 =	vmul.f32 v31, v8;
	v31 =	vmul.f32 v40, v9  }
0x2f9: {  	v36 =	vmul.f32 v36, v8;
	v51 =	vld [tilespmem:$0xA00];
	v28 =	vadd.f32 v61, v28;
	v61 =	vmul.f32 v38, v9  }
0x2fa: {  	v1 =	vadd.f32 v48, v1;
	v40 =	vld [tilespmem:$0x980];
	v27 =	vadd.f32 v31, v27;
	v31 =	vmul.f32 v32, v6  }
0x2fb: {  	v48 =	vld [tilespmem:$0x980];
	v28 =	vadd.f32 v62, v28;
	v62 =	vmul.f32 v49, v6;
	v17 =	vadd.f32 v61, v60  }
0x2fc: {  	v50 =	vld [tilespmem:$0x808];
	v60 =	vmul.f32 v44, v8;
	v27 =	vadd.f32 v31, v27;
	v31 =	vmul.f32 v55, v8  }
0x2fd: {  	v52 =	vld [tilespmem:$0x908];
	v61 =	vmul.f32 v46, v9;
	v44 =	vmul.f32 v54, v7  }
0x2fe: {  	[tilespmem:$0xD00] =	vst v13;
	v38 =	vld [tilespmem:$0x888];
	v32 =	vmul.f32 v29, v7;
	v31 =	vadd.f32 v63, v31;
	v63 =	vmul.f32 v39, v6  }
0x2ff: {  	v49 =	vld [tilespmem:$0x908];
	[tilespmem:$0x1080] =	vst v3;
	v3 =	vmul.f32 v51, v7;
	v43 =	vmul.f32 v40, v7  }
0x300: {  	[tilespmem:$0xD08] =	vst v12;
	v54 =	vld [tilespmem:$0xB00];
	v27 =	vadd.f32 v58, v27;
	v58 =	vmul.f32 v59, v6;
	v12 =	vadd.f32 v63, v17  }
0x301: {  	[tilespmem:$0xD80] =	vst v11;
	v29 =	vld [tilespmem:$0xA00];
	v59 =	vmul.f32 v56, v8;
	v56 =	vmul.f32 v35, v9  }
0x302: {  	[tilespmem:$0xD88] =	vst v10;
	v55 =	vld [tilespmem:$0x880];
	v31 =	vadd.f32 v58, v31;
	v10 =	vadd.f32 v32, v12;
	v12 =	vmul.f32 v33, v8  }
0x303: {  	v39 =	vld [tilespmem:$0x988];
	v23 =	vadd.f32 v23, v59;
	v58 =	vmul.f32 v30, v7;
	v59 =	vmul.f32 v47, v7  }
0x304: {  	v30 =	vld [tilespmem:$0xA80];
	v63 =	vmul.f32 v41, v9;
	v41 =	vmul.f32 v52, v6;
	v12 =	vadd.f32 v56, v12  }
0x305: {  	[tilespmem:$0x1100] =	vst v27;
	v27 =	vld [tilespmem:$0xB08];
	v13 =	vadd.f32 v45, v31;
	v23 =	vadd.f32 v62, v23;
	v45 =	vmul.f32 v34, v9  }
0x306: {  	v47 =	vmul.f32 v53, v9;
	v31 =	vld [tilespmem:$0xA08];
	v12 =	vadd.f32 v14, v12;
	v14 =	vmul.f32 v50, v8  }
0x307: {  	[tilespmem:$0xE80] =	vst v24;
	v52 =	vmul.f32 v38, v8;
	v32 =	vld [tilespmem:$0x908];
	v11 =	vadd.f32 v16, v23;
	v15 =	vadd.f32 v45, v36  }
0x308: {  	[tilespmem:$0xE88] =	vst v22;
	v62 =	vld [tilespmem:$0x988];
	v16 =	vadd.f32 v61, v60;
	v36 =	vmul.f32 v37, v6;
	v14 =	vadd.f32 v63, v14  }
0x309: {  	[tilespmem:$0xF00] =	vst v20;
	v53 =	vmul.f32 v49, v9;
	v46 =	vmul.f32 v55, v8;
	v34 =	vld [tilespmem:$0xA08];
	v15 =	vadd.f32 v57, v15  }
0x30a: {  	[tilespmem:$0xF08] =	vst v19;
	v55 =	vmul.f32 v48, v6;
	v33 =	vld [tilespmem:$0xA08];
	v16 =	vadd.f32 v36, v16;
	v14 =	vadd.f32 v41, v14  }
0x30b: {  	[tilespmem:$0x1000] =	vst v2;
	v37 =	vld [tilespmem:$0xA88];
	v57 =	vmul.f32 v39, v6;
	v15 =	vadd.f32 v58, v15;
	v12 =	vadd.f32 v59, v12  }
0x30c: {  	[tilespmem:$0x1008] =	vst v1;
	v45 =	vld [tilespmem:$0xA00];
	v61 =	vmul.f32 v32, v8;
	v1 =	vadd.f32 v44, v14;
	v14 =	vadd.f32 v47, v46  }
0x30d: {  	[tilespmem:$0x1088] =	vst v4;
	v50 =	vld [tilespmem:$0xA80];
	v62 =	vmul.f32 v62, v9;
	v2 =	vadd.f32 v43, v16;
	v16 =	vadd.f32 v53, v52  }
0x30e: {  	[tilespmem:$0x1108] =	vst v28;
	v58 =	vld [tilespmem:$0xA08];
	v59 =	vmul.f32 v25, v9;
	v4 =	vadd.f32 v55, v14;
	v14 =	vmul.f32 v18, v8  }
0x30f: {  	v56 =	vld [tilespmem:$0x988];
	[tilespmem:$0x1180] =	vst v13;
	v28 =	vmul.f32 v31, v7;
	v13 =	vmul.f32 v34, v6  }
0x310: {  	v60 =	vld [tilespmem:$0xA88];
	[tilespmem:$0x1188] =	vst v5;
	v63 =	vmul.f32 v29, v6;
	v16 =	vadd.f32 v57, v16;
	v14 =	vadd.f32 v59, v14  }
0x311: {  	[tilespmem:$0x1200] =	vst v11;
	v32 =	vmul.f32 v30, v7;
	v29 =	vld [tilespmem:$0xA00];
	v3 =	vadd.f32 v3, v4;
	v4 =	vadd.f32 v62, v61  }
0x312: {  	[tilespmem:$0x1208] =	vst v10;
	v25 =	vld [tilespmem:$0xA80];
	v11 =	vmul.f32 v37, v7;
	v36 =	vmul.f32 v50, v6;
	v14 =	vadd.f32 v63, v14  }
0x313: {  	v34 =	vld [tilespmem:$0xA88];
	[tilespmem:$0x1280] =	vst v15;
	v5 =	vadd.f32 v28, v16;
	v15 =	vmul.f32 v58, v9;
	v4 =	vadd.f32 v13, v4  }
0x314: {  	v37 =	vld [tilespmem:$0xB00];
	v13 =	vmul.f32 v42, v8;
	[tilespmem:$0x1380] =	vst v3;
	v10 =	vadd.f32 v32, v14;
	v14 =	vmul.f32 v45, v9  }
0x315: {  	v38 =	vld [tilespmem:$0xB08];
	[tilespmem:$0x1388] =	vst v5;
	v5 =	vmul.f32 v27, v7;
	v4 =	vadd.f32 v11, v4;
	v11 =	vmul.f32 v56, v8  }
0x316: {  	v39 =	vld [tilespmem:$0xB80];
	[tilespmem:$0x1288] =	vst v12;
	v12 =	vadd.f32 v14, v13;
	v13 =	vmul.f32 v54, v7;
	v14 =	vmul.f32 v60, v6  }
0x317: {  	v40 =	vld [tilespmem:$0xB88];
	[tilespmem:$0x1300] =	vst v2;
	v2 =	vadd.f32 v15, v11;
	v11 =	vmul.f32 v29, v8;
	v15 =	vmul.f32 v25, v9  }
0x318: {  	[tilespmem:$0xF80] =	vst v26;
	v8 =	vmul.f32 v33, v8;
	v9 =	vmul.f32 v34, v9  }
0x319: {  	[tilespmem:$0x1308] =	vst v1;
	v1 =	vadd.f32 v36, v12;
	v3 =	vadd.f32 v15, v11;
	v11 =	vmul.f32 v37, v6  }
0x31a: {  	[tilespmem:$0xF88] =	vst v21;
	v2 =	vadd.f32 v14, v2;
	v8 =	vadd.f32 v9, v8;
	v6 =	vmul.f32 v38, v6  }
0x31b: {  	[tilespmem:$0x1400] =	vst v10;
	v9 =	vmul.f32 v39, v7;
	v1 =	vadd.f32 v13, v1;
	v3 =	vadd.f32 v11, v3  }
0x31c: {  	[tilespmem:$0x1408] =	vst v4;
	v2 =	vadd.f32 v5, v2;
	v4 =	vadd.f32 v6, v8;
	v5 =	vmul.f32 v40, v7  }
0x31d: {  	[tilespmem:$0x1480] =	vst v1;
	v1 =	vadd.f32 v9, v3  }
0x31e: {  	[tilespmem:$0x1488] =	vst v2;
	v2 =	vadd.f32 v5, v4  }
0x31f: {  	[tilespmem:$0x1500] =	vst v1  }
0x320: {  	v28 =	vld [tilespmem:$0x1FFE0];
	[tilespmem:$0x1508] =	vst v2  }
0x321: {  	v29 =	vld [tilespmem:$0x1FFF0];
	_ =	swait.ge [sflag:s13], $0x8000  }
0x322: {  	[sflag:s13] =	ssyncset.done $0x0  }
0x323: {  	v1 =	vmov s16;
	[sflag:s13] =	ssyncadd.s32 $0xFFFF8000  }
0x324: {  	_ =	swait.ge [sflag:s14], $0x8000  }
0x325: {  	v7 =	vld [tilespmem:$0x1FF60]  }
0x326: {  	[sflag:s14] =	ssyncset.done $0x0  }
0x327: {  	[sflag:s14] =	ssyncadd.s32 $0xFFFF8000  }
0x328: {  	v2 =	vld.idx.msk [tilespmem:v1+s9+$0x0], $0xffff  }
0x329: {  	v1 =	vld.idx.msk [tilespmem:v1+s3+$0x0], $0xffff  }
0x32a: {  	v3 =	vtrunc.f32 v7  }
0x32b: {  	v8 =	vimm.s32 $0x0;
	v4 =	vcvt.f32.s32 v3;
	vm6 =	vlt.f32 v7, v3  }
0x32c: {  	v3 =	vsel vm6, $0xFFFFFFFF, v8  }
0x32d: {  	v6 =	vadd.s32 v4, v3;
	v3 =	vtrunc.f32 v2  }
0x32e: {  	v4 =	vtrunc.f32 v1;
	v5 =	vcvt.f32.s32 v3  }
0x32f: {  	vm7 =	vlt.f32 v2, v3;
	v2 =	vcvt.f32.s32 v4;
	vm8 =	vlt.f32 v1, v4  }
0x330: {  	v4 =	vimm.s32 $0x0;
	v3 =	vcvt.s32.f32 v6;
	v1 =	vsel vm7, $0xFFFFFFFF, v8  }
0x331: {  	v4 =	vsel vm8, $0xFFFFFFFF, v4;
	v1 =	vadd.s32 v5, v1  }
0x332: {  	v9 =	vadd.s32 v2, v4;
	v5 =	vsub.f32 v7, v3;
	v2 =	vadd.s32 v28, v1  }
0x333: {  	v1 =	vadd.s32 v29, v1;
	v4 =	vadd.s32 $0x78, v9;
	v12 =	vadd.s32 $0x7B, v9  }
0x334: {  	v14 =	vadd.s32 $0x7C, v9;
	v41 =	vadd.s32 $0x7D, v9;
	v43 =	vadd.s32 $0x7E, v9  }
0x335: {  	v46 =	vadd.s32 $0x7F, v9;
	v49 =	vadd.s32 $0x80, v9;
	v52 =	vadd.s32 $0x81, v9  }
0x336: {  	v55 =	vadd.s32 $0x82, v9;
	v57 =	vadd.s32 $0x83, v9;
	v62 =	vadd.s32 $0x87, v9  }
0x337: {  	vm9 =	vgt.s32 v2, $0x0;
	vm10 =	vgt.s32 v1, $0x0;
	vm11 =	vgt.s32 v4, $0x0  }
0x338: {  	vm14 =	vgt.s32 v12, $0x0;
	vm15 =	vgt.s32 v14, $0x0;
	vm4 =	vgt.s32 v41, $0x0  }
0x339: {  	vm5 =	vgt.s32 v43, $0x0;
	vm6 =	vgt.s32 v46, $0x0;
	vm7 =	vgt.s32 v49, $0x0  }
0x33a: {  	vm8 =	vgt.s32 v52, $0x0;
	v2 =	vnsel vm9, $0x0, v2;
	v1 =	vnsel vm10, $0x0, v1  }
0x33b: {  	v3 =	vnsel vm11, $0x0, v4;
	v12 =	vnsel vm14, $0x0, v12;
	v14 =	vnsel vm15, $0x0, v14  }
0x33c: {  	v16 =	vnsel vm4, $0x0, v41;
	v18 =	vnsel vm5, $0x0, v43;
	v20 =	vnsel vm6, $0x0, v46  }
0x33d: {  	v22 =	vnsel vm7, $0x0, v49;
	v24 =	vnsel vm8, $0x0, v52;
	vm9 =	vgt.s32 v55, $0x0  }
0x33e: {  	vm10 =	vgt.s32 v57, $0x0;
	vm14 =	vgt.s32 v62, $0x0;
	v2 =	vmin.u32 v2, $0xFF  }
0x33f: {  	v1 =	vmin.u32 v1, $0xFF;
	v3 =	vmin.u32 v3, $0xFF;
	v12 =	vmin.u32 v12, $0xFF  }
0x340: {  	v14 =	vmin.u32 v14, $0xFF;
	v16 =	vmin.u32 v16, $0xFF;
	v18 =	vmin.u32 v18, $0xFF  }
0x341: {  	v20 =	vmin.u32 v20, $0xFF;
	v22 =	vmin.u32 v22, $0xFF;
	v24 =	vmin.u32 v24, $0xFF  }
0x342: {  	v26 =	vnsel vm9, $0x0, v55;
	v59 =	vnsel vm10, $0x0, v57;
	v4 =	vand.u32 $0x7F, v2  }
0x343: {  	v7 =	vshll.u32 v3, $0x8;
	v2 =	vshll.u32 v2, $0x3;
	v3 =	vshll.u32 v3, $0x7  }
0x344: {  	v45 =	vshll.u32 v18, $0x8;
	v18 =	vshll.u32 v18, $0x7;
	v48 =	vshll.u32 v20, $0x8  }
0x345: {  	v20 =	vshll.u32 v20, $0x7;
	v51 =	vshll.u32 v22, $0x8;
	v22 =	vshll.u32 v22, $0x7  }
0x346: {  	v54 =	vshll.u32 v24, $0x8;
	v24 =	vshll.u32 v24, $0x7;
	v26 =	vmin.u32 v26, $0xFF  }
0x347: {  	v10 =	vand.u32 $0xF800, v7;
	v2 =	vand.u32 $0x400, v2;
	v3 =	vand.u32 $0x380, v3  }
0x348: {  	v18 =	vand.u32 $0x380, v18;
	v7 =	vor.u32 v4, v2;
	v2 =	vshll.u32 v1, $0x3  }
0x349: {  	v4 =	vadd.s32 $0x79, v9;
	v1 =	vand.u32 $0x7F, v1;
	v2 =	vand.u32 $0x400, v2  }
0x34a: {  	vm12 =	vgt.s32 v4, $0x0;
	v11 =	vor.u32 v10, v7;
	v8 =	vor.u32 v1, v2  }
0x34b: {  	v1 =	vnsel vm12, $0x0, v4;
	v2 =	vor.u32 v3, v11;
	v4 =	vor.u32 v10, v8  }
0x34c: {  	v1 =	vmin.u32 v1, $0xFF;
	v10 =	vadd.s32 $0x7A, v9;
	v3 =	vor.u32 v3, v4  }
0x34d: {  	v4 =	vshll.u32 v1, $0x8;
	v1 =	vshll.u32 v1, $0x7;
	vm13 =	vgt.s32 v10, $0x0  }
0x34e: {  	v4 =	vand.u32 $0xF800, v4;
	v1 =	vand.u32 $0x380, v1;
	v10 =	vnsel vm13, $0x0, v10  }
0x34f: {  	v11 =	vor.u32 v4, v7;
	v4 =	vor.u32 v4, v8;
	v10 =	vmin.u32 v10, $0xFF  }
0x350: {  	v11 =	vor.u32 v1, v11;
	v1 =	vor.u32 v1, v4;
	v4 =	vshll.u32 v10, $0x8  }
0x351: {  	v56 =	vshll.u32 v26, $0x8;
	v10 =	vshll.u32 v10, $0x7;
	v4 =	vand.u32 $0xF800, v4  }
0x352: {  	v58 =	vshll.u32 v26, $0x7;
	[tilespmem:v2+s11+$0x0] =	vst.idx.msk $0xffff, v0;
	v10 =	vand.u32 $0x380, v10;
	v13 =	vor.u32 v4, v7  }
0x353: {  	v4 =	vor.u32 v4, v8;
	[tilespmem:v3+s11+$0x0] =	vst.idx.msk $0xffff, v0;
	v3 =	vand.u32 $0xF800, v56;
	v13 =	vor.u32 v10, v13  }
0x354: {  	v4 =	vor.u32 v10, v4;
	v10 =	vshll.u32 v12, $0x8;
	v12 =	vshll.u32 v12, $0x7  }
0x355: {  	v60 =	vor.u32 v3, v7;
	v3 =	vor.u32 v3, v8;
	v10 =	vand.u32 $0xF800, v10  }
0x356: {  	v12 =	vand.u32 $0x380, v12;
	v15 =	vor.u32 v10, v7;
	v10 =	vor.u32 v10, v8  }
0x357: {  	v15 =	vor.u32 v12, v15;
	v10 =	vor.u32 v12, v10;
	v12 =	vshll.u32 v14, $0x8  }
0x358: {  	[tilespmem:v11+s11+$0x0] =	vst.idx.msk $0xffff, v0;
	v11 =	vand.u32 $0x380, v58;
	v14 =	vshll.u32 v14, $0x7;
	v12 =	vand.u32 $0xF800, v12  }
0x359: {  	v14 =	vand.u32 $0x380, v14;
	v42 =	vor.u32 v12, v7;
	v12 =	vor.u32 v12, v8  }
0x35a: {  	v17 =	vor.u32 v14, v42;
	v12 =	vor.u32 v14, v12;
	v14 =	vshll.u32 v16, $0x8  }
0x35b: {  	[tilespmem:v1+s11+$0x0] =	vst.idx.msk $0xffff, v0;
	v1 =	vor.u32 v11, v60;
	v16 =	vshll.u32 v16, $0x7;
	v14 =	vand.u32 $0xF800, v14  }
0x35c: {  	v16 =	vand.u32 $0x380, v16;
	v44 =	vor.u32 v14, v7;
	v14 =	vor.u32 v14, v8  }
0x35d: {  	v19 =	vor.u32 v16, v44;
	v14 =	vor.u32 v16, v14;
	v16 =	vand.u32 $0xF800, v45  }
0x35e: {  	v20 =	vand.u32 $0x380, v20;
	[tilespmem:v13+s11+$0x0] =	vst.idx.msk $0xffff, v0;
	v47 =	vor.u32 v16, v7;
	v16 =	vor.u32 v16, v8  }
0x35f: {  	[tilespmem:v4+s11+$0x0] =	vst.idx.msk $0xffff, v0;
	v21 =	vor.u32 v18, v47;
	v16 =	vor.u32 v18, v16;
	v18 =	vand.u32 $0xF800, v48  }
0x360: {  	v22 =	vand.u32 $0x380, v22;
	[tilespmem:v15+s11+$0x0] =	vst.idx.msk $0xffff, v0;
	v50 =	vor.u32 v18, v7;
	v18 =	vor.u32 v18, v8  }
0x361: {  	[tilespmem:v10+s11+$0x0] =	vst.idx.msk $0xffff, v0;
	v23 =	vor.u32 v20, v50;
	v18 =	vor.u32 v20, v18;
	v20 =	vand.u32 $0xF800, v51  }
0x362: {  	v24 =	vand.u32 $0x380, v24;
	[tilespmem:v17+s11+$0x0] =	vst.idx.msk $0xffff, v0;
	v53 =	vor.u32 v20, v7;
	v20 =	vor.u32 v20, v8  }
0x363: {  	[tilespmem:v12+s11+$0x0] =	vst.idx.msk $0xffff, v0;
	v25 =	vor.u32 v22, v53;
	v20 =	vor.u32 v22, v20;
	v22 =	vand.u32 $0xF800, v54  }
0x364: {  	v13 =	vadd.s32 $0x84, v9;
	[tilespmem:v19+s11+$0x0] =	vst.idx.msk $0xffff, v0;
	v27 =	vor.u32 v22, v7;
	v22 =	vor.u32 v22, v8  }
0x365: {  	vm11 =	vgt.s32 v13, $0x0;
	[tilespmem:v14+s11+$0x0] =	vst.idx.msk $0xffff, v0;
	v2 =	vor.u32 v24, v22;
	v22 =	vmin.u32 v59, $0xFF  }
0x366: {  	v3 =	vor.u32 v11, v3;
	v13 =	vnsel vm11, $0x0, v13;
	[tilespmem:v21+s11+$0x0] =	vst.idx.msk $0xffff, v0;
	v11 =	vshll.u32 v22, $0x8  }
0x367: {  	v27 =	vor.u32 v24, v27;
	[tilespmem:v16+s11+$0x0] =	vst.idx.msk $0xffff, v0;
	v4 =	vand.u32 $0xF800, v11;
	v11 =	vshll.u32 v22, $0x7  }
0x368: {  	v13 =	vmin.u32 v13, $0xFF;
	[tilespmem:v23+s11+$0x0] =	vst.idx.msk $0xffff, v0;
	v11 =	vand.u32 $0x380, v11;
	v15 =	vor.u32 v4, v7  }
0x369: {  	v17 =	vnsel vm14, $0x0, v62;
	[tilespmem:v18+s11+$0x0] =	vst.idx.msk $0xffff, v0;
	v4 =	vor.u32 v4, v8;
	v10 =	vor.u32 v11, v15  }
0x36a: {  	[tilespmem:v25+s11+$0x0] =	vst.idx.msk $0xffff, v0;
	v4 =	vor.u32 v11, v4;
	v11 =	vshll.u32 v13, $0x8;
	v15 =	vadd.s32 $0x85, v9  }
0x36b: {  	v12 =	vshll.u32 v13, $0x7;
	[tilespmem:v20+s11+$0x0] =	vst.idx.msk $0xffff, v0;
	v11 =	vand.u32 $0xF800, v11;
	vm12 =	vgt.s32 v15, $0x0  }
0x36c: {  	v17 =	vmin.u32 v17, $0xFF;
	[tilespmem:v27+s11+$0x0] =	vst.idx.msk $0xffff, v0;
	v13 =	vnsel vm12, $0x0, v15;
	v15 =	vor.u32 v11, v7  }
0x36d: {  	v12 =	vand.u32 $0x380, v12;
	v11 =	vor.u32 v11, v8;
	[tilespmem:v2+s11+$0x0] =	vst.idx.msk $0xffff, v0;
	v2 =	vmul.f32 v5, v5  }
0x36e: {  	v14 =	vor.u32 v12, v15;
	v13 =	vmin.u32 v13, $0xFF;
	v12 =	vor.u32 v12, v11  }
0x36f: {  	v15 =	vadd.s32 $0x86, v9;
	v9 =	vadd.s32 $0x88, v9;
	v11 =	vshll.u32 v13, $0x8  }
0x370: {  	[tilespmem:v1+s11+$0x0] =	vst.idx.msk $0xffff, v0;
	v13 =	vshll.u32 v13, $0x7;
	vm13 =	vgt.s32 v15, $0x0;
	vm15 =	vgt.s32 v9, $0x0  }
0x371: {  	[tilespmem:v3+s11+$0x0] =	vst.idx.msk $0xffff, v0;
	v11 =	vand.u32 $0xF800, v11;
	v13 =	vand.u32 $0x380, v13;
	v15 =	vnsel vm13, $0x0, v15  }
0x372: {  	v3 =	vnsel vm15, $0x0, v9;
	v9 =	vshll.u32 v17, $0x8;
	[tilespmem:v10+s11+$0x0] =	vst.idx.msk $0xffff, v0;
	v10 =	vshll.u32 v17, $0x7  }
0x373: {  	v61 =	vor.u32 v11, v7;
	v11 =	vor.u32 v11, v8;
	v15 =	vmin.u32 v15, $0xFF  }
0x374: {  	v9 =	vand.u32 $0xF800, v9;
	[tilespmem:v4+s11+$0x0] =	vst.idx.msk $0xffff, v0;
	v4 =	vand.u32 $0x380, v10;
	v3 =	vmin.u32 v3, $0xFF  }
0x375: {  	v16 =	vor.u32 v13, v61;
	v13 =	vor.u32 v13, v11;
	v11 =	vshll.u32 v15, $0x8  }
0x376: {  	v15 =	vshll.u32 v15, $0x7;
	v10 =	vor.u32 v9, v7;
	v11 =	vand.u32 $0xF800, v11  }
0x377: {  	v9 =	vor.u32 v9, v8;
	v15 =	vand.u32 $0x380, v15;
	v63 =	vor.u32 v11, v7  }
0x378: {  	v10 =	vor.u32 v4, v10;
	v1 =	vor.u32 v11, v8;
	v18 =	vor.u32 v15, v63  }
0x379: {  	[tilespmem:v14+s11+$0x0] =	vst.idx.msk $0xffff, v0;
	v14 =	vshll.u32 v3, $0x8;
	v11 =	vmul.f32 v2, v5;
	v1 =	vor.u32 v15, v1  }
0x37a: {  	v4 =	vor.u32 v4, v9;
	v3 =	vshll.u32 v3, $0x7;
	[tilespmem:v12+s11+$0x0] =	vst.idx.msk $0xffff, v0;
	v9 =	vand.u32 $0xF800, v14  }
0x37b: {  	v3 =	vand.u32 $0x380, v3;
	v7 =	vor.u32 v9, v7;
	v12 =	vsub.f32 $0.0e+00, v11;
	[tilespmem:v16+s11+$0x0] =	vst.idx.msk $0xffff, v0  }
0x37c: {  	v8 =	vor.u32 v9, v8;
	v7 =	vor.u32 v3, v7;
	[tilespmem:v13+s11+$0x0] =	vst.idx.msk $0xffff, v0  }
0x37d: {  	p0 =	sne.s32 s16, $0x1F;
	v3 =	vor.u32 v3, v8;
	v9 =	vmul.f32 $5.000000000e-01, v12;
	v12 =	vmul.f32 $5.000000000e-01, v2;
	[tilespmem:v18+s11+$0x0] =	vst.idx.msk $0xffff, v0  }
.Ltmp1:
0x37e: {  	v8 =	vsub.f32 $1.000000000e+00, v5;
	[tilespmem:v1+s11+$0x0] =	vst.idx.msk $0xffff, v0;
	(pc) =	sbr.rel @p0 .LBB2_4-.Ltmp1, $4  }
0x37f: {  	v5 =	vmul.f32 $5.000000000e-01, v5;
	v1 =	vadd.f32 v9, v12;
	[tilespmem:v10+s11+$0x0] =	vst.idx.msk $0xffff, v0  }
0x380: {  	v9 =	vmul.f32 $5.000000000e-01, v11;
	v10 =	vmul.f32 v8, v8;
	[tilespmem:v4+s11+$0x0] =	vst.idx.msk $0xffff, v0  }
0x381: {  	v5 =	vadd.f32 v1, v5;
	[tilespmem:v7+s11+$0x0] =	vst.idx.msk $0xffff, v0  }
0x382: {  	s17 =	sadd.s32 $0x2000, s17;
	s16 =	smov.u32 s18;
	v9 =	vsub.f32 v9, v2;
	v2 =	vld [tilespmem:$0x1FF70];
	v12 =	vmul.f32 v10, v8;
	[tilespmem:v3+s11+$0x0] =	vst.idx.msk $0xffff, v0  }
0x383: {  	s15 =	sadd.s32 $0x1, s15  }
0x384: {  	p0 =	sne.s32 s15, s6  }
.Ltmp2:
0x385: {  	_ = 	snop;
	(pc) =	sbr.rel @p0 .LBB2_1-.Ltmp2, $2  }
0x386: {  	_ =	sdelay $0x2  }
0x387: {  	v1 =	vimm.s32 $0x0  }
0x388: {  	_ =	sfence.sel $0x180000  }
0x389: {  	[bflag:$0x0] =	sbarrier.arrive $0xFFFF  }
0x38a: {  	p0 =	sne.s32 s2, $0x0;
	_ =	strace $0x90000047  }
0x38b: {  	s0 =	sadd.s32 @!p0 $0x100000, s0;
	[bflag:$0x2] =	sbarrier.arrive $0xFFFF  }
0x38c: {  	[sflag:s0] =	ssyncadd.tile.s32 @!p0 $0x1;
	_ =	shalt  }
.Lfunc_end2:
_tile_overlayer_lowered:
.L_overlay_start_2:
0x38d: {  	(tag) =	ssettag $0x2  }
0x38e: {  	s0 =	rddreg [dreg:$0x0];
	s2 =	stileid.u32  }
0x38f: {  	s1 =	rddreg [dreg:$0x1];
	p0 =	sne.s32 s2, $0x0  }
0x390: {  	s3 =	rddreg [dreg:$0x2];
	[bflag:$0x3] =	sbarrier.arrive $0xFFFF;
	s2 =	simm.s32 @!p0 $0x1C03  }
0x391: {  	[timem:s3], [sflag:s2] =	dma.local @!p0 [hbm:s0], s1  }
0x392: {  	s0 =	simm.s32 @!p0 $0x3  }
0x393: {  	_ =	swait.ge @!p0 [sflag:s0], s1  }
0x394: {  	s1 =	ssub.s32 @!p0 $0x0, s1;
	[sflag:s0] =	ssyncset.done @!p0 $0x0  }
0x395: {  	[sflag:s0] =	ssyncadd.s32 @!p0 s1  }
0x396: {  	[bflag:$0x3] =	sbarrier.arrive $0xFFFF  }
0x397: {  	_ =	shalt  }

</sc_bundles>
